<compile_context>
chip_gen: v7x
topology: tpu7x:2x2x1
jax: 0.10.2.dev20260603
libtpu: 0.0.44.dev20260713+nightly
codegen_flags: <defaults>
</compile_context>

<pallas_src>
import functools

import jax
import jax.numpy as jnp
from jax import lax
from jax.experimental import pallas as pl
from jax.experimental.pallas import tpu as pltpu
from jax.experimental.pallas import tpu_sc as plsc

N_LABELS = 10000
N_CLS = 128
N_CTX = 16
CTX_DIM = 512
SEQ_LEN = 77
BATCH = 1024
N_SUF = SEQ_LEN - 1 - N_CTX

NC, NS = 2, 16
NW = NC * NS
BPW = BATCH // NW
LANES = 16
CHUNK = 24
TAIL = SEQ_LEN - 3 * CHUNK


def _copy_rows(copies):
    def body(c, carry):
        sl = pl.ds(pl.multiple_of(c * LANES, 8), LANES)
        for src, soff, dst, doff, n_rows in copies:
            for j in range(n_rows):
                dst[j + doff, sl] = src[j + soff, sl]
        return carry
    lax.fori_loop(0, CTX_DIM // LANES, body, 0)


@functools.partial(
    pl.kernel,
    out_type=jax.ShapeDtypeStruct((BATCH, SEQ_LEN, CTX_DIM), jnp.float32),
    mesh=plsc.VectorSubcoreMesh(core_axis_name="c", subcore_axis_name="s"),
    scratch_types=[
        pltpu.VMEM((BPW,), jnp.int32),
        pltpu.VMEM((N_LABELS,), jnp.int32),
        pltpu.SMEM((BPW,), jnp.int32),
        pltpu.SMEM((LANES,), jnp.int32),
        pltpu.VMEM((1, CTX_DIM), jnp.float32),
        pltpu.VMEM((1, CTX_DIM), jnp.float32),
        pltpu.VMEM((N_CTX, CTX_DIM), jnp.float32),
        pltpu.VMEM((N_CTX, CTX_DIM), jnp.float32),
        pltpu.VMEM((N_SUF, CTX_DIM), jnp.float32),
        pltpu.VMEM((N_SUF, CTX_DIM), jnp.float32),
        pltpu.VMEM((CHUNK, CTX_DIM), jnp.float32),
        pltpu.VMEM((CHUNK, CTX_DIM), jnp.float32),
        pltpu.SemaphoreType.DMA,
        pltpu.SemaphoreType.DMA,
        pltpu.SemaphoreType.DMA,
        pltpu.SemaphoreType.DMA,
    ],
)
def _prompt_gather(label_hbm, map_hbm, ctx_hbm, pref_hbm, suf_hbm,
                   out_hbm, lab_v, map_v, labs, msmem, p0, p1, c0, c1,
                   s0, s1, kb0, kb1, g0, g1, w0, w1):
    pstage = (p0, p1)
    cstage = (c0, c1)
    sstage = (s0, s1)
    gsem = (g0, g1)

    wid = lax.axis_index("s") * NC + lax.axis_index("c")
    base = wid * BPW

    pltpu.sync_copy(label_hbm.at[pl.ds(base, BPW)], lab_v)
    pltpu.sync_copy(map_hbm, map_v)
    for half in range(BPW // LANES):
        lv = lab_v[pl.ds(half * LANES, LANES)]
        for k in range(LANES):
            labs[half * LANES + k] = lv[k]

    def issue_gathers(i, sp):
        lab = labs[i]
        moff = lab % LANES
        mv = map_v[pl.ds(pl.multiple_of(lab - moff, 8), LANES)]
        for k in range(LANES):
            msmem[k] = mv[k]
        cid = msmem[moff]
        pltpu.async_copy(pref_hbm.at[lab], pstage[sp], gsem[sp])
        pltpu.async_copy(ctx_hbm.at[cid], cstage[sp], gsem[sp])
        pltpu.async_copy(suf_hbm.at[lab], sstage[sp], gsem[sp])

    def assemble(i, sp):
        pltpu.make_async_copy(pref_hbm.at[0], pstage[sp], gsem[sp]).wait()
        pltpu.make_async_copy(ctx_hbm.at[0], cstage[sp], gsem[sp]).wait()
        pltpu.make_async_copy(suf_hbm.at[0], sstage[sp], gsem[sp]).wait()
        row = base + i

        @pl.when(i > 0)
        def _():
            pltpu.make_async_copy(
                kb0, out_hbm.at[row, pl.ds(48, CHUNK)], w0).wait()
        _copy_rows([(pstage[sp], 0, kb0, 0, 1),
                    (cstage[sp], 0, kb0, 1, N_CTX),
                    (sstage[sp], 0, kb0, 1 + N_CTX, CHUNK - 1 - N_CTX)])
        h0 = pltpu.async_copy(kb0, out_hbm.at[row, pl.ds(0, CHUNK)], w0)

        @pl.when(i > 0)
        def _():
            pltpu.make_async_copy(
                kb1.at[pl.ds(0, TAIL)],
                out_hbm.at[row, pl.ds(3 * CHUNK, TAIL)], w1).wait()
        _copy_rows([(sstage[sp], CHUNK - 1 - N_CTX, kb1, 0, CHUNK)])
        h1 = pltpu.async_copy(kb1, out_hbm.at[row, pl.ds(CHUNK, CHUNK)], w1)

        h0.wait()
        _copy_rows([(sstage[sp], 2 * CHUNK - 1 - N_CTX, kb0, 0, CHUNK)])
        pltpu.async_copy(kb0, out_hbm.at[row, pl.ds(2 * CHUNK, CHUNK)], w0)

        h1.wait()
        _copy_rows([(sstage[sp], 3 * CHUNK - 1 - N_CTX, kb1, 0, TAIL)])
        pltpu.async_copy(kb1.at[pl.ds(0, TAIL)],
                         out_hbm.at[row, pl.ds(3 * CHUNK, TAIL)], w1)

    issue_gathers(0, 0)

    def pair_body(g, carry):
        issue_gathers(2 * g + 1, 1)
        assemble(2 * g, 0)

        @pl.when(g < BPW // 2 - 1)
        def _():
            issue_gathers(2 * g + 2, 0)
        assemble(2 * g + 1, 1)
        return carry

    lax.fori_loop(0, BPW // 2, pair_body, 0)

    last = base + BPW - 1
    pltpu.make_async_copy(
        kb0, out_hbm.at[last, pl.ds(48, CHUNK)], w0).wait()
    pltpu.make_async_copy(
        kb1.at[pl.ds(0, TAIL)],
        out_hbm.at[last, pl.ds(3 * CHUNK, TAIL)], w1).wait()


def kernel(label_ids, mapping, ctx, token_prefix, token_suffix):
    lab = label_ids.astype(jnp.int32)
    return _prompt_gather(lab, mapping, ctx, token_prefix, token_suffix)

# --- scband reference (transcript-rebuilt; emitter-appended) ---
"""Pipeline reference for scband-prompt-learner-4355096838694 (READ-ONLY COPY).

The authoritative reference and input builder live on the scoring server;
editing this copy changes nothing except your own understanding.
"""

import jax, jax.numpy as jnp
import numpy as np

N_LABELS = 10000
N_CLS = 128
N_CTX = 16
CTX_DIM = 512
SEQ_LEN = 77
BATCH = 1024


def setup_inputs(seed: int = 0) -> dict:
    key = jax.random.key(seed)
    k1, k2, k3, k4, k5 = jax.random.split(key, 5)
    label_ids = jax.random.randint(k1, (BATCH,), 0, N_LABELS, dtype=jnp.int64 if jax.config.jax_enable_x64 else jnp.int32)
    mapping = jax.random.randint(k2, (N_LABELS,), 0, N_CLS, dtype=jnp.int32)
    ctx = jax.random.normal(k3, (N_CLS, N_CTX, CTX_DIM), dtype=jnp.float32) * 0.02
    token_prefix = jax.random.normal(k4, (N_LABELS, 1, CTX_DIM), dtype=jnp.float32)
    token_suffix = jax.random.normal(k5, (N_LABELS, SEQ_LEN - 1 - N_CTX, CTX_DIM), dtype=jnp.float32)
    return {
        "label_ids": label_ids,
        "mapping": mapping,
        "ctx": ctx,
        "token_prefix": token_prefix,
        "token_suffix": token_suffix,
    }


def reference(label_ids, mapping, ctx, token_prefix, token_suffix):
    # context_ids = self.label_id_prompt_id_mapping[label_ids]
    context_ids = jnp.take(mapping, label_ids, axis=0)
    # ctx = self.ctx[context_ids, :, :]
    ctx_g = jnp.take(ctx, context_ids, axis=0)
    # prefix = self.token_prefix[label_ids]; suffix = self.token_suffix[label_ids]
    prefix = jnp.take(token_prefix, label_ids, axis=0)
    suffix = jnp.take(token_suffix, label_ids, axis=0)
    # class_token_position == 'end'
    prompts = jnp.concatenate([prefix, ctx_g, suffix], axis=1)
    return prompts

if __name__ == "__main__":
    import jax
    _d = setup_inputs()
    print(jax.jit(kernel)(*tuple(_d.values())))

</pallas_src>

<mosaic_0001>
#map = affine_map<(d0, d1) -> (0)>
#map1 = affine_map<(d0, d1) -> (0, 0, 0)>
module attributes {stable_mosaic.version = 14 : i64} {
  func.func @_prompt_gather(%arg0: i32, %arg1: i32, %arg2: memref<1024xi32, #tpu.memory_space<hbm>>, %arg3: memref<10000xi32, #tpu.memory_space<hbm>>, %arg4: memref<128x16x512xf32, #tpu.memory_space<hbm>>, %arg5: memref<10000x1x512xf32, #tpu.memory_space<hbm>>, %arg6: memref<10000x60x512xf32, #tpu.memory_space<hbm>>, %arg7: memref<1024x77x512xf32, #tpu.memory_space<hbm>>, %arg8: memref<32xi32, #tpu.memory_space<vmem>>, %arg9: memref<10000xi32, #tpu.memory_space<vmem>>, %arg10: memref<32xi32, #tpu.memory_space<smem>>, %arg11: memref<16xi32, #tpu.memory_space<smem>>, %arg12: memref<1x512xf32, #tpu.memory_space<vmem>>, %arg13: memref<1x512xf32, #tpu.memory_space<vmem>>, %arg14: memref<16x512xf32, #tpu.memory_space<vmem>>, %arg15: memref<16x512xf32, #tpu.memory_space<vmem>>, %arg16: memref<60x512xf32, #tpu.memory_space<vmem>>, %arg17: memref<60x512xf32, #tpu.memory_space<vmem>>, %arg18: memref<24x512xf32, #tpu.memory_space<vmem>>, %arg19: memref<24x512xf32, #tpu.memory_space<vmem>>, %arg20: memref<!tpu.dma_semaphore, #tpu.memory_space<semaphore_mem>>, %arg21: memref<!tpu.dma_semaphore, #tpu.memory_space<semaphore_mem>>, %arg22: memref<!tpu.dma_semaphore, #tpu.memory_space<semaphore_mem>>, %arg23: memref<!tpu.dma_semaphore, #tpu.memory_space<semaphore_mem>>) attributes {dimension_semantics = [#tpu.dimension_semantics<core_parallel>, #tpu.dimension_semantics<subcore_parallel>], iteration_bounds = array<i64: 2, 16>, scalar_prefetch = 0 : i64, scratch_operands = 16 : i64, tpu.core_type = #tpu.core_type<sc_vector_subcore>, window_params = [{transform_indices = #map}, {transform_indices = #map}, {transform_indices = #map1}, {transform_indices = #map1}, {transform_indices = #map1}, {transform_indices = #map1}]} {
    %mul3A = arith.constant 2 : i32
    %mul3A_0 = arith.muli %arg1, %mul3A : i32
    %add3A = arith.addi %mul3A_0, %arg0 : i32
    %mul3A_1 = arith.constant 32 : i32
    %mul3A_2 = arith.muli %add3A, %mul3A_1 : i32
    "tpu.region"() ({
      %run_scoped3A = tpu.sem_alloc : memref<!tpu.dma_semaphore, #tpu.memory_space<semaphore_mem>>
      %dma_start3A_315 = tpu.memref_slice %arg2[%mul3A_2] : memref<1024xi32, #tpu.memory_space<hbm>> -> memref<32xi32, #tpu.memory_space<hbm>>
      %dma_start3A_316 = tpu.memref_slice %arg2[%mul3A_2] : memref<1024xi32, #tpu.memory_space<hbm>> -> memref<32xi32, #tpu.memory_space<hbm>>
      tpu.enqueue_dma source(%dma_start3A_316 : memref<32xi32, #tpu.memory_space<hbm>>) target(%arg8 : memref<32xi32, #tpu.memory_space<vmem>>) target_semaphore(%run_scoped3A : memref<!tpu.dma_semaphore, #tpu.memory_space<semaphore_mem>>)
      %dma_wait3A_317 = tpu.memref_slice %arg2[%mul3A_2] : memref<1024xi32, #tpu.memory_space<hbm>> -> memref<32xi32, #tpu.memory_space<hbm>>
      %dma_wait3A_318 = tpu.memref_slice %arg2[%mul3A_2] : memref<1024xi32, #tpu.memory_space<hbm>> -> memref<32xi32, #tpu.memory_space<hbm>>
      tpu.wait_dma2 semaphore(%run_scoped3A : memref<!tpu.dma_semaphore, #tpu.memory_space<semaphore_mem>>) src(%dma_wait3A_318 : memref<32xi32, #tpu.memory_space<hbm>>) dst(%arg8 : memref<32xi32, #tpu.memory_space<vmem>>)
      tpu.yield
    }) : () -> ()
    "tpu.region"() ({
      %run_scoped3A = tpu.sem_alloc : memref<!tpu.dma_semaphore, #tpu.memory_space<semaphore_mem>>
      tpu.enqueue_dma source(%arg3 : memref<10000xi32, #tpu.memory_space<hbm>>) target(%arg9 : memref<10000xi32, #tpu.memory_space<vmem>>) target_semaphore(%run_scoped3A : memref<!tpu.dma_semaphore, #tpu.memory_space<semaphore_mem>>)
      tpu.wait_dma2 semaphore(%run_scoped3A : memref<!tpu.dma_semaphore, #tpu.memory_space<semaphore_mem>>) src(%arg3 : memref<10000xi32, #tpu.memory_space<hbm>>) dst(%arg9 : memref<10000xi32, #tpu.memory_space<vmem>>)
      tpu.yield
    }) : () -> ()
    %get3A = arith.constant 0 : index
    %get3A_3 = tpu.vector_load %arg8[%get3A] {strides = array<i32>} : memref<32xi32, #tpu.memory_space<vmem>>, vector<16xi32>,
    %get3A_4 = vector.shape_cast %get3A_3 : vector<16xi32> to vector<16xi32>
    %slice3A = vector.extract_strided_slice %get3A_4 {offsets = [0], sizes = [1], strides = [1]} : vector<16xi32> to vector<1xi32>
    %squeeze3A = vector.extract %slice3A[0] : i32 from vector<1xi32>
    %swap3A = arith.constant 0 : i32
    %swap3A_5 = arith.index_cast %swap3A : i32 to index
    %swap3A_6 = memref.load %arg10[%swap3A_5] : memref<32xi32, #tpu.memory_space<smem>>
    memref.store %squeeze3A, %arg10[%swap3A_5] : memref<32xi32, #tpu.memory_space<smem>>
    %slice3A_7 = vector.extract_strided_slice %get3A_4 {offsets = [1], sizes = [1], strides = [1]} : vector<16xi32> to vector<1xi32>
    %squeeze3A_8 = vector.extract %slice3A_7[0] : i32 from vector<1xi32>
    %swap3A_9 = arith.constant 1 : i32
    %swap3A_10 = arith.index_cast %swap3A_9 : i32 to index
    %swap3A_11 = memref.load %arg10[%swap3A_10] : memref<32xi32, #tpu.memory_space<smem>>
    memref.store %squeeze3A_8, %arg10[%swap3A_10] : memref<32xi32, #tpu.memory_space<smem>>
    %slice3A_12 = vector.extract_strided_slice %get3A_4 {offsets = [2], sizes = [1], strides = [1]} : vector<16xi32> to vector<1xi32>
    %squeeze3A_13 = vector.extract %slice3A_12[0] : i32 from vector<1xi32>
    %swap3A_14 = arith.constant 2 : i32
    %swap3A_15 = arith.index_cast %swap3A_14 : i32 to index
    %swap3A_16 = memref.load %arg10[%swap3A_15] : memref<32xi32, #tpu.memory_space<smem>>
    memref.store %squeeze3A_13, %arg10[%swap3A_15] : memref<32xi32, #tpu.memory_space<smem>>
    %slice3A_17 = vector.extract_strided_slice %get3A_4 {offsets = [3], sizes = [1], strides = [1]} : vector<16xi32> to vector<1xi32>
    %squeeze3A_18 = vector.extract %slice3A_17[0] : i32 from vector<1xi32>
    %swap3A_19 = arith.constant 3 : i32
    %swap3A_20 = arith.index_cast %swap3A_19 : i32 to index
    %swap3A_21 = memref.load %arg10[%swap3A_20] : memref<32xi32, #tpu.memory_space<smem>>
    memref.store %squeeze3A_18, %arg10[%swap3A_20] : memref<32xi32, #tpu.memory_space<smem>>
    %slice3A_22 = vector.extract_strided_slice %get3A_4 {offsets = [4], sizes = [1], strides = [1]} : vector<16xi32> to vector<1xi32>
    %squeeze3A_23 = vector.extract %slice3A_22[0] : i32 from vector<1xi32>
    %swap3A_24 = arith.constant 4 : i32
    %swap3A_25 = arith.index_cast %swap3A_24 : i32 to index
    %swap3A_26 = memref.load %arg10[%swap3A_25] : memref<32xi32, #tpu.memory_space<smem>>
    memref.store %squeeze3A_23, %arg10[%swap3A_25] : memref<32xi32, #tpu.memory_space<smem>>
    %slice3A_27 = vector.extract_strided_slice %get3A_4 {offsets = [5], sizes = [1], strides = [1]} : vector<16xi32> to vector<1xi32>
    %squeeze3A_28 = vector.extract %slice3A_27[0] : i32 from vector<1xi32>
    %swap3A_29 = arith.constant 5 : i32
    %swap3A_30 = arith.index_cast %swap3A_29 : i32 to index
    %swap3A_31 = memref.load %arg10[%swap3A_30] : memref<32xi32, #tpu.memory_space<smem>>
    memref.store %squeeze3A_28, %arg10[%swap3A_30] : memref<32xi32, #tpu.memory_space<smem>>
    %slice3A_32 = vector.extract_strided_slice %get3A_4 {offsets = [6], sizes = [1], strides = [1]} : vector<16xi32> to vector<1xi32>
    %squeeze3A_33 = vector.extract %slice3A_32[0] : i32 from vector<1xi32>
    %swap3A_34 = arith.constant 6 : i32
    %swap3A_35 = arith.index_cast %swap3A_34 : i32 to index
    %swap3A_36 = memref.load %arg10[%swap3A_35] : memref<32xi32, #tpu.memory_space<smem>>
    memref.store %squeeze3A_33, %arg10[%swap3A_35] : memref<32xi32, #tpu.memory_space<smem>>
    %slice3A_37 = vector.extract_strided_slice %get3A_4 {offsets = [7], sizes = [1], strides = [1]} : vector<16xi32> to vector<1xi32>
    %squeeze3A_38 = vector.extract %slice3A_37[0] : i32 from vector<1xi32>
    %swap3A_39 = arith.constant 7 : i32
    %swap3A_40 = arith.index_cast %swap3A_39 : i32 to index
    %swap3A_41 = memref.load %arg10[%swap3A_40] : memref<32xi32, #tpu.memory_space<smem>>
    memref.store %squeeze3A_38, %arg10[%swap3A_40] : memref<32xi32, #tpu.memory_space<smem>>
    %slice3A_42 = vector.extract_strided_slice %get3A_4 {offsets = [8], sizes = [1], strides = [1]} : vector<16xi32> to vector<1xi32>
    %squeeze3A_43 = vector.extract %slice3A_42[0] : i32 from vector<1xi32>
    %swap3A_44 = arith.constant 8 : i32
    %swap3A_45 = arith.index_cast %swap3A_44 : i32 to index
    %swap3A_46 = memref.load %arg10[%swap3A_45] : memref<32xi32, #tpu.memory_space<smem>>
    memref.store %squeeze3A_43, %arg10[%swap3A_45] : memref<32xi32, #tpu.memory_space<smem>>
    %slice3A_47 = vector.extract_strided_slice %get3A_4 {offsets = [9], sizes = [1], strides = [1]} : vector<16xi32> to vector<1xi32>
    %squeeze3A_48 = vector.extract %slice3A_47[0] : i32 from vector<1xi32>
    %swap3A_49 = arith.constant 9 : i32
    %swap3A_50 = arith.index_cast %swap3A_49 : i32 to index
    %swap3A_51 = memref.load %arg10[%swap3A_50] : memref<32xi32, #tpu.memory_space<smem>>
    memref.store %squeeze3A_48, %arg10[%swap3A_50] : memref<32xi32, #tpu.memory_space<smem>>
    %slice3A_52 = vector.extract_strided_slice %get3A_4 {offsets = [10], sizes = [1], strides = [1]} : vector<16xi32> to vector<1xi32>
    %squeeze3A_53 = vector.extract %slice3A_52[0] : i32 from vector<1xi32>
    %swap3A_54 = arith.constant 10 : i32
    %swap3A_55 = arith.index_cast %swap3A_54 : i32 to index
    %swap3A_56 = memref.load %arg10[%swap3A_55] : memref<32xi32, #tpu.memory_space<smem>>
    memref.store %squeeze3A_53, %arg10[%swap3A_55] : memref<32xi32, #tpu.memory_space<smem>>
    %slice3A_57 = vector.extract_strided_slice %get3A_4 {offsets = [11], sizes = [1], strides = [1]} : vector<16xi32> to vector<1xi32>
    %squeeze3A_58 = vector.extract %slice3A_57[0] : i32 from vector<1xi32>
    %swap3A_59 = arith.constant 11 : i32
    %swap3A_60 = arith.index_cast %swap3A_59 : i32 to index
    %swap3A_61 = memref.load %arg10[%swap3A_60] : memref<32xi32, #tpu.memory_space<smem>>
    memref.store %squeeze3A_58, %arg10[%swap3A_60] : memref<32xi32, #tpu.memory_space<smem>>
    %slice3A_62 = vector.extract_strided_slice %get3A_4 {offsets = [12], sizes = [1], strides = [1]} : vector<16xi32> to vector<1xi32>
    %squeeze3A_63 = vector.extract %slice3A_62[0] : i32 from vector<1xi32>
    %swap3A_64 = arith.constant 12 : i32
    %swap3A_65 = arith.index_cast %swap3A_64 : i32 to index
    %swap3A_66 = memref.load %arg10[%swap3A_65] : memref<32xi32, #tpu.memory_space<smem>>
    memref.store %squeeze3A_63, %arg10[%swap3A_65] : memref<32xi32, #tpu.memory_space<smem>>
    %slice3A_67 = vector.extract_strided_slice %get3A_4 {offsets = [13], sizes = [1], strides = [1]} : vector<16xi32> to vector<1xi32>
    %squeeze3A_68 = vector.extract %slice3A_67[0] : i32 from vector<1xi32>
    %swap3A_69 = arith.constant 13 : i32
    %swap3A_70 = arith.index_cast %swap3A_69 : i32 to index
    %swap3A_71 = memref.load %arg10[%swap3A_70] : memref<32xi32, #tpu.memory_space<smem>>
    memref.store %squeeze3A_68, %arg10[%swap3A_70] : memref<32xi32, #tpu.memory_space<smem>>
    %slice3A_72 = vector.extract_strided_slice %get3A_4 {offsets = [14], sizes = [1], strides = [1]} : vector<16xi32> to vector<1xi32>
    %squeeze3A_73 = vector.extract %slice3A_72[0] : i32 from vector<1xi32>
    %swap3A_74 = arith.constant 14 : i32
    %swap3A_75 = arith.index_cast %swap3A_74 : i32 to index
    %swap3A_76 = memref.load %arg10[%swap3A_75] : memref<32xi32, #tpu.memory_space<smem>>
    memref.store %squeeze3A_73, %arg10[%swap3A_75] : memref<32xi32, #tpu.memory_space<smem>>
    %slice3A_77 = vector.extract_strided_slice %get3A_4 {offsets = [15], sizes = [1], strides = [1]} : vector<16xi32> to vector<1xi32>
    %squeeze3A_78 = vector.extract %slice3A_77[0] : i32 from vector<1xi32>
    %swap3A_79 = arith.constant 15 : i32
    %swap3A_80 = arith.index_cast %swap3A_79 : i32 to index
    %swap3A_81 = memref.load %arg10[%swap3A_80] : memref<32xi32, #tpu.memory_space<smem>>
    memref.store %squeeze3A_78, %arg10[%swap3A_80] : memref<32xi32, #tpu.memory_space<smem>>
    %get3A_82 = arith.constant 16 : index
    %get3A_83 = tpu.vector_load %arg8[%get3A_82] {strides = array<i32>} : memref<32xi32, #tpu.memory_space<vmem>>, vector<16xi32>,
    %get3A_84 = vector.shape_cast %get3A_83 : vector<16xi32> to vector<16xi32>
    %slice3A_85 = vector.extract_strided_slice %get3A_84 {offsets = [0], sizes = [1], strides = [1]} : vector<16xi32> to vector<1xi32>
    %squeeze3A_86 = vector.extract %slice3A_85[0] : i32 from vector<1xi32>
    %swap3A_87 = arith.constant 16 : i32
    %swap3A_88 = arith.index_cast %swap3A_87 : i32 to index
    %swap3A_89 = memref.load %arg10[%swap3A_88] : memref<32xi32, #tpu.memory_space<smem>>
    memref.store %squeeze3A_86, %arg10[%swap3A_88] : memref<32xi32, #tpu.memory_space<smem>>
    %slice3A_90 = vector.extract_strided_slice %get3A_84 {offsets = [1], sizes = [1], strides = [1]} : vector<16xi32> to vector<1xi32>
    %squeeze3A_91 = vector.extract %slice3A_90[0] : i32 from vector<1xi32>
    %swap3A_92 = arith.constant 17 : i32
    %swap3A_93 = arith.index_cast %swap3A_92 : i32 to index
    %swap3A_94 = memref.load %arg10[%swap3A_93] : memref<32xi32, #tpu.memory_space<smem>>
    memref.store %squeeze3A_91, %arg10[%swap3A_93] : memref<32xi32, #tpu.memory_space<smem>>
    %slice3A_95 = vector.extract_strided_slice %get3A_84 {offsets = [2], sizes = [1], strides = [1]} : vector<16xi32> to vector<1xi32>
    %squeeze3A_96 = vector.extract %slice3A_95[0] : i32 from vector<1xi32>
    %swap3A_97 = arith.constant 18 : i32
    %swap3A_98 = arith.index_cast %swap3A_97 : i32 to index
    %swap3A_99 = memref.load %arg10[%swap3A_98] : memref<32xi32, #tpu.memory_space<smem>>
    memref.store %squeeze3A_96, %arg10[%swap3A_98] : memref<32xi32, #tpu.memory_space<smem>>
    %slice3A_100 = vector.extract_strided_slice %get3A_84 {offsets = [3], sizes = [1], strides = [1]} : vector<16xi32> to vector<1xi32>
    %squeeze3A_101 = vector.extract %slice3A_100[0] : i32 from vector<1xi32>
    %swap3A_102 = arith.constant 19 : i32
    %swap3A_103 = arith.index_cast %swap3A_102 : i32 to index
    %swap3A_104 = memref.load %arg10[%swap3A_103] : memref<32xi32, #tpu.memory_space<smem>>
    memref.store %squeeze3A_101, %arg10[%swap3A_103] : memref<32xi32, #tpu.memory_space<smem>>
    %slice3A_105 = vector.extract_strided_slice %get3A_84 {offsets = [4], sizes = [1], strides = [1]} : vector<16xi32> to vector<1xi32>
    %squeeze3A_106 = vector.extract %slice3A_105[0] : i32 from vector<1xi32>
    %swap3A_107 = arith.constant 20 : i32
    %swap3A_108 = arith.index_cast %swap3A_107 : i32 to index
    %swap3A_109 = memref.load %arg10[%swap3A_108] : memref<32xi32, #tpu.memory_space<smem>>
    memref.store %squeeze3A_106, %arg10[%swap3A_108] : memref<32xi32, #tpu.memory_space<smem>>
    %slice3A_110 = vector.extract_strided_slice %get3A_84 {offsets = [5], sizes = [1], strides = [1]} : vector<16xi32> to vector<1xi32>
    %squeeze3A_111 = vector.extract %slice3A_110[0] : i32 from vector<1xi32>
    %swap3A_112 = arith.constant 21 : i32
    %swap3A_113 = arith.index_cast %swap3A_112 : i32 to index
    %swap3A_114 = memref.load %arg10[%swap3A_113] : memref<32xi32, #tpu.memory_space<smem>>
    memref.store %squeeze3A_111, %arg10[%swap3A_113] : memref<32xi32, #tpu.memory_space<smem>>
    %slice3A_115 = vector.extract_strided_slice %get3A_84 {offsets = [6], sizes = [1], strides = [1]} : vector<16xi32> to vector<1xi32>
    %squeeze3A_116 = vector.extract %slice3A_115[0] : i32 from vector<1xi32>
    %swap3A_117 = arith.constant 22 : i32
    %swap3A_118 = arith.index_cast %swap3A_117 : i32 to index
    %swap3A_119 = memref.load %arg10[%swap3A_118] : memref<32xi32, #tpu.memory_space<smem>>
    memref.store %squeeze3A_116, %arg10[%swap3A_118] : memref<32xi32, #tpu.memory_space<smem>>
    %slice3A_120 = vector.extract_strided_slice %get3A_84 {offsets = [7], sizes = [1], strides = [1]} : vector<16xi32> to vector<1xi32>
    %squeeze3A_121 = vector.extract %slice3A_120[0] : i32 from vector<1xi32>
    %swap3A_122 = arith.constant 23 : i32
    %swap3A_123 = arith.index_cast %swap3A_122 : i32 to index
    %swap3A_124 = memref.load %arg10[%swap3A_123] : memref<32xi32, #tpu.memory_space<smem>>
    memref.store %squeeze3A_121, %arg10[%swap3A_123] : memref<32xi32, #tpu.memory_space<smem>>
    %slice3A_125 = vector.extract_strided_slice %get3A_84 {offsets = [8], sizes = [1], strides = [1]} : vector<16xi32> to vector<1xi32>
    %squeeze3A_126 = vector.extract %slice3A_125[0] : i32 from vector<1xi32>
    %swap3A_127 = arith.constant 24 : i32
    %swap3A_128 = arith.index_cast %swap3A_127 : i32 to index
    %swap3A_129 = memref.load %arg10[%swap3A_128] : memref<32xi32, #tpu.memory_space<smem>>
    memref.store %squeeze3A_126, %arg10[%swap3A_128] : memref<32xi32, #tpu.memory_space<smem>>
    %slice3A_130 = vector.extract_strided_slice %get3A_84 {offsets = [9], sizes = [1], strides = [1]} : vector<16xi32> to vector<1xi32>
    %squeeze3A_131 = vector.extract %slice3A_130[0] : i32 from vector<1xi32>
    %swap3A_132 = arith.constant 25 : i32
    %swap3A_133 = arith.index_cast %swap3A_132 : i32 to index
    %swap3A_134 = memref.load %arg10[%swap3A_133] : memref<32xi32, #tpu.memory_space<smem>>
    memref.store %squeeze3A_131, %arg10[%swap3A_133] : memref<32xi32, #tpu.memory_space<smem>>
    %slice3A_135 = vector.extract_strided_slice %get3A_84 {offsets = [10], sizes = [1], strides = [1]} : vector<16xi32> to vector<1xi32>
    %squeeze3A_136 = vector.extract %slice3A_135[0] : i32 from vector<1xi32>
    %swap3A_137 = arith.constant 26 : i32
    %swap3A_138 = arith.index_cast %swap3A_137 : i32 to index
    %swap3A_139 = memref.load %arg10[%swap3A_138] : memref<32xi32, #tpu.memory_space<smem>>
    memref.store %squeeze3A_136, %arg10[%swap3A_138] : memref<32xi32, #tpu.memory_space<smem>>
    %slice3A_140 = vector.extract_strided_slice %get3A_84 {offsets = [11], sizes = [1], strides = [1]} : vector<16xi32> to vector<1xi32>
    %squeeze3A_141 = vector.extract %slice3A_140[0] : i32 from vector<1xi32>
    %swap3A_142 = arith.constant 27 : i32
    %swap3A_143 = arith.index_cast %swap3A_142 : i32 to index
    %swap3A_144 = memref.load %arg10[%swap3A_143] : memref<32xi32, #tpu.memory_space<smem>>
    memref.store %squeeze3A_141, %arg10[%swap3A_143] : memref<32xi32, #tpu.memory_space<smem>>
    %slice3A_145 = vector.extract_strided_slice %get3A_84 {offsets = [12], sizes = [1], strides = [1]} : vector<16xi32> to vector<1xi32>
    %squeeze3A_146 = vector.extract %slice3A_145[0] : i32 from vector<1xi32>
    %swap3A_147 = arith.constant 28 : i32
    %swap3A_148 = arith.index_cast %swap3A_147 : i32 to index
    %swap3A_149 = memref.load %arg10[%swap3A_148] : memref<32xi32, #tpu.memory_space<smem>>
    memref.store %squeeze3A_146, %arg10[%swap3A_148] : memref<32xi32, #tpu.memory_space<smem>>
    %slice3A_150 = vector.extract_strided_slice %get3A_84 {offsets = [13], sizes = [1], strides = [1]} : vector<16xi32> to vector<1xi32>
    %squeeze3A_151 = vector.extract %slice3A_150[0] : i32 from vector<1xi32>
    %swap3A_152 = arith.constant 29 : i32
    %swap3A_153 = arith.index_cast %swap3A_152 : i32 to index
    %swap3A_154 = memref.load %arg10[%swap3A_153] : memref<32xi32, #tpu.memory_space<smem>>
    memref.store %squeeze3A_151, %arg10[%swap3A_153] : memref<32xi32, #tpu.memory_space<smem>>
    %slice3A_155 = vector.extract_strided_slice %get3A_84 {offsets = [14], sizes = [1], strides = [1]} : vector<16xi32> to vector<1xi32>
    %squeeze3A_156 = vector.extract %slice3A_155[0] : i32 from vector<1xi32>
    %swap3A_157 = arith.constant 30 : i32
    %swap3A_158 = arith.index_cast %swap3A_157 : i32 to index
    %swap3A_159 = memref.load %arg10[%swap3A_158] : memref<32xi32, #tpu.memory_space<smem>>
    memref.store %squeeze3A_156, %arg10[%swap3A_158] : memref<32xi32, #tpu.memory_space<smem>>
    %slice3A_160 = vector.extract_strided_slice %get3A_84 {offsets = [15], sizes = [1], strides = [1]} : vector<16xi32> to vector<1xi32>
    %squeeze3A_161 = vector.extract %slice3A_160[0] : i32 from vector<1xi32>
    %swap3A_162 = arith.constant 31 : i32
    %swap3A_163 = arith.index_cast %swap3A_162 : i32 to index
    %swap3A_164 = memref.load %arg10[%swap3A_163] : memref<32xi32, #tpu.memory_space<smem>>
    memref.store %squeeze3A_161, %arg10[%swap3A_163] : memref<32xi32, #tpu.memory_space<smem>>
    %get3A_165 = arith.constant 0 : i32
    %get3A_166 = arith.index_cast %get3A_165 : i32 to index
    %get3A_167 = memref.load %arg10[%get3A_166] : memref<32xi32, #tpu.memory_space<smem>>
    %jit3A = arith.constant 16 : i32
    %eq3A = arith.constant 0 : i32
    %eq3A_168 = arith.cmpi eq, %jit3A, %eq3A : i32
    %jit3A_169 = arith.constant 1 : i32
    %select_n3A = arith.select %eq3A_168, %jit3A_169, %jit3A : i32
    %rem3A = arith.remsi %get3A_167, %select_n3A : i32
    %ne3A = arith.constant 0 : i32
    %ne3A_170 = arith.cmpi ne, %rem3A, %ne3A : i32
    %lt3A = arith.constant 0 : i32
    %lt3A_171 = arith.cmpi slt, %rem3A, %lt3A : i32
    %lt3A_172 = arith.constant 0 : i32
    %lt3A_173 = arith.cmpi slt, %select_n3A, %lt3A_172 : i32
    %ne3A_174 = arith.xori %lt3A_171, %lt3A_173 : i1
    %and3A = arith.andi %ne3A_174, %ne3A_170 : i1
    %add3A_175 = arith.addi %rem3A, %select_n3A : i32
    %select_n3A_176 = arith.select %and3A, %add3A_175, %rem3A : i32
    %sub3A = arith.subi %get3A_167, %select_n3A_176 : i32
    %multiple_of3A = tpu.assume_multiple %sub3A, 8 : i32
    %get3A_177 = arith.index_cast %multiple_of3A : i32 to index
    %get3A_178 = tpu.vector_load %arg9[%get3A_177] {strides = array<i32>} : memref<10000xi32, #tpu.memory_space<vmem>>, vector<16xi32>,
    %get3A_179 = vector.shape_cast %get3A_178 : vector<16xi32> to vector<16xi32>
    %slice3A_180 = vector.extract_strided_slice %get3A_179 {offsets = [0], sizes = [1], strides = [1]} : vector<16xi32> to vector<1xi32>
    %squeeze3A_181 = vector.extract %slice3A_180[0] : i32 from vector<1xi32>
    %swap3A_182 = arith.constant 0 : i32
    %swap3A_183 = arith.index_cast %swap3A_182 : i32 to index
    %swap3A_184 = memref.load %arg11[%swap3A_183] : memref<16xi32, #tpu.memory_space<smem>>
    memref.store %squeeze3A_181, %arg11[%swap3A_183] : memref<16xi32, #tpu.memory_space<smem>>
    %slice3A_185 = vector.extract_strided_slice %get3A_179 {offsets = [1], sizes = [1], strides = [1]} : vector<16xi32> to vector<1xi32>
    %squeeze3A_186 = vector.extract %slice3A_185[0] : i32 from vector<1xi32>
    %swap3A_187 = arith.constant 1 : i32
    %swap3A_188 = arith.index_cast %swap3A_187 : i32 to index
    %swap3A_189 = memref.load %arg11[%swap3A_188] : memref<16xi32, #tpu.memory_space<smem>>
    memref.store %squeeze3A_186, %arg11[%swap3A_188] : memref<16xi32, #tpu.memory_space<smem>>
    %slice3A_190 = vector.extract_strided_slice %get3A_179 {offsets = [2], sizes = [1], strides = [1]} : vector<16xi32> to vector<1xi32>
    %squeeze3A_191 = vector.extract %slice3A_190[0] : i32 from vector<1xi32>
    %swap3A_192 = arith.constant 2 : i32
    %swap3A_193 = arith.index_cast %swap3A_192 : i32 to index
    %swap3A_194 = memref.load %arg11[%swap3A_193] : memref<16xi32, #tpu.memory_space<smem>>
    memref.store %squeeze3A_191, %arg11[%swap3A_193] : memref<16xi32, #tpu.memory_space<smem>>
    %slice3A_195 = vector.extract_strided_slice %get3A_179 {offsets = [3], sizes = [1], strides = [1]} : vector<16xi32> to vector<1xi32>
    %squeeze3A_196 = vector.extract %slice3A_195[0] : i32 from vector<1xi32>
    %swap3A_197 = arith.constant 3 : i32
    %swap3A_198 = arith.index_cast %swap3A_197 : i32 to index
    %swap3A_199 = memref.load %arg11[%swap3A_198] : memref<16xi32, #tpu.memory_space<smem>>
    memref.store %squeeze3A_196, %arg11[%swap3A_198] : memref<16xi32, #tpu.memory_space<smem>>
    %slice3A_200 = vector.extract_strided_slice %get3A_179 {offsets = [4], sizes = [1], strides = [1]} : vector<16xi32> to vector<1xi32>
    %squeeze3A_201 = vector.extract %slice3A_200[0] : i32 from vector<1xi32>
    %swap3A_202 = arith.constant 4 : i32
    %swap3A_203 = arith.index_cast %swap3A_202 : i32 to index
    %swap3A_204 = memref.load %arg11[%swap3A_203] : memref<16xi32, #tpu.memory_space<smem>>
    memref.store %squeeze3A_201, %arg11[%swap3A_203] : memref<16xi32, #tpu.memory_space<smem>>
    %slice3A_205 = vector.extract_strided_slice %get3A_179 {offsets = [5], sizes = [1], strides = [1]} : vector<16xi32> to vector<1xi32>
    %squeeze3A_206 = vector.extract %slice3A_205[0] : i32 from vector<1xi32>
    %swap3A_207 = arith.constant 5 : i32
    %swap3A_208 = arith.index_cast %swap3A_207 : i32 to index
    %swap3A_209 = memref.load %arg11[%swap3A_208] : memref<16xi32, #tpu.memory_space<smem>>
    memref.store %squeeze3A_206, %arg11[%swap3A_208] : memref<16xi32, #tpu.memory_space<smem>>
    %slice3A_210 = vector.extract_strided_slice %get3A_179 {offsets = [6], sizes = [1], strides = [1]} : vector<16xi32> to vector<1xi32>
    %squeeze3A_211 = vector.extract %slice3A_210[0] : i32 from vector<1xi32>
    %swap3A_212 = arith.constant 6 : i32
    %swap3A_213 = arith.index_cast %swap3A_212 : i32 to index
    %swap3A_214 = memref.load %arg11[%swap3A_213] : memref<16xi32, #tpu.memory_space<smem>>
    memref.store %squeeze3A_211, %arg11[%swap3A_213] : memref<16xi32, #tpu.memory_space<smem>>
    %slice3A_215 = vector.extract_strided_slice %get3A_179 {offsets = [7], sizes = [1], strides = [1]} : vector<16xi32> to vector<1xi32>
    %squeeze3A_216 = vector.extract %slice3A_215[0] : i32 from vector<1xi32>
    %swap3A_217 = arith.constant 7 : i32
    %swap3A_218 = arith.index_cast %swap3A_217 : i32 to index
    %swap3A_219 = memref.load %arg11[%swap3A_218] : memref<16xi32, #tpu.memory_space<smem>>
    memref.store %squeeze3A_216, %arg11[%swap3A_218] : memref<16xi32, #tpu.memory_space<smem>>
    %slice3A_220 = vector.extract_strided_slice %get3A_179 {offsets = [8], sizes = [1], strides = [1]} : vector<16xi32> to vector<1xi32>
    %squeeze3A_221 = vector.extract %slice3A_220[0] : i32 from vector<1xi32>
    %swap3A_222 = arith.constant 8 : i32
    %swap3A_223 = arith.index_cast %swap3A_222 : i32 to index
    %swap3A_224 = memref.load %arg11[%swap3A_223] : memref<16xi32, #tpu.memory_space<smem>>
    memref.store %squeeze3A_221, %arg11[%swap3A_223] : memref<16xi32, #tpu.memory_space<smem>>
    %slice3A_225 = vector.extract_strided_slice %get3A_179 {offsets = [9], sizes = [1], strides = [1]} : vector<16xi32> to vector<1xi32>
    %squeeze3A_226 = vector.extract %slice3A_225[0] : i32 from vector<1xi32>
    %swap3A_227 = arith.constant 9 : i32
    %swap3A_228 = arith.index_cast %swap3A_227 : i32 to index
    %swap3A_229 = memref.load %arg11[%swap3A_228] : memref<16xi32, #tpu.memory_space<smem>>
    memref.store %squeeze3A_226, %arg11[%swap3A_228] : memref<16xi32, #tpu.memory_space<smem>>
    %slice3A_230 = vector.extract_strided_slice %get3A_179 {offsets = [10], sizes = [1], strides = [1]} : vector<16xi32> to vector<1xi32>
    %squeeze3A_231 = vector.extract %slice3A_230[0] : i32 from vector<1xi32>
    %swap3A_232 = arith.constant 10 : i32
    %swap3A_233 = arith.index_cast %swap3A_232 : i32 to index
    %swap3A_234 = memref.load %arg11[%swap3A_233] : memref<16xi32, #tpu.memory_space<smem>>
    memref.store %squeeze3A_231, %arg11[%swap3A_233] : memref<16xi32, #tpu.memory_space<smem>>
    %slice3A_235 = vector.extract_strided_slice %get3A_179 {offsets = [11], sizes = [1], strides = [1]} : vector<16xi32> to vector<1xi32>
    %squeeze3A_236 = vector.extract %slice3A_235[0] : i32 from vector<1xi32>
    %swap3A_237 = arith.constant 11 : i32
    %swap3A_238 = arith.index_cast %swap3A_237 : i32 to index
    %swap3A_239 = memref.load %arg11[%swap3A_238] : memref<16xi32, #tpu.memory_space<smem>>
    memref.store %squeeze3A_236, %arg11[%swap3A_238] : memref<16xi32, #tpu.memory_space<smem>>
    %slice3A_240 = vector.extract_strided_slice %get3A_179 {offsets = [12], sizes = [1], strides = [1]} : vector<16xi32> to vector<1xi32>
    %squeeze3A_241 = vector.extract %slice3A_240[0] : i32 from vector<1xi32>
    %swap3A_242 = arith.constant 12 : i32
    %swap3A_243 = arith.index_cast %swap3A_242 : i32 to index
    %swap3A_244 = memref.load %arg11[%swap3A_243] : memref<16xi32, #tpu.memory_space<smem>>
    memref.store %squeeze3A_241, %arg11[%swap3A_243] : memref<16xi32, #tpu.memory_space<smem>>
    %slice3A_245 = vector.extract_strided_slice %get3A_179 {offsets = [13], sizes = [1], strides = [1]} : vector<16xi32> to vector<1xi32>
    %squeeze3A_246 = vector.extract %slice3A_245[0] : i32 from vector<1xi32>
    %swap3A_247 = arith.constant 13 : i32
    %swap3A_248 = arith.index_cast %swap3A_247 : i32 to index
    %swap3A_249 = memref.load %arg11[%swap3A_248] : memref<16xi32, #tpu.memory_space<smem>>
    memref.store %squeeze3A_246, %arg11[%swap3A_248] : memref<16xi32, #tpu.memory_space<smem>>
    %slice3A_250 = vector.extract_strided_slice %get3A_179 {offsets = [14], sizes = [1], strides = [1]} : vector<16xi32> to vector<1xi32>
    %squeeze3A_251 = vector.extract %slice3A_250[0] : i32 from vector<1xi32>
    %swap3A_252 = arith.constant 14 : i32
    %swap3A_253 = arith.index_cast %swap3A_252 : i32 to index
    %swap3A_254 = memref.load %arg11[%swap3A_253] : memref<16xi32, #tpu.memory_space<smem>>
    memref.store %squeeze3A_251, %arg11[%swap3A_253] : memref<16xi32, #tpu.memory_space<smem>>
    %slice3A_255 = vector.extract_strided_slice %get3A_179 {offsets = [15], sizes = [1], strides = [1]} : vector<16xi32> to vector<1xi32>
    %squeeze3A_256 = vector.extract %slice3A_255[0] : i32 from vector<1xi32>
    %swap3A_257 = arith.constant 15 : i32
    %swap3A_258 = arith.index_cast %swap3A_257 : i32 to index
    %swap3A_259 = memref.load %arg11[%swap3A_258] : memref<16xi32, #tpu.memory_space<smem>>
    memref.store %squeeze3A_256, %arg11[%swap3A_258] : memref<16xi32, #tpu.memory_space<smem>>
    %get3A_260 = arith.index_cast %select_n3A_176 : i32 to index
    %get3A_261 = memref.load %arg11[%get3A_260] : memref<16xi32, #tpu.memory_space<smem>>
    %dma_start3A = arith.constant 0 : i32
    %dma_start3A_262 = arith.constant 0 : i32
    %dma_start3A_263 = tpu.memref_slice %arg5[%get3A_167, %dma_start3A, %dma_start3A_262] : memref<10000x1x512xf32, #tpu.memory_space<hbm>> -> memref<1x1x512xf32, #tpu.memory_space<hbm>>
    %dma_start3A_264 = tpu.memref_squeeze %dma_start3A_263 : memref<1x1x512xf32, #tpu.memory_space<hbm>> -> memref<1x512xf32, #tpu.memory_space<hbm>>
    %dma_start3A_265 = arith.constant 0 : i32
    %dma_start3A_266 = arith.constant 0 : i32
    %dma_start3A_267 = tpu.memref_slice %arg5[%get3A_167, %dma_start3A_265, %dma_start3A_266] : memref<10000x1x512xf32, #tpu.memory_space<hbm>> -> memref<1x1x512xf32, #tpu.memory_space<hbm>>
    %dma_start3A_268 = tpu.memref_squeeze %dma_start3A_267 : memref<1x1x512xf32, #tpu.memory_space<hbm>> -> memref<1x512xf32, #tpu.memory_space<hbm>>
    tpu.enqueue_dma source(%dma_start3A_268 : memref<1x512xf32, #tpu.memory_space<hbm>>) target(%arg12 : memref<1x512xf32, #tpu.memory_space<vmem>>) target_semaphore(%arg20 : memref<!tpu.dma_semaphore, #tpu.memory_space<semaphore_mem>>)
    %dma_start3A_269 = arith.constant 0 : i32
    %dma_start3A_270 = arith.constant 0 : i32
    %dma_start3A_271 = tpu.memref_slice %arg4[%get3A_261, %dma_start3A_269, %dma_start3A_270] : memref<128x16x512xf32, #tpu.memory_space<hbm>> -> memref<1x16x512xf32, #tpu.memory_space<hbm>>
    %dma_start3A_272 = tpu.memref_squeeze %dma_start3A_271 : memref<1x16x512xf32, #tpu.memory_space<hbm>> -> memref<16x512xf32, #tpu.memory_space<hbm>>
    %dma_start3A_273 = arith.constant 0 : i32
    %dma_start3A_274 = arith.constant 0 : i32
    %dma_start3A_275 = tpu.memref_slice %arg4[%get3A_261, %dma_start3A_273, %dma_start3A_274] : memref<128x16x512xf32, #tpu.memory_space<hbm>> -> memref<1x16x512xf32, #tpu.memory_space<hbm>>
    %dma_start3A_276 = tpu.memref_squeeze %dma_start3A_275 : memref<1x16x512xf32, #tpu.memory_space<hbm>> -> memref<16x512xf32, #tpu.memory_space<hbm>>
    tpu.enqueue_dma source(%dma_start3A_276 : memref<16x512xf32, #tpu.memory_space<hbm>>) target(%arg14 : memref<16x512xf32, #tpu.memory_space<vmem>>) target_semaphore(%arg20 : memref<!tpu.dma_semaphore, #tpu.memory_space<semaphore_mem>>)
    %dma_start3A_277 = arith.constant 0 : i32
    %dma_start3A_278 = arith.constant 0 : i32
    %dma_start3A_279 = tpu.memref_slice %arg6[%get3A_167, %dma_start3A_277, %dma_start3A_278] : memref<10000x60x512xf32, #tpu.memory_space<hbm>> -> memref<1x60x512xf32, #tpu.memory_space<hbm>>
    %dma_start3A_280 = tpu.memref_squeeze %dma_start3A_279 : memref<1x60x512xf32, #tpu.memory_space<hbm>> -> memref<60x512xf32, #tpu.memory_space<hbm>>
    %dma_start3A_281 = arith.constant 0 : i32
    %dma_start3A_282 = arith.constant 0 : i32
    %dma_start3A_283 = tpu.memref_slice %arg6[%get3A_167, %dma_start3A_281, %dma_start3A_282] : memref<10000x60x512xf32, #tpu.memory_space<hbm>> -> memref<1x60x512xf32, #tpu.memory_space<hbm>>
    %dma_start3A_284 = tpu.memref_squeeze %dma_start3A_283 : memref<1x60x512xf32, #tpu.memory_space<hbm>> -> memref<60x512xf32, #tpu.memory_space<hbm>>
    tpu.enqueue_dma source(%dma_start3A_284 : memref<60x512xf32, #tpu.memory_space<hbm>>) target(%arg16 : memref<60x512xf32, #tpu.memory_space<vmem>>) target_semaphore(%arg20 : memref<!tpu.dma_semaphore, #tpu.memory_space<semaphore_mem>>)
    %scan3A = arith.constant 0 : i32
    %scan3A_285 = arith.constant 0 : i32
    %scan3A_286 = arith.constant 16 : i32
    %scan3A_287 = arith.addi %scan3A_285, %scan3A_286 : i32
    %scan3A_288 = arith.constant 1 : i32
    scf.for %scan3A_315 = %scan3A_285 to %scan3A_287 step %scan3A_288  : i32 {
      %mul3A_316 = arith.constant 2 : i32
      %mul3A_317 = arith.muli %mul3A_316, %scan3A_315 : i32
      %add3A_318 = arith.constant 1 : i32
      %add3A_319 = arith.addi %mul3A_317, %add3A_318 : i32
      %get3A_320 = arith.index_cast %add3A_319 : i32 to index
      %get3A_321 = memref.load %arg10[%get3A_320] : memref<32xi32, #tpu.memory_space<smem>>
      %jit3A_322 = arith.constant 16 : i32
      %eq3A_323 = arith.constant 0 : i32
      %eq3A_324 = arith.cmpi eq, %jit3A_322, %eq3A_323 : i32
      %jit3A_325 = arith.constant 1 : i32
      %select_n3A_326 = arith.select %eq3A_324, %jit3A_325, %jit3A_322 : i32
      %rem3A_327 = arith.remsi %get3A_321, %select_n3A_326 : i32
      %ne3A_328 = arith.constant 0 : i32
      %ne3A_329 = arith.cmpi ne, %rem3A_327, %ne3A_328 : i32
      %lt3A_330 = arith.constant 0 : i32
      %lt3A_331 = arith.cmpi slt, %rem3A_327, %lt3A_330 : i32
      %lt3A_332 = arith.constant 0 : i32
      %lt3A_333 = arith.cmpi slt, %select_n3A_326, %lt3A_332 : i32
      %ne3A_334 = arith.xori %lt3A_331, %lt3A_333 : i1
      %and3A_335 = arith.andi %ne3A_334, %ne3A_329 : i1
      %add3A_336 = arith.addi %rem3A_327, %select_n3A_326 : i32
      %select_n3A_337 = arith.select %and3A_335, %add3A_336, %rem3A_327 : i32
      %sub3A_338 = arith.subi %get3A_321, %select_n3A_337 : i32
      %multiple_of3A_339 = tpu.assume_multiple %sub3A_338, 8 : i32
      %get3A_340 = arith.index_cast %multiple_of3A_339 : i32 to index
      %get3A_341 = tpu.vector_load %arg9[%get3A_340] {strides = array<i32>} : memref<10000xi32, #tpu.memory_space<vmem>>, vector<16xi32>,
      %get3A_342 = vector.shape_cast %get3A_341 : vector<16xi32> to vector<16xi32>
      %slice3A_343 = vector.extract_strided_slice %get3A_342 {offsets = [0], sizes = [1], strides = [1]} : vector<16xi32> to vector<1xi32>
      %squeeze3A_344 = vector.extract %slice3A_343[0] : i32 from vector<1xi32>
      %swap3A_345 = arith.constant 0 : i32
      %swap3A_346 = arith.index_cast %swap3A_345 : i32 to index
      %swap3A_347 = memref.load %arg11[%swap3A_346] : memref<16xi32, #tpu.memory_space<smem>>
      memref.store %squeeze3A_344, %arg11[%swap3A_346] : memref<16xi32, #tpu.memory_space<smem>>
      %slice3A_348 = vector.extract_strided_slice %get3A_342 {offsets = [1], sizes = [1], strides = [1]} : vector<16xi32> to vector<1xi32>
      %squeeze3A_349 = vector.extract %slice3A_348[0] : i32 from vector<1xi32>
      %swap3A_350 = arith.constant 1 : i32
      %swap3A_351 = arith.index_cast %swap3A_350 : i32 to index
      %swap3A_352 = memref.load %arg11[%swap3A_351] : memref<16xi32, #tpu.memory_space<smem>>
      memref.store %squeeze3A_349, %arg11[%swap3A_351] : memref<16xi32, #tpu.memory_space<smem>>
      %slice3A_353 = vector.extract_strided_slice %get3A_342 {offsets = [2], sizes = [1], strides = [1]} : vector<16xi32> to vector<1xi32>
      %squeeze3A_354 = vector.extract %slice3A_353[0] : i32 from vector<1xi32>
      %swap3A_355 = arith.constant 2 : i32
      %swap3A_356 = arith.index_cast %swap3A_355 : i32 to index
      %swap3A_357 = memref.load %arg11[%swap3A_356] : memref<16xi32, #tpu.memory_space<smem>>
      memref.store %squeeze3A_354, %arg11[%swap3A_356] : memref<16xi32, #tpu.memory_space<smem>>
      %slice3A_358 = vector.extract_strided_slice %get3A_342 {offsets = [3], sizes = [1], strides = [1]} : vector<16xi32> to vector<1xi32>
      %squeeze3A_359 = vector.extract %slice3A_358[0] : i32 from vector<1xi32>
      %swap3A_360 = arith.constant 3 : i32
      %swap3A_361 = arith.index_cast %swap3A_360 : i32 to index
      %swap3A_362 = memref.load %arg11[%swap3A_361] : memref<16xi32, #tpu.memory_space<smem>>
      memref.store %squeeze3A_359, %arg11[%swap3A_361] : memref<16xi32, #tpu.memory_space<smem>>
      %slice3A_363 = vector.extract_strided_slice %get3A_342 {offsets = [4], sizes = [1], strides = [1]} : vector<16xi32> to vector<1xi32>
      %squeeze3A_364 = vector.extract %slice3A_363[0] : i32 from vector<1xi32>
      %swap3A_365 = arith.constant 4 : i32
      %swap3A_366 = arith.index_cast %swap3A_365 : i32 to index
      %swap3A_367 = memref.load %arg11[%swap3A_366] : memref<16xi32, #tpu.memory_space<smem>>
      memref.store %squeeze3A_364, %arg11[%swap3A_366] : memref<16xi32, #tpu.memory_space<smem>>
      %slice3A_368 = vector.extract_strided_slice %get3A_342 {offsets = [5], sizes = [1], strides = [1]} : vector<16xi32> to vector<1xi32>
      %squeeze3A_369 = vector.extract %slice3A_368[0] : i32 from vector<1xi32>
      %swap3A_370 = arith.constant 5 : i32
      %swap3A_371 = arith.index_cast %swap3A_370 : i32 to index
      %swap3A_372 = memref.load %arg11[%swap3A_371] : memref<16xi32, #tpu.memory_space<smem>>
      memref.store %squeeze3A_369, %arg11[%swap3A_371] : memref<16xi32, #tpu.memory_space<smem>>
      %slice3A_373 = vector.extract_strided_slice %get3A_342 {offsets = [6], sizes = [1], strides = [1]} : vector<16xi32> to vector<1xi32>
      %squeeze3A_374 = vector.extract %slice3A_373[0] : i32 from vector<1xi32>
      %swap3A_375 = arith.constant 6 : i32
      %swap3A_376 = arith.index_cast %swap3A_375 : i32 to index
      %swap3A_377 = memref.load %arg11[%swap3A_376] : memref<16xi32, #tpu.memory_space<smem>>
      memref.store %squeeze3A_374, %arg11[%swap3A_376] : memref<16xi32, #tpu.memory_space<smem>>
      %slice3A_378 = vector.extract_strided_slice %get3A_342 {offsets = [7], sizes = [1], strides = [1]} : vector<16xi32> to vector<1xi32>
      %squeeze3A_379 = vector.extract %slice3A_378[0] : i32 from vector<1xi32>
      %swap3A_380 = arith.constant 7 : i32
      %swap3A_381 = arith.index_cast %swap3A_380 : i32 to index
      %swap3A_382 = memref.load %arg11[%swap3A_381] : memref<16xi32, #tpu.memory_space<smem>>
      memref.store %squeeze3A_379, %arg11[%swap3A_381] : memref<16xi32, #tpu.memory_space<smem>>
      %slice3A_383 = vector.extract_strided_slice %get3A_342 {offsets = [8], sizes = [1], strides = [1]} : vector<16xi32> to vector<1xi32>
      %squeeze3A_384 = vector.extract %slice3A_383[0] : i32 from vector<1xi32>
      %swap3A_385 = arith.constant 8 : i32
      %swap3A_386 = arith.index_cast %swap3A_385 : i32 to index
      %swap3A_387 = memref.load %arg11[%swap3A_386] : memref<16xi32, #tpu.memory_space<smem>>
      memref.store %squeeze3A_384, %arg11[%swap3A_386] : memref<16xi32, #tpu.memory_space<smem>>
      %slice3A_388 = vector.extract_strided_slice %get3A_342 {offsets = [9], sizes = [1], strides = [1]} : vector<16xi32> to vector<1xi32>
      %squeeze3A_389 = vector.extract %slice3A_388[0] : i32 from vector<1xi32>
      %swap3A_390 = arith.constant 9 : i32
      %swap3A_391 = arith.index_cast %swap3A_390 : i32 to index
      %swap3A_392 = memref.load %arg11[%swap3A_391] : memref<16xi32, #tpu.memory_space<smem>>
      memref.store %squeeze3A_389, %arg11[%swap3A_391] : memref<16xi32, #tpu.memory_space<smem>>
      %slice3A_393 = vector.extract_strided_slice %get3A_342 {offsets = [10], sizes = [1], strides = [1]} : vector<16xi32> to vector<1xi32>
      %squeeze3A_394 = vector.extract %slice3A_393[0] : i32 from vector<1xi32>
      %swap3A_395 = arith.constant 10 : i32
      %swap3A_396 = arith.index_cast %swap3A_395 : i32 to index
      %swap3A_397 = memref.load %arg11[%swap3A_396] : memref<16xi32, #tpu.memory_space<smem>>
      memref.store %squeeze3A_394, %arg11[%swap3A_396] : memref<16xi32, #tpu.memory_space<smem>>
      %slice3A_398 = vector.extract_strided_slice %get3A_342 {offsets = [11], sizes = [1], strides = [1]} : vector<16xi32> to vector<1xi32>
      %squeeze3A_399 = vector.extract %slice3A_398[0] : i32 from vector<1xi32>
      %swap3A_400 = arith.constant 11 : i32
      %swap3A_401 = arith.index_cast %swap3A_400 : i32 to index
      %swap3A_402 = memref.load %arg11[%swap3A_401] : memref<16xi32, #tpu.memory_space<smem>>
      memref.store %squeeze3A_399, %arg11[%swap3A_401] : memref<16xi32, #tpu.memory_space<smem>>
      %slice3A_403 = vector.extract_strided_slice %get3A_342 {offsets = [12], sizes = [1], strides = [1]} : vector<16xi32> to vector<1xi32>
      %squeeze3A_404 = vector.extract %slice3A_403[0] : i32 from vector<1xi32>
      %swap3A_405 = arith.constant 12 : i32
      %swap3A_406 = arith.index_cast %swap3A_405 : i32 to index
      %swap3A_407 = memref.load %arg11[%swap3A_406] : memref<16xi32, #tpu.memory_space<smem>>
      memref.store %squeeze3A_404, %arg11[%swap3A_406] : memref<16xi32, #tpu.memory_space<smem>>
      %slice3A_408 = vector.extract_strided_slice %get3A_342 {offsets = [13], sizes = [1], strides = [1]} : vector<16xi32> to vector<1xi32>
      %squeeze3A_409 = vector.extract %slice3A_408[0] : i32 from vector<1xi32>
      %swap3A_410 = arith.constant 13 : i32
      %swap3A_411 = arith.index_cast %swap3A_410 : i32 to index
      %swap3A_412 = memref.load %arg11[%swap3A_411] : memref<16xi32, #tpu.memory_space<smem>>
      memref.store %squeeze3A_409, %arg11[%swap3A_411] : memref<16xi32, #tpu.memory_space<smem>>
      %slice3A_413 = vector.extract_strided_slice %get3A_342 {offsets = [14], sizes = [1], strides = [1]} : vector<16xi32> to vector<1xi32>
      %squeeze3A_414 = vector.extract %slice3A_413[0] : i32 from vector<1xi32>
      %swap3A_415 = arith.constant 14 : i32
      %swap3A_416 = arith.index_cast %swap3A_415 : i32 to index
      %swap3A_417 = memref.load %arg11[%swap3A_416] : memref<16xi32, #tpu.memory_space<smem>>
      memref.store %squeeze3A_414, %arg11[%swap3A_416] : memref<16xi32, #tpu.memory_space<smem>>
      %slice3A_418 = vector.extract_strided_slice %get3A_342 {offsets = [15], sizes = [1], strides = [1]} : vector<16xi32> to vector<1xi32>
      %squeeze3A_419 = vector.extract %slice3A_418[0] : i32 from vector<1xi32>
      %swap3A_420 = arith.constant 15 : i32
      %swap3A_421 = arith.index_cast %swap3A_420 : i32 to index
      %swap3A_422 = memref.load %arg11[%swap3A_421] : memref<16xi32, #tpu.memory_space<smem>>
      memref.store %squeeze3A_419, %arg11[%swap3A_421] : memref<16xi32, #tpu.memory_space<smem>>
      %get3A_423 = arith.index_cast %select_n3A_337 : i32 to index
      %get3A_424 = memref.load %arg11[%get3A_423] : memref<16xi32, #tpu.memory_space<smem>>
      %dma_start3A_425 = arith.constant 0 : i32
      %dma_start3A_426 = arith.constant 0 : i32
      %dma_start3A_427 = tpu.memref_slice %arg5[%get3A_321, %dma_start3A_425, %dma_start3A_426] : memref<10000x1x512xf32, #tpu.memory_space<hbm>> -> memref<1x1x512xf32, #tpu.memory_space<hbm>>
      %dma_start3A_428 = tpu.memref_squeeze %dma_start3A_427 : memref<1x1x512xf32, #tpu.memory_space<hbm>> -> memref<1x512xf32, #tpu.memory_space<hbm>>
      %dma_start3A_429 = arith.constant 0 : i32
      %dma_start3A_430 = arith.constant 0 : i32
      %dma_start3A_431 = tpu.memref_slice %arg5[%get3A_321, %dma_start3A_429, %dma_start3A_430] : memref<10000x1x512xf32, #tpu.memory_space<hbm>> -> memref<1x1x512xf32, #tpu.memory_space<hbm>>
      %dma_start3A_432 = tpu.memref_squeeze %dma_start3A_431 : memref<1x1x512xf32, #tpu.memory_space<hbm>> -> memref<1x512xf32, #tpu.memory_space<hbm>>
      tpu.enqueue_dma source(%dma_start3A_432 : memref<1x512xf32, #tpu.memory_space<hbm>>) target(%arg13 : memref<1x512xf32, #tpu.memory_space<vmem>>) target_semaphore(%arg21 : memref<!tpu.dma_semaphore, #tpu.memory_space<semaphore_mem>>)
      %dma_start3A_433 = arith.constant 0 : i32
      %dma_start3A_434 = arith.constant 0 : i32
      %dma_start3A_435 = tpu.memref_slice %arg4[%get3A_424, %dma_start3A_433, %dma_start3A_434] : memref<128x16x512xf32, #tpu.memory_space<hbm>> -> memref<1x16x512xf32, #tpu.memory_space<hbm>>
      %dma_start3A_436 = tpu.memref_squeeze %dma_start3A_435 : memref<1x16x512xf32, #tpu.memory_space<hbm>> -> memref<16x512xf32, #tpu.memory_space<hbm>>
      %dma_start3A_437 = arith.constant 0 : i32
      %dma_start3A_438 = arith.constant 0 : i32
      %dma_start3A_439 = tpu.memref_slice %arg4[%get3A_424, %dma_start3A_437, %dma_start3A_438] : memref<128x16x512xf32, #tpu.memory_space<hbm>> -> memref<1x16x512xf32, #tpu.memory_space<hbm>>
      %dma_start3A_440 = tpu.memref_squeeze %dma_start3A_439 : memref<1x16x512xf32, #tpu.memory_space<hbm>> -> memref<16x512xf32, #tpu.memory_space<hbm>>
      tpu.enqueue_dma source(%dma_start3A_440 : memref<16x512xf32, #tpu.memory_space<hbm>>) target(%arg15 : memref<16x512xf32, #tpu.memory_space<vmem>>) target_semaphore(%arg21 : memref<!tpu.dma_semaphore, #tpu.memory_space<semaphore_mem>>)
      %dma_start3A_441 = arith.constant 0 : i32
      %dma_start3A_442 = arith.constant 0 : i32
      %dma_start3A_443 = tpu.memref_slice %arg6[%get3A_321, %dma_start3A_441, %dma_start3A_442] : memref<10000x60x512xf32, #tpu.memory_space<hbm>> -> memref<1x60x512xf32, #tpu.memory_space<hbm>>
      %dma_start3A_444 = tpu.memref_squeeze %dma_start3A_443 : memref<1x60x512xf32, #tpu.memory_space<hbm>> -> memref<60x512xf32, #tpu.memory_space<hbm>>
      %dma_start3A_445 = arith.constant 0 : i32
      %dma_start3A_446 = arith.constant 0 : i32
      %dma_start3A_447 = tpu.memref_slice %arg6[%get3A_321, %dma_start3A_445, %dma_start3A_446] : memref<10000x60x512xf32, #tpu.memory_space<hbm>> -> memref<1x60x512xf32, #tpu.memory_space<hbm>>
      %dma_start3A_448 = tpu.memref_squeeze %dma_start3A_447 : memref<1x60x512xf32, #tpu.memory_space<hbm>> -> memref<60x512xf32, #tpu.memory_space<hbm>>
      tpu.enqueue_dma source(%dma_start3A_448 : memref<60x512xf32, #tpu.memory_space<hbm>>) target(%arg17 : memref<60x512xf32, #tpu.memory_space<vmem>>) target_semaphore(%arg21 : memref<!tpu.dma_semaphore, #tpu.memory_space<semaphore_mem>>)
      %mul3A_449 = arith.constant 2 : i32
      %mul3A_450 = arith.muli %mul3A_449, %scan3A_315 : i32
      %dma_wait3A_451 = arith.constant 0 : i32
      %dma_wait3A_452 = arith.constant 0 : i32
      %dma_wait3A_453 = arith.constant 0 : i32
      %dma_wait3A_454 = tpu.memref_slice %arg5[%dma_wait3A_451, %dma_wait3A_452, %dma_wait3A_453] : memref<10000x1x512xf32, #tpu.memory_space<hbm>> -> memref<1x1x512xf32, #tpu.memory_space<hbm>>
      %dma_wait3A_455 = tpu.memref_squeeze %dma_wait3A_454 : memref<1x1x512xf32, #tpu.memory_space<hbm>> -> memref<1x512xf32, #tpu.memory_space<hbm>>
      %dma_wait3A_456 = arith.constant 0 : i32
      %dma_wait3A_457 = arith.constant 0 : i32
      %dma_wait3A_458 = tpu.memref_slice %arg5[%dma_wait3A_451, %dma_wait3A_456, %dma_wait3A_457] : memref<10000x1x512xf32, #tpu.memory_space<hbm>> -> memref<1x1x512xf32, #tpu.memory_space<hbm>>
      %dma_wait3A_459 = tpu.memref_squeeze %dma_wait3A_458 : memref<1x1x512xf32, #tpu.memory_space<hbm>> -> memref<1x512xf32, #tpu.memory_space<hbm>>
      tpu.wait_dma2 semaphore(%arg20 : memref<!tpu.dma_semaphore, #tpu.memory_space<semaphore_mem>>) src(%dma_wait3A_459 : memref<1x512xf32, #tpu.memory_space<hbm>>) dst(%arg12 : memref<1x512xf32, #tpu.memory_space<vmem>>)
      %dma_wait3A_460 = arith.constant 0 : i32
      %dma_wait3A_461 = arith.constant 0 : i32
      %dma_wait3A_462 = arith.constant 0 : i32
      %dma_wait3A_463 = tpu.memref_slice %arg4[%dma_wait3A_460, %dma_wait3A_461, %dma_wait3A_462] : memref<128x16x512xf32, #tpu.memory_space<hbm>> -> memref<1x16x512xf32, #tpu.memory_space<hbm>>
      %dma_wait3A_464 = tpu.memref_squeeze %dma_wait3A_463 : memref<1x16x512xf32, #tpu.memory_space<hbm>> -> memref<16x512xf32, #tpu.memory_space<hbm>>
      %dma_wait3A_465 = arith.constant 0 : i32
      %dma_wait3A_466 = arith.constant 0 : i32
      %dma_wait3A_467 = tpu.memref_slice %arg4[%dma_wait3A_460, %dma_wait3A_465, %dma_wait3A_466] : memref<128x16x512xf32, #tpu.memory_space<hbm>> -> memref<1x16x512xf32, #tpu.memory_space<hbm>>
      %dma_wait3A_468 = tpu.memref_squeeze %dma_wait3A_467 : memref<1x16x512xf32, #tpu.memory_space<hbm>> -> memref<16x512xf32, #tpu.memory_space<hbm>>
      tpu.wait_dma2 semaphore(%arg20 : memref<!tpu.dma_semaphore, #tpu.memory_space<semaphore_mem>>) src(%dma_wait3A_468 : memref<16x512xf32, #tpu.memory_space<hbm>>) dst(%arg14 : memref<16x512xf32, #tpu.memory_space<vmem>>)
      %dma_wait3A_469 = arith.constant 0 : i32
      %dma_wait3A_470 = arith.constant 0 : i32
      %dma_wait3A_471 = arith.constant 0 : i32
      %dma_wait3A_472 = tpu.memref_slice %arg6[%dma_wait3A_469, %dma_wait3A_470, %dma_wait3A_471] : memref<10000x60x512xf32, #tpu.memory_space<hbm>> -> memref<1x60x512xf32, #tpu.memory_space<hbm>>
      %dma_wait3A_473 = tpu.memref_squeeze %dma_wait3A_472 : memref<1x60x512xf32, #tpu.memory_space<hbm>> -> memref<60x512xf32, #tpu.memory_space<hbm>>
      %dma_wait3A_474 = arith.constant 0 : i32
      %dma_wait3A_475 = arith.constant 0 : i32
      %dma_wait3A_476 = tpu.memref_slice %arg6[%dma_wait3A_469, %dma_wait3A_474, %dma_wait3A_475] : memref<10000x60x512xf32, #tpu.memory_space<hbm>> -> memref<1x60x512xf32, #tpu.memory_space<hbm>>
      %dma_wait3A_477 = tpu.memref_squeeze %dma_wait3A_476 : memref<1x60x512xf32, #tpu.memory_space<hbm>> -> memref<60x512xf32, #tpu.memory_space<hbm>>
      tpu.wait_dma2 semaphore(%arg20 : memref<!tpu.dma_semaphore, #tpu.memory_space<semaphore_mem>>) src(%dma_wait3A_477 : memref<60x512xf32, #tpu.memory_space<hbm>>) dst(%arg16 : memref<60x512xf32, #tpu.memory_space<vmem>>)
      %add3A_478 = arith.addi %mul3A_2, %mul3A_450 : i32
      %gt3A = arith.constant 0 : i32
      %gt3A_479 = arith.cmpi sgt, %mul3A_450, %gt3A : i32
      %convert_element_type3A = arith.extui %gt3A_479 : i1 to i32
      %cond3A = arith.constant 0 : i32
      %cond3A_480 = arith.cmpi ne, %convert_element_type3A, %cond3A : i32
      scf.if %cond3A_480 {
        %dma_wait3A_689 = arith.constant 48 : i32
        %dma_wait3A_690 = arith.constant 0 : i32
        %dma_wait3A_691 = tpu.memref_slice %arg7[%add3A_478, %dma_wait3A_689, %dma_wait3A_690] : memref<1024x77x512xf32, #tpu.memory_space<hbm>> -> memref<1x24x512xf32, #tpu.memory_space<hbm>>
        %dma_wait3A_692 = tpu.memref_squeeze %dma_wait3A_691 : memref<1x24x512xf32, #tpu.memory_space<hbm>> -> memref<24x512xf32, #tpu.memory_space<hbm>>
        %dma_wait3A_693 = arith.constant 48 : i32
        %dma_wait3A_694 = arith.constant 0 : i32
        %dma_wait3A_695 = tpu.memref_slice %arg7[%add3A_478, %dma_wait3A_693, %dma_wait3A_694] : memref<1024x77x512xf32, #tpu.memory_space<hbm>> -> memref<1x24x512xf32, #tpu.memory_space<hbm>>
        %dma_wait3A_696 = tpu.memref_squeeze %dma_wait3A_695 : memref<1x24x512xf32, #tpu.memory_space<hbm>> -> memref<24x512xf32, #tpu.memory_space<hbm>>
        tpu.wait_dma2 semaphore(%arg22 : memref<!tpu.dma_semaphore, #tpu.memory_space<semaphore_mem>>) src(%arg18 : memref<24x512xf32, #tpu.memory_space<vmem>>) dst(%dma_wait3A_696 : memref<24x512xf32, #tpu.memory_space<hbm>>)
      } else {
      }
      %scan3A_481 = arith.constant 0 : i32
      %scan3A_482 = arith.constant 0 : i32
      %scan3A_483 = arith.constant 32 : i32
      %scan3A_484 = arith.addi %scan3A_482, %scan3A_483 : i32
      %scan3A_485 = arith.constant 1 : i32
      scf.for %scan3A_689 = %scan3A_482 to %scan3A_484 step %scan3A_485  : i32 {
        %mul3A_690 = arith.constant 16 : i32
        %mul3A_691 = arith.muli %scan3A_689, %mul3A_690 : i32
        %multiple_of3A_692 = tpu.assume_multiple %mul3A_691, 8 : i32
        %get3A_693 = arith.constant 0 : i32
        %get3A_694 = arith.index_cast %get3A_693 : i32 to index
        %get3A_695 = arith.index_cast %multiple_of3A_692 : i32 to index
        %get3A_696 = tpu.vector_load %arg12[%get3A_694, %get3A_695] {strides = array<i32>} : memref<1x512xf32, #tpu.memory_space<vmem>>, vector<1x16xf32>,
        %get3A_697 = vector.shape_cast %get3A_696 : vector<1x16xf32> to vector<16xf32>
        %swap3A_698 = arith.constant 0 : i32
        %swap3A_699 = arith.index_cast %swap3A_698 : i32 to index
        %swap3A_700 = arith.index_cast %multiple_of3A_692 : i32 to index
        %swap3A_701 = tpu.vector_load %arg18[%swap3A_699, %swap3A_700] {strides = array<i32>} : memref<24x512xf32, #tpu.memory_space<vmem>>, vector<1x16xf32>,
        %swap3A_702 = vector.shape_cast %swap3A_701 : vector<1x16xf32> to vector<16xf32>
        %swap3A_703 = vector.shape_cast %get3A_697 : vector<16xf32> to vector<1x16xf32>
        tpu.vector_store %arg18[%swap3A_699, %swap3A_700], %swap3A_703 {strides = array<i32>} : memref<24x512xf32, #tpu.memory_space<vmem>>, vector<1x16xf32>,
        %get3A_704 = arith.constant 0 : i32
        %get3A_705 = arith.index_cast %get3A_704 : i32 to index
        %get3A_706 = arith.index_cast %multiple_of3A_692 : i32 to index
        %get3A_707 = tpu.vector_load %arg14[%get3A_705, %get3A_706] {strides = array<i32>} : memref<16x512xf32, #tpu.memory_space<vmem>>, vector<1x16xf32>,
        %get3A_708 = vector.shape_cast %get3A_707 : vector<1x16xf32> to vector<16xf32>
        %swap3A_709 = arith.constant 1 : i32
        %swap3A_710 = arith.index_cast %swap3A_709 : i32 to index
        %swap3A_711 = arith.index_cast %multiple_of3A_692 : i32 to index
        %swap3A_712 = tpu.vector_load %arg18[%swap3A_710, %swap3A_711] {strides = array<i32>} : memref<24x512xf32, #tpu.memory_space<vmem>>, vector<1x16xf32>,
        %swap3A_713 = vector.shape_cast %swap3A_712 : vector<1x16xf32> to vector<16xf32>
        %swap3A_714 = vector.shape_cast %get3A_708 : vector<16xf32> to vector<1x16xf32>
        tpu.vector_store %arg18[%swap3A_710, %swap3A_711], %swap3A_714 {strides = array<i32>} : memref<24x512xf32, #tpu.memory_space<vmem>>, vector<1x16xf32>,
        %get3A_715 = arith.constant 1 : i32
        %get3A_716 = arith.index_cast %get3A_715 : i32 to index
        %get3A_717 = arith.index_cast %multiple_of3A_692 : i32 to index
        %get3A_718 = tpu.vector_load %arg14[%get3A_716, %get3A_717] {strides = array<i32>} : memref<16x512xf32, #tpu.memory_space<vmem>>, vector<1x16xf32>,
        %get3A_719 = vector.shape_cast %get3A_718 : vector<1x16xf32> to vector<16xf32>
        %swap3A_720 = arith.constant 2 : i32
        %swap3A_721 = arith.index_cast %swap3A_720 : i32 to index
        %swap3A_722 = arith.index_cast %multiple_of3A_692 : i32 to index
        %swap3A_723 = tpu.vector_load %arg18[%swap3A_721, %swap3A_722] {strides = array<i32>} : memref<24x512xf32, #tpu.memory_space<vmem>>, vector<1x16xf32>,
        %swap3A_724 = vector.shape_cast %swap3A_723 : vector<1x16xf32> to vector<16xf32>
        %swap3A_725 = vector.shape_cast %get3A_719 : vector<16xf32> to vector<1x16xf32>
        tpu.vector_store %arg18[%swap3A_721, %swap3A_722], %swap3A_725 {strides = array<i32>} : memref<24x512xf32, #tpu.memory_space<vmem>>, vector<1x16xf32>,
        %get3A_726 = arith.constant 2 : i32
        %get3A_727 = arith.index_cast %get3A_726 : i32 to index
        %get3A_728 = arith.index_cast %multiple_of3A_692 : i32 to index
        %get3A_729 = tpu.vector_load %arg14[%get3A_727, %get3A_728] {strides = array<i32>} : memref<16x512xf32, #tpu.memory_space<vmem>>, vector<1x16xf32>,
        %get3A_730 = vector.shape_cast %get3A_729 : vector<1x16xf32> to vector<16xf32>
        %swap3A_731 = arith.constant 3 : i32
        %swap3A_732 = arith.index_cast %swap3A_731 : i32 to index
        %swap3A_733 = arith.index_cast %multiple_of3A_692 : i32 to index
        %swap3A_734 = tpu.vector_load %arg18[%swap3A_732, %swap3A_733] {strides = array<i32>} : memref<24x512xf32, #tpu.memory_space<vmem>>, vector<1x16xf32>,
        %swap3A_735 = vector.shape_cast %swap3A_734 : vector<1x16xf32> to vector<16xf32>
        %swap3A_736 = vector.shape_cast %get3A_730 : vector<16xf32> to vector<1x16xf32>
        tpu.vector_store %arg18[%swap3A_732, %swap3A_733], %swap3A_736 {strides = array<i32>} : memref<24x512xf32, #tpu.memory_space<vmem>>, vector<1x16xf32>,
        %get3A_737 = arith.constant 3 : i32
        %get3A_738 = arith.index_cast %get3A_737 : i32 to index
        %get3A_739 = arith.index_cast %multiple_of3A_692 : i32 to index
        %get3A_740 = tpu.vector_load %arg14[%get3A_738, %get3A_739] {strides = array<i32>} : memref<16x512xf32, #tpu.memory_space<vmem>>, vector<1x16xf32>,
        %get3A_741 = vector.shape_cast %get3A_740 : vector<1x16xf32> to vector<16xf32>
        %swap3A_742 = arith.constant 4 : i32
        %swap3A_743 = arith.index_cast %swap3A_742 : i32 to index
        %swap3A_744 = arith.index_cast %multiple_of3A_692 : i32 to index
        %swap3A_745 = tpu.vector_load %arg18[%swap3A_743, %swap3A_744] {strides = array<i32>} : memref<24x512xf32, #tpu.memory_space<vmem>>, vector<1x16xf32>,
        %swap3A_746 = vector.shape_cast %swap3A_745 : vector<1x16xf32> to vector<16xf32>
        %swap3A_747 = vector.shape_cast %get3A_741 : vector<16xf32> to vector<1x16xf32>
        tpu.vector_store %arg18[%swap3A_743, %swap3A_744], %swap3A_747 {strides = array<i32>} : memref<24x512xf32, #tpu.memory_space<vmem>>, vector<1x16xf32>,
        %get3A_748 = arith.constant 4 : i32
        %get3A_749 = arith.index_cast %get3A_748 : i32 to index
        %get3A_750 = arith.index_cast %multiple_of3A_692 : i32 to index
        %get3A_751 = tpu.vector_load %arg14[%get3A_749, %get3A_750] {strides = array<i32>} : memref<16x512xf32, #tpu.memory_space<vmem>>, vector<1x16xf32>,
        %get3A_752 = vector.shape_cast %get3A_751 : vector<1x16xf32> to vector<16xf32>
        %swap3A_753 = arith.constant 5 : i32
        %swap3A_754 = arith.index_cast %swap3A_753 : i32 to index
        %swap3A_755 = arith.index_cast %multiple_of3A_692 : i32 to index
        %swap3A_756 = tpu.vector_load %arg18[%swap3A_754, %swap3A_755] {strides = array<i32>} : memref<24x512xf32, #tpu.memory_space<vmem>>, vector<1x16xf32>,
        %swap3A_757 = vector.shape_cast %swap3A_756 : vector<1x16xf32> to vector<16xf32>
        %swap3A_758 = vector.shape_cast %get3A_752 : vector<16xf32> to vector<1x16xf32>
        tpu.vector_store %arg18[%swap3A_754, %swap3A_755], %swap3A_758 {strides = array<i32>} : memref<24x512xf32, #tpu.memory_space<vmem>>, vector<1x16xf32>,
        %get3A_759 = arith.constant 5 : i32
        %get3A_760 = arith.index_cast %get3A_759 : i32 to index
        %get3A_761 = arith.index_cast %multiple_of3A_692 : i32 to index
        %get3A_762 = tpu.vector_load %arg14[%get3A_760, %get3A_761] {strides = array<i32>} : memref<16x512xf32, #tpu.memory_space<vmem>>, vector<1x16xf32>,
        %get3A_763 = vector.shape_cast %get3A_762 : vector<1x16xf32> to vector<16xf32>
        %swap3A_764 = arith.constant 6 : i32
        %swap3A_765 = arith.index_cast %swap3A_764 : i32 to index
        %swap3A_766 = arith.index_cast %multiple_of3A_692 : i32 to index
        %swap3A_767 = tpu.vector_load %arg18[%swap3A_765, %swap3A_766] {strides = array<i32>} : memref<24x512xf32, #tpu.memory_space<vmem>>, vector<1x16xf32>,
        %swap3A_768 = vector.shape_cast %swap3A_767 : vector<1x16xf32> to vector<16xf32>
        %swap3A_769 = vector.shape_cast %get3A_763 : vector<16xf32> to vector<1x16xf32>
        tpu.vector_store %arg18[%swap3A_765, %swap3A_766], %swap3A_769 {strides = array<i32>} : memref<24x512xf32, #tpu.memory_space<vmem>>, vector<1x16xf32>,
        %get3A_770 = arith.constant 6 : i32
        %get3A_771 = arith.index_cast %get3A_770 : i32 to index
        %get3A_772 = arith.index_cast %multiple_of3A_692 : i32 to index
        %get3A_773 = tpu.vector_load %arg14[%get3A_771, %get3A_772] {strides = array<i32>} : memref<16x512xf32, #tpu.memory_space<vmem>>, vector<1x16xf32>,
        %get3A_774 = vector.shape_cast %get3A_773 : vector<1x16xf32> to vector<16xf32>
        %swap3A_775 = arith.constant 7 : i32
        %swap3A_776 = arith.index_cast %swap3A_775 : i32 to index
        %swap3A_777 = arith.index_cast %multiple_of3A_692 : i32 to index
        %swap3A_778 = tpu.vector_load %arg18[%swap3A_776, %swap3A_777] {strides = array<i32>} : memref<24x512xf32, #tpu.memory_space<vmem>>, vector<1x16xf32>,
        %swap3A_779 = vector.shape_cast %swap3A_778 : vector<1x16xf32> to vector<16xf32>
        %swap3A_780 = vector.shape_cast %get3A_774 : vector<16xf32> to vector<1x16xf32>
        tpu.vector_store %arg18[%swap3A_776, %swap3A_777], %swap3A_780 {strides = array<i32>} : memref<24x512xf32, #tpu.memory_space<vmem>>, vector<1x16xf32>,
        %get3A_781 = arith.constant 7 : i32
        %get3A_782 = arith.index_cast %get3A_781 : i32 to index
        %get3A_783 = arith.index_cast %multiple_of3A_692 : i32 to index
        %get3A_784 = tpu.vector_load %arg14[%get3A_782, %get3A_783] {strides = array<i32>} : memref<16x512xf32, #tpu.memory_space<vmem>>, vector<1x16xf32>,
        %get3A_785 = vector.shape_cast %get3A_784 : vector<1x16xf32> to vector<16xf32>
        %swap3A_786 = arith.constant 8 : i32
        %swap3A_787 = arith.index_cast %swap3A_786 : i32 to index
        %swap3A_788 = arith.index_cast %multiple_of3A_692 : i32 to index
        %swap3A_789 = tpu.vector_load %arg18[%swap3A_787, %swap3A_788] {strides = array<i32>} : memref<24x512xf32, #tpu.memory_space<vmem>>, vector<1x16xf32>,
        %swap3A_790 = vector.shape_cast %swap3A_789 : vector<1x16xf32> to vector<16xf32>
        %swap3A_791 = vector.shape_cast %get3A_785 : vector<16xf32> to vector<1x16xf32>
        tpu.vector_store %arg18[%swap3A_787, %swap3A_788], %swap3A_791 {strides = array<i32>} : memref<24x512xf32, #tpu.memory_space<vmem>>, vector<1x16xf32>,
        %get3A_792 = arith.constant 8 : i32
        %get3A_793 = arith.index_cast %get3A_792 : i32 to index
        %get3A_794 = arith.index_cast %multiple_of3A_692 : i32 to index
        %get3A_795 = tpu.vector_load %arg14[%get3A_793, %get3A_794] {strides = array<i32>} : memref<16x512xf32, #tpu.memory_space<vmem>>, vector<1x16xf32>,
        %get3A_796 = vector.shape_cast %get3A_795 : vector<1x16xf32> to vector<16xf32>
        %swap3A_797 = arith.constant 9 : i32
        %swap3A_798 = arith.index_cast %swap3A_797 : i32 to index
        %swap3A_799 = arith.index_cast %multiple_of3A_692 : i32 to index
        %swap3A_800 = tpu.vector_load %arg18[%swap3A_798, %swap3A_799] {strides = array<i32>} : memref<24x512xf32, #tpu.memory_space<vmem>>, vector<1x16xf32>,
        %swap3A_801 = vector.shape_cast %swap3A_800 : vector<1x16xf32> to vector<16xf32>
        %swap3A_802 = vector.shape_cast %get3A_796 : vector<16xf32> to vector<1x16xf32>
        tpu.vector_store %arg18[%swap3A_798, %swap3A_799], %swap3A_802 {strides = array<i32>} : memref<24x512xf32, #tpu.memory_space<vmem>>, vector<1x16xf32>,
        %get3A_803 = arith.constant 9 : i32
        %get3A_804 = arith.index_cast %get3A_803 : i32 to index
        %get3A_805 = arith.index_cast %multiple_of3A_692 : i32 to index
        %get3A_806 = tpu.vector_load %arg14[%get3A_804, %get3A_805] {strides = array<i32>} : memref<16x512xf32, #tpu.memory_space<vmem>>, vector<1x16xf32>,
        %get3A_807 = vector.shape_cast %get3A_806 : vector<1x16xf32> to vector<16xf32>
        %swap3A_808 = arith.constant 10 : i32
        %swap3A_809 = arith.index_cast %swap3A_808 : i32 to index
        %swap3A_810 = arith.index_cast %multiple_of3A_692 : i32 to index
        %swap3A_811 = tpu.vector_load %arg18[%swap3A_809, %swap3A_810] {strides = array<i32>} : memref<24x512xf32, #tpu.memory_space<vmem>>, vector<1x16xf32>,
        %swap3A_812 = vector.shape_cast %swap3A_811 : vector<1x16xf32> to vector<16xf32>
        %swap3A_813 = vector.shape_cast %get3A_807 : vector<16xf32> to vector<1x16xf32>
        tpu.vector_store %arg18[%swap3A_809, %swap3A_810], %swap3A_813 {strides = array<i32>} : memref<24x512xf32, #tpu.memory_space<vmem>>, vector<1x16xf32>,
        %get3A_814 = arith.constant 10 : i32
        %get3A_815 = arith.index_cast %get3A_814 : i32 to index
        %get3A_816 = arith.index_cast %multiple_of3A_692 : i32 to index
        %get3A_817 = tpu.vector_load %arg14[%get3A_815, %get3A_816] {strides = array<i32>} : memref<16x512xf32, #tpu.memory_space<vmem>>, vector<1x16xf32>,
        %get3A_818 = vector.shape_cast %get3A_817 : vector<1x16xf32> to vector<16xf32>
        %swap3A_819 = arith.constant 11 : i32
        %swap3A_820 = arith.index_cast %swap3A_819 : i32 to index
        %swap3A_821 = arith.index_cast %multiple_of3A_692 : i32 to index
        %swap3A_822 = tpu.vector_load %arg18[%swap3A_820, %swap3A_821] {strides = array<i32>} : memref<24x512xf32, #tpu.memory_space<vmem>>, vector<1x16xf32>,
        %swap3A_823 = vector.shape_cast %swap3A_822 : vector<1x16xf32> to vector<16xf32>
        %swap3A_824 = vector.shape_cast %get3A_818 : vector<16xf32> to vector<1x16xf32>
        tpu.vector_store %arg18[%swap3A_820, %swap3A_821], %swap3A_824 {strides = array<i32>} : memref<24x512xf32, #tpu.memory_space<vmem>>, vector<1x16xf32>,
        %get3A_825 = arith.constant 11 : i32
        %get3A_826 = arith.index_cast %get3A_825 : i32 to index
        %get3A_827 = arith.index_cast %multiple_of3A_692 : i32 to index
        %get3A_828 = tpu.vector_load %arg14[%get3A_826, %get3A_827] {strides = array<i32>} : memref<16x512xf32, #tpu.memory_space<vmem>>, vector<1x16xf32>,
        %get3A_829 = vector.shape_cast %get3A_828 : vector<1x16xf32> to vector<16xf32>
        %swap3A_830 = arith.constant 12 : i32
        %swap3A_831 = arith.index_cast %swap3A_830 : i32 to index
        %swap3A_832 = arith.index_cast %multiple_of3A_692 : i32 to index
        %swap3A_833 = tpu.vector_load %arg18[%swap3A_831, %swap3A_832] {strides = array<i32>} : memref<24x512xf32, #tpu.memory_space<vmem>>, vector<1x16xf32>,
        %swap3A_834 = vector.shape_cast %swap3A_833 : vector<1x16xf32> to vector<16xf32>
        %swap3A_835 = vector.shape_cast %get3A_829 : vector<16xf32> to vector<1x16xf32>
        tpu.vector_store %arg18[%swap3A_831, %swap3A_832], %swap3A_835 {strides = array<i32>} : memref<24x512xf32, #tpu.memory_space<vmem>>, vector<1x16xf32>,
        %get3A_836 = arith.constant 12 : i32
        %get3A_837 = arith.index_cast %get3A_836 : i32 to index
        %get3A_838 = arith.index_cast %multiple_of3A_692 : i32 to index
        %get3A_839 = tpu.vector_load %arg14[%get3A_837, %get3A_838] {strides = array<i32>} : memref<16x512xf32, #tpu.memory_space<vmem>>, vector<1x16xf32>,
        %get3A_840 = vector.shape_cast %get3A_839 : vector<1x16xf32> to vector<16xf32>
        %swap3A_841 = arith.constant 13 : i32
        %swap3A_842 = arith.index_cast %swap3A_841 : i32 to index
        %swap3A_843 = arith.index_cast %multiple_of3A_692 : i32 to index
        %swap3A_844 = tpu.vector_load %arg18[%swap3A_842, %swap3A_843] {strides = array<i32>} : memref<24x512xf32, #tpu.memory_space<vmem>>, vector<1x16xf32>,
        %swap3A_845 = vector.shape_cast %swap3A_844 : vector<1x16xf32> to vector<16xf32>
        %swap3A_846 = vector.shape_cast %get3A_840 : vector<16xf32> to vector<1x16xf32>
        tpu.vector_store %arg18[%swap3A_842, %swap3A_843], %swap3A_846 {strides = array<i32>} : memref<24x512xf32, #tpu.memory_space<vmem>>, vector<1x16xf32>,
        %get3A_847 = arith.constant 13 : i32
        %get3A_848 = arith.index_cast %get3A_847 : i32 to index
        %get3A_849 = arith.index_cast %multiple_of3A_692 : i32 to index
        %get3A_850 = tpu.vector_load %arg14[%get3A_848, %get3A_849] {strides = array<i32>} : memref<16x512xf32, #tpu.memory_space<vmem>>, vector<1x16xf32>,
        %get3A_851 = vector.shape_cast %get3A_850 : vector<1x16xf32> to vector<16xf32>
        %swap3A_852 = arith.constant 14 : i32
        %swap3A_853 = arith.index_cast %swap3A_852 : i32 to index
        %swap3A_854 = arith.index_cast %multiple_of3A_692 : i32 to index
        %swap3A_855 = tpu.vector_load %arg18[%swap3A_853, %swap3A_854] {strides = array<i32>} : memref<24x512xf32, #tpu.memory_space<vmem>>, vector<1x16xf32>,
        %swap3A_856 = vector.shape_cast %swap3A_855 : vector<1x16xf32> to vector<16xf32>
        %swap3A_857 = vector.shape_cast %get3A_851 : vector<16xf32> to vector<1x16xf32>
        tpu.vector_store %arg18[%swap3A_853, %swap3A_854], %swap3A_857 {strides = array<i32>} : memref<24x512xf32, #tpu.memory_space<vmem>>, vector<1x16xf32>,
        %get3A_858 = arith.constant 14 : i32
        %get3A_859 = arith.index_cast %get3A_858 : i32 to index
        %get3A_860 = arith.index_cast %multiple_of3A_692 : i32 to index
        %get3A_861 = tpu.vector_load %arg14[%get3A_859, %get3A_860] {strides = array<i32>} : memref<16x512xf32, #tpu.memory_space<vmem>>, vector<1x16xf32>,
        %get3A_862 = vector.shape_cast %get3A_861 : vector<1x16xf32> to vector<16xf32>
        %swap3A_863 = arith.constant 15 : i32
        %swap3A_864 = arith.index_cast %swap3A_863 : i32 to index
        %swap3A_865 = arith.index_cast %multiple_of3A_692 : i32 to index
        %swap3A_866 = tpu.vector_load %arg18[%swap3A_864, %swap3A_865] {strides = array<i32>} : memref<24x512xf32, #tpu.memory_space<vmem>>, vector<1x16xf32>,
        %swap3A_867 = vector.shape_cast %swap3A_866 : vector<1x16xf32> to vector<16xf32>
        %swap3A_868 = vector.shape_cast %get3A_862 : vector<16xf32> to vector<1x16xf32>
        tpu.vector_store %arg18[%swap3A_864, %swap3A_865], %swap3A_868 {strides = array<i32>} : memref<24x512xf32, #tpu.memory_space<vmem>>, vector<1x16xf32>,
        %get3A_869 = arith.constant 15 : i32
        %get3A_870 = arith.index_cast %get3A_869 : i32 to index
        %get3A_871 = arith.index_cast %multiple_of3A_692 : i32 to index
        %get3A_872 = tpu.vector_load %arg14[%get3A_870, %get3A_871] {strides = array<i32>} : memref<16x512xf32, #tpu.memory_space<vmem>>, vector<1x16xf32>,
        %get3A_873 = vector.shape_cast %get3A_872 : vector<1x16xf32> to vector<16xf32>
        %swap3A_874 = arith.constant 16 : i32
        %swap3A_875 = arith.index_cast %swap3A_874 : i32 to index
        %swap3A_876 = arith.index_cast %multiple_of3A_692 : i32 to index
        %swap3A_877 = tpu.vector_load %arg18[%swap3A_875, %swap3A_876] {strides = array<i32>} : memref<24x512xf32, #tpu.memory_space<vmem>>, vector<1x16xf32>,
        %swap3A_878 = vector.shape_cast %swap3A_877 : vector<1x16xf32> to vector<16xf32>
        %swap3A_879 = vector.shape_cast %get3A_873 : vector<16xf32> to vector<1x16xf32>
        tpu.vector_store %arg18[%swap3A_875, %swap3A_876], %swap3A_879 {strides = array<i32>} : memref<24x512xf32, #tpu.memory_space<vmem>>, vector<1x16xf32>,
        %get3A_880 = arith.constant 0 : i32
        %get3A_881 = arith.index_cast %get3A_880 : i32 to index
        %get3A_882 = arith.index_cast %multiple_of3A_692 : i32 to index
        %get3A_883 = tpu.vector_load %arg16[%get3A_881, %get3A_882] {strides = array<i32>} : memref<60x512xf32, #tpu.memory_space<vmem>>, vector<1x16xf32>,
        %get3A_884 = vector.shape_cast %get3A_883 : vector<1x16xf32> to vector<16xf32>
        %swap3A_885 = arith.constant 17 : i32
        %swap3A_886 = arith.index_cast %swap3A_885 : i32 to index
        %swap3A_887 = arith.index_cast %multiple_of3A_692 : i32 to index
        %swap3A_888 = tpu.vector_load %arg18[%swap3A_886, %swap3A_887] {strides = array<i32>} : memref<24x512xf32, #tpu.memory_space<vmem>>, vector<1x16xf32>,
        %swap3A_889 = vector.shape_cast %swap3A_888 : vector<1x16xf32> to vector<16xf32>
        %swap3A_890 = vector.shape_cast %get3A_884 : vector<16xf32> to vector<1x16xf32>
        tpu.vector_store %arg18[%swap3A_886, %swap3A_887], %swap3A_890 {strides = array<i32>} : memref<24x512xf32, #tpu.memory_space<vmem>>, vector<1x16xf32>,
        %get3A_891 = arith.constant 1 : i32
        %get3A_892 = arith.index_cast %get3A_891 : i32 to index
        %get3A_893 = arith.index_cast %multiple_of3A_692 : i32 to index
        %get3A_894 = tpu.vector_load %arg16[%get3A_892, %get3A_893] {strides = array<i32>} : memref<60x512xf32, #tpu.memory_space<vmem>>, vector<1x16xf32>,
        %get3A_895 = vector.shape_cast %get3A_894 : vector<1x16xf32> to vector<16xf32>
        %swap3A_896 = arith.constant 18 : i32
        %swap3A_897 = arith.index_cast %swap3A_896 : i32 to index
        %swap3A_898 = arith.index_cast %multiple_of3A_692 : i32 to index
        %swap3A_899 = tpu.vector_load %arg18[%swap3A_897, %swap3A_898] {strides = array<i32>} : memref<24x512xf32, #tpu.memory_space<vmem>>, vector<1x16xf32>,
        %swap3A_900 = vector.shape_cast %swap3A_899 : vector<1x16xf32> to vector<16xf32>
        %swap3A_901 = vector.shape_cast %get3A_895 : vector<16xf32> to vector<1x16xf32>
        tpu.vector_store %arg18[%swap3A_897, %swap3A_898], %swap3A_901 {strides = array<i32>} : memref<24x512xf32, #tpu.memory_space<vmem>>, vector<1x16xf32>,
        %get3A_902 = arith.constant 2 : i32
        %get3A_903 = arith.index_cast %get3A_902 : i32 to index
        %get3A_904 = arith.index_cast %multiple_of3A_692 : i32 to index
        %get3A_905 = tpu.vector_load %arg16[%get3A_903, %get3A_904] {strides = array<i32>} : memref<60x512xf32, #tpu.memory_space<vmem>>, vector<1x16xf32>,
        %get3A_906 = vector.shape_cast %get3A_905 : vector<1x16xf32> to vector<16xf32>
        %swap3A_907 = arith.constant 19 : i32
        %swap3A_908 = arith.index_cast %swap3A_907 : i32 to index
        %swap3A_909 = arith.index_cast %multiple_of3A_692 : i32 to index
        %swap3A_910 = tpu.vector_load %arg18[%swap3A_908, %swap3A_909] {strides = array<i32>} : memref<24x512xf32, #tpu.memory_space<vmem>>, vector<1x16xf32>,
        %swap3A_911 = vector.shape_cast %swap3A_910 : vector<1x16xf32> to vector<16xf32>
        %swap3A_912 = vector.shape_cast %get3A_906 : vector<16xf32> to vector<1x16xf32>
        tpu.vector_store %arg18[%swap3A_908, %swap3A_909], %swap3A_912 {strides = array<i32>} : memref<24x512xf32, #tpu.memory_space<vmem>>, vector<1x16xf32>,
        %get3A_913 = arith.constant 3 : i32
        %get3A_914 = arith.index_cast %get3A_913 : i32 to index
        %get3A_915 = arith.index_cast %multiple_of3A_692 : i32 to index
        %get3A_916 = tpu.vector_load %arg16[%get3A_914, %get3A_915] {strides = array<i32>} : memref<60x512xf32, #tpu.memory_space<vmem>>, vector<1x16xf32>,
        %get3A_917 = vector.shape_cast %get3A_916 : vector<1x16xf32> to vector<16xf32>
        %swap3A_918 = arith.constant 20 : i32
        %swap3A_919 = arith.index_cast %swap3A_918 : i32 to index
        %swap3A_920 = arith.index_cast %multiple_of3A_692 : i32 to index
        %swap3A_921 = tpu.vector_load %arg18[%swap3A_919, %swap3A_920] {strides = array<i32>} : memref<24x512xf32, #tpu.memory_space<vmem>>, vector<1x16xf32>,
        %swap3A_922 = vector.shape_cast %swap3A_921 : vector<1x16xf32> to vector<16xf32>
        %swap3A_923 = vector.shape_cast %get3A_917 : vector<16xf32> to vector<1x16xf32>
        tpu.vector_store %arg18[%swap3A_919, %swap3A_920], %swap3A_923 {strides = array<i32>} : memref<24x512xf32, #tpu.memory_space<vmem>>, vector<1x16xf32>,
        %get3A_924 = arith.constant 4 : i32
        %get3A_925 = arith.index_cast %get3A_924 : i32 to index
        %get3A_926 = arith.index_cast %multiple_of3A_692 : i32 to index
        %get3A_927 = tpu.vector_load %arg16[%get3A_925, %get3A_926] {strides = array<i32>} : memref<60x512xf32, #tpu.memory_space<vmem>>, vector<1x16xf32>,
        %get3A_928 = vector.shape_cast %get3A_927 : vector<1x16xf32> to vector<16xf32>
        %swap3A_929 = arith.constant 21 : i32
        %swap3A_930 = arith.index_cast %swap3A_929 : i32 to index
        %swap3A_931 = arith.index_cast %multiple_of3A_692 : i32 to index
        %swap3A_932 = tpu.vector_load %arg18[%swap3A_930, %swap3A_931] {strides = array<i32>} : memref<24x512xf32, #tpu.memory_space<vmem>>, vector<1x16xf32>,
        %swap3A_933 = vector.shape_cast %swap3A_932 : vector<1x16xf32> to vector<16xf32>
        %swap3A_934 = vector.shape_cast %get3A_928 : vector<16xf32> to vector<1x16xf32>
        tpu.vector_store %arg18[%swap3A_930, %swap3A_931], %swap3A_934 {strides = array<i32>} : memref<24x512xf32, #tpu.memory_space<vmem>>, vector<1x16xf32>,
        %get3A_935 = arith.constant 5 : i32
        %get3A_936 = arith.index_cast %get3A_935 : i32 to index
        %get3A_937 = arith.index_cast %multiple_of3A_692 : i32 to index
        %get3A_938 = tpu.vector_load %arg16[%get3A_936, %get3A_937] {strides = array<i32>} : memref<60x512xf32, #tpu.memory_space<vmem>>, vector<1x16xf32>,
        %get3A_939 = vector.shape_cast %get3A_938 : vector<1x16xf32> to vector<16xf32>
        %swap3A_940 = arith.constant 22 : i32
        %swap3A_941 = arith.index_cast %swap3A_940 : i32 to index
        %swap3A_942 = arith.index_cast %multiple_of3A_692 : i32 to index
        %swap3A_943 = tpu.vector_load %arg18[%swap3A_941, %swap3A_942] {strides = array<i32>} : memref<24x512xf32, #tpu.memory_space<vmem>>, vector<1x16xf32>,
        %swap3A_944 = vector.shape_cast %swap3A_943 : vector<1x16xf32> to vector<16xf32>
        %swap3A_945 = vector.shape_cast %get3A_939 : vector<16xf32> to vector<1x16xf32>
        tpu.vector_store %arg18[%swap3A_941, %swap3A_942], %swap3A_945 {strides = array<i32>} : memref<24x512xf32, #tpu.memory_space<vmem>>, vector<1x16xf32>,
        %get3A_946 = arith.constant 6 : i32
        %get3A_947 = arith.index_cast %get3A_946 : i32 to index
        %get3A_948 = arith.index_cast %multiple_of3A_692 : i32 to index
        %get3A_949 = tpu.vector_load %arg16[%get3A_947, %get3A_948] {strides = array<i32>} : memref<60x512xf32, #tpu.memory_space<vmem>>, vector<1x16xf32>,
        %get3A_950 = vector.shape_cast %get3A_949 : vector<1x16xf32> to vector<16xf32>
        %swap3A_951 = arith.constant 23 : i32
        %swap3A_952 = arith.index_cast %swap3A_951 : i32 to index
        %swap3A_953 = arith.index_cast %multiple_of3A_692 : i32 to index
        %swap3A_954 = tpu.vector_load %arg18[%swap3A_952, %swap3A_953] {strides = array<i32>} : memref<24x512xf32, #tpu.memory_space<vmem>>, vector<1x16xf32>,
        %swap3A_955 = vector.shape_cast %swap3A_954 : vector<1x16xf32> to vector<16xf32>
        %swap3A_956 = vector.shape_cast %get3A_950 : vector<16xf32> to vector<1x16xf32>
        tpu.vector_store %arg18[%swap3A_952, %swap3A_953], %swap3A_956 {strides = array<i32>} : memref<24x512xf32, #tpu.memory_space<vmem>>, vector<1x16xf32>,
      }
      %scan3A_486 = arith.constant 32 : i32
      %dma_start3A_487 = arith.constant 0 : i32
      %dma_start3A_488 = arith.constant 0 : i32
      %dma_start3A_489 = tpu.memref_slice %arg7[%add3A_478, %dma_start3A_487, %dma_start3A_488] : memref<1024x77x512xf32, #tpu.memory_space<hbm>> -> memref<1x24x512xf32, #tpu.memory_space<hbm>>
      %dma_start3A_490 = tpu.memref_squeeze %dma_start3A_489 : memref<1x24x512xf32, #tpu.memory_space<hbm>> -> memref<24x512xf32, #tpu.memory_space<hbm>>
      %dma_start3A_491 = arith.constant 0 : i32
      %dma_start3A_492 = arith.constant 0 : i32
      %dma_start3A_493 = tpu.memref_slice %arg7[%add3A_478, %dma_start3A_491, %dma_start3A_492] : memref<1024x77x512xf32, #tpu.memory_space<hbm>> -> memref<1x24x512xf32, #tpu.memory_space<hbm>>
      %dma_start3A_494 = tpu.memref_squeeze %dma_start3A_493 : memref<1x24x512xf32, #tpu.memory_space<hbm>> -> memref<24x512xf32, #tpu.memory_space<hbm>>
      tpu.enqueue_dma source(%arg18 : memref<24x512xf32, #tpu.memory_space<vmem>>) target(%dma_start3A_494 : memref<24x512xf32, #tpu.memory_space<hbm>>) target_semaphore(%arg22 : memref<!tpu.dma_semaphore, #tpu.memory_space<semaphore_mem>>)
      %gt3A_495 = arith.constant 0 : i32
      %gt3A_496 = arith.cmpi sgt, %mul3A_450, %gt3A_495 : i32
      %convert_element_type3A_497 = arith.extui %gt3A_496 : i1 to i32
      %cond3A_498 = arith.constant 0 : i32
      %cond3A_499 = arith.cmpi ne, %convert_element_type3A_497, %cond3A_498 : i32
      scf.if %cond3A_499 {
        %dma_wait3A_689 = arith.constant 0 : i32
        %dma_wait3A_690 = arith.constant 0 : i32
        %dma_wait3A_691 = tpu.memref_slice %arg19[%dma_wait3A_689, %dma_wait3A_690] : memref<24x512xf32, #tpu.memory_space<vmem>> -> memref<5x512xf32, #tpu.memory_space<vmem>>
        %dma_wait3A_692 = arith.constant 72 : i32
        %dma_wait3A_693 = arith.constant 0 : i32
        %dma_wait3A_694 = tpu.memref_slice %arg7[%add3A_478, %dma_wait3A_692, %dma_wait3A_693] : memref<1024x77x512xf32, #tpu.memory_space<hbm>> -> memref<1x5x512xf32, #tpu.memory_space<hbm>>
        %dma_wait3A_695 = tpu.memref_squeeze %dma_wait3A_694 : memref<1x5x512xf32, #tpu.memory_space<hbm>> -> memref<5x512xf32, #tpu.memory_space<hbm>>
        %dma_wait3A_696 = arith.constant 72 : i32
        %dma_wait3A_697 = arith.constant 0 : i32
        %dma_wait3A_698 = tpu.memref_slice %arg7[%add3A_478, %dma_wait3A_696, %dma_wait3A_697] : memref<1024x77x512xf32, #tpu.memory_space<hbm>> -> memref<1x5x512xf32, #tpu.memory_space<hbm>>
        %dma_wait3A_699 = tpu.memref_squeeze %dma_wait3A_698 : memref<1x5x512xf32, #tpu.memory_space<hbm>> -> memref<5x512xf32, #tpu.memory_space<hbm>>
        %dma_wait3A_700 = arith.constant 0 : i32
        %dma_wait3A_701 = arith.constant 0 : i32
        %dma_wait3A_702 = tpu.memref_slice %arg19[%dma_wait3A_700, %dma_wait3A_701] : memref<24x512xf32, #tpu.memory_space<vmem>> -> memref<5x512xf32, #tpu.memory_space<vmem>>
        tpu.wait_dma2 semaphore(%arg23 : memref<!tpu.dma_semaphore, #tpu.memory_space<semaphore_mem>>) src(%dma_wait3A_702 : memref<5x512xf32, #tpu.memory_space<vmem>>) dst(%dma_wait3A_699 : memref<5x512xf32, #tpu.memory_space<hbm>>)
      } else {
      }
      %scan3A_500 = arith.constant 0 : i32
      %scan3A_501 = arith.constant 0 : i32
      %scan3A_502 = arith.constant 32 : i32
      %scan3A_503 = arith.addi %scan3A_501, %scan3A_502 : i32
      %scan3A_504 = arith.constant 1 : i32
      scf.for %scan3A_689 = %scan3A_501 to %scan3A_503 step %scan3A_504  : i32 {
        %mul3A_690 = arith.constant 16 : i32
        %mul3A_691 = arith.muli %scan3A_689, %mul3A_690 : i32
        %multiple_of3A_692 = tpu.assume_multiple %mul3A_691, 8 : i32
        %get3A_693 = arith.constant 7 : i32
        %get3A_694 = arith.index_cast %get3A_693 : i32 to index
        %get3A_695 = arith.index_cast %multiple_of3A_692 : i32 to index
        %get3A_696 = tpu.vector_load %arg16[%get3A_694, %get3A_695] {strides = array<i32>} : memref<60x512xf32, #tpu.memory_space<vmem>>, vector<1x16xf32>,
        %get3A_697 = vector.shape_cast %get3A_696 : vector<1x16xf32> to vector<16xf32>
        %swap3A_698 = arith.constant 0 : i32
        %swap3A_699 = arith.index_cast %swap3A_698 : i32 to index
        %swap3A_700 = arith.index_cast %multiple_of3A_692 : i32 to index
        %swap3A_701 = tpu.vector_load %arg19[%swap3A_699, %swap3A_700] {strides = array<i32>} : memref<24x512xf32, #tpu.memory_space<vmem>>, vector<1x16xf32>,
        %swap3A_702 = vector.shape_cast %swap3A_701 : vector<1x16xf32> to vector<16xf32>
        %swap3A_703 = vector.shape_cast %get3A_697 : vector<16xf32> to vector<1x16xf32>
        tpu.vector_store %arg19[%swap3A_699, %swap3A_700], %swap3A_703 {strides = array<i32>} : memref<24x512xf32, #tpu.memory_space<vmem>>, vector<1x16xf32>,
        %get3A_704 = arith.constant 8 : i32
        %get3A_705 = arith.index_cast %get3A_704 : i32 to index
        %get3A_706 = arith.index_cast %multiple_of3A_692 : i32 to index
        %get3A_707 = tpu.vector_load %arg16[%get3A_705, %get3A_706] {strides = array<i32>} : memref<60x512xf32, #tpu.memory_space<vmem>>, vector<1x16xf32>,
        %get3A_708 = vector.shape_cast %get3A_707 : vector<1x16xf32> to vector<16xf32>
        %swap3A_709 = arith.constant 1 : i32
        %swap3A_710 = arith.index_cast %swap3A_709 : i32 to index
        %swap3A_711 = arith.index_cast %multiple_of3A_692 : i32 to index
        %swap3A_712 = tpu.vector_load %arg19[%swap3A_710, %swap3A_711] {strides = array<i32>} : memref<24x512xf32, #tpu.memory_space<vmem>>, vector<1x16xf32>,
        %swap3A_713 = vector.shape_cast %swap3A_712 : vector<1x16xf32> to vector<16xf32>
        %swap3A_714 = vector.shape_cast %get3A_708 : vector<16xf32> to vector<1x16xf32>
        tpu.vector_store %arg19[%swap3A_710, %swap3A_711], %swap3A_714 {strides = array<i32>} : memref<24x512xf32, #tpu.memory_space<vmem>>, vector<1x16xf32>,
        %get3A_715 = arith.constant 9 : i32
        %get3A_716 = arith.index_cast %get3A_715 : i32 to index
        %get3A_717 = arith.index_cast %multiple_of3A_692 : i32 to index
        %get3A_718 = tpu.vector_load %arg16[%get3A_716, %get3A_717] {strides = array<i32>} : memref<60x512xf32, #tpu.memory_space<vmem>>, vector<1x16xf32>,
        %get3A_719 = vector.shape_cast %get3A_718 : vector<1x16xf32> to vector<16xf32>
        %swap3A_720 = arith.constant 2 : i32
        %swap3A_721 = arith.index_cast %swap3A_720 : i32 to index
        %swap3A_722 = arith.index_cast %multiple_of3A_692 : i32 to index
        %swap3A_723 = tpu.vector_load %arg19[%swap3A_721, %swap3A_722] {strides = array<i32>} : memref<24x512xf32, #tpu.memory_space<vmem>>, vector<1x16xf32>,
        %swap3A_724 = vector.shape_cast %swap3A_723 : vector<1x16xf32> to vector<16xf32>
        %swap3A_725 = vector.shape_cast %get3A_719 : vector<16xf32> to vector<1x16xf32>
        tpu.vector_store %arg19[%swap3A_721, %swap3A_722], %swap3A_725 {strides = array<i32>} : memref<24x512xf32, #tpu.memory_space<vmem>>, vector<1x16xf32>,
        %get3A_726 = arith.constant 10 : i32
        %get3A_727 = arith.index_cast %get3A_726 : i32 to index
        %get3A_728 = arith.index_cast %multiple_of3A_692 : i32 to index
        %get3A_729 = tpu.vector_load %arg16[%get3A_727, %get3A_728] {strides = array<i32>} : memref<60x512xf32, #tpu.memory_space<vmem>>, vector<1x16xf32>,
        %get3A_730 = vector.shape_cast %get3A_729 : vector<1x16xf32> to vector<16xf32>
        %swap3A_731 = arith.constant 3 : i32
        %swap3A_732 = arith.index_cast %swap3A_731 : i32 to index
        %swap3A_733 = arith.index_cast %multiple_of3A_692 : i32 to index
        %swap3A_734 = tpu.vector_load %arg19[%swap3A_732, %swap3A_733] {strides = array<i32>} : memref<24x512xf32, #tpu.memory_space<vmem>>, vector<1x16xf32>,
        %swap3A_735 = vector.shape_cast %swap3A_734 : vector<1x16xf32> to vector<16xf32>
        %swap3A_736 = vector.shape_cast %get3A_730 : vector<16xf32> to vector<1x16xf32>
        tpu.vector_store %arg19[%swap3A_732, %swap3A_733], %swap3A_736 {strides = array<i32>} : memref<24x512xf32, #tpu.memory_space<vmem>>, vector<1x16xf32>,
        %get3A_737 = arith.constant 11 : i32
        %get3A_738 = arith.index_cast %get3A_737 : i32 to index
        %get3A_739 = arith.index_cast %multiple_of3A_692 : i32 to index
        %get3A_740 = tpu.vector_load %arg16[%get3A_738, %get3A_739] {strides = array<i32>} : memref<60x512xf32, #tpu.memory_space<vmem>>, vector<1x16xf32>,
        %get3A_741 = vector.shape_cast %get3A_740 : vector<1x16xf32> to vector<16xf32>
        %swap3A_742 = arith.constant 4 : i32
        %swap3A_743 = arith.index_cast %swap3A_742 : i32 to index
        %swap3A_744 = arith.index_cast %multiple_of3A_692 : i32 to index
        %swap3A_745 = tpu.vector_load %arg19[%swap3A_743, %swap3A_744] {strides = array<i32>} : memref<24x512xf32, #tpu.memory_space<vmem>>, vector<1x16xf32>,
        %swap3A_746 = vector.shape_cast %swap3A_745 : vector<1x16xf32> to vector<16xf32>
        %swap3A_747 = vector.shape_cast %get3A_741 : vector<16xf32> to vector<1x16xf32>
        tpu.vector_store %arg19[%swap3A_743, %swap3A_744], %swap3A_747 {strides = array<i32>} : memref<24x512xf32, #tpu.memory_space<vmem>>, vector<1x16xf32>,
        %get3A_748 = arith.constant 12 : i32
        %get3A_749 = arith.index_cast %get3A_748 : i32 to index
        %get3A_750 = arith.index_cast %multiple_of3A_692 : i32 to index
        %get3A_751 = tpu.vector_load %arg16[%get3A_749, %get3A_750] {strides = array<i32>} : memref<60x512xf32, #tpu.memory_space<vmem>>, vector<1x16xf32>,
        %get3A_752 = vector.shape_cast %get3A_751 : vector<1x16xf32> to vector<16xf32>
        %swap3A_753 = arith.constant 5 : i32
        %swap3A_754 = arith.index_cast %swap3A_753 : i32 to index
        %swap3A_755 = arith.index_cast %multiple_of3A_692 : i32 to index
        %swap3A_756 = tpu.vector_load %arg19[%swap3A_754, %swap3A_755] {strides = array<i32>} : memref<24x512xf32, #tpu.memory_space<vmem>>, vector<1x16xf32>,
        %swap3A_757 = vector.shape_cast %swap3A_756 : vector<1x16xf32> to vector<16xf32>
        %swap3A_758 = vector.shape_cast %get3A_752 : vector<16xf32> to vector<1x16xf32>
        tpu.vector_store %arg19[%swap3A_754, %swap3A_755], %swap3A_758 {strides = array<i32>} : memref<24x512xf32, #tpu.memory_space<vmem>>, vector<1x16xf32>,
        %get3A_759 = arith.constant 13 : i32
        %get3A_760 = arith.index_cast %get3A_759 : i32 to index
        %get3A_761 = arith.index_cast %multiple_of3A_692 : i32 to index
        %get3A_762 = tpu.vector_load %arg16[%get3A_760, %get3A_761] {strides = array<i32>} : memref<60x512xf32, #tpu.memory_space<vmem>>, vector<1x16xf32>,
        %get3A_763 = vector.shape_cast %get3A_762 : vector<1x16xf32> to vector<16xf32>
        %swap3A_764 = arith.constant 6 : i32
        %swap3A_765 = arith.index_cast %swap3A_764 : i32 to index
        %swap3A_766 = arith.index_cast %multiple_of3A_692 : i32 to index
        %swap3A_767 = tpu.vector_load %arg19[%swap3A_765, %swap3A_766] {strides = array<i32>} : memref<24x512xf32, #tpu.memory_space<vmem>>, vector<1x16xf32>,
        %swap3A_768 = vector.shape_cast %swap3A_767 : vector<1x16xf32> to vector<16xf32>
        %swap3A_769 = vector.shape_cast %get3A_763 : vector<16xf32> to vector<1x16xf32>
        tpu.vector_store %arg19[%swap3A_765, %swap3A_766], %swap3A_769 {strides = array<i32>} : memref<24x512xf32, #tpu.memory_space<vmem>>, vector<1x16xf32>,
        %get3A_770 = arith.constant 14 : i32
        %get3A_771 = arith.index_cast %get3A_770 : i32 to index
        %get3A_772 = arith.index_cast %multiple_of3A_692 : i32 to index
        %get3A_773 = tpu.vector_load %arg16[%get3A_771, %get3A_772] {strides = array<i32>} : memref<60x512xf32, #tpu.memory_space<vmem>>, vector<1x16xf32>,
        %get3A_774 = vector.shape_cast %get3A_773 : vector<1x16xf32> to vector<16xf32>
        %swap3A_775 = arith.constant 7 : i32
        %swap3A_776 = arith.index_cast %swap3A_775 : i32 to index
        %swap3A_777 = arith.index_cast %multiple_of3A_692 : i32 to index
        %swap3A_778 = tpu.vector_load %arg19[%swap3A_776, %swap3A_777] {strides = array<i32>} : memref<24x512xf32, #tpu.memory_space<vmem>>, vector<1x16xf32>,
        %swap3A_779 = vector.shape_cast %swap3A_778 : vector<1x16xf32> to vector<16xf32>
        %swap3A_780 = vector.shape_cast %get3A_774 : vector<16xf32> to vector<1x16xf32>
        tpu.vector_store %arg19[%swap3A_776, %swap3A_777], %swap3A_780 {strides = array<i32>} : memref<24x512xf32, #tpu.memory_space<vmem>>, vector<1x16xf32>,
        %get3A_781 = arith.constant 15 : i32
        %get3A_782 = arith.index_cast %get3A_781 : i32 to index
        %get3A_783 = arith.index_cast %multiple_of3A_692 : i32 to index
        %get3A_784 = tpu.vector_load %arg16[%get3A_782, %get3A_783] {strides = array<i32>} : memref<60x512xf32, #tpu.memory_space<vmem>>, vector<1x16xf32>,
        %get3A_785 = vector.shape_cast %get3A_784 : vector<1x16xf32> to vector<16xf32>
        %swap3A_786 = arith.constant 8 : i32
        %swap3A_787 = arith.index_cast %swap3A_786 : i32 to index
        %swap3A_788 = arith.index_cast %multiple_of3A_692 : i32 to index
        %swap3A_789 = tpu.vector_load %arg19[%swap3A_787, %swap3A_788] {strides = array<i32>} : memref<24x512xf32, #tpu.memory_space<vmem>>, vector<1x16xf32>,
        %swap3A_790 = vector.shape_cast %swap3A_789 : vector<1x16xf32> to vector<16xf32>
        %swap3A_791 = vector.shape_cast %get3A_785 : vector<16xf32> to vector<1x16xf32>
        tpu.vector_store %arg19[%swap3A_787, %swap3A_788], %swap3A_791 {strides = array<i32>} : memref<24x512xf32, #tpu.memory_space<vmem>>, vector<1x16xf32>,
        %get3A_792 = arith.constant 16 : i32
        %get3A_793 = arith.index_cast %get3A_792 : i32 to index
        %get3A_794 = arith.index_cast %multiple_of3A_692 : i32 to index
        %get3A_795 = tpu.vector_load %arg16[%get3A_793, %get3A_794] {strides = array<i32>} : memref<60x512xf32, #tpu.memory_space<vmem>>, vector<1x16xf32>,
        %get3A_796 = vector.shape_cast %get3A_795 : vector<1x16xf32> to vector<16xf32>
        %swap3A_797 = arith.constant 9 : i32
        %swap3A_798 = arith.index_cast %swap3A_797 : i32 to index
        %swap3A_799 = arith.index_cast %multiple_of3A_692 : i32 to index
        %swap3A_800 = tpu.vector_load %arg19[%swap3A_798, %swap3A_799] {strides = array<i32>} : memref<24x512xf32, #tpu.memory_space<vmem>>, vector<1x16xf32>,
        %swap3A_801 = vector.shape_cast %swap3A_800 : vector<1x16xf32> to vector<16xf32>
        %swap3A_802 = vector.shape_cast %get3A_796 : vector<16xf32> to vector<1x16xf32>
        tpu.vector_store %arg19[%swap3A_798, %swap3A_799], %swap3A_802 {strides = array<i32>} : memref<24x512xf32, #tpu.memory_space<vmem>>, vector<1x16xf32>,
        %get3A_803 = arith.constant 17 : i32
        %get3A_804 = arith.index_cast %get3A_803 : i32 to index
        %get3A_805 = arith.index_cast %multiple_of3A_692 : i32 to index
        %get3A_806 = tpu.vector_load %arg16[%get3A_804, %get3A_805] {strides = array<i32>} : memref<60x512xf32, #tpu.memory_space<vmem>>, vector<1x16xf32>,
        %get3A_807 = vector.shape_cast %get3A_806 : vector<1x16xf32> to vector<16xf32>
        %swap3A_808 = arith.constant 10 : i32
        %swap3A_809 = arith.index_cast %swap3A_808 : i32 to index
        %swap3A_810 = arith.index_cast %multiple_of3A_692 : i32 to index
        %swap3A_811 = tpu.vector_load %arg19[%swap3A_809, %swap3A_810] {strides = array<i32>} : memref<24x512xf32, #tpu.memory_space<vmem>>, vector<1x16xf32>,
        %swap3A_812 = vector.shape_cast %swap3A_811 : vector<1x16xf32> to vector<16xf32>
        %swap3A_813 = vector.shape_cast %get3A_807 : vector<16xf32> to vector<1x16xf32>
        tpu.vector_store %arg19[%swap3A_809, %swap3A_810], %swap3A_813 {strides = array<i32>} : memref<24x512xf32, #tpu.memory_space<vmem>>, vector<1x16xf32>,
        %get3A_814 = arith.constant 18 : i32
        %get3A_815 = arith.index_cast %get3A_814 : i32 to index
        %get3A_816 = arith.index_cast %multiple_of3A_692 : i32 to index
        %get3A_817 = tpu.vector_load %arg16[%get3A_815, %get3A_816] {strides = array<i32>} : memref<60x512xf32, #tpu.memory_space<vmem>>, vector<1x16xf32>,
        %get3A_818 = vector.shape_cast %get3A_817 : vector<1x16xf32> to vector<16xf32>
        %swap3A_819 = arith.constant 11 : i32
        %swap3A_820 = arith.index_cast %swap3A_819 : i32 to index
        %swap3A_821 = arith.index_cast %multiple_of3A_692 : i32 to index
        %swap3A_822 = tpu.vector_load %arg19[%swap3A_820, %swap3A_821] {strides = array<i32>} : memref<24x512xf32, #tpu.memory_space<vmem>>, vector<1x16xf32>,
        %swap3A_823 = vector.shape_cast %swap3A_822 : vector<1x16xf32> to vector<16xf32>
        %swap3A_824 = vector.shape_cast %get3A_818 : vector<16xf32> to vector<1x16xf32>
        tpu.vector_store %arg19[%swap3A_820, %swap3A_821], %swap3A_824 {strides = array<i32>} : memref<24x512xf32, #tpu.memory_space<vmem>>, vector<1x16xf32>,
        %get3A_825 = arith.constant 19 : i32
        %get3A_826 = arith.index_cast %get3A_825 : i32 to index
        %get3A_827 = arith.index_cast %multiple_of3A_692 : i32 to index
        %get3A_828 = tpu.vector_load %arg16[%get3A_826, %get3A_827] {strides = array<i32>} : memref<60x512xf32, #tpu.memory_space<vmem>>, vector<1x16xf32>,
        %get3A_829 = vector.shape_cast %get3A_828 : vector<1x16xf32> to vector<16xf32>
        %swap3A_830 = arith.constant 12 : i32
        %swap3A_831 = arith.index_cast %swap3A_830 : i32 to index
        %swap3A_832 = arith.index_cast %multiple_of3A_692 : i32 to index
        %swap3A_833 = tpu.vector_load %arg19[%swap3A_831, %swap3A_832] {strides = array<i32>} : memref<24x512xf32, #tpu.memory_space<vmem>>, vector<1x16xf32>,
        %swap3A_834 = vector.shape_cast %swap3A_833 : vector<1x16xf32> to vector<16xf32>
        %swap3A_835 = vector.shape_cast %get3A_829 : vector<16xf32> to vector<1x16xf32>
        tpu.vector_store %arg19[%swap3A_831, %swap3A_832], %swap3A_835 {strides = array<i32>} : memref<24x512xf32, #tpu.memory_space<vmem>>, vector<1x16xf32>,
        %get3A_836 = arith.constant 20 : i32
        %get3A_837 = arith.index_cast %get3A_836 : i32 to index
        %get3A_838 = arith.index_cast %multiple_of3A_692 : i32 to index
        %get3A_839 = tpu.vector_load %arg16[%get3A_837, %get3A_838] {strides = array<i32>} : memref<60x512xf32, #tpu.memory_space<vmem>>, vector<1x16xf32>,
        %get3A_840 = vector.shape_cast %get3A_839 : vector<1x16xf32> to vector<16xf32>
        %swap3A_841 = arith.constant 13 : i32
        %swap3A_842 = arith.index_cast %swap3A_841 : i32 to index
        %swap3A_843 = arith.index_cast %multiple_of3A_692 : i32 to index
        %swap3A_844 = tpu.vector_load %arg19[%swap3A_842, %swap3A_843] {strides = array<i32>} : memref<24x512xf32, #tpu.memory_space<vmem>>, vector<1x16xf32>,
        %swap3A_845 = vector.shape_cast %swap3A_844 : vector<1x16xf32> to vector<16xf32>
        %swap3A_846 = vector.shape_cast %get3A_840 : vector<16xf32> to vector<1x16xf32>
        tpu.vector_store %arg19[%swap3A_842, %swap3A_843], %swap3A_846 {strides = array<i32>} : memref<24x512xf32, #tpu.memory_space<vmem>>, vector<1x16xf32>,
        %get3A_847 = arith.constant 21 : i32
        %get3A_848 = arith.index_cast %get3A_847 : i32 to index
        %get3A_849 = arith.index_cast %multiple_of3A_692 : i32 to index
        %get3A_850 = tpu.vector_load %arg16[%get3A_848, %get3A_849] {strides = array<i32>} : memref<60x512xf32, #tpu.memory_space<vmem>>, vector<1x16xf32>,
        %get3A_851 = vector.shape_cast %get3A_850 : vector<1x16xf32> to vector<16xf32>
        %swap3A_852 = arith.constant 14 : i32
        %swap3A_853 = arith.index_cast %swap3A_852 : i32 to index
        %swap3A_854 = arith.index_cast %multiple_of3A_692 : i32 to index
        %swap3A_855 = tpu.vector_load %arg19[%swap3A_853, %swap3A_854] {strides = array<i32>} : memref<24x512xf32, #tpu.memory_space<vmem>>, vector<1x16xf32>,
        %swap3A_856 = vector.shape_cast %swap3A_855 : vector<1x16xf32> to vector<16xf32>
        %swap3A_857 = vector.shape_cast %get3A_851 : vector<16xf32> to vector<1x16xf32>
        tpu.vector_store %arg19[%swap3A_853, %swap3A_854], %swap3A_857 {strides = array<i32>} : memref<24x512xf32, #tpu.memory_space<vmem>>, vector<1x16xf32>,
        %get3A_858 = arith.constant 22 : i32
        %get3A_859 = arith.index_cast %get3A_858 : i32 to index
        %get3A_860 = arith.index_cast %multiple_of3A_692 : i32 to index
        %get3A_861 = tpu.vector_load %arg16[%get3A_859, %get3A_860] {strides = array<i32>} : memref<60x512xf32, #tpu.memory_space<vmem>>, vector<1x16xf32>,
        %get3A_862 = vector.shape_cast %get3A_861 : vector<1x16xf32> to vector<16xf32>
        %swap3A_863 = arith.constant 15 : i32
        %swap3A_864 = arith.index_cast %swap3A_863 : i32 to index
        %swap3A_865 = arith.index_cast %multiple_of3A_692 : i32 to index
        %swap3A_866 = tpu.vector_load %arg19[%swap3A_864, %swap3A_865] {strides = array<i32>} : memref<24x512xf32, #tpu.memory_space<vmem>>, vector<1x16xf32>,
        %swap3A_867 = vector.shape_cast %swap3A_866 : vector<1x16xf32> to vector<16xf32>
        %swap3A_868 = vector.shape_cast %get3A_862 : vector<16xf32> to vector<1x16xf32>
        tpu.vector_store %arg19[%swap3A_864, %swap3A_865], %swap3A_868 {strides = array<i32>} : memref<24x512xf32, #tpu.memory_space<vmem>>, vector<1x16xf32>,
        %get3A_869 = arith.constant 23 : i32
        %get3A_870 = arith.index_cast %get3A_869 : i32 to index
        %get3A_871 = arith.index_cast %multiple_of3A_692 : i32 to index
        %get3A_872 = tpu.vector_load %arg16[%get3A_870, %get3A_871] {strides = array<i32>} : memref<60x512xf32, #tpu.memory_space<vmem>>, vector<1x16xf32>,
        %get3A_873 = vector.shape_cast %get3A_872 : vector<1x16xf32> to vector<16xf32>
        %swap3A_874 = arith.constant 16 : i32
        %swap3A_875 = arith.index_cast %swap3A_874 : i32 to index
        %swap3A_876 = arith.index_cast %multiple_of3A_692 : i32 to index
        %swap3A_877 = tpu.vector_load %arg19[%swap3A_875, %swap3A_876] {strides = array<i32>} : memref<24x512xf32, #tpu.memory_space<vmem>>, vector<1x16xf32>,
        %swap3A_878 = vector.shape_cast %swap3A_877 : vector<1x16xf32> to vector<16xf32>
        %swap3A_879 = vector.shape_cast %get3A_873 : vector<16xf32> to vector<1x16xf32>
        tpu.vector_store %arg19[%swap3A_875, %swap3A_876], %swap3A_879 {strides = array<i32>} : memref<24x512xf32, #tpu.memory_space<vmem>>, vector<1x16xf32>,
        %get3A_880 = arith.constant 24 : i32
        %get3A_881 = arith.index_cast %get3A_880 : i32 to index
        %get3A_882 = arith.index_cast %multiple_of3A_692 : i32 to index
        %get3A_883 = tpu.vector_load %arg16[%get3A_881, %get3A_882] {strides = array<i32>} : memref<60x512xf32, #tpu.memory_space<vmem>>, vector<1x16xf32>,
        %get3A_884 = vector.shape_cast %get3A_883 : vector<1x16xf32> to vector<16xf32>
        %swap3A_885 = arith.constant 17 : i32
        %swap3A_886 = arith.index_cast %swap3A_885 : i32 to index
        %swap3A_887 = arith.index_cast %multiple_of3A_692 : i32 to index
        %swap3A_888 = tpu.vector_load %arg19[%swap3A_886, %swap3A_887] {strides = array<i32>} : memref<24x512xf32, #tpu.memory_space<vmem>>, vector<1x16xf32>,
        %swap3A_889 = vector.shape_cast %swap3A_888 : vector<1x16xf32> to vector<16xf32>
        %swap3A_890 = vector.shape_cast %get3A_884 : vector<16xf32> to vector<1x16xf32>
        tpu.vector_store %arg19[%swap3A_886, %swap3A_887], %swap3A_890 {strides = array<i32>} : memref<24x512xf32, #tpu.memory_space<vmem>>, vector<1x16xf32>,
        %get3A_891 = arith.constant 25 : i32
        %get3A_892 = arith.index_cast %get3A_891 : i32 to index
        %get3A_893 = arith.index_cast %multiple_of3A_692 : i32 to index
        %get3A_894 = tpu.vector_load %arg16[%get3A_892, %get3A_893] {strides = array<i32>} : memref<60x512xf32, #tpu.memory_space<vmem>>, vector<1x16xf32>,
        %get3A_895 = vector.shape_cast %get3A_894 : vector<1x16xf32> to vector<16xf32>
        %swap3A_896 = arith.constant 18 : i32
        %swap3A_897 = arith.index_cast %swap3A_896 : i32 to index
        %swap3A_898 = arith.index_cast %multiple_of3A_692 : i32 to index
        %swap3A_899 = tpu.vector_load %arg19[%swap3A_897, %swap3A_898] {strides = array<i32>} : memref<24x512xf32, #tpu.memory_space<vmem>>, vector<1x16xf32>,
        %swap3A_900 = vector.shape_cast %swap3A_899 : vector<1x16xf32> to vector<16xf32>
        %swap3A_901 = vector.shape_cast %get3A_895 : vector<16xf32> to vector<1x16xf32>
        tpu.vector_store %arg19[%swap3A_897, %swap3A_898], %swap3A_901 {strides = array<i32>} : memref<24x512xf32, #tpu.memory_space<vmem>>, vector<1x16xf32>,
        %get3A_902 = arith.constant 26 : i32
        %get3A_903 = arith.index_cast %get3A_902 : i32 to index
        %get3A_904 = arith.index_cast %multiple_of3A_692 : i32 to index
        %get3A_905 = tpu.vector_load %arg16[%get3A_903, %get3A_904] {strides = array<i32>} : memref<60x512xf32, #tpu.memory_space<vmem>>, vector<1x16xf32>,
        %get3A_906 = vector.shape_cast %get3A_905 : vector<1x16xf32> to vector<16xf32>
        %swap3A_907 = arith.constant 19 : i32
        %swap3A_908 = arith.index_cast %swap3A_907 : i32 to index
        %swap3A_909 = arith.index_cast %multiple_of3A_692 : i32 to index
        %swap3A_910 = tpu.vector_load %arg19[%swap3A_908, %swap3A_909] {strides = array<i32>} : memref<24x512xf32, #tpu.memory_space<vmem>>, vector<1x16xf32>,
        %swap3A_911 = vector.shape_cast %swap3A_910 : vector<1x16xf32> to vector<16xf32>
        %swap3A_912 = vector.shape_cast %get3A_906 : vector<16xf32> to vector<1x16xf32>
        tpu.vector_store %arg19[%swap3A_908, %swap3A_909], %swap3A_912 {strides = array<i32>} : memref<24x512xf32, #tpu.memory_space<vmem>>, vector<1x16xf32>,
        %get3A_913 = arith.constant 27 : i32
        %get3A_914 = arith.index_cast %get3A_913 : i32 to index
        %get3A_915 = arith.index_cast %multiple_of3A_692 : i32 to index
        %get3A_916 = tpu.vector_load %arg16[%get3A_914, %get3A_915] {strides = array<i32>} : memref<60x512xf32, #tpu.memory_space<vmem>>, vector<1x16xf32>,
        %get3A_917 = vector.shape_cast %get3A_916 : vector<1x16xf32> to vector<16xf32>
        %swap3A_918 = arith.constant 20 : i32
        %swap3A_919 = arith.index_cast %swap3A_918 : i32 to index
        %swap3A_920 = arith.index_cast %multiple_of3A_692 : i32 to index
        %swap3A_921 = tpu.vector_load %arg19[%swap3A_919, %swap3A_920] {strides = array<i32>} : memref<24x512xf32, #tpu.memory_space<vmem>>, vector<1x16xf32>,
        %swap3A_922 = vector.shape_cast %swap3A_921 : vector<1x16xf32> to vector<16xf32>
        %swap3A_923 = vector.shape_cast %get3A_917 : vector<16xf32> to vector<1x16xf32>
        tpu.vector_store %arg19[%swap3A_919, %swap3A_920], %swap3A_923 {strides = array<i32>} : memref<24x512xf32, #tpu.memory_space<vmem>>, vector<1x16xf32>,
        %get3A_924 = arith.constant 28 : i32
        %get3A_925 = arith.index_cast %get3A_924 : i32 to index
        %get3A_926 = arith.index_cast %multiple_of3A_692 : i32 to index
        %get3A_927 = tpu.vector_load %arg16[%get3A_925, %get3A_926] {strides = array<i32>} : memref<60x512xf32, #tpu.memory_space<vmem>>, vector<1x16xf32>,
        %get3A_928 = vector.shape_cast %get3A_927 : vector<1x16xf32> to vector<16xf32>
        %swap3A_929 = arith.constant 21 : i32
        %swap3A_930 = arith.index_cast %swap3A_929 : i32 to index
        %swap3A_931 = arith.index_cast %multiple_of3A_692 : i32 to index
        %swap3A_932 = tpu.vector_load %arg19[%swap3A_930, %swap3A_931] {strides = array<i32>} : memref<24x512xf32, #tpu.memory_space<vmem>>, vector<1x16xf32>,
        %swap3A_933 = vector.shape_cast %swap3A_932 : vector<1x16xf32> to vector<16xf32>
        %swap3A_934 = vector.shape_cast %get3A_928 : vector<16xf32> to vector<1x16xf32>
        tpu.vector_store %arg19[%swap3A_930, %swap3A_931], %swap3A_934 {strides = array<i32>} : memref<24x512xf32, #tpu.memory_space<vmem>>, vector<1x16xf32>,
        %get3A_935 = arith.constant 29 : i32
        %get3A_936 = arith.index_cast %get3A_935 : i32 to index
        %get3A_937 = arith.index_cast %multiple_of3A_692 : i32 to index
        %get3A_938 = tpu.vector_load %arg16[%get3A_936, %get3A_937] {strides = array<i32>} : memref<60x512xf32, #tpu.memory_space<vmem>>, vector<1x16xf32>,
        %get3A_939 = vector.shape_cast %get3A_938 : vector<1x16xf32> to vector<16xf32>
        %swap3A_940 = arith.constant 22 : i32
        %swap3A_941 = arith.index_cast %swap3A_940 : i32 to index
        %swap3A_942 = arith.index_cast %multiple_of3A_692 : i32 to index
        %swap3A_943 = tpu.vector_load %arg19[%swap3A_941, %swap3A_942] {strides = array<i32>} : memref<24x512xf32, #tpu.memory_space<vmem>>, vector<1x16xf32>,
        %swap3A_944 = vector.shape_cast %swap3A_943 : vector<1x16xf32> to vector<16xf32>
        %swap3A_945 = vector.shape_cast %get3A_939 : vector<16xf32> to vector<1x16xf32>
        tpu.vector_store %arg19[%swap3A_941, %swap3A_942], %swap3A_945 {strides = array<i32>} : memref<24x512xf32, #tpu.memory_space<vmem>>, vector<1x16xf32>,
        %get3A_946 = arith.constant 30 : i32
        %get3A_947 = arith.index_cast %get3A_946 : i32 to index
        %get3A_948 = arith.index_cast %multiple_of3A_692 : i32 to index
        %get3A_949 = tpu.vector_load %arg16[%get3A_947, %get3A_948] {strides = array<i32>} : memref<60x512xf32, #tpu.memory_space<vmem>>, vector<1x16xf32>,
        %get3A_950 = vector.shape_cast %get3A_949 : vector<1x16xf32> to vector<16xf32>
        %swap3A_951 = arith.constant 23 : i32
        %swap3A_952 = arith.index_cast %swap3A_951 : i32 to index
        %swap3A_953 = arith.index_cast %multiple_of3A_692 : i32 to index
        %swap3A_954 = tpu.vector_load %arg19[%swap3A_952, %swap3A_953] {strides = array<i32>} : memref<24x512xf32, #tpu.memory_space<vmem>>, vector<1x16xf32>,
        %swap3A_955 = vector.shape_cast %swap3A_954 : vector<1x16xf32> to vector<16xf32>
        %swap3A_956 = vector.shape_cast %get3A_950 : vector<16xf32> to vector<1x16xf32>
        tpu.vector_store %arg19[%swap3A_952, %swap3A_953], %swap3A_956 {strides = array<i32>} : memref<24x512xf32, #tpu.memory_space<vmem>>, vector<1x16xf32>,
      }
      %scan3A_505 = arith.constant 32 : i32
      %dma_start3A_506 = arith.constant 24 : i32
      %dma_start3A_507 = arith.constant 0 : i32
      %dma_start3A_508 = tpu.memref_slice %arg7[%add3A_478, %dma_start3A_506, %dma_start3A_507] : memref<1024x77x512xf32, #tpu.memory_space<hbm>> -> memref<1x24x512xf32, #tpu.memory_space<hbm>>
      %dma_start3A_509 = tpu.memref_squeeze %dma_start3A_508 : memref<1x24x512xf32, #tpu.memory_space<hbm>> -> memref<24x512xf32, #tpu.memory_space<hbm>>
      %dma_start3A_510 = arith.constant 24 : i32
      %dma_start3A_511 = arith.constant 0 : i32
      %dma_start3A_512 = tpu.memref_slice %arg7[%add3A_478, %dma_start3A_510, %dma_start3A_511] : memref<1024x77x512xf32, #tpu.memory_space<hbm>> -> memref<1x24x512xf32, #tpu.memory_space<hbm>>
      %dma_start3A_513 = tpu.memref_squeeze %dma_start3A_512 : memref<1x24x512xf32, #tpu.memory_space<hbm>> -> memref<24x512xf32, #tpu.memory_space<hbm>>
      tpu.enqueue_dma source(%arg19 : memref<24x512xf32, #tpu.memory_space<vmem>>) target(%dma_start3A_513 : memref<24x512xf32, #tpu.memory_space<hbm>>) target_semaphore(%arg23 : memref<!tpu.dma_semaphore, #tpu.memory_space<semaphore_mem>>)
      %dma_wait3A_514 = arith.constant 0 : i32
      %dma_wait3A_515 = arith.constant 0 : i32
      %dma_wait3A_516 = tpu.memref_slice %arg7[%add3A_478, %dma_wait3A_514, %dma_wait3A_515] : memref<1024x77x512xf32, #tpu.memory_space<hbm>> -> memref<1x24x512xf32, #tpu.memory_space<hbm>>
      %dma_wait3A_517 = tpu.memref_squeeze %dma_wait3A_516 : memref<1x24x512xf32, #tpu.memory_space<hbm>> -> memref<24x512xf32, #tpu.memory_space<hbm>>
      %dma_wait3A_518 = arith.constant 0 : i32
      %dma_wait3A_519 = arith.constant 0 : i32
      %dma_wait3A_520 = tpu.memref_slice %arg7[%add3A_478, %dma_wait3A_518, %dma_wait3A_519] : memref<1024x77x512xf32, #tpu.memory_space<hbm>> -> memref<1x24x512xf32, #tpu.memory_space<hbm>>
      %dma_wait3A_521 = tpu.memref_squeeze %dma_wait3A_520 : memref<1x24x512xf32, #tpu.memory_space<hbm>> -> memref<24x512xf32, #tpu.memory_space<hbm>>
      tpu.wait_dma2 semaphore(%arg22 : memref<!tpu.dma_semaphore, #tpu.memory_space<semaphore_mem>>) src(%arg18 : memref<24x512xf32, #tpu.memory_space<vmem>>) dst(%dma_wait3A_521 : memref<24x512xf32, #tpu.memory_space<hbm>>)
      %scan3A_522 = arith.constant 0 : i32
      %scan3A_523 = arith.constant 0 : i32
      %scan3A_524 = arith.constant 32 : i32
      %scan3A_525 = arith.addi %scan3A_523, %scan3A_524 : i32
      %scan3A_526 = arith.constant 1 : i32
      scf.for %scan3A_689 = %scan3A_523 to %scan3A_525 step %scan3A_526  : i32 {
        %mul3A_690 = arith.constant 16 : i32
        %mul3A_691 = arith.muli %scan3A_689, %mul3A_690 : i32
        %multiple_of3A_692 = tpu.assume_multiple %mul3A_691, 8 : i32
        %get3A_693 = arith.constant 31 : i32
        %get3A_694 = arith.index_cast %get3A_693 : i32 to index
        %get3A_695 = arith.index_cast %multiple_of3A_692 : i32 to index
        %get3A_696 = tpu.vector_load %arg16[%get3A_694, %get3A_695] {strides = array<i32>} : memref<60x512xf32, #tpu.memory_space<vmem>>, vector<1x16xf32>,
        %get3A_697 = vector.shape_cast %get3A_696 : vector<1x16xf32> to vector<16xf32>
        %swap3A_698 = arith.constant 0 : i32
        %swap3A_699 = arith.index_cast %swap3A_698 : i32 to index
        %swap3A_700 = arith.index_cast %multiple_of3A_692 : i32 to index
        %swap3A_701 = tpu.vector_load %arg18[%swap3A_699, %swap3A_700] {strides = array<i32>} : memref<24x512xf32, #tpu.memory_space<vmem>>, vector<1x16xf32>,
        %swap3A_702 = vector.shape_cast %swap3A_701 : vector<1x16xf32> to vector<16xf32>
        %swap3A_703 = vector.shape_cast %get3A_697 : vector<16xf32> to vector<1x16xf32>
        tpu.vector_store %arg18[%swap3A_699, %swap3A_700], %swap3A_703 {strides = array<i32>} : memref<24x512xf32, #tpu.memory_space<vmem>>, vector<1x16xf32>,
        %get3A_704 = arith.constant 32 : i32
        %get3A_705 = arith.index_cast %get3A_704 : i32 to index
        %get3A_706 = arith.index_cast %multiple_of3A_692 : i32 to index
        %get3A_707 = tpu.vector_load %arg16[%get3A_705, %get3A_706] {strides = array<i32>} : memref<60x512xf32, #tpu.memory_space<vmem>>, vector<1x16xf32>,
        %get3A_708 = vector.shape_cast %get3A_707 : vector<1x16xf32> to vector<16xf32>
        %swap3A_709 = arith.constant 1 : i32
        %swap3A_710 = arith.index_cast %swap3A_709 : i32 to index
        %swap3A_711 = arith.index_cast %multiple_of3A_692 : i32 to index
        %swap3A_712 = tpu.vector_load %arg18[%swap3A_710, %swap3A_711] {strides = array<i32>} : memref<24x512xf32, #tpu.memory_space<vmem>>, vector<1x16xf32>,
        %swap3A_713 = vector.shape_cast %swap3A_712 : vector<1x16xf32> to vector<16xf32>
        %swap3A_714 = vector.shape_cast %get3A_708 : vector<16xf32> to vector<1x16xf32>
        tpu.vector_store %arg18[%swap3A_710, %swap3A_711], %swap3A_714 {strides = array<i32>} : memref<24x512xf32, #tpu.memory_space<vmem>>, vector<1x16xf32>,
        %get3A_715 = arith.constant 33 : i32
        %get3A_716 = arith.index_cast %get3A_715 : i32 to index
        %get3A_717 = arith.index_cast %multiple_of3A_692 : i32 to index
        %get3A_718 = tpu.vector_load %arg16[%get3A_716, %get3A_717] {strides = array<i32>} : memref<60x512xf32, #tpu.memory_space<vmem>>, vector<1x16xf32>,
        %get3A_719 = vector.shape_cast %get3A_718 : vector<1x16xf32> to vector<16xf32>
        %swap3A_720 = arith.constant 2 : i32
        %swap3A_721 = arith.index_cast %swap3A_720 : i32 to index
        %swap3A_722 = arith.index_cast %multiple_of3A_692 : i32 to index
        %swap3A_723 = tpu.vector_load %arg18[%swap3A_721, %swap3A_722] {strides = array<i32>} : memref<24x512xf32, #tpu.memory_space<vmem>>, vector<1x16xf32>,
        %swap3A_724 = vector.shape_cast %swap3A_723 : vector<1x16xf32> to vector<16xf32>
        %swap3A_725 = vector.shape_cast %get3A_719 : vector<16xf32> to vector<1x16xf32>
        tpu.vector_store %arg18[%swap3A_721, %swap3A_722], %swap3A_725 {strides = array<i32>} : memref<24x512xf32, #tpu.memory_space<vmem>>, vector<1x16xf32>,
        %get3A_726 = arith.constant 34 : i32
        %get3A_727 = arith.index_cast %get3A_726 : i32 to index
        %get3A_728 = arith.index_cast %multiple_of3A_692 : i32 to index
        %get3A_729 = tpu.vector_load %arg16[%get3A_727, %get3A_728] {strides = array<i32>} : memref<60x512xf32, #tpu.memory_space<vmem>>, vector<1x16xf32>,
        %get3A_730 = vector.shape_cast %get3A_729 : vector<1x16xf32> to vector<16xf32>
        %swap3A_731 = arith.constant 3 : i32
        %swap3A_732 = arith.index_cast %swap3A_731 : i32 to index
        %swap3A_733 = arith.index_cast %multiple_of3A_692 : i32 to index
        %swap3A_734 = tpu.vector_load %arg18[%swap3A_732, %swap3A_733] {strides = array<i32>} : memref<24x512xf32, #tpu.memory_space<vmem>>, vector<1x16xf32>,
        %swap3A_735 = vector.shape_cast %swap3A_734 : vector<1x16xf32> to vector<16xf32>
        %swap3A_736 = vector.shape_cast %get3A_730 : vector<16xf32> to vector<1x16xf32>
        tpu.vector_store %arg18[%swap3A_732, %swap3A_733], %swap3A_736 {strides = array<i32>} : memref<24x512xf32, #tpu.memory_space<vmem>>, vector<1x16xf32>,
        %get3A_737 = arith.constant 35 : i32
        %get3A_738 = arith.index_cast %get3A_737 : i32 to index
        %get3A_739 = arith.index_cast %multiple_of3A_692 : i32 to index
        %get3A_740 = tpu.vector_load %arg16[%get3A_738, %get3A_739] {strides = array<i32>} : memref<60x512xf32, #tpu.memory_space<vmem>>, vector<1x16xf32>,
        %get3A_741 = vector.shape_cast %get3A_740 : vector<1x16xf32> to vector<16xf32>
        %swap3A_742 = arith.constant 4 : i32
        %swap3A_743 = arith.index_cast %swap3A_742 : i32 to index
        %swap3A_744 = arith.index_cast %multiple_of3A_692 : i32 to index
        %swap3A_745 = tpu.vector_load %arg18[%swap3A_743, %swap3A_744] {strides = array<i32>} : memref<24x512xf32, #tpu.memory_space<vmem>>, vector<1x16xf32>,
        %swap3A_746 = vector.shape_cast %swap3A_745 : vector<1x16xf32> to vector<16xf32>
        %swap3A_747 = vector.shape_cast %get3A_741 : vector<16xf32> to vector<1x16xf32>
        tpu.vector_store %arg18[%swap3A_743, %swap3A_744], %swap3A_747 {strides = array<i32>} : memref<24x512xf32, #tpu.memory_space<vmem>>, vector<1x16xf32>,
        %get3A_748 = arith.constant 36 : i32
        %get3A_749 = arith.index_cast %get3A_748 : i32 to index
        %get3A_750 = arith.index_cast %multiple_of3A_692 : i32 to index
        %get3A_751 = tpu.vector_load %arg16[%get3A_749, %get3A_750] {strides = array<i32>} : memref<60x512xf32, #tpu.memory_space<vmem>>, vector<1x16xf32>,
        %get3A_752 = vector.shape_cast %get3A_751 : vector<1x16xf32> to vector<16xf32>
        %swap3A_753 = arith.constant 5 : i32
        %swap3A_754 = arith.index_cast %swap3A_753 : i32 to index
        %swap3A_755 = arith.index_cast %multiple_of3A_692 : i32 to index
        %swap3A_756 = tpu.vector_load %arg18[%swap3A_754, %swap3A_755] {strides = array<i32>} : memref<24x512xf32, #tpu.memory_space<vmem>>, vector<1x16xf32>,
        %swap3A_757 = vector.shape_cast %swap3A_756 : vector<1x16xf32> to vector<16xf32>
        %swap3A_758 = vector.shape_cast %get3A_752 : vector<16xf32> to vector<1x16xf32>
        tpu.vector_store %arg18[%swap3A_754, %swap3A_755], %swap3A_758 {strides = array<i32>} : memref<24x512xf32, #tpu.memory_space<vmem>>, vector<1x16xf32>,
        %get3A_759 = arith.constant 37 : i32
        %get3A_760 = arith.index_cast %get3A_759 : i32 to index
        %get3A_761 = arith.index_cast %multiple_of3A_692 : i32 to index
        %get3A_762 = tpu.vector_load %arg16[%get3A_760, %get3A_761] {strides = array<i32>} : memref<60x512xf32, #tpu.memory_space<vmem>>, vector<1x16xf32>,
        %get3A_763 = vector.shape_cast %get3A_762 : vector<1x16xf32> to vector<16xf32>
        %swap3A_764 = arith.constant 6 : i32
        %swap3A_765 = arith.index_cast %swap3A_764 : i32 to index
        %swap3A_766 = arith.index_cast %multiple_of3A_692 : i32 to index
        %swap3A_767 = tpu.vector_load %arg18[%swap3A_765, %swap3A_766] {strides = array<i32>} : memref<24x512xf32, #tpu.memory_space<vmem>>, vector<1x16xf32>,
        %swap3A_768 = vector.shape_cast %swap3A_767 : vector<1x16xf32> to vector<16xf32>
        %swap3A_769 = vector.shape_cast %get3A_763 : vector<16xf32> to vector<1x16xf32>
        tpu.vector_store %arg18[%swap3A_765, %swap3A_766], %swap3A_769 {strides = array<i32>} : memref<24x512xf32, #tpu.memory_space<vmem>>, vector<1x16xf32>,
        %get3A_770 = arith.constant 38 : i32
        %get3A_771 = arith.index_cast %get3A_770 : i32 to index
        %get3A_772 = arith.index_cast %multiple_of3A_692 : i32 to index
        %get3A_773 = tpu.vector_load %arg16[%get3A_771, %get3A_772] {strides = array<i32>} : memref<60x512xf32, #tpu.memory_space<vmem>>, vector<1x16xf32>,
        %get3A_774 = vector.shape_cast %get3A_773 : vector<1x16xf32> to vector<16xf32>
        %swap3A_775 = arith.constant 7 : i32
        %swap3A_776 = arith.index_cast %swap3A_775 : i32 to index
        %swap3A_777 = arith.index_cast %multiple_of3A_692 : i32 to index
        %swap3A_778 = tpu.vector_load %arg18[%swap3A_776, %swap3A_777] {strides = array<i32>} : memref<24x512xf32, #tpu.memory_space<vmem>>, vector<1x16xf32>,
        %swap3A_779 = vector.shape_cast %swap3A_778 : vector<1x16xf32> to vector<16xf32>
        %swap3A_780 = vector.shape_cast %get3A_774 : vector<16xf32> to vector<1x16xf32>
        tpu.vector_store %arg18[%swap3A_776, %swap3A_777], %swap3A_780 {strides = array<i32>} : memref<24x512xf32, #tpu.memory_space<vmem>>, vector<1x16xf32>,
        %get3A_781 = arith.constant 39 : i32
        %get3A_782 = arith.index_cast %get3A_781 : i32 to index
        %get3A_783 = arith.index_cast %multiple_of3A_692 : i32 to index
        %get3A_784 = tpu.vector_load %arg16[%get3A_782, %get3A_783] {strides = array<i32>} : memref<60x512xf32, #tpu.memory_space<vmem>>, vector<1x16xf32>,
        %get3A_785 = vector.shape_cast %get3A_784 : vector<1x16xf32> to vector<16xf32>
        %swap3A_786 = arith.constant 8 : i32
        %swap3A_787 = arith.index_cast %swap3A_786 : i32 to index
        %swap3A_788 = arith.index_cast %multiple_of3A_692 : i32 to index
        %swap3A_789 = tpu.vector_load %arg18[%swap3A_787, %swap3A_788] {strides = array<i32>} : memref<24x512xf32, #tpu.memory_space<vmem>>, vector<1x16xf32>,
        %swap3A_790 = vector.shape_cast %swap3A_789 : vector<1x16xf32> to vector<16xf32>
        %swap3A_791 = vector.shape_cast %get3A_785 : vector<16xf32> to vector<1x16xf32>
        tpu.vector_store %arg18[%swap3A_787, %swap3A_788], %swap3A_791 {strides = array<i32>} : memref<24x512xf32, #tpu.memory_space<vmem>>, vector<1x16xf32>,
        %get3A_792 = arith.constant 40 : i32
        %get3A_793 = arith.index_cast %get3A_792 : i32 to index
        %get3A_794 = arith.index_cast %multiple_of3A_692 : i32 to index
        %get3A_795 = tpu.vector_load %arg16[%get3A_793, %get3A_794] {strides = array<i32>} : memref<60x512xf32, #tpu.memory_space<vmem>>, vector<1x16xf32>,
        %get3A_796 = vector.shape_cast %get3A_795 : vector<1x16xf32> to vector<16xf32>
        %swap3A_797 = arith.constant 9 : i32
        %swap3A_798 = arith.index_cast %swap3A_797 : i32 to index
        %swap3A_799 = arith.index_cast %multiple_of3A_692 : i32 to index
        %swap3A_800 = tpu.vector_load %arg18[%swap3A_798, %swap3A_799] {strides = array<i32>} : memref<24x512xf32, #tpu.memory_space<vmem>>, vector<1x16xf32>,
        %swap3A_801 = vector.shape_cast %swap3A_800 : vector<1x16xf32> to vector<16xf32>
        %swap3A_802 = vector.shape_cast %get3A_796 : vector<16xf32> to vector<1x16xf32>
        tpu.vector_store %arg18[%swap3A_798, %swap3A_799], %swap3A_802 {strides = array<i32>} : memref<24x512xf32, #tpu.memory_space<vmem>>, vector<1x16xf32>,
        %get3A_803 = arith.constant 41 : i32
        %get3A_804 = arith.index_cast %get3A_803 : i32 to index
        %get3A_805 = arith.index_cast %multiple_of3A_692 : i32 to index
        %get3A_806 = tpu.vector_load %arg16[%get3A_804, %get3A_805] {strides = array<i32>} : memref<60x512xf32, #tpu.memory_space<vmem>>, vector<1x16xf32>,
        %get3A_807 = vector.shape_cast %get3A_806 : vector<1x16xf32> to vector<16xf32>
        %swap3A_808 = arith.constant 10 : i32
        %swap3A_809 = arith.index_cast %swap3A_808 : i32 to index
        %swap3A_810 = arith.index_cast %multiple_of3A_692 : i32 to index
        %swap3A_811 = tpu.vector_load %arg18[%swap3A_809, %swap3A_810] {strides = array<i32>} : memref<24x512xf32, #tpu.memory_space<vmem>>, vector<1x16xf32>,
        %swap3A_812 = vector.shape_cast %swap3A_811 : vector<1x16xf32> to vector<16xf32>
        %swap3A_813 = vector.shape_cast %get3A_807 : vector<16xf32> to vector<1x16xf32>
        tpu.vector_store %arg18[%swap3A_809, %swap3A_810], %swap3A_813 {strides = array<i32>} : memref<24x512xf32, #tpu.memory_space<vmem>>, vector<1x16xf32>,
        %get3A_814 = arith.constant 42 : i32
        %get3A_815 = arith.index_cast %get3A_814 : i32 to index
        %get3A_816 = arith.index_cast %multiple_of3A_692 : i32 to index
        %get3A_817 = tpu.vector_load %arg16[%get3A_815, %get3A_816] {strides = array<i32>} : memref<60x512xf32, #tpu.memory_space<vmem>>, vector<1x16xf32>,
        %get3A_818 = vector.shape_cast %get3A_817 : vector<1x16xf32> to vector<16xf32>
        %swap3A_819 = arith.constant 11 : i32
        %swap3A_820 = arith.index_cast %swap3A_819 : i32 to index
        %swap3A_821 = arith.index_cast %multiple_of3A_692 : i32 to index
        %swap3A_822 = tpu.vector_load %arg18[%swap3A_820, %swap3A_821] {strides = array<i32>} : memref<24x512xf32, #tpu.memory_space<vmem>>, vector<1x16xf32>,
        %swap3A_823 = vector.shape_cast %swap3A_822 : vector<1x16xf32> to vector<16xf32>
        %swap3A_824 = vector.shape_cast %get3A_818 : vector<16xf32> to vector<1x16xf32>
        tpu.vector_store %arg18[%swap3A_820, %swap3A_821], %swap3A_824 {strides = array<i32>} : memref<24x512xf32, #tpu.memory_space<vmem>>, vector<1x16xf32>,
        %get3A_825 = arith.constant 43 : i32
        %get3A_826 = arith.index_cast %get3A_825 : i32 to index
        %get3A_827 = arith.index_cast %multiple_of3A_692 : i32 to index
        %get3A_828 = tpu.vector_load %arg16[%get3A_826, %get3A_827] {strides = array<i32>} : memref<60x512xf32, #tpu.memory_space<vmem>>, vector<1x16xf32>,
        %get3A_829 = vector.shape_cast %get3A_828 : vector<1x16xf32> to vector<16xf32>
        %swap3A_830 = arith.constant 12 : i32
        %swap3A_831 = arith.index_cast %swap3A_830 : i32 to index
        %swap3A_832 = arith.index_cast %multiple_of3A_692 : i32 to index
        %swap3A_833 = tpu.vector_load %arg18[%swap3A_831, %swap3A_832] {strides = array<i32>} : memref<24x512xf32, #tpu.memory_space<vmem>>, vector<1x16xf32>,
        %swap3A_834 = vector.shape_cast %swap3A_833 : vector<1x16xf32> to vector<16xf32>
        %swap3A_835 = vector.shape_cast %get3A_829 : vector<16xf32> to vector<1x16xf32>
        tpu.vector_store %arg18[%swap3A_831, %swap3A_832], %swap3A_835 {strides = array<i32>} : memref<24x512xf32, #tpu.memory_space<vmem>>, vector<1x16xf32>,
        %get3A_836 = arith.constant 44 : i32
        %get3A_837 = arith.index_cast %get3A_836 : i32 to index
        %get3A_838 = arith.index_cast %multiple_of3A_692 : i32 to index
        %get3A_839 = tpu.vector_load %arg16[%get3A_837, %get3A_838] {strides = array<i32>} : memref<60x512xf32, #tpu.memory_space<vmem>>, vector<1x16xf32>,
        %get3A_840 = vector.shape_cast %get3A_839 : vector<1x16xf32> to vector<16xf32>
        %swap3A_841 = arith.constant 13 : i32
        %swap3A_842 = arith.index_cast %swap3A_841 : i32 to index
        %swap3A_843 = arith.index_cast %multiple_of3A_692 : i32 to index
        %swap3A_844 = tpu.vector_load %arg18[%swap3A_842, %swap3A_843] {strides = array<i32>} : memref<24x512xf32, #tpu.memory_space<vmem>>, vector<1x16xf32>,
        %swap3A_845 = vector.shape_cast %swap3A_844 : vector<1x16xf32> to vector<16xf32>
        %swap3A_846 = vector.shape_cast %get3A_840 : vector<16xf32> to vector<1x16xf32>
        tpu.vector_store %arg18[%swap3A_842, %swap3A_843], %swap3A_846 {strides = array<i32>} : memref<24x512xf32, #tpu.memory_space<vmem>>, vector<1x16xf32>,
        %get3A_847 = arith.constant 45 : i32
        %get3A_848 = arith.index_cast %get3A_847 : i32 to index
        %get3A_849 = arith.index_cast %multiple_of3A_692 : i32 to index
        %get3A_850 = tpu.vector_load %arg16[%get3A_848, %get3A_849] {strides = array<i32>} : memref<60x512xf32, #tpu.memory_space<vmem>>, vector<1x16xf32>,
        %get3A_851 = vector.shape_cast %get3A_850 : vector<1x16xf32> to vector<16xf32>
        %swap3A_852 = arith.constant 14 : i32
        %swap3A_853 = arith.index_cast %swap3A_852 : i32 to index
        %swap3A_854 = arith.index_cast %multiple_of3A_692 : i32 to index
        %swap3A_855 = tpu.vector_load %arg18[%swap3A_853, %swap3A_854] {strides = array<i32>} : memref<24x512xf32, #tpu.memory_space<vmem>>, vector<1x16xf32>,
        %swap3A_856 = vector.shape_cast %swap3A_855 : vector<1x16xf32> to vector<16xf32>
        %swap3A_857 = vector.shape_cast %get3A_851 : vector<16xf32> to vector<1x16xf32>
        tpu.vector_store %arg18[%swap3A_853, %swap3A_854], %swap3A_857 {strides = array<i32>} : memref<24x512xf32, #tpu.memory_space<vmem>>, vector<1x16xf32>,
        %get3A_858 = arith.constant 46 : i32
        %get3A_859 = arith.index_cast %get3A_858 : i32 to index
        %get3A_860 = arith.index_cast %multiple_of3A_692 : i32 to index
        %get3A_861 = tpu.vector_load %arg16[%get3A_859, %get3A_860] {strides = array<i32>} : memref<60x512xf32, #tpu.memory_space<vmem>>, vector<1x16xf32>,
        %get3A_862 = vector.shape_cast %get3A_861 : vector<1x16xf32> to vector<16xf32>
        %swap3A_863 = arith.constant 15 : i32
        %swap3A_864 = arith.index_cast %swap3A_863 : i32 to index
        %swap3A_865 = arith.index_cast %multiple_of3A_692 : i32 to index
        %swap3A_866 = tpu.vector_load %arg18[%swap3A_864, %swap3A_865] {strides = array<i32>} : memref<24x512xf32, #tpu.memory_space<vmem>>, vector<1x16xf32>,
        %swap3A_867 = vector.shape_cast %swap3A_866 : vector<1x16xf32> to vector<16xf32>
        %swap3A_868 = vector.shape_cast %get3A_862 : vector<16xf32> to vector<1x16xf32>
        tpu.vector_store %arg18[%swap3A_864, %swap3A_865], %swap3A_868 {strides = array<i32>} : memref<24x512xf32, #tpu.memory_space<vmem>>, vector<1x16xf32>,
        %get3A_869 = arith.constant 47 : i32
        %get3A_870 = arith.index_cast %get3A_869 : i32 to index
        %get3A_871 = arith.index_cast %multiple_of3A_692 : i32 to index
        %get3A_872 = tpu.vector_load %arg16[%get3A_870, %get3A_871] {strides = array<i32>} : memref<60x512xf32, #tpu.memory_space<vmem>>, vector<1x16xf32>,
        %get3A_873 = vector.shape_cast %get3A_872 : vector<1x16xf32> to vector<16xf32>
        %swap3A_874 = arith.constant 16 : i32
        %swap3A_875 = arith.index_cast %swap3A_874 : i32 to index
        %swap3A_876 = arith.index_cast %multiple_of3A_692 : i32 to index
        %swap3A_877 = tpu.vector_load %arg18[%swap3A_875, %swap3A_876] {strides = array<i32>} : memref<24x512xf32, #tpu.memory_space<vmem>>, vector<1x16xf32>,
        %swap3A_878 = vector.shape_cast %swap3A_877 : vector<1x16xf32> to vector<16xf32>
        %swap3A_879 = vector.shape_cast %get3A_873 : vector<16xf32> to vector<1x16xf32>
        tpu.vector_store %arg18[%swap3A_875, %swap3A_876], %swap3A_879 {strides = array<i32>} : memref<24x512xf32, #tpu.memory_space<vmem>>, vector<1x16xf32>,
        %get3A_880 = arith.constant 48 : i32
        %get3A_881 = arith.index_cast %get3A_880 : i32 to index
        %get3A_882 = arith.index_cast %multiple_of3A_692 : i32 to index
        %get3A_883 = tpu.vector_load %arg16[%get3A_881, %get3A_882] {strides = array<i32>} : memref<60x512xf32, #tpu.memory_space<vmem>>, vector<1x16xf32>,
        %get3A_884 = vector.shape_cast %get3A_883 : vector<1x16xf32> to vector<16xf32>
        %swap3A_885 = arith.constant 17 : i32
        %swap3A_886 = arith.index_cast %swap3A_885 : i32 to index
        %swap3A_887 = arith.index_cast %multiple_of3A_692 : i32 to index
        %swap3A_888 = tpu.vector_load %arg18[%swap3A_886, %swap3A_887] {strides = array<i32>} : memref<24x512xf32, #tpu.memory_space<vmem>>, vector<1x16xf32>,
        %swap3A_889 = vector.shape_cast %swap3A_888 : vector<1x16xf32> to vector<16xf32>
        %swap3A_890 = vector.shape_cast %get3A_884 : vector<16xf32> to vector<1x16xf32>
        tpu.vector_store %arg18[%swap3A_886, %swap3A_887], %swap3A_890 {strides = array<i32>} : memref<24x512xf32, #tpu.memory_space<vmem>>, vector<1x16xf32>,
        %get3A_891 = arith.constant 49 : i32
        %get3A_892 = arith.index_cast %get3A_891 : i32 to index
        %get3A_893 = arith.index_cast %multiple_of3A_692 : i32 to index
        %get3A_894 = tpu.vector_load %arg16[%get3A_892, %get3A_893] {strides = array<i32>} : memref<60x512xf32, #tpu.memory_space<vmem>>, vector<1x16xf32>,
        %get3A_895 = vector.shape_cast %get3A_894 : vector<1x16xf32> to vector<16xf32>
        %swap3A_896 = arith.constant 18 : i32
        %swap3A_897 = arith.index_cast %swap3A_896 : i32 to index
        %swap3A_898 = arith.index_cast %multiple_of3A_692 : i32 to index
        %swap3A_899 = tpu.vector_load %arg18[%swap3A_897, %swap3A_898] {strides = array<i32>} : memref<24x512xf32, #tpu.memory_space<vmem>>, vector<1x16xf32>,
        %swap3A_900 = vector.shape_cast %swap3A_899 : vector<1x16xf32> to vector<16xf32>
        %swap3A_901 = vector.shape_cast %get3A_895 : vector<16xf32> to vector<1x16xf32>
        tpu.vector_store %arg18[%swap3A_897, %swap3A_898], %swap3A_901 {strides = array<i32>} : memref<24x512xf32, #tpu.memory_space<vmem>>, vector<1x16xf32>,
        %get3A_902 = arith.constant 50 : i32
        %get3A_903 = arith.index_cast %get3A_902 : i32 to index
        %get3A_904 = arith.index_cast %multiple_of3A_692 : i32 to index
        %get3A_905 = tpu.vector_load %arg16[%get3A_903, %get3A_904] {strides = array<i32>} : memref<60x512xf32, #tpu.memory_space<vmem>>, vector<1x16xf32>,
        %get3A_906 = vector.shape_cast %get3A_905 : vector<1x16xf32> to vector<16xf32>
        %swap3A_907 = arith.constant 19 : i32
        %swap3A_908 = arith.index_cast %swap3A_907 : i32 to index
        %swap3A_909 = arith.index_cast %multiple_of3A_692 : i32 to index
        %swap3A_910 = tpu.vector_load %arg18[%swap3A_908, %swap3A_909] {strides = array<i32>} : memref<24x512xf32, #tpu.memory_space<vmem>>, vector<1x16xf32>,
        %swap3A_911 = vector.shape_cast %swap3A_910 : vector<1x16xf32> to vector<16xf32>
        %swap3A_912 = vector.shape_cast %get3A_906 : vector<16xf32> to vector<1x16xf32>
        tpu.vector_store %arg18[%swap3A_908, %swap3A_909], %swap3A_912 {strides = array<i32>} : memref<24x512xf32, #tpu.memory_space<vmem>>, vector<1x16xf32>,
        %get3A_913 = arith.constant 51 : i32
        %get3A_914 = arith.index_cast %get3A_913 : i32 to index
        %get3A_915 = arith.index_cast %multiple_of3A_692 : i32 to index
        %get3A_916 = tpu.vector_load %arg16[%get3A_914, %get3A_915] {strides = array<i32>} : memref<60x512xf32, #tpu.memory_space<vmem>>, vector<1x16xf32>,
        %get3A_917 = vector.shape_cast %get3A_916 : vector<1x16xf32> to vector<16xf32>
        %swap3A_918 = arith.constant 20 : i32
        %swap3A_919 = arith.index_cast %swap3A_918 : i32 to index
        %swap3A_920 = arith.index_cast %multiple_of3A_692 : i32 to index
        %swap3A_921 = tpu.vector_load %arg18[%swap3A_919, %swap3A_920] {strides = array<i32>} : memref<24x512xf32, #tpu.memory_space<vmem>>, vector<1x16xf32>,
        %swap3A_922 = vector.shape_cast %swap3A_921 : vector<1x16xf32> to vector<16xf32>
        %swap3A_923 = vector.shape_cast %get3A_917 : vector<16xf32> to vector<1x16xf32>
        tpu.vector_store %arg18[%swap3A_919, %swap3A_920], %swap3A_923 {strides = array<i32>} : memref<24x512xf32, #tpu.memory_space<vmem>>, vector<1x16xf32>,
        %get3A_924 = arith.constant 52 : i32
        %get3A_925 = arith.index_cast %get3A_924 : i32 to index
        %get3A_926 = arith.index_cast %multiple_of3A_692 : i32 to index
        %get3A_927 = tpu.vector_load %arg16[%get3A_925, %get3A_926] {strides = array<i32>} : memref<60x512xf32, #tpu.memory_space<vmem>>, vector<1x16xf32>,
        %get3A_928 = vector.shape_cast %get3A_927 : vector<1x16xf32> to vector<16xf32>
        %swap3A_929 = arith.constant 21 : i32
        %swap3A_930 = arith.index_cast %swap3A_929 : i32 to index
        %swap3A_931 = arith.index_cast %multiple_of3A_692 : i32 to index
        %swap3A_932 = tpu.vector_load %arg18[%swap3A_930, %swap3A_931] {strides = array<i32>} : memref<24x512xf32, #tpu.memory_space<vmem>>, vector<1x16xf32>,
        %swap3A_933 = vector.shape_cast %swap3A_932 : vector<1x16xf32> to vector<16xf32>
        %swap3A_934 = vector.shape_cast %get3A_928 : vector<16xf32> to vector<1x16xf32>
        tpu.vector_store %arg18[%swap3A_930, %swap3A_931], %swap3A_934 {strides = array<i32>} : memref<24x512xf32, #tpu.memory_space<vmem>>, vector<1x16xf32>,
        %get3A_935 = arith.constant 53 : i32
        %get3A_936 = arith.index_cast %get3A_935 : i32 to index
        %get3A_937 = arith.index_cast %multiple_of3A_692 : i32 to index
        %get3A_938 = tpu.vector_load %arg16[%get3A_936, %get3A_937] {strides = array<i32>} : memref<60x512xf32, #tpu.memory_space<vmem>>, vector<1x16xf32>,
        %get3A_939 = vector.shape_cast %get3A_938 : vector<1x16xf32> to vector<16xf32>
        %swap3A_940 = arith.constant 22 : i32
        %swap3A_941 = arith.index_cast %swap3A_940 : i32 to index
        %swap3A_942 = arith.index_cast %multiple_of3A_692 : i32 to index
        %swap3A_943 = tpu.vector_load %arg18[%swap3A_941, %swap3A_942] {strides = array<i32>} : memref<24x512xf32, #tpu.memory_space<vmem>>, vector<1x16xf32>,
        %swap3A_944 = vector.shape_cast %swap3A_943 : vector<1x16xf32> to vector<16xf32>
        %swap3A_945 = vector.shape_cast %get3A_939 : vector<16xf32> to vector<1x16xf32>
        tpu.vector_store %arg18[%swap3A_941, %swap3A_942], %swap3A_945 {strides = array<i32>} : memref<24x512xf32, #tpu.memory_space<vmem>>, vector<1x16xf32>,
        %get3A_946 = arith.constant 54 : i32
        %get3A_947 = arith.index_cast %get3A_946 : i32 to index
        %get3A_948 = arith.index_cast %multiple_of3A_692 : i32 to index
        %get3A_949 = tpu.vector_load %arg16[%get3A_947, %get3A_948] {strides = array<i32>} : memref<60x512xf32, #tpu.memory_space<vmem>>, vector<1x16xf32>,
        %get3A_950 = vector.shape_cast %get3A_949 : vector<1x16xf32> to vector<16xf32>
        %swap3A_951 = arith.constant 23 : i32
        %swap3A_952 = arith.index_cast %swap3A_951 : i32 to index
        %swap3A_953 = arith.index_cast %multiple_of3A_692 : i32 to index
        %swap3A_954 = tpu.vector_load %arg18[%swap3A_952, %swap3A_953] {strides = array<i32>} : memref<24x512xf32, #tpu.memory_space<vmem>>, vector<1x16xf32>,
        %swap3A_955 = vector.shape_cast %swap3A_954 : vector<1x16xf32> to vector<16xf32>
        %swap3A_956 = vector.shape_cast %get3A_950 : vector<16xf32> to vector<1x16xf32>
        tpu.vector_store %arg18[%swap3A_952, %swap3A_953], %swap3A_956 {strides = array<i32>} : memref<24x512xf32, #tpu.memory_space<vmem>>, vector<1x16xf32>,
      }
      %scan3A_527 = arith.constant 32 : i32
      %dma_start3A_528 = arith.constant 48 : i32
      %dma_start3A_529 = arith.constant 0 : i32
      %dma_start3A_530 = tpu.memref_slice %arg7[%add3A_478, %dma_start3A_528, %dma_start3A_529] : memref<1024x77x512xf32, #tpu.memory_space<hbm>> -> memref<1x24x512xf32, #tpu.memory_space<hbm>>
      %dma_start3A_531 = tpu.memref_squeeze %dma_start3A_530 : memref<1x24x512xf32, #tpu.memory_space<hbm>> -> memref<24x512xf32, #tpu.memory_space<hbm>>
      %dma_start3A_532 = arith.constant 48 : i32
      %dma_start3A_533 = arith.constant 0 : i32
      %dma_start3A_534 = tpu.memref_slice %arg7[%add3A_478, %dma_start3A_532, %dma_start3A_533] : memref<1024x77x512xf32, #tpu.memory_space<hbm>> -> memref<1x24x512xf32, #tpu.memory_space<hbm>>
      %dma_start3A_535 = tpu.memref_squeeze %dma_start3A_534 : memref<1x24x512xf32, #tpu.memory_space<hbm>> -> memref<24x512xf32, #tpu.memory_space<hbm>>
      tpu.enqueue_dma source(%arg18 : memref<24x512xf32, #tpu.memory_space<vmem>>) target(%dma_start3A_535 : memref<24x512xf32, #tpu.memory_space<hbm>>) target_semaphore(%arg22 : memref<!tpu.dma_semaphore, #tpu.memory_space<semaphore_mem>>)
      %dma_wait3A_536 = arith.constant 24 : i32
      %dma_wait3A_537 = arith.constant 0 : i32
      %dma_wait3A_538 = tpu.memref_slice %arg7[%add3A_478, %dma_wait3A_536, %dma_wait3A_537] : memref<1024x77x512xf32, #tpu.memory_space<hbm>> -> memref<1x24x512xf32, #tpu.memory_space<hbm>>
      %dma_wait3A_539 = tpu.memref_squeeze %dma_wait3A_538 : memref<1x24x512xf32, #tpu.memory_space<hbm>> -> memref<24x512xf32, #tpu.memory_space<hbm>>
      %dma_wait3A_540 = arith.constant 24 : i32
      %dma_wait3A_541 = arith.constant 0 : i32
      %dma_wait3A_542 = tpu.memref_slice %arg7[%add3A_478, %dma_wait3A_540, %dma_wait3A_541] : memref<1024x77x512xf32, #tpu.memory_space<hbm>> -> memref<1x24x512xf32, #tpu.memory_space<hbm>>
      %dma_wait3A_543 = tpu.memref_squeeze %dma_wait3A_542 : memref<1x24x512xf32, #tpu.memory_space<hbm>> -> memref<24x512xf32, #tpu.memory_space<hbm>>
      tpu.wait_dma2 semaphore(%arg23 : memref<!tpu.dma_semaphore, #tpu.memory_space<semaphore_mem>>) src(%arg19 : memref<24x512xf32, #tpu.memory_space<vmem>>) dst(%dma_wait3A_543 : memref<24x512xf32, #tpu.memory_space<hbm>>)
      %scan3A_544 = arith.constant 0 : i32
      %scan3A_545 = arith.constant 0 : i32
      %scan3A_546 = arith.constant 32 : i32
      %scan3A_547 = arith.addi %scan3A_545, %scan3A_546 : i32
      %scan3A_548 = arith.constant 1 : i32
      scf.for %scan3A_689 = %scan3A_545 to %scan3A_547 step %scan3A_548  : i32 {
        %mul3A_690 = arith.constant 16 : i32
        %mul3A_691 = arith.muli %scan3A_689, %mul3A_690 : i32
        %multiple_of3A_692 = tpu.assume_multiple %mul3A_691, 8 : i32
        %get3A_693 = arith.constant 55 : i32
        %get3A_694 = arith.index_cast %get3A_693 : i32 to index
        %get3A_695 = arith.index_cast %multiple_of3A_692 : i32 to index
        %get3A_696 = tpu.vector_load %arg16[%get3A_694, %get3A_695] {strides = array<i32>} : memref<60x512xf32, #tpu.memory_space<vmem>>, vector<1x16xf32>,
        %get3A_697 = vector.shape_cast %get3A_696 : vector<1x16xf32> to vector<16xf32>
        %swap3A_698 = arith.constant 0 : i32
        %swap3A_699 = arith.index_cast %swap3A_698 : i32 to index
        %swap3A_700 = arith.index_cast %multiple_of3A_692 : i32 to index
        %swap3A_701 = tpu.vector_load %arg19[%swap3A_699, %swap3A_700] {strides = array<i32>} : memref<24x512xf32, #tpu.memory_space<vmem>>, vector<1x16xf32>,
        %swap3A_702 = vector.shape_cast %swap3A_701 : vector<1x16xf32> to vector<16xf32>
        %swap3A_703 = vector.shape_cast %get3A_697 : vector<16xf32> to vector<1x16xf32>
        tpu.vector_store %arg19[%swap3A_699, %swap3A_700], %swap3A_703 {strides = array<i32>} : memref<24x512xf32, #tpu.memory_space<vmem>>, vector<1x16xf32>,
        %get3A_704 = arith.constant 56 : i32
        %get3A_705 = arith.index_cast %get3A_704 : i32 to index
        %get3A_706 = arith.index_cast %multiple_of3A_692 : i32 to index
        %get3A_707 = tpu.vector_load %arg16[%get3A_705, %get3A_706] {strides = array<i32>} : memref<60x512xf32, #tpu.memory_space<vmem>>, vector<1x16xf32>,
        %get3A_708 = vector.shape_cast %get3A_707 : vector<1x16xf32> to vector<16xf32>
        %swap3A_709 = arith.constant 1 : i32
        %swap3A_710 = arith.index_cast %swap3A_709 : i32 to index
        %swap3A_711 = arith.index_cast %multiple_of3A_692 : i32 to index
        %swap3A_712 = tpu.vector_load %arg19[%swap3A_710, %swap3A_711] {strides = array<i32>} : memref<24x512xf32, #tpu.memory_space<vmem>>, vector<1x16xf32>,
        %swap3A_713 = vector.shape_cast %swap3A_712 : vector<1x16xf32> to vector<16xf32>
        %swap3A_714 = vector.shape_cast %get3A_708 : vector<16xf32> to vector<1x16xf32>
        tpu.vector_store %arg19[%swap3A_710, %swap3A_711], %swap3A_714 {strides = array<i32>} : memref<24x512xf32, #tpu.memory_space<vmem>>, vector<1x16xf32>,
        %get3A_715 = arith.constant 57 : i32
        %get3A_716 = arith.index_cast %get3A_715 : i32 to index
        %get3A_717 = arith.index_cast %multiple_of3A_692 : i32 to index
        %get3A_718 = tpu.vector_load %arg16[%get3A_716, %get3A_717] {strides = array<i32>} : memref<60x512xf32, #tpu.memory_space<vmem>>, vector<1x16xf32>,
        %get3A_719 = vector.shape_cast %get3A_718 : vector<1x16xf32> to vector<16xf32>
        %swap3A_720 = arith.constant 2 : i32
        %swap3A_721 = arith.index_cast %swap3A_720 : i32 to index
        %swap3A_722 = arith.index_cast %multiple_of3A_692 : i32 to index
        %swap3A_723 = tpu.vector_load %arg19[%swap3A_721, %swap3A_722] {strides = array<i32>} : memref<24x512xf32, #tpu.memory_space<vmem>>, vector<1x16xf32>,
        %swap3A_724 = vector.shape_cast %swap3A_723 : vector<1x16xf32> to vector<16xf32>
        %swap3A_725 = vector.shape_cast %get3A_719 : vector<16xf32> to vector<1x16xf32>
        tpu.vector_store %arg19[%swap3A_721, %swap3A_722], %swap3A_725 {strides = array<i32>} : memref<24x512xf32, #tpu.memory_space<vmem>>, vector<1x16xf32>,
        %get3A_726 = arith.constant 58 : i32
        %get3A_727 = arith.index_cast %get3A_726 : i32 to index
        %get3A_728 = arith.index_cast %multiple_of3A_692 : i32 to index
        %get3A_729 = tpu.vector_load %arg16[%get3A_727, %get3A_728] {strides = array<i32>} : memref<60x512xf32, #tpu.memory_space<vmem>>, vector<1x16xf32>,
        %get3A_730 = vector.shape_cast %get3A_729 : vector<1x16xf32> to vector<16xf32>
        %swap3A_731 = arith.constant 3 : i32
        %swap3A_732 = arith.index_cast %swap3A_731 : i32 to index
        %swap3A_733 = arith.index_cast %multiple_of3A_692 : i32 to index
        %swap3A_734 = tpu.vector_load %arg19[%swap3A_732, %swap3A_733] {strides = array<i32>} : memref<24x512xf32, #tpu.memory_space<vmem>>, vector<1x16xf32>,
        %swap3A_735 = vector.shape_cast %swap3A_734 : vector<1x16xf32> to vector<16xf32>
        %swap3A_736 = vector.shape_cast %get3A_730 : vector<16xf32> to vector<1x16xf32>
        tpu.vector_store %arg19[%swap3A_732, %swap3A_733], %swap3A_736 {strides = array<i32>} : memref<24x512xf32, #tpu.memory_space<vmem>>, vector<1x16xf32>,
        %get3A_737 = arith.constant 59 : i32
        %get3A_738 = arith.index_cast %get3A_737 : i32 to index
        %get3A_739 = arith.index_cast %multiple_of3A_692 : i32 to index
        %get3A_740 = tpu.vector_load %arg16[%get3A_738, %get3A_739] {strides = array<i32>} : memref<60x512xf32, #tpu.memory_space<vmem>>, vector<1x16xf32>,
        %get3A_741 = vector.shape_cast %get3A_740 : vector<1x16xf32> to vector<16xf32>
        %swap3A_742 = arith.constant 4 : i32
        %swap3A_743 = arith.index_cast %swap3A_742 : i32 to index
        %swap3A_744 = arith.index_cast %multiple_of3A_692 : i32 to index
        %swap3A_745 = tpu.vector_load %arg19[%swap3A_743, %swap3A_744] {strides = array<i32>} : memref<24x512xf32, #tpu.memory_space<vmem>>, vector<1x16xf32>,
        %swap3A_746 = vector.shape_cast %swap3A_745 : vector<1x16xf32> to vector<16xf32>
        %swap3A_747 = vector.shape_cast %get3A_741 : vector<16xf32> to vector<1x16xf32>
        tpu.vector_store %arg19[%swap3A_743, %swap3A_744], %swap3A_747 {strides = array<i32>} : memref<24x512xf32, #tpu.memory_space<vmem>>, vector<1x16xf32>,
      }
      %scan3A_549 = arith.constant 32 : i32
      %dma_start3A_550 = arith.constant 0 : i32
      %dma_start3A_551 = arith.constant 0 : i32
      %dma_start3A_552 = tpu.memref_slice %arg19[%dma_start3A_550, %dma_start3A_551] : memref<24x512xf32, #tpu.memory_space<vmem>> -> memref<5x512xf32, #tpu.memory_space<vmem>>
      %dma_start3A_553 = arith.constant 72 : i32
      %dma_start3A_554 = arith.constant 0 : i32
      %dma_start3A_555 = tpu.memref_slice %arg7[%add3A_478, %dma_start3A_553, %dma_start3A_554] : memref<1024x77x512xf32, #tpu.memory_space<hbm>> -> memref<1x5x512xf32, #tpu.memory_space<hbm>>
      %dma_start3A_556 = tpu.memref_squeeze %dma_start3A_555 : memref<1x5x512xf32, #tpu.memory_space<hbm>> -> memref<5x512xf32, #tpu.memory_space<hbm>>
      %dma_start3A_557 = arith.constant 72 : i32
      %dma_start3A_558 = arith.constant 0 : i32
      %dma_start3A_559 = tpu.memref_slice %arg7[%add3A_478, %dma_start3A_557, %dma_start3A_558] : memref<1024x77x512xf32, #tpu.memory_space<hbm>> -> memref<1x5x512xf32, #tpu.memory_space<hbm>>
      %dma_start3A_560 = tpu.memref_squeeze %dma_start3A_559 : memref<1x5x512xf32, #tpu.memory_space<hbm>> -> memref<5x512xf32, #tpu.memory_space<hbm>>
      %dma_start3A_561 = arith.constant 0 : i32
      %dma_start3A_562 = arith.constant 0 : i32
      %dma_start3A_563 = tpu.memref_slice %arg19[%dma_start3A_561, %dma_start3A_562] : memref<24x512xf32, #tpu.memory_space<vmem>> -> memref<5x512xf32, #tpu.memory_space<vmem>>
      tpu.enqueue_dma source(%dma_start3A_563 : memref<5x512xf32, #tpu.memory_space<vmem>>) target(%dma_start3A_560 : memref<5x512xf32, #tpu.memory_space<hbm>>) target_semaphore(%arg23 : memref<!tpu.dma_semaphore, #tpu.memory_space<semaphore_mem>>)
      %lt3A_564 = arith.constant 15 : i32
      %lt3A_565 = arith.cmpi slt, %scan3A_315, %lt3A_564 : i32
      %convert_element_type3A_566 = arith.extui %lt3A_565 : i1 to i32
      %cond3A_567 = arith.constant 0 : i32
      %cond3A_568 = arith.cmpi ne, %convert_element_type3A_566, %cond3A_567 : i32
      scf.if %cond3A_568 {
        %mul3A_689 = arith.constant 2 : i32
        %mul3A_690 = arith.muli %mul3A_689, %scan3A_315 : i32
        %add3A_691 = arith.constant 2 : i32
        %add3A_692 = arith.addi %mul3A_690, %add3A_691 : i32
        %get3A_693 = arith.index_cast %add3A_692 : i32 to index
        %get3A_694 = memref.load %arg10[%get3A_693] : memref<32xi32, #tpu.memory_space<smem>>
        %jit3A_695 = arith.constant 16 : i32
        %eq3A_696 = arith.constant 0 : i32
        %eq3A_697 = arith.cmpi eq, %jit3A_695, %eq3A_696 : i32
        %jit3A_698 = arith.constant 1 : i32
        %select_n3A_699 = arith.select %eq3A_697, %jit3A_698, %jit3A_695 : i32
        %rem3A_700 = arith.remsi %get3A_694, %select_n3A_699 : i32
        %ne3A_701 = arith.constant 0 : i32
        %ne3A_702 = arith.cmpi ne, %rem3A_700, %ne3A_701 : i32
        %lt3A_703 = arith.constant 0 : i32
        %lt3A_704 = arith.cmpi slt, %rem3A_700, %lt3A_703 : i32
        %lt3A_705 = arith.constant 0 : i32
        %lt3A_706 = arith.cmpi slt, %select_n3A_699, %lt3A_705 : i32
        %ne3A_707 = arith.xori %lt3A_704, %lt3A_706 : i1
        %and3A_708 = arith.andi %ne3A_707, %ne3A_702 : i1
        %add3A_709 = arith.addi %rem3A_700, %select_n3A_699 : i32
        %select_n3A_710 = arith.select %and3A_708, %add3A_709, %rem3A_700 : i32
        %sub3A_711 = arith.subi %get3A_694, %select_n3A_710 : i32
        %multiple_of3A_712 = tpu.assume_multiple %sub3A_711, 8 : i32
        %get3A_713 = arith.index_cast %multiple_of3A_712 : i32 to index
        %get3A_714 = tpu.vector_load %arg9[%get3A_713] {strides = array<i32>} : memref<10000xi32, #tpu.memory_space<vmem>>, vector<16xi32>,
        %get3A_715 = vector.shape_cast %get3A_714 : vector<16xi32> to vector<16xi32>
        %slice3A_716 = vector.extract_strided_slice %get3A_715 {offsets = [0], sizes = [1], strides = [1]} : vector<16xi32> to vector<1xi32>
        %squeeze3A_717 = vector.extract %slice3A_716[0] : i32 from vector<1xi32>
        %swap3A_718 = arith.constant 0 : i32
        %swap3A_719 = arith.index_cast %swap3A_718 : i32 to index
        %swap3A_720 = memref.load %arg11[%swap3A_719] : memref<16xi32, #tpu.memory_space<smem>>
        memref.store %squeeze3A_717, %arg11[%swap3A_719] : memref<16xi32, #tpu.memory_space<smem>>
        %slice3A_721 = vector.extract_strided_slice %get3A_715 {offsets = [1], sizes = [1], strides = [1]} : vector<16xi32> to vector<1xi32>
        %squeeze3A_722 = vector.extract %slice3A_721[0] : i32 from vector<1xi32>
        %swap3A_723 = arith.constant 1 : i32
        %swap3A_724 = arith.index_cast %swap3A_723 : i32 to index
        %swap3A_725 = memref.load %arg11[%swap3A_724] : memref<16xi32, #tpu.memory_space<smem>>
        memref.store %squeeze3A_722, %arg11[%swap3A_724] : memref<16xi32, #tpu.memory_space<smem>>
        %slice3A_726 = vector.extract_strided_slice %get3A_715 {offsets = [2], sizes = [1], strides = [1]} : vector<16xi32> to vector<1xi32>
        %squeeze3A_727 = vector.extract %slice3A_726[0] : i32 from vector<1xi32>
        %swap3A_728 = arith.constant 2 : i32
        %swap3A_729 = arith.index_cast %swap3A_728 : i32 to index
        %swap3A_730 = memref.load %arg11[%swap3A_729] : memref<16xi32, #tpu.memory_space<smem>>
        memref.store %squeeze3A_727, %arg11[%swap3A_729] : memref<16xi32, #tpu.memory_space<smem>>
        %slice3A_731 = vector.extract_strided_slice %get3A_715 {offsets = [3], sizes = [1], strides = [1]} : vector<16xi32> to vector<1xi32>
        %squeeze3A_732 = vector.extract %slice3A_731[0] : i32 from vector<1xi32>
        %swap3A_733 = arith.constant 3 : i32
        %swap3A_734 = arith.index_cast %swap3A_733 : i32 to index
        %swap3A_735 = memref.load %arg11[%swap3A_734] : memref<16xi32, #tpu.memory_space<smem>>
        memref.store %squeeze3A_732, %arg11[%swap3A_734] : memref<16xi32, #tpu.memory_space<smem>>
        %slice3A_736 = vector.extract_strided_slice %get3A_715 {offsets = [4], sizes = [1], strides = [1]} : vector<16xi32> to vector<1xi32>
        %squeeze3A_737 = vector.extract %slice3A_736[0] : i32 from vector<1xi32>
        %swap3A_738 = arith.constant 4 : i32
        %swap3A_739 = arith.index_cast %swap3A_738 : i32 to index
        %swap3A_740 = memref.load %arg11[%swap3A_739] : memref<16xi32, #tpu.memory_space<smem>>
        memref.store %squeeze3A_737, %arg11[%swap3A_739] : memref<16xi32, #tpu.memory_space<smem>>
        %slice3A_741 = vector.extract_strided_slice %get3A_715 {offsets = [5], sizes = [1], strides = [1]} : vector<16xi32> to vector<1xi32>
        %squeeze3A_742 = vector.extract %slice3A_741[0] : i32 from vector<1xi32>
        %swap3A_743 = arith.constant 5 : i32
        %swap3A_744 = arith.index_cast %swap3A_743 : i32 to index
        %swap3A_745 = memref.load %arg11[%swap3A_744] : memref<16xi32, #tpu.memory_space<smem>>
        memref.store %squeeze3A_742, %arg11[%swap3A_744] : memref<16xi32, #tpu.memory_space<smem>>
        %slice3A_746 = vector.extract_strided_slice %get3A_715 {offsets = [6], sizes = [1], strides = [1]} : vector<16xi32> to vector<1xi32>
        %squeeze3A_747 = vector.extract %slice3A_746[0] : i32 from vector<1xi32>
        %swap3A_748 = arith.constant 6 : i32
        %swap3A_749 = arith.index_cast %swap3A_748 : i32 to index
        %swap3A_750 = memref.load %arg11[%swap3A_749] : memref<16xi32, #tpu.memory_space<smem>>
        memref.store %squeeze3A_747, %arg11[%swap3A_749] : memref<16xi32, #tpu.memory_space<smem>>
        %slice3A_751 = vector.extract_strided_slice %get3A_715 {offsets = [7], sizes = [1], strides = [1]} : vector<16xi32> to vector<1xi32>
        %squeeze3A_752 = vector.extract %slice3A_751[0] : i32 from vector<1xi32>
        %swap3A_753 = arith.constant 7 : i32
        %swap3A_754 = arith.index_cast %swap3A_753 : i32 to index
        %swap3A_755 = memref.load %arg11[%swap3A_754] : memref<16xi32, #tpu.memory_space<smem>>
        memref.store %squeeze3A_752, %arg11[%swap3A_754] : memref<16xi32, #tpu.memory_space<smem>>
        %slice3A_756 = vector.extract_strided_slice %get3A_715 {offsets = [8], sizes = [1], strides = [1]} : vector<16xi32> to vector<1xi32>
        %squeeze3A_757 = vector.extract %slice3A_756[0] : i32 from vector<1xi32>
        %swap3A_758 = arith.constant 8 : i32
        %swap3A_759 = arith.index_cast %swap3A_758 : i32 to index
        %swap3A_760 = memref.load %arg11[%swap3A_759] : memref<16xi32, #tpu.memory_space<smem>>
        memref.store %squeeze3A_757, %arg11[%swap3A_759] : memref<16xi32, #tpu.memory_space<smem>>
        %slice3A_761 = vector.extract_strided_slice %get3A_715 {offsets = [9], sizes = [1], strides = [1]} : vector<16xi32> to vector<1xi32>
        %squeeze3A_762 = vector.extract %slice3A_761[0] : i32 from vector<1xi32>
        %swap3A_763 = arith.constant 9 : i32
        %swap3A_764 = arith.index_cast %swap3A_763 : i32 to index
        %swap3A_765 = memref.load %arg11[%swap3A_764] : memref<16xi32, #tpu.memory_space<smem>>
        memref.store %squeeze3A_762, %arg11[%swap3A_764] : memref<16xi32, #tpu.memory_space<smem>>
        %slice3A_766 = vector.extract_strided_slice %get3A_715 {offsets = [10], sizes = [1], strides = [1]} : vector<16xi32> to vector<1xi32>
        %squeeze3A_767 = vector.extract %slice3A_766[0] : i32 from vector<1xi32>
        %swap3A_768 = arith.constant 10 : i32
        %swap3A_769 = arith.index_cast %swap3A_768 : i32 to index
        %swap3A_770 = memref.load %arg11[%swap3A_769] : memref<16xi32, #tpu.memory_space<smem>>
        memref.store %squeeze3A_767, %arg11[%swap3A_769] : memref<16xi32, #tpu.memory_space<smem>>
        %slice3A_771 = vector.extract_strided_slice %get3A_715 {offsets = [11], sizes = [1], strides = [1]} : vector<16xi32> to vector<1xi32>
        %squeeze3A_772 = vector.extract %slice3A_771[0] : i32 from vector<1xi32>
        %swap3A_773 = arith.constant 11 : i32
        %swap3A_774 = arith.index_cast %swap3A_773 : i32 to index
        %swap3A_775 = memref.load %arg11[%swap3A_774] : memref<16xi32, #tpu.memory_space<smem>>
        memref.store %squeeze3A_772, %arg11[%swap3A_774] : memref<16xi32, #tpu.memory_space<smem>>
        %slice3A_776 = vector.extract_strided_slice %get3A_715 {offsets = [12], sizes = [1], strides = [1]} : vector<16xi32> to vector<1xi32>
        %squeeze3A_777 = vector.extract %slice3A_776[0] : i32 from vector<1xi32>
        %swap3A_778 = arith.constant 12 : i32
        %swap3A_779 = arith.index_cast %swap3A_778 : i32 to index
        %swap3A_780 = memref.load %arg11[%swap3A_779] : memref<16xi32, #tpu.memory_space<smem>>
        memref.store %squeeze3A_777, %arg11[%swap3A_779] : memref<16xi32, #tpu.memory_space<smem>>
        %slice3A_781 = vector.extract_strided_slice %get3A_715 {offsets = [13], sizes = [1], strides = [1]} : vector<16xi32> to vector<1xi32>
        %squeeze3A_782 = vector.extract %slice3A_781[0] : i32 from vector<1xi32>
        %swap3A_783 = arith.constant 13 : i32
        %swap3A_784 = arith.index_cast %swap3A_783 : i32 to index
        %swap3A_785 = memref.load %arg11[%swap3A_784] : memref<16xi32, #tpu.memory_space<smem>>
        memref.store %squeeze3A_782, %arg11[%swap3A_784] : memref<16xi32, #tpu.memory_space<smem>>
        %slice3A_786 = vector.extract_strided_slice %get3A_715 {offsets = [14], sizes = [1], strides = [1]} : vector<16xi32> to vector<1xi32>
        %squeeze3A_787 = vector.extract %slice3A_786[0] : i32 from vector<1xi32>
        %swap3A_788 = arith.constant 14 : i32
        %swap3A_789 = arith.index_cast %swap3A_788 : i32 to index
        %swap3A_790 = memref.load %arg11[%swap3A_789] : memref<16xi32, #tpu.memory_space<smem>>
        memref.store %squeeze3A_787, %arg11[%swap3A_789] : memref<16xi32, #tpu.memory_space<smem>>
        %slice3A_791 = vector.extract_strided_slice %get3A_715 {offsets = [15], sizes = [1], strides = [1]} : vector<16xi32> to vector<1xi32>
        %squeeze3A_792 = vector.extract %slice3A_791[0] : i32 from vector<1xi32>
        %swap3A_793 = arith.constant 15 : i32
        %swap3A_794 = arith.index_cast %swap3A_793 : i32 to index
        %swap3A_795 = memref.load %arg11[%swap3A_794] : memref<16xi32, #tpu.memory_space<smem>>
        memref.store %squeeze3A_792, %arg11[%swap3A_794] : memref<16xi32, #tpu.memory_space<smem>>
        %get3A_796 = arith.index_cast %select_n3A_710 : i32 to index
        %get3A_797 = memref.load %arg11[%get3A_796] : memref<16xi32, #tpu.memory_space<smem>>
        %dma_start3A_798 = arith.constant 0 : i32
        %dma_start3A_799 = arith.constant 0 : i32
        %dma_start3A_800 = tpu.memref_slice %arg5[%get3A_694, %dma_start3A_798, %dma_start3A_799] : memref<10000x1x512xf32, #tpu.memory_space<hbm>> -> memref<1x1x512xf32, #tpu.memory_space<hbm>>
        %dma_start3A_801 = tpu.memref_squeeze %dma_start3A_800 : memref<1x1x512xf32, #tpu.memory_space<hbm>> -> memref<1x512xf32, #tpu.memory_space<hbm>>
        %dma_start3A_802 = arith.constant 0 : i32
        %dma_start3A_803 = arith.constant 0 : i32
        %dma_start3A_804 = tpu.memref_slice %arg5[%get3A_694, %dma_start3A_802, %dma_start3A_803] : memref<10000x1x512xf32, #tpu.memory_space<hbm>> -> memref<1x1x512xf32, #tpu.memory_space<hbm>>
        %dma_start3A_805 = tpu.memref_squeeze %dma_start3A_804 : memref<1x1x512xf32, #tpu.memory_space<hbm>> -> memref<1x512xf32, #tpu.memory_space<hbm>>
        tpu.enqueue_dma source(%dma_start3A_805 : memref<1x512xf32, #tpu.memory_space<hbm>>) target(%arg12 : memref<1x512xf32, #tpu.memory_space<vmem>>) target_semaphore(%arg20 : memref<!tpu.dma_semaphore, #tpu.memory_space<semaphore_mem>>)
        %dma_start3A_806 = arith.constant 0 : i32
        %dma_start3A_807 = arith.constant 0 : i32
        %dma_start3A_808 = tpu.memref_slice %arg4[%get3A_797, %dma_start3A_806, %dma_start3A_807] : memref<128x16x512xf32, #tpu.memory_space<hbm>> -> memref<1x16x512xf32, #tpu.memory_space<hbm>>
        %dma_start3A_809 = tpu.memref_squeeze %dma_start3A_808 : memref<1x16x512xf32, #tpu.memory_space<hbm>> -> memref<16x512xf32, #tpu.memory_space<hbm>>
        %dma_start3A_810 = arith.constant 0 : i32
        %dma_start3A_811 = arith.constant 0 : i32
        %dma_start3A_812 = tpu.memref_slice %arg4[%get3A_797, %dma_start3A_810, %dma_start3A_811] : memref<128x16x512xf32, #tpu.memory_space<hbm>> -> memref<1x16x512xf32, #tpu.memory_space<hbm>>
        %dma_start3A_813 = tpu.memref_squeeze %dma_start3A_812 : memref<1x16x512xf32, #tpu.memory_space<hbm>> -> memref<16x512xf32, #tpu.memory_space<hbm>>
        tpu.enqueue_dma source(%dma_start3A_813 : memref<16x512xf32, #tpu.memory_space<hbm>>) target(%arg14 : memref<16x512xf32, #tpu.memory_space<vmem>>) target_semaphore(%arg20 : memref<!tpu.dma_semaphore, #tpu.memory_space<semaphore_mem>>)
        %dma_start3A_814 = arith.constant 0 : i32
        %dma_start3A_815 = arith.constant 0 : i32
        %dma_start3A_816 = tpu.memref_slice %arg6[%get3A_694, %dma_start3A_814, %dma_start3A_815] : memref<10000x60x512xf32, #tpu.memory_space<hbm>> -> memref<1x60x512xf32, #tpu.memory_space<hbm>>
        %dma_start3A_817 = tpu.memref_squeeze %dma_start3A_816 : memref<1x60x512xf32, #tpu.memory_space<hbm>> -> memref<60x512xf32, #tpu.memory_space<hbm>>
        %dma_start3A_818 = arith.constant 0 : i32
        %dma_start3A_819 = arith.constant 0 : i32
        %dma_start3A_820 = tpu.memref_slice %arg6[%get3A_694, %dma_start3A_818, %dma_start3A_819] : memref<10000x60x512xf32, #tpu.memory_space<hbm>> -> memref<1x60x512xf32, #tpu.memory_space<hbm>>
        %dma_start3A_821 = tpu.memref_squeeze %dma_start3A_820 : memref<1x60x512xf32, #tpu.memory_space<hbm>> -> memref<60x512xf32, #tpu.memory_space<hbm>>
        tpu.enqueue_dma source(%dma_start3A_821 : memref<60x512xf32, #tpu.memory_space<hbm>>) target(%arg16 : memref<60x512xf32, #tpu.memory_space<vmem>>) target_semaphore(%arg20 : memref<!tpu.dma_semaphore, #tpu.memory_space<semaphore_mem>>)
      } else {
      }
      %mul3A_569 = arith.constant 2 : i32
      %mul3A_570 = arith.muli %mul3A_569, %scan3A_315 : i32
      %add3A_571 = arith.constant 1 : i32
      %add3A_572 = arith.addi %mul3A_570, %add3A_571 : i32
      %dma_wait3A_573 = arith.constant 0 : i32
      %dma_wait3A_574 = arith.constant 0 : i32
      %dma_wait3A_575 = arith.constant 0 : i32
      %dma_wait3A_576 = tpu.memref_slice %arg5[%dma_wait3A_573, %dma_wait3A_574, %dma_wait3A_575] : memref<10000x1x512xf32, #tpu.memory_space<hbm>> -> memref<1x1x512xf32, #tpu.memory_space<hbm>>
      %dma_wait3A_577 = tpu.memref_squeeze %dma_wait3A_576 : memref<1x1x512xf32, #tpu.memory_space<hbm>> -> memref<1x512xf32, #tpu.memory_space<hbm>>
      %dma_wait3A_578 = arith.constant 0 : i32
      %dma_wait3A_579 = arith.constant 0 : i32
      %dma_wait3A_580 = tpu.memref_slice %arg5[%dma_wait3A_573, %dma_wait3A_578, %dma_wait3A_579] : memref<10000x1x512xf32, #tpu.memory_space<hbm>> -> memref<1x1x512xf32, #tpu.memory_space<hbm>>
      %dma_wait3A_581 = tpu.memref_squeeze %dma_wait3A_580 : memref<1x1x512xf32, #tpu.memory_space<hbm>> -> memref<1x512xf32, #tpu.memory_space<hbm>>
      tpu.wait_dma2 semaphore(%arg21 : memref<!tpu.dma_semaphore, #tpu.memory_space<semaphore_mem>>) src(%dma_wait3A_581 : memref<1x512xf32, #tpu.memory_space<hbm>>) dst(%arg13 : memref<1x512xf32, #tpu.memory_space<vmem>>)
      %dma_wait3A_582 = arith.constant 0 : i32
      %dma_wait3A_583 = arith.constant 0 : i32
      %dma_wait3A_584 = arith.constant 0 : i32
      %dma_wait3A_585 = tpu.memref_slice %arg4[%dma_wait3A_582, %dma_wait3A_583, %dma_wait3A_584] : memref<128x16x512xf32, #tpu.memory_space<hbm>> -> memref<1x16x512xf32, #tpu.memory_space<hbm>>
      %dma_wait3A_586 = tpu.memref_squeeze %dma_wait3A_585 : memref<1x16x512xf32, #tpu.memory_space<hbm>> -> memref<16x512xf32, #tpu.memory_space<hbm>>
      %dma_wait3A_587 = arith.constant 0 : i32
      %dma_wait3A_588 = arith.constant 0 : i32
      %dma_wait3A_589 = tpu.memref_slice %arg4[%dma_wait3A_582, %dma_wait3A_587, %dma_wait3A_588] : memref<128x16x512xf32, #tpu.memory_space<hbm>> -> memref<1x16x512xf32, #tpu.memory_space<hbm>>
      %dma_wait3A_590 = tpu.memref_squeeze %dma_wait3A_589 : memref<1x16x512xf32, #tpu.memory_space<hbm>> -> memref<16x512xf32, #tpu.memory_space<hbm>>
      tpu.wait_dma2 semaphore(%arg21 : memref<!tpu.dma_semaphore, #tpu.memory_space<semaphore_mem>>) src(%dma_wait3A_590 : memref<16x512xf32, #tpu.memory_space<hbm>>) dst(%arg15 : memref<16x512xf32, #tpu.memory_space<vmem>>)
      %dma_wait3A_591 = arith.constant 0 : i32
      %dma_wait3A_592 = arith.constant 0 : i32
      %dma_wait3A_593 = arith.constant 0 : i32
      %dma_wait3A_594 = tpu.memref_slice %arg6[%dma_wait3A_591, %dma_wait3A_592, %dma_wait3A_593] : memref<10000x60x512xf32, #tpu.memory_space<hbm>> -> memref<1x60x512xf32, #tpu.memory_space<hbm>>
      %dma_wait3A_595 = tpu.memref_squeeze %dma_wait3A_594 : memref<1x60x512xf32, #tpu.memory_space<hbm>> -> memref<60x512xf32, #tpu.memory_space<hbm>>
      %dma_wait3A_596 = arith.constant 0 : i32
      %dma_wait3A_597 = arith.constant 0 : i32
      %dma_wait3A_598 = tpu.memref_slice %arg6[%dma_wait3A_591, %dma_wait3A_596, %dma_wait3A_597] : memref<10000x60x512xf32, #tpu.memory_space<hbm>> -> memref<1x60x512xf32, #tpu.memory_space<hbm>>
      %dma_wait3A_599 = tpu.memref_squeeze %dma_wait3A_598 : memref<1x60x512xf32, #tpu.memory_space<hbm>> -> memref<60x512xf32, #tpu.memory_space<hbm>>
      tpu.wait_dma2 semaphore(%arg21 : memref<!tpu.dma_semaphore, #tpu.memory_space<semaphore_mem>>) src(%dma_wait3A_599 : memref<60x512xf32, #tpu.memory_space<hbm>>) dst(%arg17 : memref<60x512xf32, #tpu.memory_space<vmem>>)
      %add3A_600 = arith.addi %mul3A_2, %add3A_572 : i32
      %gt3A_601 = arith.constant 0 : i32
      %gt3A_602 = arith.cmpi sgt, %add3A_572, %gt3A_601 : i32
      %convert_element_type3A_603 = arith.extui %gt3A_602 : i1 to i32
      %cond3A_604 = arith.constant 0 : i32
      %cond3A_605 = arith.cmpi ne, %convert_element_type3A_603, %cond3A_604 : i32
      scf.if %cond3A_605 {
        %dma_wait3A_689 = arith.constant 48 : i32
        %dma_wait3A_690 = arith.constant 0 : i32
        %dma_wait3A_691 = tpu.memref_slice %arg7[%add3A_600, %dma_wait3A_689, %dma_wait3A_690] : memref<1024x77x512xf32, #tpu.memory_space<hbm>> -> memref<1x24x512xf32, #tpu.memory_space<hbm>>
        %dma_wait3A_692 = tpu.memref_squeeze %dma_wait3A_691 : memref<1x24x512xf32, #tpu.memory_space<hbm>> -> memref<24x512xf32, #tpu.memory_space<hbm>>
        %dma_wait3A_693 = arith.constant 48 : i32
        %dma_wait3A_694 = arith.constant 0 : i32
        %dma_wait3A_695 = tpu.memref_slice %arg7[%add3A_600, %dma_wait3A_693, %dma_wait3A_694] : memref<1024x77x512xf32, #tpu.memory_space<hbm>> -> memref<1x24x512xf32, #tpu.memory_space<hbm>>
        %dma_wait3A_696 = tpu.memref_squeeze %dma_wait3A_695 : memref<1x24x512xf32, #tpu.memory_space<hbm>> -> memref<24x512xf32, #tpu.memory_space<hbm>>
        tpu.wait_dma2 semaphore(%arg22 : memref<!tpu.dma_semaphore, #tpu.memory_space<semaphore_mem>>) src(%arg18 : memref<24x512xf32, #tpu.memory_space<vmem>>) dst(%dma_wait3A_696 : memref<24x512xf32, #tpu.memory_space<hbm>>)
      } else {
      }
      %scan3A_606 = arith.constant 0 : i32
      %scan3A_607 = arith.constant 0 : i32
      %scan3A_608 = arith.constant 32 : i32
      %scan3A_609 = arith.addi %scan3A_607, %scan3A_608 : i32
      %scan3A_610 = arith.constant 1 : i32
      scf.for %scan3A_689 = %scan3A_607 to %scan3A_609 step %scan3A_610  : i32 {
        %mul3A_690 = arith.constant 16 : i32
        %mul3A_691 = arith.muli %scan3A_689, %mul3A_690 : i32
        %multiple_of3A_692 = tpu.assume_multiple %mul3A_691, 8 : i32
        %get3A_693 = arith.constant 0 : i32
        %get3A_694 = arith.index_cast %get3A_693 : i32 to index
        %get3A_695 = arith.index_cast %multiple_of3A_692 : i32 to index
        %get3A_696 = tpu.vector_load %arg13[%get3A_694, %get3A_695] {strides = array<i32>} : memref<1x512xf32, #tpu.memory_space<vmem>>, vector<1x16xf32>,
        %get3A_697 = vector.shape_cast %get3A_696 : vector<1x16xf32> to vector<16xf32>
        %swap3A_698 = arith.constant 0 : i32
        %swap3A_699 = arith.index_cast %swap3A_698 : i32 to index
        %swap3A_700 = arith.index_cast %multiple_of3A_692 : i32 to index
        %swap3A_701 = tpu.vector_load %arg18[%swap3A_699, %swap3A_700] {strides = array<i32>} : memref<24x512xf32, #tpu.memory_space<vmem>>, vector<1x16xf32>,
        %swap3A_702 = vector.shape_cast %swap3A_701 : vector<1x16xf32> to vector<16xf32>
        %swap3A_703 = vector.shape_cast %get3A_697 : vector<16xf32> to vector<1x16xf32>
        tpu.vector_store %arg18[%swap3A_699, %swap3A_700], %swap3A_703 {strides = array<i32>} : memref<24x512xf32, #tpu.memory_space<vmem>>, vector<1x16xf32>,
        %get3A_704 = arith.constant 0 : i32
        %get3A_705 = arith.index_cast %get3A_704 : i32 to index
        %get3A_706 = arith.index_cast %multiple_of3A_692 : i32 to index
        %get3A_707 = tpu.vector_load %arg15[%get3A_705, %get3A_706] {strides = array<i32>} : memref<16x512xf32, #tpu.memory_space<vmem>>, vector<1x16xf32>,
        %get3A_708 = vector.shape_cast %get3A_707 : vector<1x16xf32> to vector<16xf32>
        %swap3A_709 = arith.constant 1 : i32
        %swap3A_710 = arith.index_cast %swap3A_709 : i32 to index
        %swap3A_711 = arith.index_cast %multiple_of3A_692 : i32 to index
        %swap3A_712 = tpu.vector_load %arg18[%swap3A_710, %swap3A_711] {strides = array<i32>} : memref<24x512xf32, #tpu.memory_space<vmem>>, vector<1x16xf32>,
        %swap3A_713 = vector.shape_cast %swap3A_712 : vector<1x16xf32> to vector<16xf32>
        %swap3A_714 = vector.shape_cast %get3A_708 : vector<16xf32> to vector<1x16xf32>
        tpu.vector_store %arg18[%swap3A_710, %swap3A_711], %swap3A_714 {strides = array<i32>} : memref<24x512xf32, #tpu.memory_space<vmem>>, vector<1x16xf32>,
        %get3A_715 = arith.constant 1 : i32
        %get3A_716 = arith.index_cast %get3A_715 : i32 to index
        %get3A_717 = arith.index_cast %multiple_of3A_692 : i32 to index
        %get3A_718 = tpu.vector_load %arg15[%get3A_716, %get3A_717] {strides = array<i32>} : memref<16x512xf32, #tpu.memory_space<vmem>>, vector<1x16xf32>,
        %get3A_719 = vector.shape_cast %get3A_718 : vector<1x16xf32> to vector<16xf32>
        %swap3A_720 = arith.constant 2 : i32
        %swap3A_721 = arith.index_cast %swap3A_720 : i32 to index
        %swap3A_722 = arith.index_cast %multiple_of3A_692 : i32 to index
        %swap3A_723 = tpu.vector_load %arg18[%swap3A_721, %swap3A_722] {strides = array<i32>} : memref<24x512xf32, #tpu.memory_space<vmem>>, vector<1x16xf32>,
        %swap3A_724 = vector.shape_cast %swap3A_723 : vector<1x16xf32> to vector<16xf32>
        %swap3A_725 = vector.shape_cast %get3A_719 : vector<16xf32> to vector<1x16xf32>
        tpu.vector_store %arg18[%swap3A_721, %swap3A_722], %swap3A_725 {strides = array<i32>} : memref<24x512xf32, #tpu.memory_space<vmem>>, vector<1x16xf32>,
        %get3A_726 = arith.constant 2 : i32
        %get3A_727 = arith.index_cast %get3A_726 : i32 to index
        %get3A_728 = arith.index_cast %multiple_of3A_692 : i32 to index
        %get3A_729 = tpu.vector_load %arg15[%get3A_727, %get3A_728] {strides = array<i32>} : memref<16x512xf32, #tpu.memory_space<vmem>>, vector<1x16xf32>,
        %get3A_730 = vector.shape_cast %get3A_729 : vector<1x16xf32> to vector<16xf32>
        %swap3A_731 = arith.constant 3 : i32
        %swap3A_732 = arith.index_cast %swap3A_731 : i32 to index
        %swap3A_733 = arith.index_cast %multiple_of3A_692 : i32 to index
        %swap3A_734 = tpu.vector_load %arg18[%swap3A_732, %swap3A_733] {strides = array<i32>} : memref<24x512xf32, #tpu.memory_space<vmem>>, vector<1x16xf32>,
        %swap3A_735 = vector.shape_cast %swap3A_734 : vector<1x16xf32> to vector<16xf32>
        %swap3A_736 = vector.shape_cast %get3A_730 : vector<16xf32> to vector<1x16xf32>
        tpu.vector_store %arg18[%swap3A_732, %swap3A_733], %swap3A_736 {strides = array<i32>} : memref<24x512xf32, #tpu.memory_space<vmem>>, vector<1x16xf32>,
        %get3A_737 = arith.constant 3 : i32
        %get3A_738 = arith.index_cast %get3A_737 : i32 to index
        %get3A_739 = arith.index_cast %multiple_of3A_692 : i32 to index
        %get3A_740 = tpu.vector_load %arg15[%get3A_738, %get3A_739] {strides = array<i32>} : memref<16x512xf32, #tpu.memory_space<vmem>>, vector<1x16xf32>,
        %get3A_741 = vector.shape_cast %get3A_740 : vector<1x16xf32> to vector<16xf32>
        %swap3A_742 = arith.constant 4 : i32
        %swap3A_743 = arith.index_cast %swap3A_742 : i32 to index
        %swap3A_744 = arith.index_cast %multiple_of3A_692 : i32 to index
        %swap3A_745 = tpu.vector_load %arg18[%swap3A_743, %swap3A_744] {strides = array<i32>} : memref<24x512xf32, #tpu.memory_space<vmem>>, vector<1x16xf32>,
        %swap3A_746 = vector.shape_cast %swap3A_745 : vector<1x16xf32> to vector<16xf32>
        %swap3A_747 = vector.shape_cast %get3A_741 : vector<16xf32> to vector<1x16xf32>
        tpu.vector_store %arg18[%swap3A_743, %swap3A_744], %swap3A_747 {strides = array<i32>} : memref<24x512xf32, #tpu.memory_space<vmem>>, vector<1x16xf32>,
        %get3A_748 = arith.constant 4 : i32
        %get3A_749 = arith.index_cast %get3A_748 : i32 to index
        %get3A_750 = arith.index_cast %multiple_of3A_692 : i32 to index
        %get3A_751 = tpu.vector_load %arg15[%get3A_749, %get3A_750] {strides = array<i32>} : memref<16x512xf32, #tpu.memory_space<vmem>>, vector<1x16xf32>,
        %get3A_752 = vector.shape_cast %get3A_751 : vector<1x16xf32> to vector<16xf32>
        %swap3A_753 = arith.constant 5 : i32
        %swap3A_754 = arith.index_cast %swap3A_753 : i32 to index
        %swap3A_755 = arith.index_cast %multiple_of3A_692 : i32 to index
        %swap3A_756 = tpu.vector_load %arg18[%swap3A_754, %swap3A_755] {strides = array<i32>} : memref<24x512xf32, #tpu.memory_space<vmem>>, vector<1x16xf32>,
        %swap3A_757 = vector.shape_cast %swap3A_756 : vector<1x16xf32> to vector<16xf32>
        %swap3A_758 = vector.shape_cast %get3A_752 : vector<16xf32> to vector<1x16xf32>
        tpu.vector_store %arg18[%swap3A_754, %swap3A_755], %swap3A_758 {strides = array<i32>} : memref<24x512xf32, #tpu.memory_space<vmem>>, vector<1x16xf32>,
        %get3A_759 = arith.constant 5 : i32
        %get3A_760 = arith.index_cast %get3A_759 : i32 to index
        %get3A_761 = arith.index_cast %multiple_of3A_692 : i32 to index
        %get3A_762 = tpu.vector_load %arg15[%get3A_760, %get3A_761] {strides = array<i32>} : memref<16x512xf32, #tpu.memory_space<vmem>>, vector<1x16xf32>,
        %get3A_763 = vector.shape_cast %get3A_762 : vector<1x16xf32> to vector<16xf32>
        %swap3A_764 = arith.constant 6 : i32
        %swap3A_765 = arith.index_cast %swap3A_764 : i32 to index
        %swap3A_766 = arith.index_cast %multiple_of3A_692 : i32 to index
        %swap3A_767 = tpu.vector_load %arg18[%swap3A_765, %swap3A_766] {strides = array<i32>} : memref<24x512xf32, #tpu.memory_space<vmem>>, vector<1x16xf32>,
        %swap3A_768 = vector.shape_cast %swap3A_767 : vector<1x16xf32> to vector<16xf32>
        %swap3A_769 = vector.shape_cast %get3A_763 : vector<16xf32> to vector<1x16xf32>
        tpu.vector_store %arg18[%swap3A_765, %swap3A_766], %swap3A_769 {strides = array<i32>} : memref<24x512xf32, #tpu.memory_space<vmem>>, vector<1x16xf32>,
        %get3A_770 = arith.constant 6 : i32
        %get3A_771 = arith.index_cast %get3A_770 : i32 to index
        %get3A_772 = arith.index_cast %multiple_of3A_692 : i32 to index
        %get3A_773 = tpu.vector_load %arg15[%get3A_771, %get3A_772] {strides = array<i32>} : memref<16x512xf32, #tpu.memory_space<vmem>>, vector<1x16xf32>,
        %get3A_774 = vector.shape_cast %get3A_773 : vector<1x16xf32> to vector<16xf32>
        %swap3A_775 = arith.constant 7 : i32
        %swap3A_776 = arith.index_cast %swap3A_775 : i32 to index
        %swap3A_777 = arith.index_cast %multiple_of3A_692 : i32 to index
        %swap3A_778 = tpu.vector_load %arg18[%swap3A_776, %swap3A_777] {strides = array<i32>} : memref<24x512xf32, #tpu.memory_space<vmem>>, vector<1x16xf32>,
        %swap3A_779 = vector.shape_cast %swap3A_778 : vector<1x16xf32> to vector<16xf32>
        %swap3A_780 = vector.shape_cast %get3A_774 : vector<16xf32> to vector<1x16xf32>
        tpu.vector_store %arg18[%swap3A_776, %swap3A_777], %swap3A_780 {strides = array<i32>} : memref<24x512xf32, #tpu.memory_space<vmem>>, vector<1x16xf32>,
        %get3A_781 = arith.constant 7 : i32
        %get3A_782 = arith.index_cast %get3A_781 : i32 to index
        %get3A_783 = arith.index_cast %multiple_of3A_692 : i32 to index
        %get3A_784 = tpu.vector_load %arg15[%get3A_782, %get3A_783] {strides = array<i32>} : memref<16x512xf32, #tpu.memory_space<vmem>>, vector<1x16xf32>,
        %get3A_785 = vector.shape_cast %get3A_784 : vector<1x16xf32> to vector<16xf32>
        %swap3A_786 = arith.constant 8 : i32
        %swap3A_787 = arith.index_cast %swap3A_786 : i32 to index
        %swap3A_788 = arith.index_cast %multiple_of3A_692 : i32 to index
        %swap3A_789 = tpu.vector_load %arg18[%swap3A_787, %swap3A_788] {strides = array<i32>} : memref<24x512xf32, #tpu.memory_space<vmem>>, vector<1x16xf32>,
        %swap3A_790 = vector.shape_cast %swap3A_789 : vector<1x16xf32> to vector<16xf32>
        %swap3A_791 = vector.shape_cast %get3A_785 : vector<16xf32> to vector<1x16xf32>
        tpu.vector_store %arg18[%swap3A_787, %swap3A_788], %swap3A_791 {strides = array<i32>} : memref<24x512xf32, #tpu.memory_space<vmem>>, vector<1x16xf32>,
        %get3A_792 = arith.constant 8 : i32
        %get3A_793 = arith.index_cast %get3A_792 : i32 to index
        %get3A_794 = arith.index_cast %multiple_of3A_692 : i32 to index
        %get3A_795 = tpu.vector_load %arg15[%get3A_793, %get3A_794] {strides = array<i32>} : memref<16x512xf32, #tpu.memory_space<vmem>>, vector<1x16xf32>,
        %get3A_796 = vector.shape_cast %get3A_795 : vector<1x16xf32> to vector<16xf32>
        %swap3A_797 = arith.constant 9 : i32
        %swap3A_798 = arith.index_cast %swap3A_797 : i32 to index
        %swap3A_799 = arith.index_cast %multiple_of3A_692 : i32 to index
        %swap3A_800 = tpu.vector_load %arg18[%swap3A_798, %swap3A_799] {strides = array<i32>} : memref<24x512xf32, #tpu.memory_space<vmem>>, vector<1x16xf32>,
        %swap3A_801 = vector.shape_cast %swap3A_800 : vector<1x16xf32> to vector<16xf32>
        %swap3A_802 = vector.shape_cast %get3A_796 : vector<16xf32> to vector<1x16xf32>
        tpu.vector_store %arg18[%swap3A_798, %swap3A_799], %swap3A_802 {strides = array<i32>} : memref<24x512xf32, #tpu.memory_space<vmem>>, vector<1x16xf32>,
        %get3A_803 = arith.constant 9 : i32
        %get3A_804 = arith.index_cast %get3A_803 : i32 to index
        %get3A_805 = arith.index_cast %multiple_of3A_692 : i32 to index
        %get3A_806 = tpu.vector_load %arg15[%get3A_804, %get3A_805] {strides = array<i32>} : memref<16x512xf32, #tpu.memory_space<vmem>>, vector<1x16xf32>,
        %get3A_807 = vector.shape_cast %get3A_806 : vector<1x16xf32> to vector<16xf32>
        %swap3A_808 = arith.constant 10 : i32
        %swap3A_809 = arith.index_cast %swap3A_808 : i32 to index
        %swap3A_810 = arith.index_cast %multiple_of3A_692 : i32 to index
        %swap3A_811 = tpu.vector_load %arg18[%swap3A_809, %swap3A_810] {strides = array<i32>} : memref<24x512xf32, #tpu.memory_space<vmem>>, vector<1x16xf32>,
        %swap3A_812 = vector.shape_cast %swap3A_811 : vector<1x16xf32> to vector<16xf32>
        %swap3A_813 = vector.shape_cast %get3A_807 : vector<16xf32> to vector<1x16xf32>
        tpu.vector_store %arg18[%swap3A_809, %swap3A_810], %swap3A_813 {strides = array<i32>} : memref<24x512xf32, #tpu.memory_space<vmem>>, vector<1x16xf32>,
        %get3A_814 = arith.constant 10 : i32
        %get3A_815 = arith.index_cast %get3A_814 : i32 to index
        %get3A_816 = arith.index_cast %multiple_of3A_692 : i32 to index
        %get3A_817 = tpu.vector_load %arg15[%get3A_815, %get3A_816] {strides = array<i32>} : memref<16x512xf32, #tpu.memory_space<vmem>>, vector<1x16xf32>,
        %get3A_818 = vector.shape_cast %get3A_817 : vector<1x16xf32> to vector<16xf32>
        %swap3A_819 = arith.constant 11 : i32
        %swap3A_820 = arith.index_cast %swap3A_819 : i32 to index
        %swap3A_821 = arith.index_cast %multiple_of3A_692 : i32 to index
        %swap3A_822 = tpu.vector_load %arg18[%swap3A_820, %swap3A_821] {strides = array<i32>} : memref<24x512xf32, #tpu.memory_space<vmem>>, vector<1x16xf32>,
        %swap3A_823 = vector.shape_cast %swap3A_822 : vector<1x16xf32> to vector<16xf32>
        %swap3A_824 = vector.shape_cast %get3A_818 : vector<16xf32> to vector<1x16xf32>
        tpu.vector_store %arg18[%swap3A_820, %swap3A_821], %swap3A_824 {strides = array<i32>} : memref<24x512xf32, #tpu.memory_space<vmem>>, vector<1x16xf32>,
        %get3A_825 = arith.constant 11 : i32
        %get3A_826 = arith.index_cast %get3A_825 : i32 to index
        %get3A_827 = arith.index_cast %multiple_of3A_692 : i32 to index
        %get3A_828 = tpu.vector_load %arg15[%get3A_826, %get3A_827] {strides = array<i32>} : memref<16x512xf32, #tpu.memory_space<vmem>>, vector<1x16xf32>,
        %get3A_829 = vector.shape_cast %get3A_828 : vector<1x16xf32> to vector<16xf32>
        %swap3A_830 = arith.constant 12 : i32
        %swap3A_831 = arith.index_cast %swap3A_830 : i32 to index
        %swap3A_832 = arith.index_cast %multiple_of3A_692 : i32 to index
        %swap3A_833 = tpu.vector_load %arg18[%swap3A_831, %swap3A_832] {strides = array<i32>} : memref<24x512xf32, #tpu.memory_space<vmem>>, vector<1x16xf32>,
        %swap3A_834 = vector.shape_cast %swap3A_833 : vector<1x16xf32> to vector<16xf32>
        %swap3A_835 = vector.shape_cast %get3A_829 : vector<16xf32> to vector<1x16xf32>
        tpu.vector_store %arg18[%swap3A_831, %swap3A_832], %swap3A_835 {strides = array<i32>} : memref<24x512xf32, #tpu.memory_space<vmem>>, vector<1x16xf32>,
        %get3A_836 = arith.constant 12 : i32
        %get3A_837 = arith.index_cast %get3A_836 : i32 to index
        %get3A_838 = arith.index_cast %multiple_of3A_692 : i32 to index
        %get3A_839 = tpu.vector_load %arg15[%get3A_837, %get3A_838] {strides = array<i32>} : memref<16x512xf32, #tpu.memory_space<vmem>>, vector<1x16xf32>,
        %get3A_840 = vector.shape_cast %get3A_839 : vector<1x16xf32> to vector<16xf32>
        %swap3A_841 = arith.constant 13 : i32
        %swap3A_842 = arith.index_cast %swap3A_841 : i32 to index
        %swap3A_843 = arith.index_cast %multiple_of3A_692 : i32 to index
        %swap3A_844 = tpu.vector_load %arg18[%swap3A_842, %swap3A_843] {strides = array<i32>} : memref<24x512xf32, #tpu.memory_space<vmem>>, vector<1x16xf32>,
        %swap3A_845 = vector.shape_cast %swap3A_844 : vector<1x16xf32> to vector<16xf32>
        %swap3A_846 = vector.shape_cast %get3A_840 : vector<16xf32> to vector<1x16xf32>
        tpu.vector_store %arg18[%swap3A_842, %swap3A_843], %swap3A_846 {strides = array<i32>} : memref<24x512xf32, #tpu.memory_space<vmem>>, vector<1x16xf32>,
        %get3A_847 = arith.constant 13 : i32
        %get3A_848 = arith.index_cast %get3A_847 : i32 to index
        %get3A_849 = arith.index_cast %multiple_of3A_692 : i32 to index
        %get3A_850 = tpu.vector_load %arg15[%get3A_848, %get3A_849] {strides = array<i32>} : memref<16x512xf32, #tpu.memory_space<vmem>>, vector<1x16xf32>,
        %get3A_851 = vector.shape_cast %get3A_850 : vector<1x16xf32> to vector<16xf32>
        %swap3A_852 = arith.constant 14 : i32
        %swap3A_853 = arith.index_cast %swap3A_852 : i32 to index
        %swap3A_854 = arith.index_cast %multiple_of3A_692 : i32 to index
        %swap3A_855 = tpu.vector_load %arg18[%swap3A_853, %swap3A_854] {strides = array<i32>} : memref<24x512xf32, #tpu.memory_space<vmem>>, vector<1x16xf32>,
        %swap3A_856 = vector.shape_cast %swap3A_855 : vector<1x16xf32> to vector<16xf32>
        %swap3A_857 = vector.shape_cast %get3A_851 : vector<16xf32> to vector<1x16xf32>
        tpu.vector_store %arg18[%swap3A_853, %swap3A_854], %swap3A_857 {strides = array<i32>} : memref<24x512xf32, #tpu.memory_space<vmem>>, vector<1x16xf32>,
        %get3A_858 = arith.constant 14 : i32
        %get3A_859 = arith.index_cast %get3A_858 : i32 to index
        %get3A_860 = arith.index_cast %multiple_of3A_692 : i32 to index
        %get3A_861 = tpu.vector_load %arg15[%get3A_859, %get3A_860] {strides = array<i32>} : memref<16x512xf32, #tpu.memory_space<vmem>>, vector<1x16xf32>,
        %get3A_862 = vector.shape_cast %get3A_861 : vector<1x16xf32> to vector<16xf32>
        %swap3A_863 = arith.constant 15 : i32
        %swap3A_864 = arith.index_cast %swap3A_863 : i32 to index
        %swap3A_865 = arith.index_cast %multiple_of3A_692 : i32 to index
        %swap3A_866 = tpu.vector_load %arg18[%swap3A_864, %swap3A_865] {strides = array<i32>} : memref<24x512xf32, #tpu.memory_space<vmem>>, vector<1x16xf32>,
        %swap3A_867 = vector.shape_cast %swap3A_866 : vector<1x16xf32> to vector<16xf32>
        %swap3A_868 = vector.shape_cast %get3A_862 : vector<16xf32> to vector<1x16xf32>
        tpu.vector_store %arg18[%swap3A_864, %swap3A_865], %swap3A_868 {strides = array<i32>} : memref<24x512xf32, #tpu.memory_space<vmem>>, vector<1x16xf32>,
        %get3A_869 = arith.constant 15 : i32
        %get3A_870 = arith.index_cast %get3A_869 : i32 to index
        %get3A_871 = arith.index_cast %multiple_of3A_692 : i32 to index
        %get3A_872 = tpu.vector_load %arg15[%get3A_870, %get3A_871] {strides = array<i32>} : memref<16x512xf32, #tpu.memory_space<vmem>>, vector<1x16xf32>,
        %get3A_873 = vector.shape_cast %get3A_872 : vector<1x16xf32> to vector<16xf32>
        %swap3A_874 = arith.constant 16 : i32
        %swap3A_875 = arith.index_cast %swap3A_874 : i32 to index
        %swap3A_876 = arith.index_cast %multiple_of3A_692 : i32 to index
        %swap3A_877 = tpu.vector_load %arg18[%swap3A_875, %swap3A_876] {strides = array<i32>} : memref<24x512xf32, #tpu.memory_space<vmem>>, vector<1x16xf32>,
        %swap3A_878 = vector.shape_cast %swap3A_877 : vector<1x16xf32> to vector<16xf32>
        %swap3A_879 = vector.shape_cast %get3A_873 : vector<16xf32> to vector<1x16xf32>
        tpu.vector_store %arg18[%swap3A_875, %swap3A_876], %swap3A_879 {strides = array<i32>} : memref<24x512xf32, #tpu.memory_space<vmem>>, vector<1x16xf32>,
        %get3A_880 = arith.constant 0 : i32
        %get3A_881 = arith.index_cast %get3A_880 : i32 to index
        %get3A_882 = arith.index_cast %multiple_of3A_692 : i32 to index
        %get3A_883 = tpu.vector_load %arg17[%get3A_881, %get3A_882] {strides = array<i32>} : memref<60x512xf32, #tpu.memory_space<vmem>>, vector<1x16xf32>,
        %get3A_884 = vector.shape_cast %get3A_883 : vector<1x16xf32> to vector<16xf32>
        %swap3A_885 = arith.constant 17 : i32
        %swap3A_886 = arith.index_cast %swap3A_885 : i32 to index
        %swap3A_887 = arith.index_cast %multiple_of3A_692 : i32 to index
        %swap3A_888 = tpu.vector_load %arg18[%swap3A_886, %swap3A_887] {strides = array<i32>} : memref<24x512xf32, #tpu.memory_space<vmem>>, vector<1x16xf32>,
        %swap3A_889 = vector.shape_cast %swap3A_888 : vector<1x16xf32> to vector<16xf32>
        %swap3A_890 = vector.shape_cast %get3A_884 : vector<16xf32> to vector<1x16xf32>
        tpu.vector_store %arg18[%swap3A_886, %swap3A_887], %swap3A_890 {strides = array<i32>} : memref<24x512xf32, #tpu.memory_space<vmem>>, vector<1x16xf32>,
        %get3A_891 = arith.constant 1 : i32
        %get3A_892 = arith.index_cast %get3A_891 : i32 to index
        %get3A_893 = arith.index_cast %multiple_of3A_692 : i32 to index
        %get3A_894 = tpu.vector_load %arg17[%get3A_892, %get3A_893] {strides = array<i32>} : memref<60x512xf32, #tpu.memory_space<vmem>>, vector<1x16xf32>,
        %get3A_895 = vector.shape_cast %get3A_894 : vector<1x16xf32> to vector<16xf32>
        %swap3A_896 = arith.constant 18 : i32
        %swap3A_897 = arith.index_cast %swap3A_896 : i32 to index
        %swap3A_898 = arith.index_cast %multiple_of3A_692 : i32 to index
        %swap3A_899 = tpu.vector_load %arg18[%swap3A_897, %swap3A_898] {strides = array<i32>} : memref<24x512xf32, #tpu.memory_space<vmem>>, vector<1x16xf32>,
        %swap3A_900 = vector.shape_cast %swap3A_899 : vector<1x16xf32> to vector<16xf32>
        %swap3A_901 = vector.shape_cast %get3A_895 : vector<16xf32> to vector<1x16xf32>
        tpu.vector_store %arg18[%swap3A_897, %swap3A_898], %swap3A_901 {strides = array<i32>} : memref<24x512xf32, #tpu.memory_space<vmem>>, vector<1x16xf32>,
        %get3A_902 = arith.constant 2 : i32
        %get3A_903 = arith.index_cast %get3A_902 : i32 to index
        %get3A_904 = arith.index_cast %multiple_of3A_692 : i32 to index
        %get3A_905 = tpu.vector_load %arg17[%get3A_903, %get3A_904] {strides = array<i32>} : memref<60x512xf32, #tpu.memory_space<vmem>>, vector<1x16xf32>,
        %get3A_906 = vector.shape_cast %get3A_905 : vector<1x16xf32> to vector<16xf32>
        %swap3A_907 = arith.constant 19 : i32
        %swap3A_908 = arith.index_cast %swap3A_907 : i32 to index
        %swap3A_909 = arith.index_cast %multiple_of3A_692 : i32 to index
        %swap3A_910 = tpu.vector_load %arg18[%swap3A_908, %swap3A_909] {strides = array<i32>} : memref<24x512xf32, #tpu.memory_space<vmem>>, vector<1x16xf32>,
        %swap3A_911 = vector.shape_cast %swap3A_910 : vector<1x16xf32> to vector<16xf32>
        %swap3A_912 = vector.shape_cast %get3A_906 : vector<16xf32> to vector<1x16xf32>
        tpu.vector_store %arg18[%swap3A_908, %swap3A_909], %swap3A_912 {strides = array<i32>} : memref<24x512xf32, #tpu.memory_space<vmem>>, vector<1x16xf32>,
        %get3A_913 = arith.constant 3 : i32
        %get3A_914 = arith.index_cast %get3A_913 : i32 to index
        %get3A_915 = arith.index_cast %multiple_of3A_692 : i32 to index
        %get3A_916 = tpu.vector_load %arg17[%get3A_914, %get3A_915] {strides = array<i32>} : memref<60x512xf32, #tpu.memory_space<vmem>>, vector<1x16xf32>,
        %get3A_917 = vector.shape_cast %get3A_916 : vector<1x16xf32> to vector<16xf32>
        %swap3A_918 = arith.constant 20 : i32
        %swap3A_919 = arith.index_cast %swap3A_918 : i32 to index
        %swap3A_920 = arith.index_cast %multiple_of3A_692 : i32 to index
        %swap3A_921 = tpu.vector_load %arg18[%swap3A_919, %swap3A_920] {strides = array<i32>} : memref<24x512xf32, #tpu.memory_space<vmem>>, vector<1x16xf32>,
        %swap3A_922 = vector.shape_cast %swap3A_921 : vector<1x16xf32> to vector<16xf32>
        %swap3A_923 = vector.shape_cast %get3A_917 : vector<16xf32> to vector<1x16xf32>
        tpu.vector_store %arg18[%swap3A_919, %swap3A_920], %swap3A_923 {strides = array<i32>} : memref<24x512xf32, #tpu.memory_space<vmem>>, vector<1x16xf32>,
        %get3A_924 = arith.constant 4 : i32
        %get3A_925 = arith.index_cast %get3A_924 : i32 to index
        %get3A_926 = arith.index_cast %multiple_of3A_692 : i32 to index
        %get3A_927 = tpu.vector_load %arg17[%get3A_925, %get3A_926] {strides = array<i32>} : memref<60x512xf32, #tpu.memory_space<vmem>>, vector<1x16xf32>,
        %get3A_928 = vector.shape_cast %get3A_927 : vector<1x16xf32> to vector<16xf32>
        %swap3A_929 = arith.constant 21 : i32
        %swap3A_930 = arith.index_cast %swap3A_929 : i32 to index
        %swap3A_931 = arith.index_cast %multiple_of3A_692 : i32 to index
        %swap3A_932 = tpu.vector_load %arg18[%swap3A_930, %swap3A_931] {strides = array<i32>} : memref<24x512xf32, #tpu.memory_space<vmem>>, vector<1x16xf32>,
        %swap3A_933 = vector.shape_cast %swap3A_932 : vector<1x16xf32> to vector<16xf32>
        %swap3A_934 = vector.shape_cast %get3A_928 : vector<16xf32> to vector<1x16xf32>
        tpu.vector_store %arg18[%swap3A_930, %swap3A_931], %swap3A_934 {strides = array<i32>} : memref<24x512xf32, #tpu.memory_space<vmem>>, vector<1x16xf32>,
        %get3A_935 = arith.constant 5 : i32
        %get3A_936 = arith.index_cast %get3A_935 : i32 to index
        %get3A_937 = arith.index_cast %multiple_of3A_692 : i32 to index
        %get3A_938 = tpu.vector_load %arg17[%get3A_936, %get3A_937] {strides = array<i32>} : memref<60x512xf32, #tpu.memory_space<vmem>>, vector<1x16xf32>,
        %get3A_939 = vector.shape_cast %get3A_938 : vector<1x16xf32> to vector<16xf32>
        %swap3A_940 = arith.constant 22 : i32
        %swap3A_941 = arith.index_cast %swap3A_940 : i32 to index
        %swap3A_942 = arith.index_cast %multiple_of3A_692 : i32 to index
        %swap3A_943 = tpu.vector_load %arg18[%swap3A_941, %swap3A_942] {strides = array<i32>} : memref<24x512xf32, #tpu.memory_space<vmem>>, vector<1x16xf32>,
        %swap3A_944 = vector.shape_cast %swap3A_943 : vector<1x16xf32> to vector<16xf32>
        %swap3A_945 = vector.shape_cast %get3A_939 : vector<16xf32> to vector<1x16xf32>
        tpu.vector_store %arg18[%swap3A_941, %swap3A_942], %swap3A_945 {strides = array<i32>} : memref<24x512xf32, #tpu.memory_space<vmem>>, vector<1x16xf32>,
        %get3A_946 = arith.constant 6 : i32
        %get3A_947 = arith.index_cast %get3A_946 : i32 to index
        %get3A_948 = arith.index_cast %multiple_of3A_692 : i32 to index
        %get3A_949 = tpu.vector_load %arg17[%get3A_947, %get3A_948] {strides = array<i32>} : memref<60x512xf32, #tpu.memory_space<vmem>>, vector<1x16xf32>,
        %get3A_950 = vector.shape_cast %get3A_949 : vector<1x16xf32> to vector<16xf32>
        %swap3A_951 = arith.constant 23 : i32
        %swap3A_952 = arith.index_cast %swap3A_951 : i32 to index
        %swap3A_953 = arith.index_cast %multiple_of3A_692 : i32 to index
        %swap3A_954 = tpu.vector_load %arg18[%swap3A_952, %swap3A_953] {strides = array<i32>} : memref<24x512xf32, #tpu.memory_space<vmem>>, vector<1x16xf32>,
        %swap3A_955 = vector.shape_cast %swap3A_954 : vector<1x16xf32> to vector<16xf32>
        %swap3A_956 = vector.shape_cast %get3A_950 : vector<16xf32> to vector<1x16xf32>
        tpu.vector_store %arg18[%swap3A_952, %swap3A_953], %swap3A_956 {strides = array<i32>} : memref<24x512xf32, #tpu.memory_space<vmem>>, vector<1x16xf32>,
      }
      %scan3A_611 = arith.constant 32 : i32
      %dma_start3A_612 = arith.constant 0 : i32
      %dma_start3A_613 = arith.constant 0 : i32
      %dma_start3A_614 = tpu.memref_slice %arg7[%add3A_600, %dma_start3A_612, %dma_start3A_613] : memref<1024x77x512xf32, #tpu.memory_space<hbm>> -> memref<1x24x512xf32, #tpu.memory_space<hbm>>
      %dma_start3A_615 = tpu.memref_squeeze %dma_start3A_614 : memref<1x24x512xf32, #tpu.memory_space<hbm>> -> memref<24x512xf32, #tpu.memory_space<hbm>>
      %dma_start3A_616 = arith.constant 0 : i32
      %dma_start3A_617 = arith.constant 0 : i32
      %dma_start3A_618 = tpu.memref_slice %arg7[%add3A_600, %dma_start3A_616, %dma_start3A_617] : memref<1024x77x512xf32, #tpu.memory_space<hbm>> -> memref<1x24x512xf32, #tpu.memory_space<hbm>>
      %dma_start3A_619 = tpu.memref_squeeze %dma_start3A_618 : memref<1x24x512xf32, #tpu.memory_space<hbm>> -> memref<24x512xf32, #tpu.memory_space<hbm>>
      tpu.enqueue_dma source(%arg18 : memref<24x512xf32, #tpu.memory_space<vmem>>) target(%dma_start3A_619 : memref<24x512xf32, #tpu.memory_space<hbm>>) target_semaphore(%arg22 : memref<!tpu.dma_semaphore, #tpu.memory_space<semaphore_mem>>)
      %gt3A_620 = arith.constant 0 : i32
      %gt3A_621 = arith.cmpi sgt, %add3A_572, %gt3A_620 : i32
      %convert_element_type3A_622 = arith.extui %gt3A_621 : i1 to i32
      %cond3A_623 = arith.constant 0 : i32
      %cond3A_624 = arith.cmpi ne, %convert_element_type3A_622, %cond3A_623 : i32
      scf.if %cond3A_624 {
        %dma_wait3A_689 = arith.constant 0 : i32
        %dma_wait3A_690 = arith.constant 0 : i32
        %dma_wait3A_691 = tpu.memref_slice %arg19[%dma_wait3A_689, %dma_wait3A_690] : memref<24x512xf32, #tpu.memory_space<vmem>> -> memref<5x512xf32, #tpu.memory_space<vmem>>
        %dma_wait3A_692 = arith.constant 72 : i32
        %dma_wait3A_693 = arith.constant 0 : i32
        %dma_wait3A_694 = tpu.memref_slice %arg7[%add3A_600, %dma_wait3A_692, %dma_wait3A_693] : memref<1024x77x512xf32, #tpu.memory_space<hbm>> -> memref<1x5x512xf32, #tpu.memory_space<hbm>>
        %dma_wait3A_695 = tpu.memref_squeeze %dma_wait3A_694 : memref<1x5x512xf32, #tpu.memory_space<hbm>> -> memref<5x512xf32, #tpu.memory_space<hbm>>
        %dma_wait3A_696 = arith.constant 72 : i32
        %dma_wait3A_697 = arith.constant 0 : i32
        %dma_wait3A_698 = tpu.memref_slice %arg7[%add3A_600, %dma_wait3A_696, %dma_wait3A_697] : memref<1024x77x512xf32, #tpu.memory_space<hbm>> -> memref<1x5x512xf32, #tpu.memory_space<hbm>>
        %dma_wait3A_699 = tpu.memref_squeeze %dma_wait3A_698 : memref<1x5x512xf32, #tpu.memory_space<hbm>> -> memref<5x512xf32, #tpu.memory_space<hbm>>
        %dma_wait3A_700 = arith.constant 0 : i32
        %dma_wait3A_701 = arith.constant 0 : i32
        %dma_wait3A_702 = tpu.memref_slice %arg19[%dma_wait3A_700, %dma_wait3A_701] : memref<24x512xf32, #tpu.memory_space<vmem>> -> memref<5x512xf32, #tpu.memory_space<vmem>>
        tpu.wait_dma2 semaphore(%arg23 : memref<!tpu.dma_semaphore, #tpu.memory_space<semaphore_mem>>) src(%dma_wait3A_702 : memref<5x512xf32, #tpu.memory_space<vmem>>) dst(%dma_wait3A_699 : memref<5x512xf32, #tpu.memory_space<hbm>>)
      } else {
      }
      %scan3A_625 = arith.constant 0 : i32
      %scan3A_626 = arith.constant 0 : i32
      %scan3A_627 = arith.constant 32 : i32
      %scan3A_628 = arith.addi %scan3A_626, %scan3A_627 : i32
      %scan3A_629 = arith.constant 1 : i32
      scf.for %scan3A_689 = %scan3A_626 to %scan3A_628 step %scan3A_629  : i32 {
        %mul3A_690 = arith.constant 16 : i32
        %mul3A_691 = arith.muli %scan3A_689, %mul3A_690 : i32
        %multiple_of3A_692 = tpu.assume_multiple %mul3A_691, 8 : i32
        %get3A_693 = arith.constant 7 : i32
        %get3A_694 = arith.index_cast %get3A_693 : i32 to index
        %get3A_695 = arith.index_cast %multiple_of3A_692 : i32 to index
        %get3A_696 = tpu.vector_load %arg17[%get3A_694, %get3A_695] {strides = array<i32>} : memref<60x512xf32, #tpu.memory_space<vmem>>, vector<1x16xf32>,
        %get3A_697 = vector.shape_cast %get3A_696 : vector<1x16xf32> to vector<16xf32>
        %swap3A_698 = arith.constant 0 : i32
        %swap3A_699 = arith.index_cast %swap3A_698 : i32 to index
        %swap3A_700 = arith.index_cast %multiple_of3A_692 : i32 to index
        %swap3A_701 = tpu.vector_load %arg19[%swap3A_699, %swap3A_700] {strides = array<i32>} : memref<24x512xf32, #tpu.memory_space<vmem>>, vector<1x16xf32>,
        %swap3A_702 = vector.shape_cast %swap3A_701 : vector<1x16xf32> to vector<16xf32>
        %swap3A_703 = vector.shape_cast %get3A_697 : vector<16xf32> to vector<1x16xf32>
        tpu.vector_store %arg19[%swap3A_699, %swap3A_700], %swap3A_703 {strides = array<i32>} : memref<24x512xf32, #tpu.memory_space<vmem>>, vector<1x16xf32>,
        %get3A_704 = arith.constant 8 : i32
        %get3A_705 = arith.index_cast %get3A_704 : i32 to index
        %get3A_706 = arith.index_cast %multiple_of3A_692 : i32 to index
        %get3A_707 = tpu.vector_load %arg17[%get3A_705, %get3A_706] {strides = array<i32>} : memref<60x512xf32, #tpu.memory_space<vmem>>, vector<1x16xf32>,
        %get3A_708 = vector.shape_cast %get3A_707 : vector<1x16xf32> to vector<16xf32>
        %swap3A_709 = arith.constant 1 : i32
        %swap3A_710 = arith.index_cast %swap3A_709 : i32 to index
        %swap3A_711 = arith.index_cast %multiple_of3A_692 : i32 to index
        %swap3A_712 = tpu.vector_load %arg19[%swap3A_710, %swap3A_711] {strides = array<i32>} : memref<24x512xf32, #tpu.memory_space<vmem>>, vector<1x16xf32>,
        %swap3A_713 = vector.shape_cast %swap3A_712 : vector<1x16xf32> to vector<16xf32>
        %swap3A_714 = vector.shape_cast %get3A_708 : vector<16xf32> to vector<1x16xf32>
        tpu.vector_store %arg19[%swap3A_710, %swap3A_711], %swap3A_714 {strides = array<i32>} : memref<24x512xf32, #tpu.memory_space<vmem>>, vector<1x16xf32>,
        %get3A_715 = arith.constant 9 : i32
        %get3A_716 = arith.index_cast %get3A_715 : i32 to index
        %get3A_717 = arith.index_cast %multiple_of3A_692 : i32 to index
        %get3A_718 = tpu.vector_load %arg17[%get3A_716, %get3A_717] {strides = array<i32>} : memref<60x512xf32, #tpu.memory_space<vmem>>, vector<1x16xf32>,
        %get3A_719 = vector.shape_cast %get3A_718 : vector<1x16xf32> to vector<16xf32>
        %swap3A_720 = arith.constant 2 : i32
        %swap3A_721 = arith.index_cast %swap3A_720 : i32 to index
        %swap3A_722 = arith.index_cast %multiple_of3A_692 : i32 to index
        %swap3A_723 = tpu.vector_load %arg19[%swap3A_721, %swap3A_722] {strides = array<i32>} : memref<24x512xf32, #tpu.memory_space<vmem>>, vector<1x16xf32>,
        %swap3A_724 = vector.shape_cast %swap3A_723 : vector<1x16xf32> to vector<16xf32>
        %swap3A_725 = vector.shape_cast %get3A_719 : vector<16xf32> to vector<1x16xf32>
        tpu.vector_store %arg19[%swap3A_721, %swap3A_722], %swap3A_725 {strides = array<i32>} : memref<24x512xf32, #tpu.memory_space<vmem>>, vector<1x16xf32>,
        %get3A_726 = arith.constant 10 : i32
        %get3A_727 = arith.index_cast %get3A_726 : i32 to index
        %get3A_728 = arith.index_cast %multiple_of3A_692 : i32 to index
        %get3A_729 = tpu.vector_load %arg17[%get3A_727, %get3A_728] {strides = array<i32>} : memref<60x512xf32, #tpu.memory_space<vmem>>, vector<1x16xf32>,
        %get3A_730 = vector.shape_cast %get3A_729 : vector<1x16xf32> to vector<16xf32>
        %swap3A_731 = arith.constant 3 : i32
        %swap3A_732 = arith.index_cast %swap3A_731 : i32 to index
        %swap3A_733 = arith.index_cast %multiple_of3A_692 : i32 to index
        %swap3A_734 = tpu.vector_load %arg19[%swap3A_732, %swap3A_733] {strides = array<i32>} : memref<24x512xf32, #tpu.memory_space<vmem>>, vector<1x16xf32>,
        %swap3A_735 = vector.shape_cast %swap3A_734 : vector<1x16xf32> to vector<16xf32>
        %swap3A_736 = vector.shape_cast %get3A_730 : vector<16xf32> to vector<1x16xf32>
        tpu.vector_store %arg19[%swap3A_732, %swap3A_733], %swap3A_736 {strides = array<i32>} : memref<24x512xf32, #tpu.memory_space<vmem>>, vector<1x16xf32>,
        %get3A_737 = arith.constant 11 : i32
        %get3A_738 = arith.index_cast %get3A_737 : i32 to index
        %get3A_739 = arith.index_cast %multiple_of3A_692 : i32 to index
        %get3A_740 = tpu.vector_load %arg17[%get3A_738, %get3A_739] {strides = array<i32>} : memref<60x512xf32, #tpu.memory_space<vmem>>, vector<1x16xf32>,
        %get3A_741 = vector.shape_cast %get3A_740 : vector<1x16xf32> to vector<16xf32>
        %swap3A_742 = arith.constant 4 : i32
        %swap3A_743 = arith.index_cast %swap3A_742 : i32 to index
        %swap3A_744 = arith.index_cast %multiple_of3A_692 : i32 to index
        %swap3A_745 = tpu.vector_load %arg19[%swap3A_743, %swap3A_744] {strides = array<i32>} : memref<24x512xf32, #tpu.memory_space<vmem>>, vector<1x16xf32>,
        %swap3A_746 = vector.shape_cast %swap3A_745 : vector<1x16xf32> to vector<16xf32>
        %swap3A_747 = vector.shape_cast %get3A_741 : vector<16xf32> to vector<1x16xf32>
        tpu.vector_store %arg19[%swap3A_743, %swap3A_744], %swap3A_747 {strides = array<i32>} : memref<24x512xf32, #tpu.memory_space<vmem>>, vector<1x16xf32>,
        %get3A_748 = arith.constant 12 : i32
        %get3A_749 = arith.index_cast %get3A_748 : i32 to index
        %get3A_750 = arith.index_cast %multiple_of3A_692 : i32 to index
        %get3A_751 = tpu.vector_load %arg17[%get3A_749, %get3A_750] {strides = array<i32>} : memref<60x512xf32, #tpu.memory_space<vmem>>, vector<1x16xf32>,
        %get3A_752 = vector.shape_cast %get3A_751 : vector<1x16xf32> to vector<16xf32>
        %swap3A_753 = arith.constant 5 : i32
        %swap3A_754 = arith.index_cast %swap3A_753 : i32 to index
        %swap3A_755 = arith.index_cast %multiple_of3A_692 : i32 to index
        %swap3A_756 = tpu.vector_load %arg19[%swap3A_754, %swap3A_755] {strides = array<i32>} : memref<24x512xf32, #tpu.memory_space<vmem>>, vector<1x16xf32>,
        %swap3A_757 = vector.shape_cast %swap3A_756 : vector<1x16xf32> to vector<16xf32>
        %swap3A_758 = vector.shape_cast %get3A_752 : vector<16xf32> to vector<1x16xf32>
        tpu.vector_store %arg19[%swap3A_754, %swap3A_755], %swap3A_758 {strides = array<i32>} : memref<24x512xf32, #tpu.memory_space<vmem>>, vector<1x16xf32>,
        %get3A_759 = arith.constant 13 : i32
        %get3A_760 = arith.index_cast %get3A_759 : i32 to index
        %get3A_761 = arith.index_cast %multiple_of3A_692 : i32 to index
        %get3A_762 = tpu.vector_load %arg17[%get3A_760, %get3A_761] {strides = array<i32>} : memref<60x512xf32, #tpu.memory_space<vmem>>, vector<1x16xf32>,
        %get3A_763 = vector.shape_cast %get3A_762 : vector<1x16xf32> to vector<16xf32>
        %swap3A_764 = arith.constant 6 : i32
        %swap3A_765 = arith.index_cast %swap3A_764 : i32 to index
        %swap3A_766 = arith.index_cast %multiple_of3A_692 : i32 to index
        %swap3A_767 = tpu.vector_load %arg19[%swap3A_765, %swap3A_766] {strides = array<i32>} : memref<24x512xf32, #tpu.memory_space<vmem>>, vector<1x16xf32>,
        %swap3A_768 = vector.shape_cast %swap3A_767 : vector<1x16xf32> to vector<16xf32>
        %swap3A_769 = vector.shape_cast %get3A_763 : vector<16xf32> to vector<1x16xf32>
        tpu.vector_store %arg19[%swap3A_765, %swap3A_766], %swap3A_769 {strides = array<i32>} : memref<24x512xf32, #tpu.memory_space<vmem>>, vector<1x16xf32>,
        %get3A_770 = arith.constant 14 : i32
        %get3A_771 = arith.index_cast %get3A_770 : i32 to index
        %get3A_772 = arith.index_cast %multiple_of3A_692 : i32 to index
        %get3A_773 = tpu.vector_load %arg17[%get3A_771, %get3A_772] {strides = array<i32>} : memref<60x512xf32, #tpu.memory_space<vmem>>, vector<1x16xf32>,
        %get3A_774 = vector.shape_cast %get3A_773 : vector<1x16xf32> to vector<16xf32>
        %swap3A_775 = arith.constant 7 : i32
        %swap3A_776 = arith.index_cast %swap3A_775 : i32 to index
        %swap3A_777 = arith.index_cast %multiple_of3A_692 : i32 to index
        %swap3A_778 = tpu.vector_load %arg19[%swap3A_776, %swap3A_777] {strides = array<i32>} : memref<24x512xf32, #tpu.memory_space<vmem>>, vector<1x16xf32>,
        %swap3A_779 = vector.shape_cast %swap3A_778 : vector<1x16xf32> to vector<16xf32>
        %swap3A_780 = vector.shape_cast %get3A_774 : vector<16xf32> to vector<1x16xf32>
        tpu.vector_store %arg19[%swap3A_776, %swap3A_777], %swap3A_780 {strides = array<i32>} : memref<24x512xf32, #tpu.memory_space<vmem>>, vector<1x16xf32>,
        %get3A_781 = arith.constant 15 : i32
        %get3A_782 = arith.index_cast %get3A_781 : i32 to index
        %get3A_783 = arith.index_cast %multiple_of3A_692 : i32 to index
        %get3A_784 = tpu.vector_load %arg17[%get3A_782, %get3A_783] {strides = array<i32>} : memref<60x512xf32, #tpu.memory_space<vmem>>, vector<1x16xf32>,
        %get3A_785 = vector.shape_cast %get3A_784 : vector<1x16xf32> to vector<16xf32>
        %swap3A_786 = arith.constant 8 : i32
        %swap3A_787 = arith.index_cast %swap3A_786 : i32 to index
        %swap3A_788 = arith.index_cast %multiple_of3A_692 : i32 to index
        %swap3A_789 = tpu.vector_load %arg19[%swap3A_787, %swap3A_788] {strides = array<i32>} : memref<24x512xf32, #tpu.memory_space<vmem>>, vector<1x16xf32>,
        %swap3A_790 = vector.shape_cast %swap3A_789 : vector<1x16xf32> to vector<16xf32>
        %swap3A_791 = vector.shape_cast %get3A_785 : vector<16xf32> to vector<1x16xf32>
        tpu.vector_store %arg19[%swap3A_787, %swap3A_788], %swap3A_791 {strides = array<i32>} : memref<24x512xf32, #tpu.memory_space<vmem>>, vector<1x16xf32>,
        %get3A_792 = arith.constant 16 : i32
        %get3A_793 = arith.index_cast %get3A_792 : i32 to index
        %get3A_794 = arith.index_cast %multiple_of3A_692 : i32 to index
        %get3A_795 = tpu.vector_load %arg17[%get3A_793, %get3A_794] {strides = array<i32>} : memref<60x512xf32, #tpu.memory_space<vmem>>, vector<1x16xf32>,
        %get3A_796 = vector.shape_cast %get3A_795 : vector<1x16xf32> to vector<16xf32>
        %swap3A_797 = arith.constant 9 : i32
        %swap3A_798 = arith.index_cast %swap3A_797 : i32 to index
        %swap3A_799 = arith.index_cast %multiple_of3A_692 : i32 to index
        %swap3A_800 = tpu.vector_load %arg19[%swap3A_798, %swap3A_799] {strides = array<i32>} : memref<24x512xf32, #tpu.memory_space<vmem>>, vector<1x16xf32>,
        %swap3A_801 = vector.shape_cast %swap3A_800 : vector<1x16xf32> to vector<16xf32>
        %swap3A_802 = vector.shape_cast %get3A_796 : vector<16xf32> to vector<1x16xf32>
        tpu.vector_store %arg19[%swap3A_798, %swap3A_799], %swap3A_802 {strides = array<i32>} : memref<24x512xf32, #tpu.memory_space<vmem>>, vector<1x16xf32>,
        %get3A_803 = arith.constant 17 : i32
        %get3A_804 = arith.index_cast %get3A_803 : i32 to index
        %get3A_805 = arith.index_cast %multiple_of3A_692 : i32 to index
        %get3A_806 = tpu.vector_load %arg17[%get3A_804, %get3A_805] {strides = array<i32>} : memref<60x512xf32, #tpu.memory_space<vmem>>, vector<1x16xf32>,
        %get3A_807 = vector.shape_cast %get3A_806 : vector<1x16xf32> to vector<16xf32>
        %swap3A_808 = arith.constant 10 : i32
        %swap3A_809 = arith.index_cast %swap3A_808 : i32 to index
        %swap3A_810 = arith.index_cast %multiple_of3A_692 : i32 to index
        %swap3A_811 = tpu.vector_load %arg19[%swap3A_809, %swap3A_810] {strides = array<i32>} : memref<24x512xf32, #tpu.memory_space<vmem>>, vector<1x16xf32>,
        %swap3A_812 = vector.shape_cast %swap3A_811 : vector<1x16xf32> to vector<16xf32>
        %swap3A_813 = vector.shape_cast %get3A_807 : vector<16xf32> to vector<1x16xf32>
        tpu.vector_store %arg19[%swap3A_809, %swap3A_810], %swap3A_813 {strides = array<i32>} : memref<24x512xf32, #tpu.memory_space<vmem>>, vector<1x16xf32>,
        %get3A_814 = arith.constant 18 : i32
        %get3A_815 = arith.index_cast %get3A_814 : i32 to index
        %get3A_816 = arith.index_cast %multiple_of3A_692 : i32 to index
        %get3A_817 = tpu.vector_load %arg17[%get3A_815, %get3A_816] {strides = array<i32>} : memref<60x512xf32, #tpu.memory_space<vmem>>, vector<1x16xf32>,
        %get3A_818 = vector.shape_cast %get3A_817 : vector<1x16xf32> to vector<16xf32>
        %swap3A_819 = arith.constant 11 : i32
        %swap3A_820 = arith.index_cast %swap3A_819 : i32 to index
        %swap3A_821 = arith.index_cast %multiple_of3A_692 : i32 to index
        %swap3A_822 = tpu.vector_load %arg19[%swap3A_820, %swap3A_821] {strides = array<i32>} : memref<24x512xf32, #tpu.memory_space<vmem>>, vector<1x16xf32>,
        %swap3A_823 = vector.shape_cast %swap3A_822 : vector<1x16xf32> to vector<16xf32>
        %swap3A_824 = vector.shape_cast %get3A_818 : vector<16xf32> to vector<1x16xf32>
        tpu.vector_store %arg19[%swap3A_820, %swap3A_821], %swap3A_824 {strides = array<i32>} : memref<24x512xf32, #tpu.memory_space<vmem>>, vector<1x16xf32>,
        %get3A_825 = arith.constant 19 : i32
        %get3A_826 = arith.index_cast %get3A_825 : i32 to index
        %get3A_827 = arith.index_cast %multiple_of3A_692 : i32 to index
        %get3A_828 = tpu.vector_load %arg17[%get3A_826, %get3A_827] {strides = array<i32>} : memref<60x512xf32, #tpu.memory_space<vmem>>, vector<1x16xf32>,
        %get3A_829 = vector.shape_cast %get3A_828 : vector<1x16xf32> to vector<16xf32>
        %swap3A_830 = arith.constant 12 : i32
        %swap3A_831 = arith.index_cast %swap3A_830 : i32 to index
        %swap3A_832 = arith.index_cast %multiple_of3A_692 : i32 to index
        %swap3A_833 = tpu.vector_load %arg19[%swap3A_831, %swap3A_832] {strides = array<i32>} : memref<24x512xf32, #tpu.memory_space<vmem>>, vector<1x16xf32>,
        %swap3A_834 = vector.shape_cast %swap3A_833 : vector<1x16xf32> to vector<16xf32>
        %swap3A_835 = vector.shape_cast %get3A_829 : vector<16xf32> to vector<1x16xf32>
        tpu.vector_store %arg19[%swap3A_831, %swap3A_832], %swap3A_835 {strides = array<i32>} : memref<24x512xf32, #tpu.memory_space<vmem>>, vector<1x16xf32>,
        %get3A_836 = arith.constant 20 : i32
        %get3A_837 = arith.index_cast %get3A_836 : i32 to index
        %get3A_838 = arith.index_cast %multiple_of3A_692 : i32 to index
        %get3A_839 = tpu.vector_load %arg17[%get3A_837, %get3A_838] {strides = array<i32>} : memref<60x512xf32, #tpu.memory_space<vmem>>, vector<1x16xf32>,
        %get3A_840 = vector.shape_cast %get3A_839 : vector<1x16xf32> to vector<16xf32>
        %swap3A_841 = arith.constant 13 : i32
        %swap3A_842 = arith.index_cast %swap3A_841 : i32 to index
        %swap3A_843 = arith.index_cast %multiple_of3A_692 : i32 to index
        %swap3A_844 = tpu.vector_load %arg19[%swap3A_842, %swap3A_843] {strides = array<i32>} : memref<24x512xf32, #tpu.memory_space<vmem>>, vector<1x16xf32>,
        %swap3A_845 = vector.shape_cast %swap3A_844 : vector<1x16xf32> to vector<16xf32>
        %swap3A_846 = vector.shape_cast %get3A_840 : vector<16xf32> to vector<1x16xf32>
        tpu.vector_store %arg19[%swap3A_842, %swap3A_843], %swap3A_846 {strides = array<i32>} : memref<24x512xf32, #tpu.memory_space<vmem>>, vector<1x16xf32>,
        %get3A_847 = arith.constant 21 : i32
        %get3A_848 = arith.index_cast %get3A_847 : i32 to index
        %get3A_849 = arith.index_cast %multiple_of3A_692 : i32 to index
        %get3A_850 = tpu.vector_load %arg17[%get3A_848, %get3A_849] {strides = array<i32>} : memref<60x512xf32, #tpu.memory_space<vmem>>, vector<1x16xf32>,
        %get3A_851 = vector.shape_cast %get3A_850 : vector<1x16xf32> to vector<16xf32>
        %swap3A_852 = arith.constant 14 : i32
        %swap3A_853 = arith.index_cast %swap3A_852 : i32 to index
        %swap3A_854 = arith.index_cast %multiple_of3A_692 : i32 to index
        %swap3A_855 = tpu.vector_load %arg19[%swap3A_853, %swap3A_854] {strides = array<i32>} : memref<24x512xf32, #tpu.memory_space<vmem>>, vector<1x16xf32>,
        %swap3A_856 = vector.shape_cast %swap3A_855 : vector<1x16xf32> to vector<16xf32>
        %swap3A_857 = vector.shape_cast %get3A_851 : vector<16xf32> to vector<1x16xf32>
        tpu.vector_store %arg19[%swap3A_853, %swap3A_854], %swap3A_857 {strides = array<i32>} : memref<24x512xf32, #tpu.memory_space<vmem>>, vector<1x16xf32>,
        %get3A_858 = arith.constant 22 : i32
        %get3A_859 = arith.index_cast %get3A_858 : i32 to index
        %get3A_860 = arith.index_cast %multiple_of3A_692 : i32 to index
        %get3A_861 = tpu.vector_load %arg17[%get3A_859, %get3A_860] {strides = array<i32>} : memref<60x512xf32, #tpu.memory_space<vmem>>, vector<1x16xf32>,
        %get3A_862 = vector.shape_cast %get3A_861 : vector<1x16xf32> to vector<16xf32>
        %swap3A_863 = arith.constant 15 : i32
        %swap3A_864 = arith.index_cast %swap3A_863 : i32 to index
        %swap3A_865 = arith.index_cast %multiple_of3A_692 : i32 to index
        %swap3A_866 = tpu.vector_load %arg19[%swap3A_864, %swap3A_865] {strides = array<i32>} : memref<24x512xf32, #tpu.memory_space<vmem>>, vector<1x16xf32>,
        %swap3A_867 = vector.shape_cast %swap3A_866 : vector<1x16xf32> to vector<16xf32>
        %swap3A_868 = vector.shape_cast %get3A_862 : vector<16xf32> to vector<1x16xf32>
        tpu.vector_store %arg19[%swap3A_864, %swap3A_865], %swap3A_868 {strides = array<i32>} : memref<24x512xf32, #tpu.memory_space<vmem>>, vector<1x16xf32>,
        %get3A_869 = arith.constant 23 : i32
        %get3A_870 = arith.index_cast %get3A_869 : i32 to index
        %get3A_871 = arith.index_cast %multiple_of3A_692 : i32 to index
        %get3A_872 = tpu.vector_load %arg17[%get3A_870, %get3A_871] {strides = array<i32>} : memref<60x512xf32, #tpu.memory_space<vmem>>, vector<1x16xf32>,
        %get3A_873 = vector.shape_cast %get3A_872 : vector<1x16xf32> to vector<16xf32>
        %swap3A_874 = arith.constant 16 : i32
        %swap3A_875 = arith.index_cast %swap3A_874 : i32 to index
        %swap3A_876 = arith.index_cast %multiple_of3A_692 : i32 to index
        %swap3A_877 = tpu.vector_load %arg19[%swap3A_875, %swap3A_876] {strides = array<i32>} : memref<24x512xf32, #tpu.memory_space<vmem>>, vector<1x16xf32>,
        %swap3A_878 = vector.shape_cast %swap3A_877 : vector<1x16xf32> to vector<16xf32>
        %swap3A_879 = vector.shape_cast %get3A_873 : vector<16xf32> to vector<1x16xf32>
        tpu.vector_store %arg19[%swap3A_875, %swap3A_876], %swap3A_879 {strides = array<i32>} : memref<24x512xf32, #tpu.memory_space<vmem>>, vector<1x16xf32>,
        %get3A_880 = arith.constant 24 : i32
        %get3A_881 = arith.index_cast %get3A_880 : i32 to index
        %get3A_882 = arith.index_cast %multiple_of3A_692 : i32 to index
        %get3A_883 = tpu.vector_load %arg17[%get3A_881, %get3A_882] {strides = array<i32>} : memref<60x512xf32, #tpu.memory_space<vmem>>, vector<1x16xf32>,
        %get3A_884 = vector.shape_cast %get3A_883 : vector<1x16xf32> to vector<16xf32>
        %swap3A_885 = arith.constant 17 : i32
        %swap3A_886 = arith.index_cast %swap3A_885 : i32 to index
        %swap3A_887 = arith.index_cast %multiple_of3A_692 : i32 to index
        %swap3A_888 = tpu.vector_load %arg19[%swap3A_886, %swap3A_887] {strides = array<i32>} : memref<24x512xf32, #tpu.memory_space<vmem>>, vector<1x16xf32>,
        %swap3A_889 = vector.shape_cast %swap3A_888 : vector<1x16xf32> to vector<16xf32>
        %swap3A_890 = vector.shape_cast %get3A_884 : vector<16xf32> to vector<1x16xf32>
        tpu.vector_store %arg19[%swap3A_886, %swap3A_887], %swap3A_890 {strides = array<i32>} : memref<24x512xf32, #tpu.memory_space<vmem>>, vector<1x16xf32>,
        %get3A_891 = arith.constant 25 : i32
        %get3A_892 = arith.index_cast %get3A_891 : i32 to index
        %get3A_893 = arith.index_cast %multiple_of3A_692 : i32 to index
        %get3A_894 = tpu.vector_load %arg17[%get3A_892, %get3A_893] {strides = array<i32>} : memref<60x512xf32, #tpu.memory_space<vmem>>, vector<1x16xf32>,
        %get3A_895 = vector.shape_cast %get3A_894 : vector<1x16xf32> to vector<16xf32>
        %swap3A_896 = arith.constant 18 : i32
        %swap3A_897 = arith.index_cast %swap3A_896 : i32 to index
        %swap3A_898 = arith.index_cast %multiple_of3A_692 : i32 to index
        %swap3A_899 = tpu.vector_load %arg19[%swap3A_897, %swap3A_898] {strides = array<i32>} : memref<24x512xf32, #tpu.memory_space<vmem>>, vector<1x16xf32>,
        %swap3A_900 = vector.shape_cast %swap3A_899 : vector<1x16xf32> to vector<16xf32>
        %swap3A_901 = vector.shape_cast %get3A_895 : vector<16xf32> to vector<1x16xf32>
        tpu.vector_store %arg19[%swap3A_897, %swap3A_898], %swap3A_901 {strides = array<i32>} : memref<24x512xf32, #tpu.memory_space<vmem>>, vector<1x16xf32>,
        %get3A_902 = arith.constant 26 : i32
        %get3A_903 = arith.index_cast %get3A_902 : i32 to index
        %get3A_904 = arith.index_cast %multiple_of3A_692 : i32 to index
        %get3A_905 = tpu.vector_load %arg17[%get3A_903, %get3A_904] {strides = array<i32>} : memref<60x512xf32, #tpu.memory_space<vmem>>, vector<1x16xf32>,
        %get3A_906 = vector.shape_cast %get3A_905 : vector<1x16xf32> to vector<16xf32>
        %swap3A_907 = arith.constant 19 : i32
        %swap3A_908 = arith.index_cast %swap3A_907 : i32 to index
        %swap3A_909 = arith.index_cast %multiple_of3A_692 : i32 to index
        %swap3A_910 = tpu.vector_load %arg19[%swap3A_908, %swap3A_909] {strides = array<i32>} : memref<24x512xf32, #tpu.memory_space<vmem>>, vector<1x16xf32>,
        %swap3A_911 = vector.shape_cast %swap3A_910 : vector<1x16xf32> to vector<16xf32>
        %swap3A_912 = vector.shape_cast %get3A_906 : vector<16xf32> to vector<1x16xf32>
        tpu.vector_store %arg19[%swap3A_908, %swap3A_909], %swap3A_912 {strides = array<i32>} : memref<24x512xf32, #tpu.memory_space<vmem>>, vector<1x16xf32>,
        %get3A_913 = arith.constant 27 : i32
        %get3A_914 = arith.index_cast %get3A_913 : i32 to index
        %get3A_915 = arith.index_cast %multiple_of3A_692 : i32 to index
        %get3A_916 = tpu.vector_load %arg17[%get3A_914, %get3A_915] {strides = array<i32>} : memref<60x512xf32, #tpu.memory_space<vmem>>, vector<1x16xf32>,
        %get3A_917 = vector.shape_cast %get3A_916 : vector<1x16xf32> to vector<16xf32>
        %swap3A_918 = arith.constant 20 : i32
        %swap3A_919 = arith.index_cast %swap3A_918 : i32 to index
        %swap3A_920 = arith.index_cast %multiple_of3A_692 : i32 to index
        %swap3A_921 = tpu.vector_load %arg19[%swap3A_919, %swap3A_920] {strides = array<i32>} : memref<24x512xf32, #tpu.memory_space<vmem>>, vector<1x16xf32>,
        %swap3A_922 = vector.shape_cast %swap3A_921 : vector<1x16xf32> to vector<16xf32>
        %swap3A_923 = vector.shape_cast %get3A_917 : vector<16xf32> to vector<1x16xf32>
        tpu.vector_store %arg19[%swap3A_919, %swap3A_920], %swap3A_923 {strides = array<i32>} : memref<24x512xf32, #tpu.memory_space<vmem>>, vector<1x16xf32>,
        %get3A_924 = arith.constant 28 : i32
        %get3A_925 = arith.index_cast %get3A_924 : i32 to index
        %get3A_926 = arith.index_cast %multiple_of3A_692 : i32 to index
        %get3A_927 = tpu.vector_load %arg17[%get3A_925, %get3A_926] {strides = array<i32>} : memref<60x512xf32, #tpu.memory_space<vmem>>, vector<1x16xf32>,
        %get3A_928 = vector.shape_cast %get3A_927 : vector<1x16xf32> to vector<16xf32>
        %swap3A_929 = arith.constant 21 : i32
        %swap3A_930 = arith.index_cast %swap3A_929 : i32 to index
        %swap3A_931 = arith.index_cast %multiple_of3A_692 : i32 to index
        %swap3A_932 = tpu.vector_load %arg19[%swap3A_930, %swap3A_931] {strides = array<i32>} : memref<24x512xf32, #tpu.memory_space<vmem>>, vector<1x16xf32>,
        %swap3A_933 = vector.shape_cast %swap3A_932 : vector<1x16xf32> to vector<16xf32>
        %swap3A_934 = vector.shape_cast %get3A_928 : vector<16xf32> to vector<1x16xf32>
        tpu.vector_store %arg19[%swap3A_930, %swap3A_931], %swap3A_934 {strides = array<i32>} : memref<24x512xf32, #tpu.memory_space<vmem>>, vector<1x16xf32>,
        %get3A_935 = arith.constant 29 : i32
        %get3A_936 = arith.index_cast %get3A_935 : i32 to index
        %get3A_937 = arith.index_cast %multiple_of3A_692 : i32 to index
        %get3A_938 = tpu.vector_load %arg17[%get3A_936, %get3A_937] {strides = array<i32>} : memref<60x512xf32, #tpu.memory_space<vmem>>, vector<1x16xf32>,
        %get3A_939 = vector.shape_cast %get3A_938 : vector<1x16xf32> to vector<16xf32>
        %swap3A_940 = arith.constant 22 : i32
        %swap3A_941 = arith.index_cast %swap3A_940 : i32 to index
        %swap3A_942 = arith.index_cast %multiple_of3A_692 : i32 to index
        %swap3A_943 = tpu.vector_load %arg19[%swap3A_941, %swap3A_942] {strides = array<i32>} : memref<24x512xf32, #tpu.memory_space<vmem>>, vector<1x16xf32>,
        %swap3A_944 = vector.shape_cast %swap3A_943 : vector<1x16xf32> to vector<16xf32>
        %swap3A_945 = vector.shape_cast %get3A_939 : vector<16xf32> to vector<1x16xf32>
        tpu.vector_store %arg19[%swap3A_941, %swap3A_942], %swap3A_945 {strides = array<i32>} : memref<24x512xf32, #tpu.memory_space<vmem>>, vector<1x16xf32>,
        %get3A_946 = arith.constant 30 : i32
        %get3A_947 = arith.index_cast %get3A_946 : i32 to index
        %get3A_948 = arith.index_cast %multiple_of3A_692 : i32 to index
        %get3A_949 = tpu.vector_load %arg17[%get3A_947, %get3A_948] {strides = array<i32>} : memref<60x512xf32, #tpu.memory_space<vmem>>, vector<1x16xf32>,
        %get3A_950 = vector.shape_cast %get3A_949 : vector<1x16xf32> to vector<16xf32>
        %swap3A_951 = arith.constant 23 : i32
        %swap3A_952 = arith.index_cast %swap3A_951 : i32 to index
        %swap3A_953 = arith.index_cast %multiple_of3A_692 : i32 to index
        %swap3A_954 = tpu.vector_load %arg19[%swap3A_952, %swap3A_953] {strides = array<i32>} : memref<24x512xf32, #tpu.memory_space<vmem>>, vector<1x16xf32>,
        %swap3A_955 = vector.shape_cast %swap3A_954 : vector<1x16xf32> to vector<16xf32>
        %swap3A_956 = vector.shape_cast %get3A_950 : vector<16xf32> to vector<1x16xf32>
        tpu.vector_store %arg19[%swap3A_952, %swap3A_953], %swap3A_956 {strides = array<i32>} : memref<24x512xf32, #tpu.memory_space<vmem>>, vector<1x16xf32>,
      }
      %scan3A_630 = arith.constant 32 : i32
      %dma_start3A_631 = arith.constant 24 : i32
      %dma_start3A_632 = arith.constant 0 : i32
      %dma_start3A_633 = tpu.memref_slice %arg7[%add3A_600, %dma_start3A_631, %dma_start3A_632] : memref<1024x77x512xf32, #tpu.memory_space<hbm>> -> memref<1x24x512xf32, #tpu.memory_space<hbm>>
      %dma_start3A_634 = tpu.memref_squeeze %dma_start3A_633 : memref<1x24x512xf32, #tpu.memory_space<hbm>> -> memref<24x512xf32, #tpu.memory_space<hbm>>
      %dma_start3A_635 = arith.constant 24 : i32
      %dma_start3A_636 = arith.constant 0 : i32
      %dma_start3A_637 = tpu.memref_slice %arg7[%add3A_600, %dma_start3A_635, %dma_start3A_636] : memref<1024x77x512xf32, #tpu.memory_space<hbm>> -> memref<1x24x512xf32, #tpu.memory_space<hbm>>
      %dma_start3A_638 = tpu.memref_squeeze %dma_start3A_637 : memref<1x24x512xf32, #tpu.memory_space<hbm>> -> memref<24x512xf32, #tpu.memory_space<hbm>>
      tpu.enqueue_dma source(%arg19 : memref<24x512xf32, #tpu.memory_space<vmem>>) target(%dma_start3A_638 : memref<24x512xf32, #tpu.memory_space<hbm>>) target_semaphore(%arg23 : memref<!tpu.dma_semaphore, #tpu.memory_space<semaphore_mem>>)
      %dma_wait3A_639 = arith.constant 0 : i32
      %dma_wait3A_640 = arith.constant 0 : i32
      %dma_wait3A_641 = tpu.memref_slice %arg7[%add3A_600, %dma_wait3A_639, %dma_wait3A_640] : memref<1024x77x512xf32, #tpu.memory_space<hbm>> -> memref<1x24x512xf32, #tpu.memory_space<hbm>>
      %dma_wait3A_642 = tpu.memref_squeeze %dma_wait3A_641 : memref<1x24x512xf32, #tpu.memory_space<hbm>> -> memref<24x512xf32, #tpu.memory_space<hbm>>
      %dma_wait3A_643 = arith.constant 0 : i32
      %dma_wait3A_644 = arith.constant 0 : i32
      %dma_wait3A_645 = tpu.memref_slice %arg7[%add3A_600, %dma_wait3A_643, %dma_wait3A_644] : memref<1024x77x512xf32, #tpu.memory_space<hbm>> -> memref<1x24x512xf32, #tpu.memory_space<hbm>>
      %dma_wait3A_646 = tpu.memref_squeeze %dma_wait3A_645 : memref<1x24x512xf32, #tpu.memory_space<hbm>> -> memref<24x512xf32, #tpu.memory_space<hbm>>
      tpu.wait_dma2 semaphore(%arg22 : memref<!tpu.dma_semaphore, #tpu.memory_space<semaphore_mem>>) src(%arg18 : memref<24x512xf32, #tpu.memory_space<vmem>>) dst(%dma_wait3A_646 : memref<24x512xf32, #tpu.memory_space<hbm>>)
      %scan3A_647 = arith.constant 0 : i32
      %scan3A_648 = arith.constant 0 : i32
      %scan3A_649 = arith.constant 32 : i32
      %scan3A_650 = arith.addi %scan3A_648, %scan3A_649 : i32
      %scan3A_651 = arith.constant 1 : i32
      scf.for %scan3A_689 = %scan3A_648 to %scan3A_650 step %scan3A_651  : i32 {
        %mul3A_690 = arith.constant 16 : i32
        %mul3A_691 = arith.muli %scan3A_689, %mul3A_690 : i32
        %multiple_of3A_692 = tpu.assume_multiple %mul3A_691, 8 : i32
        %get3A_693 = arith.constant 31 : i32
        %get3A_694 = arith.index_cast %get3A_693 : i32 to index
        %get3A_695 = arith.index_cast %multiple_of3A_692 : i32 to index
        %get3A_696 = tpu.vector_load %arg17[%get3A_694, %get3A_695] {strides = array<i32>} : memref<60x512xf32, #tpu.memory_space<vmem>>, vector<1x16xf32>,
        %get3A_697 = vector.shape_cast %get3A_696 : vector<1x16xf32> to vector<16xf32>
        %swap3A_698 = arith.constant 0 : i32
        %swap3A_699 = arith.index_cast %swap3A_698 : i32 to index
        %swap3A_700 = arith.index_cast %multiple_of3A_692 : i32 to index
        %swap3A_701 = tpu.vector_load %arg18[%swap3A_699, %swap3A_700] {strides = array<i32>} : memref<24x512xf32, #tpu.memory_space<vmem>>, vector<1x16xf32>,
        %swap3A_702 = vector.shape_cast %swap3A_701 : vector<1x16xf32> to vector<16xf32>
        %swap3A_703 = vector.shape_cast %get3A_697 : vector<16xf32> to vector<1x16xf32>
        tpu.vector_store %arg18[%swap3A_699, %swap3A_700], %swap3A_703 {strides = array<i32>} : memref<24x512xf32, #tpu.memory_space<vmem>>, vector<1x16xf32>,
        %get3A_704 = arith.constant 32 : i32
        %get3A_705 = arith.index_cast %get3A_704 : i32 to index
        %get3A_706 = arith.index_cast %multiple_of3A_692 : i32 to index
        %get3A_707 = tpu.vector_load %arg17[%get3A_705, %get3A_706] {strides = array<i32>} : memref<60x512xf32, #tpu.memory_space<vmem>>, vector<1x16xf32>,
        %get3A_708 = vector.shape_cast %get3A_707 : vector<1x16xf32> to vector<16xf32>
        %swap3A_709 = arith.constant 1 : i32
        %swap3A_710 = arith.index_cast %swap3A_709 : i32 to index
        %swap3A_711 = arith.index_cast %multiple_of3A_692 : i32 to index
        %swap3A_712 = tpu.vector_load %arg18[%swap3A_710, %swap3A_711] {strides = array<i32>} : memref<24x512xf32, #tpu.memory_space<vmem>>, vector<1x16xf32>,
        %swap3A_713 = vector.shape_cast %swap3A_712 : vector<1x16xf32> to vector<16xf32>
        %swap3A_714 = vector.shape_cast %get3A_708 : vector<16xf32> to vector<1x16xf32>
        tpu.vector_store %arg18[%swap3A_710, %swap3A_711], %swap3A_714 {strides = array<i32>} : memref<24x512xf32, #tpu.memory_space<vmem>>, vector<1x16xf32>,
        %get3A_715 = arith.constant 33 : i32
        %get3A_716 = arith.index_cast %get3A_715 : i32 to index
        %get3A_717 = arith.index_cast %multiple_of3A_692 : i32 to index
        %get3A_718 = tpu.vector_load %arg17[%get3A_716, %get3A_717] {strides = array<i32>} : memref<60x512xf32, #tpu.memory_space<vmem>>, vector<1x16xf32>,
        %get3A_719 = vector.shape_cast %get3A_718 : vector<1x16xf32> to vector<16xf32>
        %swap3A_720 = arith.constant 2 : i32
        %swap3A_721 = arith.index_cast %swap3A_720 : i32 to index
        %swap3A_722 = arith.index_cast %multiple_of3A_692 : i32 to index
        %swap3A_723 = tpu.vector_load %arg18[%swap3A_721, %swap3A_722] {strides = array<i32>} : memref<24x512xf32, #tpu.memory_space<vmem>>, vector<1x16xf32>,
        %swap3A_724 = vector.shape_cast %swap3A_723 : vector<1x16xf32> to vector<16xf32>
        %swap3A_725 = vector.shape_cast %get3A_719 : vector<16xf32> to vector<1x16xf32>
        tpu.vector_store %arg18[%swap3A_721, %swap3A_722], %swap3A_725 {strides = array<i32>} : memref<24x512xf32, #tpu.memory_space<vmem>>, vector<1x16xf32>,
        %get3A_726 = arith.constant 34 : i32
        %get3A_727 = arith.index_cast %get3A_726 : i32 to index
        %get3A_728 = arith.index_cast %multiple_of3A_692 : i32 to index
        %get3A_729 = tpu.vector_load %arg17[%get3A_727, %get3A_728] {strides = array<i32>} : memref<60x512xf32, #tpu.memory_space<vmem>>, vector<1x16xf32>,
        %get3A_730 = vector.shape_cast %get3A_729 : vector<1x16xf32> to vector<16xf32>
        %swap3A_731 = arith.constant 3 : i32
        %swap3A_732 = arith.index_cast %swap3A_731 : i32 to index
        %swap3A_733 = arith.index_cast %multiple_of3A_692 : i32 to index
        %swap3A_734 = tpu.vector_load %arg18[%swap3A_732, %swap3A_733] {strides = array<i32>} : memref<24x512xf32, #tpu.memory_space<vmem>>, vector<1x16xf32>,
        %swap3A_735 = vector.shape_cast %swap3A_734 : vector<1x16xf32> to vector<16xf32>
        %swap3A_736 = vector.shape_cast %get3A_730 : vector<16xf32> to vector<1x16xf32>
        tpu.vector_store %arg18[%swap3A_732, %swap3A_733], %swap3A_736 {strides = array<i32>} : memref<24x512xf32, #tpu.memory_space<vmem>>, vector<1x16xf32>,
        %get3A_737 = arith.constant 35 : i32
        %get3A_738 = arith.index_cast %get3A_737 : i32 to index
        %get3A_739 = arith.index_cast %multiple_of3A_692 : i32 to index
        %get3A_740 = tpu.vector_load %arg17[%get3A_738, %get3A_739] {strides = array<i32>} : memref<60x512xf32, #tpu.memory_space<vmem>>, vector<1x16xf32>,
        %get3A_741 = vector.shape_cast %get3A_740 : vector<1x16xf32> to vector<16xf32>
        %swap3A_742 = arith.constant 4 : i32
        %swap3A_743 = arith.index_cast %swap3A_742 : i32 to index
        %swap3A_744 = arith.index_cast %multiple_of3A_692 : i32 to index
        %swap3A_745 = tpu.vector_load %arg18[%swap3A_743, %swap3A_744] {strides = array<i32>} : memref<24x512xf32, #tpu.memory_space<vmem>>, vector<1x16xf32>,
        %swap3A_746 = vector.shape_cast %swap3A_745 : vector<1x16xf32> to vector<16xf32>
        %swap3A_747 = vector.shape_cast %get3A_741 : vector<16xf32> to vector<1x16xf32>
        tpu.vector_store %arg18[%swap3A_743, %swap3A_744], %swap3A_747 {strides = array<i32>} : memref<24x512xf32, #tpu.memory_space<vmem>>, vector<1x16xf32>,
        %get3A_748 = arith.constant 36 : i32
        %get3A_749 = arith.index_cast %get3A_748 : i32 to index
        %get3A_750 = arith.index_cast %multiple_of3A_692 : i32 to index
        %get3A_751 = tpu.vector_load %arg17[%get3A_749, %get3A_750] {strides = array<i32>} : memref<60x512xf32, #tpu.memory_space<vmem>>, vector<1x16xf32>,
        %get3A_752 = vector.shape_cast %get3A_751 : vector<1x16xf32> to vector<16xf32>
        %swap3A_753 = arith.constant 5 : i32
        %swap3A_754 = arith.index_cast %swap3A_753 : i32 to index
        %swap3A_755 = arith.index_cast %multiple_of3A_692 : i32 to index
        %swap3A_756 = tpu.vector_load %arg18[%swap3A_754, %swap3A_755] {strides = array<i32>} : memref<24x512xf32, #tpu.memory_space<vmem>>, vector<1x16xf32>,
        %swap3A_757 = vector.shape_cast %swap3A_756 : vector<1x16xf32> to vector<16xf32>
        %swap3A_758 = vector.shape_cast %get3A_752 : vector<16xf32> to vector<1x16xf32>
        tpu.vector_store %arg18[%swap3A_754, %swap3A_755], %swap3A_758 {strides = array<i32>} : memref<24x512xf32, #tpu.memory_space<vmem>>, vector<1x16xf32>,
        %get3A_759 = arith.constant 37 : i32
        %get3A_760 = arith.index_cast %get3A_759 : i32 to index
        %get3A_761 = arith.index_cast %multiple_of3A_692 : i32 to index
        %get3A_762 = tpu.vector_load %arg17[%get3A_760, %get3A_761] {strides = array<i32>} : memref<60x512xf32, #tpu.memory_space<vmem>>, vector<1x16xf32>,
        %get3A_763 = vector.shape_cast %get3A_762 : vector<1x16xf32> to vector<16xf32>
        %swap3A_764 = arith.constant 6 : i32
        %swap3A_765 = arith.index_cast %swap3A_764 : i32 to index
        %swap3A_766 = arith.index_cast %multiple_of3A_692 : i32 to index
        %swap3A_767 = tpu.vector_load %arg18[%swap3A_765, %swap3A_766] {strides = array<i32>} : memref<24x512xf32, #tpu.memory_space<vmem>>, vector<1x16xf32>,
        %swap3A_768 = vector.shape_cast %swap3A_767 : vector<1x16xf32> to vector<16xf32>
        %swap3A_769 = vector.shape_cast %get3A_763 : vector<16xf32> to vector<1x16xf32>
        tpu.vector_store %arg18[%swap3A_765, %swap3A_766], %swap3A_769 {strides = array<i32>} : memref<24x512xf32, #tpu.memory_space<vmem>>, vector<1x16xf32>,
        %get3A_770 = arith.constant 38 : i32
        %get3A_771 = arith.index_cast %get3A_770 : i32 to index
        %get3A_772 = arith.index_cast %multiple_of3A_692 : i32 to index
        %get3A_773 = tpu.vector_load %arg17[%get3A_771, %get3A_772] {strides = array<i32>} : memref<60x512xf32, #tpu.memory_space<vmem>>, vector<1x16xf32>,
        %get3A_774 = vector.shape_cast %get3A_773 : vector<1x16xf32> to vector<16xf32>
        %swap3A_775 = arith.constant 7 : i32
        %swap3A_776 = arith.index_cast %swap3A_775 : i32 to index
        %swap3A_777 = arith.index_cast %multiple_of3A_692 : i32 to index
        %swap3A_778 = tpu.vector_load %arg18[%swap3A_776, %swap3A_777] {strides = array<i32>} : memref<24x512xf32, #tpu.memory_space<vmem>>, vector<1x16xf32>,
        %swap3A_779 = vector.shape_cast %swap3A_778 : vector<1x16xf32> to vector<16xf32>
        %swap3A_780 = vector.shape_cast %get3A_774 : vector<16xf32> to vector<1x16xf32>
        tpu.vector_store %arg18[%swap3A_776, %swap3A_777], %swap3A_780 {strides = array<i32>} : memref<24x512xf32, #tpu.memory_space<vmem>>, vector<1x16xf32>,
        %get3A_781 = arith.constant 39 : i32
        %get3A_782 = arith.index_cast %get3A_781 : i32 to index
        %get3A_783 = arith.index_cast %multiple_of3A_692 : i32 to index
        %get3A_784 = tpu.vector_load %arg17[%get3A_782, %get3A_783] {strides = array<i32>} : memref<60x512xf32, #tpu.memory_space<vmem>>, vector<1x16xf32>,
        %get3A_785 = vector.shape_cast %get3A_784 : vector<1x16xf32> to vector<16xf32>
        %swap3A_786 = arith.constant 8 : i32
        %swap3A_787 = arith.index_cast %swap3A_786 : i32 to index
        %swap3A_788 = arith.index_cast %multiple_of3A_692 : i32 to index
        %swap3A_789 = tpu.vector_load %arg18[%swap3A_787, %swap3A_788] {strides = array<i32>} : memref<24x512xf32, #tpu.memory_space<vmem>>, vector<1x16xf32>,
        %swap3A_790 = vector.shape_cast %swap3A_789 : vector<1x16xf32> to vector<16xf32>
        %swap3A_791 = vector.shape_cast %get3A_785 : vector<16xf32> to vector<1x16xf32>
        tpu.vector_store %arg18[%swap3A_787, %swap3A_788], %swap3A_791 {strides = array<i32>} : memref<24x512xf32, #tpu.memory_space<vmem>>, vector<1x16xf32>,
        %get3A_792 = arith.constant 40 : i32
        %get3A_793 = arith.index_cast %get3A_792 : i32 to index
        %get3A_794 = arith.index_cast %multiple_of3A_692 : i32 to index
        %get3A_795 = tpu.vector_load %arg17[%get3A_793, %get3A_794] {strides = array<i32>} : memref<60x512xf32, #tpu.memory_space<vmem>>, vector<1x16xf32>,
        %get3A_796 = vector.shape_cast %get3A_795 : vector<1x16xf32> to vector<16xf32>
        %swap3A_797 = arith.constant 9 : i32
        %swap3A_798 = arith.index_cast %swap3A_797 : i32 to index
        %swap3A_799 = arith.index_cast %multiple_of3A_692 : i32 to index
        %swap3A_800 = tpu.vector_load %arg18[%swap3A_798, %swap3A_799] {strides = array<i32>} : memref<24x512xf32, #tpu.memory_space<vmem>>, vector<1x16xf32>,
        %swap3A_801 = vector.shape_cast %swap3A_800 : vector<1x16xf32> to vector<16xf32>
        %swap3A_802 = vector.shape_cast %get3A_796 : vector<16xf32> to vector<1x16xf32>
        tpu.vector_store %arg18[%swap3A_798, %swap3A_799], %swap3A_802 {strides = array<i32>} : memref<24x512xf32, #tpu.memory_space<vmem>>, vector<1x16xf32>,
        %get3A_803 = arith.constant 41 : i32
        %get3A_804 = arith.index_cast %get3A_803 : i32 to index
        %get3A_805 = arith.index_cast %multiple_of3A_692 : i32 to index
        %get3A_806 = tpu.vector_load %arg17[%get3A_804, %get3A_805] {strides = array<i32>} : memref<60x512xf32, #tpu.memory_space<vmem>>, vector<1x16xf32>,
        %get3A_807 = vector.shape_cast %get3A_806 : vector<1x16xf32> to vector<16xf32>
        %swap3A_808 = arith.constant 10 : i32
        %swap3A_809 = arith.index_cast %swap3A_808 : i32 to index
        %swap3A_810 = arith.index_cast %multiple_of3A_692 : i32 to index
        %swap3A_811 = tpu.vector_load %arg18[%swap3A_809, %swap3A_810] {strides = array<i32>} : memref<24x512xf32, #tpu.memory_space<vmem>>, vector<1x16xf32>,
        %swap3A_812 = vector.shape_cast %swap3A_811 : vector<1x16xf32> to vector<16xf32>
        %swap3A_813 = vector.shape_cast %get3A_807 : vector<16xf32> to vector<1x16xf32>
        tpu.vector_store %arg18[%swap3A_809, %swap3A_810], %swap3A_813 {strides = array<i32>} : memref<24x512xf32, #tpu.memory_space<vmem>>, vector<1x16xf32>,
        %get3A_814 = arith.constant 42 : i32
        %get3A_815 = arith.index_cast %get3A_814 : i32 to index
        %get3A_816 = arith.index_cast %multiple_of3A_692 : i32 to index
        %get3A_817 = tpu.vector_load %arg17[%get3A_815, %get3A_816] {strides = array<i32>} : memref<60x512xf32, #tpu.memory_space<vmem>>, vector<1x16xf32>,
        %get3A_818 = vector.shape_cast %get3A_817 : vector<1x16xf32> to vector<16xf32>
        %swap3A_819 = arith.constant 11 : i32
        %swap3A_820 = arith.index_cast %swap3A_819 : i32 to index
        %swap3A_821 = arith.index_cast %multiple_of3A_692 : i32 to index
        %swap3A_822 = tpu.vector_load %arg18[%swap3A_820, %swap3A_821] {strides = array<i32>} : memref<24x512xf32, #tpu.memory_space<vmem>>, vector<1x16xf32>,
        %swap3A_823 = vector.shape_cast %swap3A_822 : vector<1x16xf32> to vector<16xf32>
        %swap3A_824 = vector.shape_cast %get3A_818 : vector<16xf32> to vector<1x16xf32>
        tpu.vector_store %arg18[%swap3A_820, %swap3A_821], %swap3A_824 {strides = array<i32>} : memref<24x512xf32, #tpu.memory_space<vmem>>, vector<1x16xf32>,
        %get3A_825 = arith.constant 43 : i32
        %get3A_826 = arith.index_cast %get3A_825 : i32 to index
        %get3A_827 = arith.index_cast %multiple_of3A_692 : i32 to index
        %get3A_828 = tpu.vector_load %arg17[%get3A_826, %get3A_827] {strides = array<i32>} : memref<60x512xf32, #tpu.memory_space<vmem>>, vector<1x16xf32>,
        %get3A_829 = vector.shape_cast %get3A_828 : vector<1x16xf32> to vector<16xf32>
        %swap3A_830 = arith.constant 12 : i32
        %swap3A_831 = arith.index_cast %swap3A_830 : i32 to index
        %swap3A_832 = arith.index_cast %multiple_of3A_692 : i32 to index
        %swap3A_833 = tpu.vector_load %arg18[%swap3A_831, %swap3A_832] {strides = array<i32>} : memref<24x512xf32, #tpu.memory_space<vmem>>, vector<1x16xf32>,
        %swap3A_834 = vector.shape_cast %swap3A_833 : vector<1x16xf32> to vector<16xf32>
        %swap3A_835 = vector.shape_cast %get3A_829 : vector<16xf32> to vector<1x16xf32>
        tpu.vector_store %arg18[%swap3A_831, %swap3A_832], %swap3A_835 {strides = array<i32>} : memref<24x512xf32, #tpu.memory_space<vmem>>, vector<1x16xf32>,
        %get3A_836 = arith.constant 44 : i32
        %get3A_837 = arith.index_cast %get3A_836 : i32 to index
        %get3A_838 = arith.index_cast %multiple_of3A_692 : i32 to index
        %get3A_839 = tpu.vector_load %arg17[%get3A_837, %get3A_838] {strides = array<i32>} : memref<60x512xf32, #tpu.memory_space<vmem>>, vector<1x16xf32>,
        %get3A_840 = vector.shape_cast %get3A_839 : vector<1x16xf32> to vector<16xf32>
        %swap3A_841 = arith.constant 13 : i32
        %swap3A_842 = arith.index_cast %swap3A_841 : i32 to index
        %swap3A_843 = arith.index_cast %multiple_of3A_692 : i32 to index
        %swap3A_844 = tpu.vector_load %arg18[%swap3A_842, %swap3A_843] {strides = array<i32>} : memref<24x512xf32, #tpu.memory_space<vmem>>, vector<1x16xf32>,
        %swap3A_845 = vector.shape_cast %swap3A_844 : vector<1x16xf32> to vector<16xf32>
        %swap3A_846 = vector.shape_cast %get3A_840 : vector<16xf32> to vector<1x16xf32>
        tpu.vector_store %arg18[%swap3A_842, %swap3A_843], %swap3A_846 {strides = array<i32>} : memref<24x512xf32, #tpu.memory_space<vmem>>, vector<1x16xf32>,
        %get3A_847 = arith.constant 45 : i32
        %get3A_848 = arith.index_cast %get3A_847 : i32 to index
        %get3A_849 = arith.index_cast %multiple_of3A_692 : i32 to index
        %get3A_850 = tpu.vector_load %arg17[%get3A_848, %get3A_849] {strides = array<i32>} : memref<60x512xf32, #tpu.memory_space<vmem>>, vector<1x16xf32>,
        %get3A_851 = vector.shape_cast %get3A_850 : vector<1x16xf32> to vector<16xf32>
        %swap3A_852 = arith.constant 14 : i32
        %swap3A_853 = arith.index_cast %swap3A_852 : i32 to index
        %swap3A_854 = arith.index_cast %multiple_of3A_692 : i32 to index
        %swap3A_855 = tpu.vector_load %arg18[%swap3A_853, %swap3A_854] {strides = array<i32>} : memref<24x512xf32, #tpu.memory_space<vmem>>, vector<1x16xf32>,
        %swap3A_856 = vector.shape_cast %swap3A_855 : vector<1x16xf32> to vector<16xf32>
        %swap3A_857 = vector.shape_cast %get3A_851 : vector<16xf32> to vector<1x16xf32>
        tpu.vector_store %arg18[%swap3A_853, %swap3A_854], %swap3A_857 {strides = array<i32>} : memref<24x512xf32, #tpu.memory_space<vmem>>, vector<1x16xf32>,
        %get3A_858 = arith.constant 46 : i32
        %get3A_859 = arith.index_cast %get3A_858 : i32 to index
        %get3A_860 = arith.index_cast %multiple_of3A_692 : i32 to index
        %get3A_861 = tpu.vector_load %arg17[%get3A_859, %get3A_860] {strides = array<i32>} : memref<60x512xf32, #tpu.memory_space<vmem>>, vector<1x16xf32>,
        %get3A_862 = vector.shape_cast %get3A_861 : vector<1x16xf32> to vector<16xf32>
        %swap3A_863 = arith.constant 15 : i32
        %swap3A_864 = arith.index_cast %swap3A_863 : i32 to index
        %swap3A_865 = arith.index_cast %multiple_of3A_692 : i32 to index
        %swap3A_866 = tpu.vector_load %arg18[%swap3A_864, %swap3A_865] {strides = array<i32>} : memref<24x512xf32, #tpu.memory_space<vmem>>, vector<1x16xf32>,
        %swap3A_867 = vector.shape_cast %swap3A_866 : vector<1x16xf32> to vector<16xf32>
        %swap3A_868 = vector.shape_cast %get3A_862 : vector<16xf32> to vector<1x16xf32>
        tpu.vector_store %arg18[%swap3A_864, %swap3A_865], %swap3A_868 {strides = array<i32>} : memref<24x512xf32, #tpu.memory_space<vmem>>, vector<1x16xf32>,
        %get3A_869 = arith.constant 47 : i32
        %get3A_870 = arith.index_cast %get3A_869 : i32 to index
        %get3A_871 = arith.index_cast %multiple_of3A_692 : i32 to index
        %get3A_872 = tpu.vector_load %arg17[%get3A_870, %get3A_871] {strides = array<i32>} : memref<60x512xf32, #tpu.memory_space<vmem>>, vector<1x16xf32>,
        %get3A_873 = vector.shape_cast %get3A_872 : vector<1x16xf32> to vector<16xf32>
        %swap3A_874 = arith.constant 16 : i32
        %swap3A_875 = arith.index_cast %swap3A_874 : i32 to index
        %swap3A_876 = arith.index_cast %multiple_of3A_692 : i32 to index
        %swap3A_877 = tpu.vector_load %arg18[%swap3A_875, %swap3A_876] {strides = array<i32>} : memref<24x512xf32, #tpu.memory_space<vmem>>, vector<1x16xf32>,
        %swap3A_878 = vector.shape_cast %swap3A_877 : vector<1x16xf32> to vector<16xf32>
        %swap3A_879 = vector.shape_cast %get3A_873 : vector<16xf32> to vector<1x16xf32>
        tpu.vector_store %arg18[%swap3A_875, %swap3A_876], %swap3A_879 {strides = array<i32>} : memref<24x512xf32, #tpu.memory_space<vmem>>, vector<1x16xf32>,
        %get3A_880 = arith.constant 48 : i32
        %get3A_881 = arith.index_cast %get3A_880 : i32 to index
        %get3A_882 = arith.index_cast %multiple_of3A_692 : i32 to index
        %get3A_883 = tpu.vector_load %arg17[%get3A_881, %get3A_882] {strides = array<i32>} : memref<60x512xf32, #tpu.memory_space<vmem>>, vector<1x16xf32>,
        %get3A_884 = vector.shape_cast %get3A_883 : vector<1x16xf32> to vector<16xf32>
        %swap3A_885 = arith.constant 17 : i32
        %swap3A_886 = arith.index_cast %swap3A_885 : i32 to index
        %swap3A_887 = arith.index_cast %multiple_of3A_692 : i32 to index
        %swap3A_888 = tpu.vector_load %arg18[%swap3A_886, %swap3A_887] {strides = array<i32>} : memref<24x512xf32, #tpu.memory_space<vmem>>, vector<1x16xf32>,
        %swap3A_889 = vector.shape_cast %swap3A_888 : vector<1x16xf32> to vector<16xf32>
        %swap3A_890 = vector.shape_cast %get3A_884 : vector<16xf32> to vector<1x16xf32>
        tpu.vector_store %arg18[%swap3A_886, %swap3A_887], %swap3A_890 {strides = array<i32>} : memref<24x512xf32, #tpu.memory_space<vmem>>, vector<1x16xf32>,
        %get3A_891 = arith.constant 49 : i32
        %get3A_892 = arith.index_cast %get3A_891 : i32 to index
        %get3A_893 = arith.index_cast %multiple_of3A_692 : i32 to index
        %get3A_894 = tpu.vector_load %arg17[%get3A_892, %get3A_893] {strides = array<i32>} : memref<60x512xf32, #tpu.memory_space<vmem>>, vector<1x16xf32>,
        %get3A_895 = vector.shape_cast %get3A_894 : vector<1x16xf32> to vector<16xf32>
        %swap3A_896 = arith.constant 18 : i32
        %swap3A_897 = arith.index_cast %swap3A_896 : i32 to index
        %swap3A_898 = arith.index_cast %multiple_of3A_692 : i32 to index
        %swap3A_899 = tpu.vector_load %arg18[%swap3A_897, %swap3A_898] {strides = array<i32>} : memref<24x512xf32, #tpu.memory_space<vmem>>, vector<1x16xf32>,
        %swap3A_900 = vector.shape_cast %swap3A_899 : vector<1x16xf32> to vector<16xf32>
        %swap3A_901 = vector.shape_cast %get3A_895 : vector<16xf32> to vector<1x16xf32>
        tpu.vector_store %arg18[%swap3A_897, %swap3A_898], %swap3A_901 {strides = array<i32>} : memref<24x512xf32, #tpu.memory_space<vmem>>, vector<1x16xf32>,
        %get3A_902 = arith.constant 50 : i32
        %get3A_903 = arith.index_cast %get3A_902 : i32 to index
        %get3A_904 = arith.index_cast %multiple_of3A_692 : i32 to index
        %get3A_905 = tpu.vector_load %arg17[%get3A_903, %get3A_904] {strides = array<i32>} : memref<60x512xf32, #tpu.memory_space<vmem>>, vector<1x16xf32>,
        %get3A_906 = vector.shape_cast %get3A_905 : vector<1x16xf32> to vector<16xf32>
        %swap3A_907 = arith.constant 19 : i32
        %swap3A_908 = arith.index_cast %swap3A_907 : i32 to index
        %swap3A_909 = arith.index_cast %multiple_of3A_692 : i32 to index
        %swap3A_910 = tpu.vector_load %arg18[%swap3A_908, %swap3A_909] {strides = array<i32>} : memref<24x512xf32, #tpu.memory_space<vmem>>, vector<1x16xf32>,
        %swap3A_911 = vector.shape_cast %swap3A_910 : vector<1x16xf32> to vector<16xf32>
        %swap3A_912 = vector.shape_cast %get3A_906 : vector<16xf32> to vector<1x16xf32>
        tpu.vector_store %arg18[%swap3A_908, %swap3A_909], %swap3A_912 {strides = array<i32>} : memref<24x512xf32, #tpu.memory_space<vmem>>, vector<1x16xf32>,
        %get3A_913 = arith.constant 51 : i32
        %get3A_914 = arith.index_cast %get3A_913 : i32 to index
        %get3A_915 = arith.index_cast %multiple_of3A_692 : i32 to index
        %get3A_916 = tpu.vector_load %arg17[%get3A_914, %get3A_915] {strides = array<i32>} : memref<60x512xf32, #tpu.memory_space<vmem>>, vector<1x16xf32>,
        %get3A_917 = vector.shape_cast %get3A_916 : vector<1x16xf32> to vector<16xf32>
        %swap3A_918 = arith.constant 20 : i32
        %swap3A_919 = arith.index_cast %swap3A_918 : i32 to index
        %swap3A_920 = arith.index_cast %multiple_of3A_692 : i32 to index
        %swap3A_921 = tpu.vector_load %arg18[%swap3A_919, %swap3A_920] {strides = array<i32>} : memref<24x512xf32, #tpu.memory_space<vmem>>, vector<1x16xf32>,
        %swap3A_922 = vector.shape_cast %swap3A_921 : vector<1x16xf32> to vector<16xf32>
        %swap3A_923 = vector.shape_cast %get3A_917 : vector<16xf32> to vector<1x16xf32>
        tpu.vector_store %arg18[%swap3A_919, %swap3A_920], %swap3A_923 {strides = array<i32>} : memref<24x512xf32, #tpu.memory_space<vmem>>, vector<1x16xf32>,
        %get3A_924 = arith.constant 52 : i32
        %get3A_925 = arith.index_cast %get3A_924 : i32 to index
        %get3A_926 = arith.index_cast %multiple_of3A_692 : i32 to index
        %get3A_927 = tpu.vector_load %arg17[%get3A_925, %get3A_926] {strides = array<i32>} : memref<60x512xf32, #tpu.memory_space<vmem>>, vector<1x16xf32>,
        %get3A_928 = vector.shape_cast %get3A_927 : vector<1x16xf32> to vector<16xf32>
        %swap3A_929 = arith.constant 21 : i32
        %swap3A_930 = arith.index_cast %swap3A_929 : i32 to index
        %swap3A_931 = arith.index_cast %multiple_of3A_692 : i32 to index
        %swap3A_932 = tpu.vector_load %arg18[%swap3A_930, %swap3A_931] {strides = array<i32>} : memref<24x512xf32, #tpu.memory_space<vmem>>, vector<1x16xf32>,
        %swap3A_933 = vector.shape_cast %swap3A_932 : vector<1x16xf32> to vector<16xf32>
        %swap3A_934 = vector.shape_cast %get3A_928 : vector<16xf32> to vector<1x16xf32>
        tpu.vector_store %arg18[%swap3A_930, %swap3A_931], %swap3A_934 {strides = array<i32>} : memref<24x512xf32, #tpu.memory_space<vmem>>, vector<1x16xf32>,
        %get3A_935 = arith.constant 53 : i32
        %get3A_936 = arith.index_cast %get3A_935 : i32 to index
        %get3A_937 = arith.index_cast %multiple_of3A_692 : i32 to index
        %get3A_938 = tpu.vector_load %arg17[%get3A_936, %get3A_937] {strides = array<i32>} : memref<60x512xf32, #tpu.memory_space<vmem>>, vector<1x16xf32>,
        %get3A_939 = vector.shape_cast %get3A_938 : vector<1x16xf32> to vector<16xf32>
        %swap3A_940 = arith.constant 22 : i32
        %swap3A_941 = arith.index_cast %swap3A_940 : i32 to index
        %swap3A_942 = arith.index_cast %multiple_of3A_692 : i32 to index
        %swap3A_943 = tpu.vector_load %arg18[%swap3A_941, %swap3A_942] {strides = array<i32>} : memref<24x512xf32, #tpu.memory_space<vmem>>, vector<1x16xf32>,
        %swap3A_944 = vector.shape_cast %swap3A_943 : vector<1x16xf32> to vector<16xf32>
        %swap3A_945 = vector.shape_cast %get3A_939 : vector<16xf32> to vector<1x16xf32>
        tpu.vector_store %arg18[%swap3A_941, %swap3A_942], %swap3A_945 {strides = array<i32>} : memref<24x512xf32, #tpu.memory_space<vmem>>, vector<1x16xf32>,
        %get3A_946 = arith.constant 54 : i32
        %get3A_947 = arith.index_cast %get3A_946 : i32 to index
        %get3A_948 = arith.index_cast %multiple_of3A_692 : i32 to index
        %get3A_949 = tpu.vector_load %arg17[%get3A_947, %get3A_948] {strides = array<i32>} : memref<60x512xf32, #tpu.memory_space<vmem>>, vector<1x16xf32>,
        %get3A_950 = vector.shape_cast %get3A_949 : vector<1x16xf32> to vector<16xf32>
        %swap3A_951 = arith.constant 23 : i32
        %swap3A_952 = arith.index_cast %swap3A_951 : i32 to index
        %swap3A_953 = arith.index_cast %multiple_of3A_692 : i32 to index
        %swap3A_954 = tpu.vector_load %arg18[%swap3A_952, %swap3A_953] {strides = array<i32>} : memref<24x512xf32, #tpu.memory_space<vmem>>, vector<1x16xf32>,
        %swap3A_955 = vector.shape_cast %swap3A_954 : vector<1x16xf32> to vector<16xf32>
        %swap3A_956 = vector.shape_cast %get3A_950 : vector<16xf32> to vector<1x16xf32>
        tpu.vector_store %arg18[%swap3A_952, %swap3A_953], %swap3A_956 {strides = array<i32>} : memref<24x512xf32, #tpu.memory_space<vmem>>, vector<1x16xf32>,
      }
      %scan3A_652 = arith.constant 32 : i32
      %dma_start3A_653 = arith.constant 48 : i32
      %dma_start3A_654 = arith.constant 0 : i32
      %dma_start3A_655 = tpu.memref_slice %arg7[%add3A_600, %dma_start3A_653, %dma_start3A_654] : memref<1024x77x512xf32, #tpu.memory_space<hbm>> -> memref<1x24x512xf32, #tpu.memory_space<hbm>>
      %dma_start3A_656 = tpu.memref_squeeze %dma_start3A_655 : memref<1x24x512xf32, #tpu.memory_space<hbm>> -> memref<24x512xf32, #tpu.memory_space<hbm>>
      %dma_start3A_657 = arith.constant 48 : i32
      %dma_start3A_658 = arith.constant 0 : i32
      %dma_start3A_659 = tpu.memref_slice %arg7[%add3A_600, %dma_start3A_657, %dma_start3A_658] : memref<1024x77x512xf32, #tpu.memory_space<hbm>> -> memref<1x24x512xf32, #tpu.memory_space<hbm>>
      %dma_start3A_660 = tpu.memref_squeeze %dma_start3A_659 : memref<1x24x512xf32, #tpu.memory_space<hbm>> -> memref<24x512xf32, #tpu.memory_space<hbm>>
      tpu.enqueue_dma source(%arg18 : memref<24x512xf32, #tpu.memory_space<vmem>>) target(%dma_start3A_660 : memref<24x512xf32, #tpu.memory_space<hbm>>) target_semaphore(%arg22 : memref<!tpu.dma_semaphore, #tpu.memory_space<semaphore_mem>>)
      %dma_wait3A_661 = arith.constant 24 : i32
      %dma_wait3A_662 = arith.constant 0 : i32
      %dma_wait3A_663 = tpu.memref_slice %arg7[%add3A_600, %dma_wait3A_661, %dma_wait3A_662] : memref<1024x77x512xf32, #tpu.memory_space<hbm>> -> memref<1x24x512xf32, #tpu.memory_space<hbm>>
      %dma_wait3A_664 = tpu.memref_squeeze %dma_wait3A_663 : memref<1x24x512xf32, #tpu.memory_space<hbm>> -> memref<24x512xf32, #tpu.memory_space<hbm>>
      %dma_wait3A_665 = arith.constant 24 : i32
      %dma_wait3A_666 = arith.constant 0 : i32
      %dma_wait3A_667 = tpu.memref_slice %arg7[%add3A_600, %dma_wait3A_665, %dma_wait3A_666] : memref<1024x77x512xf32, #tpu.memory_space<hbm>> -> memref<1x24x512xf32, #tpu.memory_space<hbm>>
      %dma_wait3A_668 = tpu.memref_squeeze %dma_wait3A_667 : memref<1x24x512xf32, #tpu.memory_space<hbm>> -> memref<24x512xf32, #tpu.memory_space<hbm>>
      tpu.wait_dma2 semaphore(%arg23 : memref<!tpu.dma_semaphore, #tpu.memory_space<semaphore_mem>>) src(%arg19 : memref<24x512xf32, #tpu.memory_space<vmem>>) dst(%dma_wait3A_668 : memref<24x512xf32, #tpu.memory_space<hbm>>)
      %scan3A_669 = arith.constant 0 : i32
      %scan3A_670 = arith.constant 0 : i32
      %scan3A_671 = arith.constant 32 : i32
      %scan3A_672 = arith.addi %scan3A_670, %scan3A_671 : i32
      %scan3A_673 = arith.constant 1 : i32
      scf.for %scan3A_689 = %scan3A_670 to %scan3A_672 step %scan3A_673  : i32 {
        %mul3A_690 = arith.constant 16 : i32
        %mul3A_691 = arith.muli %scan3A_689, %mul3A_690 : i32
        %multiple_of3A_692 = tpu.assume_multiple %mul3A_691, 8 : i32
        %get3A_693 = arith.constant 55 : i32
        %get3A_694 = arith.index_cast %get3A_693 : i32 to index
        %get3A_695 = arith.index_cast %multiple_of3A_692 : i32 to index
        %get3A_696 = tpu.vector_load %arg17[%get3A_694, %get3A_695] {strides = array<i32>} : memref<60x512xf32, #tpu.memory_space<vmem>>, vector<1x16xf32>,
        %get3A_697 = vector.shape_cast %get3A_696 : vector<1x16xf32> to vector<16xf32>
        %swap3A_698 = arith.constant 0 : i32
        %swap3A_699 = arith.index_cast %swap3A_698 : i32 to index
        %swap3A_700 = arith.index_cast %multiple_of3A_692 : i32 to index
        %swap3A_701 = tpu.vector_load %arg19[%swap3A_699, %swap3A_700] {strides = array<i32>} : memref<24x512xf32, #tpu.memory_space<vmem>>, vector<1x16xf32>,
        %swap3A_702 = vector.shape_cast %swap3A_701 : vector<1x16xf32> to vector<16xf32>
        %swap3A_703 = vector.shape_cast %get3A_697 : vector<16xf32> to vector<1x16xf32>
        tpu.vector_store %arg19[%swap3A_699, %swap3A_700], %swap3A_703 {strides = array<i32>} : memref<24x512xf32, #tpu.memory_space<vmem>>, vector<1x16xf32>,
        %get3A_704 = arith.constant 56 : i32
        %get3A_705 = arith.index_cast %get3A_704 : i32 to index
        %get3A_706 = arith.index_cast %multiple_of3A_692 : i32 to index
        %get3A_707 = tpu.vector_load %arg17[%get3A_705, %get3A_706] {strides = array<i32>} : memref<60x512xf32, #tpu.memory_space<vmem>>, vector<1x16xf32>,
        %get3A_708 = vector.shape_cast %get3A_707 : vector<1x16xf32> to vector<16xf32>
        %swap3A_709 = arith.constant 1 : i32
        %swap3A_710 = arith.index_cast %swap3A_709 : i32 to index
        %swap3A_711 = arith.index_cast %multiple_of3A_692 : i32 to index
        %swap3A_712 = tpu.vector_load %arg19[%swap3A_710, %swap3A_711] {strides = array<i32>} : memref<24x512xf32, #tpu.memory_space<vmem>>, vector<1x16xf32>,
        %swap3A_713 = vector.shape_cast %swap3A_712 : vector<1x16xf32> to vector<16xf32>
        %swap3A_714 = vector.shape_cast %get3A_708 : vector<16xf32> to vector<1x16xf32>
        tpu.vector_store %arg19[%swap3A_710, %swap3A_711], %swap3A_714 {strides = array<i32>} : memref<24x512xf32, #tpu.memory_space<vmem>>, vector<1x16xf32>,
        %get3A_715 = arith.constant 57 : i32
        %get3A_716 = arith.index_cast %get3A_715 : i32 to index
        %get3A_717 = arith.index_cast %multiple_of3A_692 : i32 to index
        %get3A_718 = tpu.vector_load %arg17[%get3A_716, %get3A_717] {strides = array<i32>} : memref<60x512xf32, #tpu.memory_space<vmem>>, vector<1x16xf32>,
        %get3A_719 = vector.shape_cast %get3A_718 : vector<1x16xf32> to vector<16xf32>
        %swap3A_720 = arith.constant 2 : i32
        %swap3A_721 = arith.index_cast %swap3A_720 : i32 to index
        %swap3A_722 = arith.index_cast %multiple_of3A_692 : i32 to index
        %swap3A_723 = tpu.vector_load %arg19[%swap3A_721, %swap3A_722] {strides = array<i32>} : memref<24x512xf32, #tpu.memory_space<vmem>>, vector<1x16xf32>,
        %swap3A_724 = vector.shape_cast %swap3A_723 : vector<1x16xf32> to vector<16xf32>
        %swap3A_725 = vector.shape_cast %get3A_719 : vector<16xf32> to vector<1x16xf32>
        tpu.vector_store %arg19[%swap3A_721, %swap3A_722], %swap3A_725 {strides = array<i32>} : memref<24x512xf32, #tpu.memory_space<vmem>>, vector<1x16xf32>,
        %get3A_726 = arith.constant 58 : i32
        %get3A_727 = arith.index_cast %get3A_726 : i32 to index
        %get3A_728 = arith.index_cast %multiple_of3A_692 : i32 to index
        %get3A_729 = tpu.vector_load %arg17[%get3A_727, %get3A_728] {strides = array<i32>} : memref<60x512xf32, #tpu.memory_space<vmem>>, vector<1x16xf32>,
        %get3A_730 = vector.shape_cast %get3A_729 : vector<1x16xf32> to vector<16xf32>
        %swap3A_731 = arith.constant 3 : i32
        %swap3A_732 = arith.index_cast %swap3A_731 : i32 to index
        %swap3A_733 = arith.index_cast %multiple_of3A_692 : i32 to index
        %swap3A_734 = tpu.vector_load %arg19[%swap3A_732, %swap3A_733] {strides = array<i32>} : memref<24x512xf32, #tpu.memory_space<vmem>>, vector<1x16xf32>,
        %swap3A_735 = vector.shape_cast %swap3A_734 : vector<1x16xf32> to vector<16xf32>
        %swap3A_736 = vector.shape_cast %get3A_730 : vector<16xf32> to vector<1x16xf32>
        tpu.vector_store %arg19[%swap3A_732, %swap3A_733], %swap3A_736 {strides = array<i32>} : memref<24x512xf32, #tpu.memory_space<vmem>>, vector<1x16xf32>,
        %get3A_737 = arith.constant 59 : i32
        %get3A_738 = arith.index_cast %get3A_737 : i32 to index
        %get3A_739 = arith.index_cast %multiple_of3A_692 : i32 to index
        %get3A_740 = tpu.vector_load %arg17[%get3A_738, %get3A_739] {strides = array<i32>} : memref<60x512xf32, #tpu.memory_space<vmem>>, vector<1x16xf32>,
        %get3A_741 = vector.shape_cast %get3A_740 : vector<1x16xf32> to vector<16xf32>
        %swap3A_742 = arith.constant 4 : i32
        %swap3A_743 = arith.index_cast %swap3A_742 : i32 to index
        %swap3A_744 = arith.index_cast %multiple_of3A_692 : i32 to index
        %swap3A_745 = tpu.vector_load %arg19[%swap3A_743, %swap3A_744] {strides = array<i32>} : memref<24x512xf32, #tpu.memory_space<vmem>>, vector<1x16xf32>,
        %swap3A_746 = vector.shape_cast %swap3A_745 : vector<1x16xf32> to vector<16xf32>
        %swap3A_747 = vector.shape_cast %get3A_741 : vector<16xf32> to vector<1x16xf32>
        tpu.vector_store %arg19[%swap3A_743, %swap3A_744], %swap3A_747 {strides = array<i32>} : memref<24x512xf32, #tpu.memory_space<vmem>>, vector<1x16xf32>,
      }
      %scan3A_674 = arith.constant 32 : i32
      %dma_start3A_675 = arith.constant 0 : i32
      %dma_start3A_676 = arith.constant 0 : i32
      %dma_start3A_677 = tpu.memref_slice %arg19[%dma_start3A_675, %dma_start3A_676] : memref<24x512xf32, #tpu.memory_space<vmem>> -> memref<5x512xf32, #tpu.memory_space<vmem>>
      %dma_start3A_678 = arith.constant 72 : i32
      %dma_start3A_679 = arith.constant 0 : i32
      %dma_start3A_680 = tpu.memref_slice %arg7[%add3A_600, %dma_start3A_678, %dma_start3A_679] : memref<1024x77x512xf32, #tpu.memory_space<hbm>> -> memref<1x5x512xf32, #tpu.memory_space<hbm>>
      %dma_start3A_681 = tpu.memref_squeeze %dma_start3A_680 : memref<1x5x512xf32, #tpu.memory_space<hbm>> -> memref<5x512xf32, #tpu.memory_space<hbm>>
      %dma_start3A_682 = arith.constant 72 : i32
      %dma_start3A_683 = arith.constant 0 : i32
      %dma_start3A_684 = tpu.memref_slice %arg7[%add3A_600, %dma_start3A_682, %dma_start3A_683] : memref<1024x77x512xf32, #tpu.memory_space<hbm>> -> memref<1x5x512xf32, #tpu.memory_space<hbm>>
      %dma_start3A_685 = tpu.memref_squeeze %dma_start3A_684 : memref<1x5x512xf32, #tpu.memory_space<hbm>> -> memref<5x512xf32, #tpu.memory_space<hbm>>
      %dma_start3A_686 = arith.constant 0 : i32
      %dma_start3A_687 = arith.constant 0 : i32
      %dma_start3A_688 = tpu.memref_slice %arg19[%dma_start3A_686, %dma_start3A_687] : memref<24x512xf32, #tpu.memory_space<vmem>> -> memref<5x512xf32, #tpu.memory_space<vmem>>
      tpu.enqueue_dma source(%dma_start3A_688 : memref<5x512xf32, #tpu.memory_space<vmem>>) target(%dma_start3A_685 : memref<5x512xf32, #tpu.memory_space<hbm>>) target_semaphore(%arg23 : memref<!tpu.dma_semaphore, #tpu.memory_space<semaphore_mem>>)
    }
    %scan3A_289 = arith.constant 16 : i32
    %add3A_290 = arith.constant 32 : i32
    %add3A_291 = arith.addi %mul3A_2, %add3A_290 : i32
    %sub3A_292 = arith.constant 1 : i32
    %sub3A_293 = arith.subi %add3A_291, %sub3A_292 : i32
    %dma_wait3A = arith.constant 48 : i32
    %dma_wait3A_294 = arith.constant 0 : i32
    %dma_wait3A_295 = tpu.memref_slice %arg7[%sub3A_293, %dma_wait3A, %dma_wait3A_294] : memref<1024x77x512xf32, #tpu.memory_space<hbm>> -> memref<1x24x512xf32, #tpu.memory_space<hbm>>
    %dma_wait3A_296 = tpu.memref_squeeze %dma_wait3A_295 : memref<1x24x512xf32, #tpu.memory_space<hbm>> -> memref<24x512xf32, #tpu.memory_space<hbm>>
    %dma_wait3A_297 = arith.constant 48 : i32
    %dma_wait3A_298 = arith.constant 0 : i32
    %dma_wait3A_299 = tpu.memref_slice %arg7[%sub3A_293, %dma_wait3A_297, %dma_wait3A_298] : memref<1024x77x512xf32, #tpu.memory_space<hbm>> -> memref<1x24x512xf32, #tpu.memory_space<hbm>>
    %dma_wait3A_300 = tpu.memref_squeeze %dma_wait3A_299 : memref<1x24x512xf32, #tpu.memory_space<hbm>> -> memref<24x512xf32, #tpu.memory_space<hbm>>
    tpu.wait_dma2 semaphore(%arg22 : memref<!tpu.dma_semaphore, #tpu.memory_space<semaphore_mem>>) src(%arg18 : memref<24x512xf32, #tpu.memory_space<vmem>>) dst(%dma_wait3A_300 : memref<24x512xf32, #tpu.memory_space<hbm>>)
    %dma_wait3A_301 = arith.constant 0 : i32
    %dma_wait3A_302 = arith.constant 0 : i32
    %dma_wait3A_303 = tpu.memref_slice %arg19[%dma_wait3A_301, %dma_wait3A_302] : memref<24x512xf32, #tpu.memory_space<vmem>> -> memref<5x512xf32, #tpu.memory_space<vmem>>
    %dma_wait3A_304 = arith.constant 72 : i32
    %dma_wait3A_305 = arith.constant 0 : i32
    %dma_wait3A_306 = tpu.memref_slice %arg7[%sub3A_293, %dma_wait3A_304, %dma_wait3A_305] : memref<1024x77x512xf32, #tpu.memory_space<hbm>> -> memref<1x5x512xf32, #tpu.memory_space<hbm>>
    %dma_wait3A_307 = tpu.memref_squeeze %dma_wait3A_306 : memref<1x5x512xf32, #tpu.memory_space<hbm>> -> memref<5x512xf32, #tpu.memory_space<hbm>>
    %dma_wait3A_308 = arith.constant 72 : i32
    %dma_wait3A_309 = arith.constant 0 : i32
    %dma_wait3A_310 = tpu.memref_slice %arg7[%sub3A_293, %dma_wait3A_308, %dma_wait3A_309] : memref<1024x77x512xf32, #tpu.memory_space<hbm>> -> memref<1x5x512xf32, #tpu.memory_space<hbm>>
    %dma_wait3A_311 = tpu.memref_squeeze %dma_wait3A_310 : memref<1x5x512xf32, #tpu.memory_space<hbm>> -> memref<5x512xf32, #tpu.memory_space<hbm>>
    %dma_wait3A_312 = arith.constant 0 : i32
    %dma_wait3A_313 = arith.constant 0 : i32
    %dma_wait3A_314 = tpu.memref_slice %arg19[%dma_wait3A_312, %dma_wait3A_313] : memref<24x512xf32, #tpu.memory_space<vmem>> -> memref<5x512xf32, #tpu.memory_space<vmem>>
    tpu.wait_dma2 semaphore(%arg23 : memref<!tpu.dma_semaphore, #tpu.memory_space<semaphore_mem>>) src(%dma_wait3A_314 : memref<5x512xf32, #tpu.memory_space<vmem>>) dst(%dma_wait3A_311 : memref<5x512xf32, #tpu.memory_space<hbm>>)
    return
  }
}

</mosaic_0001>

<sc_bundles>
// kernel: kernel.3.cloned.1.call-start
scs
__scs_entry_jumppad:
0x0: {  	(pc) =	sbr.rel $0x88, $3  }
0x1: {  	(tag) =	ssettag $0x0;
	lr =	simm.s32 $0x1  }
0x2: {  	[smem:$0x3F9C] =	sst lr;
	_ =	strace $0xD0000000  }
0x3: {  	_ = 	snop  }
0x4: {  	_ = 	snop  }
0x5: {  	_ = 	snop  }
0x6: {  	_ = 	snop  }
0x7: {  	_ = 	snop  }
__scs_overlays_trampoline_lowered:
0x8: {  	[smem:$0x3FAB] =	sst s0  }
0x9: {  	[smem:$0x3FAC] =	sst s1  }
0xa: {  	[smem:$0x3FAD] =	sst s2  }
0xb: {  	[smem:$0x3FAE] =	sst s3  }
0xc: {  	[smem:$0x3FAF] =	sst s4  }
0xd: {  	[smem:$0x3FB0] =	sst s5  }
0xe: {  	[smem:$0x3FB1] =	sst s6  }
0xf: {  	[smem:$0x3FB2] =	sst s7  }
0x10: {  	[smem:$0x3FB3] =	sst s8  }
0x11: {  	[smem:$0x3FB4] =	sst s9;
	s0 =	simm.s32 @!p0 $0x0  }
0x12: {  	s1 =	sld [smem:$0x3F9A];
	s0 =	simm.s32 @p0 $0x1  }
0x13: {  	[smem:$0x3FB5] =	sst s0;
	s0 =	simm.s32 @!p1 $0x0  }
0x14: {  	s2 =	sld [smem:$0x3F99];
	s0 =	simm.s32 @p1 $0x1  }
0x15: {  	[smem:$0x3FB6] =	sst s0;
	s0 =	simm.s32 @!p2 $0x0  }
0x16: {  	s3 =	sld [smem:$0x3FDB];
	s0 =	simm.s32 @p2 $0x1  }
0x17: {  	s4 =	simm.s32 $0x1BF5;
	[smem:$0x3FB8] =	sst s0  }
0x18: {  	s0 =	sld [smem:$0x3F9B];
	_ =	swait.ge [sflag:s4], $0x0  }
0x19: {  	s7 =	sld [smem:$0x3F9C]  }
0x1a: {  	s8 =	sadd.s32 $0xFFFFE003, lr  }
0x1b: {  	s9 =	sadd.s32 $0xFFFFFEF7, lr;
	s5 =	simm.s32 $0xFFFFFFFF;
	p2 =	slt.u32 s8, $0xFFFFF086  }
0x1c: {  	p1 =	slt.u32 s9, $0xF7A;
	s5 =	simm.s32 @!p2 $0x0  }
0x1d: {  	s5 =	simm.s32 @p1 $0x1;
	p0 =	seq.s32 s7, s2  }
0x1e: {  	s7 =	smul.u32 @!p0 $0xF7A, s2;
	p2 =	seq.s32 @!p0 s5, $0x0  }
0x1f: {  	s9 =	smul.u32 $0xF7A, s1;
	s8 =	simm.s32 @!p0 $0x1BF5;
	p2 =	por !p2, p0  }
0x20: {  	[sflag:s8] =	ssyncset.s32 @!p0 $0xFFFFF086;
	s6 =	sadd.s32 @!p0 s3, s7;
	s7 =	simm.s32 @!p0 $0x108  }
0x21: {  	s3 =	sadd.s32 s3, s9;
	s6 =	sadd.s32 @!p0 $0x88, s6;
	s7 =	simm.s32 @p2 $0x1082  }
0x22: {  	[simem:s7], [sflag:s8] =	dma.local @!p0 [hbm:s6], $0xF7A  }
0x23: {  	s9 =	sor.u32 $0xD0000000, s2;
	s6 =	simm.s32 $0x108;
	_ =	swait.ge @!p0 [sflag:s8], $0x0  }
0x24: {  	s3 =	sadd.s32 $0x88, s3;
	s6 =	simm.s32 @!p1 $0x1082;
	[sflag:s4] =	ssyncset.s32 $0xFFFFF086  }
0x25: {  	[simem:s6], [sflag:s4] =	dma.local [hbm:s3], $0xF7A  }
0x26: {  	[smem:$0x3F9C] =	sst s1;
	(tag) =	ssettag s2;
	_ =	strace s9  }
0x27: {  	s1 =	sld [smem:$0x3FAC]  }
0x28: {  	s2 =	sld [smem:$0x3FAD]  }
0x29: {  	s4 =	sld [smem:$0x3FAF]  }
0x2a: {  	p0 =	seq.s32 s5, $0x0;
	s5 =	sld [smem:$0x3FB0]  }
0x2b: {  	s6 =	sld [smem:$0x3FB1]  }
0x2c: {  	s7 =	sld [smem:$0x3FB2]  }
0x2d: {  	s3 =	simm.s32 $0x108;
	s8 =	sld [smem:$0x3FB3]  }
0x2e: {  	s3 =	simm.s32 @!p0 $0x1082;
	s9 =	sld [smem:$0x3FB4]  }
0x2f: {  	lr =	sadd.s32 s0, s3;
	s0 =	sld [smem:$0x3FAB]  }
0x30: {  	s3 =	sld [smem:$0x3FAE]  }
0x31: {  	[smem:$0x3FB7] =	sst s10  }
0x32: {  	s10 =	sld [smem:$0x3FB5];
	_ =	sdelay $0x3  }
0x33: {  	p0 =	seq.s32 s10, $0x1;
	s10 =	sld [smem:$0x3FB7];
	_ =	sdelay $0x3  }
0x34: {  	[smem:$0x3FB7] =	sst s10  }
0x35: {  	s10 =	sld [smem:$0x3FB6];
	_ =	sdelay $0x3  }
0x36: {  	p1 =	seq.s32 s10, $0x1;
	s10 =	sld [smem:$0x3FB7];
	_ =	sdelay $0x3  }
0x37: {  	[smem:$0x3FB7] =	sst s10  }
0x38: {  	s10 =	sld [smem:$0x3FB8]  }
0x39: {  	_ = 	snop;
	(pc) =	sbr.ind lr, $3  }
0x3a: {  	_ = 	snop  }
0x3b: {  	_ = 	snop  }
0x3c: {  	p2 =	seq.s32 s10, $0x1;
	s10 =	sld [smem:$0x3FB7]  }
0x3d: {  	_ =	shalt  }
0x3e: {  	_ =	shalt  }
0x3f: {  	_ =	shalt  }
0x40: {  	_ =	shalt  }
0x41: {  	_ =	shalt  }
0x42: {  	_ =	shalt  }
0x43: {  	_ =	shalt  }
0x44: {  	_ =	shalt  }
0x45: {  	_ =	shalt  }
0x46: {  	_ =	shalt  }
0x47: {  	_ =	shalt  }
0x48: {  	_ =	shalt  }
0x49: {  	_ =	shalt  }
0x4a: {  	_ =	shalt  }
0x4b: {  	_ =	shalt  }
0x4c: {  	_ =	shalt  }
0x4d: {  	_ =	shalt  }
0x4e: {  	_ =	shalt  }
0x4f: {  	_ =	shalt  }
0x50: {  	_ =	shalt  }
0x51: {  	_ =	shalt  }
0x52: {  	_ =	shalt  }
0x53: {  	_ =	shalt  }
0x54: {  	_ =	shalt  }
0x55: {  	_ =	shalt  }
0x56: {  	_ =	shalt  }
0x57: {  	_ =	shalt  }
0x58: {  	_ =	shalt  }
0x59: {  	_ =	shalt  }
0x5a: {  	_ =	shalt  }
0x5b: {  	_ =	shalt  }
0x5c: {  	_ =	shalt  }
0x5d: {  	_ =	shalt  }
0x5e: {  	_ =	shalt  }
0x5f: {  	_ =	shalt  }
0x60: {  	_ =	shalt  }
0x61: {  	_ =	shalt  }
0x62: {  	_ =	shalt  }
0x63: {  	_ =	shalt  }
0x64: {  	_ =	shalt  }
0x65: {  	_ =	shalt  }
0x66: {  	_ =	shalt  }
0x67: {  	_ =	shalt  }
0x68: {  	_ =	shalt  }
0x69: {  	_ =	shalt  }
0x6a: {  	_ =	shalt  }
0x6b: {  	_ =	shalt  }
0x6c: {  	_ =	shalt  }
0x6d: {  	_ =	shalt  }
0x6e: {  	_ =	shalt  }
0x6f: {  	_ =	shalt  }
0x70: {  	_ =	shalt  }
0x71: {  	_ =	shalt  }
0x72: {  	_ =	shalt  }
0x73: {  	_ =	shalt  }
0x74: {  	_ =	shalt  }
0x75: {  	_ =	shalt  }
0x76: {  	_ =	shalt  }
0x77: {  	_ =	shalt  }
0x78: {  	_ =	shalt  }
0x79: {  	_ =	shalt  }
0x7a: {  	_ =	shalt  }
0x7b: {  	_ =	shalt  }
0x7c: {  	_ =	shalt  }
0x7d: {  	_ =	shalt  }
0x7e: {  	_ =	shalt  }
0x7f: {  	_ =	shalt  }
0x80: {  	_ =	shalt  }
0x81: {  	_ =	shalt  }
0x82: {  	_ =	shalt  }
0x83: {  	_ =	shalt  }
0x84: {  	_ =	shalt  }
0x85: {  	_ =	shalt  }
0x86: {  	_ =	shalt  }
0x87: {  	_ =	shalt  }
.Lfunc_end0:
.L_simem_size_0:
called_computation_lowered:
.L_overlay_start_0:
0x88: {  	s2 =	sld [smem:$0x3FD9]  }
0x89: {  	s3 =	sld [smem:$0x3FFE];
	_ =	sdelay $0x1  }
0x8a: {  	s1 =	srdreg.scid  }
0x8b: {  	s0 =	sand.u32 $0x1, s1  }
0x8c: {  	s17 =	sshll.u32 s0, $0xA;
	s2 =	sadd.s32 s3, s2  }
0x8d: {  	s2 =	sadd.s32 s2, s17  }
0x8e: {  	[smem:$0x3FC3] =	sst s2  }
0x8f: {  	_ = 	snop  }
0x90: {  	s2 =	sld [smem:$0x3FC9]  }
0x91: {  	s18 =	sld [smem:$0x3FC8]  }
0x92: {  	s4 =	sld [smem:$0x3FC7]  }
0x93: {  	s5 =	sld [smem:$0x3FC6];
	(tm) =	ssettm $0x1  }
0x94: {  	s6 =	sld [smem:$0x3FFB];
	_ =	sdelay $0x3  }
0x95: {  	_ =	strace s6  }
0x96: {  	s6 =	sld [smem:$0x3FFC];
	_ =	sdelay $0x3  }
0x97: {  	_ =	strace s6  }
0x98: {  	s6 =	sld [smem:$0x3FFD];
	_ =	sdelay $0x3  }
0x99: {  	_ =	strace s6  }
0x9a: {  	_ =	strace $0x8FFFFFFF  }
0x9b: {  	s19 =	sld [smem:$0x3FDB];
	_ =	sdelay $0x1  }
0x9c: {  	s7 =	simm.s32 $_scs_section_size  }
0x9d: {  	s8 =	simm.s32 $_size__tile_overlayer_lowered;
	s9 =	simm.s32 $_tile_overlayer_lowered  }
0x9e: {  	s22 =	simm.s32 $0x1BFF;
	s21 =	sshll.u32 s9, $0x1;
	s6 =	sadd.s32 s7, s19  }
0x9f: {  	s10 =	simm.s32 $0x0;
	s20 =	sshll.u32 s8, $0x1;
	s8 =	sadd.s32 s21, s6  }
0xa0: {  	[timem:s10], [sflag:s22] =	dma.local [hbm:s8], s20  }
0xa1: {  	_ =	swait.ge [sflag:s22], s20  }
0xa2: {  	s7 =	ssub.s32 $0x0, s20;
	[sflag:s22] =	ssyncset.done $0x0  }
0xa3: {  	[sflag:s22] =	ssyncadd.s32 s7;
	_ =	sdelay $0x1  }
0xa4: {  	s23 =	simm.s32 $0x1B8B  }
0xa5: {  	_ =	swait.ge [sflag:s23], $0x1  }
0xa6: {  	[sflag:s23] =	ssyncset.done $0x0  }
0xa7: {  	s25 =	simm.s32 $0x1B8E;
	s24 =	sld [smem:$0x3FFE];
	[sflag:s23] =	ssyncadd.s32 $0xFFFFFFFF  }
0xa8: {  	s26 =	simm.s32 $execute0_lowered;
	[smem:$0x3FD2] =	sst s25  }
0xa9: {  	s8 =	sshll.u32 s26, $0x1;
	_ =	strace $0x80000046;
	[dreg:$0x1] =	wrdreg $0xFFFFFFFF  }
0xaa: {  	s28 =	simm.s32 $_size_execute0_lowered;
	s6 =	sadd.s32 s6, s8;
	[dreg:$0x0] =	wrdreg $0x0  }
0xab: {  	s8 =	sshll.u32 s28, $0x1;
	[dreg:$0x2] =	wrdreg s6  }
0xac: {  	[dreg:$0x3] =	wrdreg s8  }
0xad: {  	[dreg:$0x4] =	wrdreg $0xC0  }
0xae: {  	_ =	task [dreg:s10], $0x5FFFF  }
0xaf: {  	[dreg:$0x1] =	wrdreg $0xFFFFFFFF  }
0xb0: {  	[dreg:$0x0] =	wrdreg $0x60  }
0xb1: {  	[dreg:$0x2] =	wrdreg s2  }
0xb2: {  	[dreg:$0x3] =	wrdreg s18  }
0xb3: {  	[dreg:$0x4] =	wrdreg s4  }
0xb4: {  	[dreg:$0x5] =	wrdreg s5  }
0xb5: {  	[dreg:$0x6] =	wrdreg s24  }
0xb6: {  	[dreg:$0x7] =	wrdreg $0x9  }
0xb7: {  	_ =	task.clear_ibuf [dreg:s10], $0x8FFFF;
	_ =	strace $0x90000046  }
0xb8: {  	s29 =	simm.s32 $0x9;
	_ =	strace $0x80000048  }
0xb9: {  	_ =	swait.ge [sflag:s29], $0x1  }
0xba: {  	[sflag:s29] =	ssyncadd.s32 $0xFFFFFFFF  }
0xbb: {  	_ =	strace $0x90000048  }
0xbc: {  	_ =	sfence  }
0xbd: {  	s30 =	sld [smem:$0x0];
	_ =	sdelay $0x2  }
0xbe: {  	s31 =	sshll.u32 s1, $0xD;
	s1 =	sshrl.u32 s1, $0x2  }
0xbf: {  	s3 =	sand.u32 $0x4000, s31;
	s1 =	sadd.s32 s1, s30  }
0xc0: {  	s0 =	sor.u32 s3, s0;
	s1 =	sshll.u32 s1, $0x11  }
0xc1: {  	s0 =	sor.u32 s1, s0  }
0xc2: {  	s0 =	sadd.s32 $0x8F2B, s0  }
0xc3: {  	[sflag:s0] =	ssyncadd.remote.s32 $0x1  }
0xc4: {  	_ =	sfence.sel $0xFFFF  }
0xc5: {  	[dreg:$0x0] =	wrdreg $0xFFFFFFFF;
	(pc) =	sbr.abs _section_cstart, $3  }
0xc6: {  	[dreg:$0x1] =	wrdreg $0xFFFFFFFF  }
0xc7: {  	_ =	task.clear_ibuf [dreg:s10], $0x2FFFF;
	_ =	strace $0x9FFFFFFF  }
0xc8: {  	(tm) =	ssettm $0x7FFFFFFF  }
0xc9: {  	_ =	shalt  }
tec
execute0_lowered:
.L_overlay_start_1:
0x0: {  	(tag) =	ssettag $0x1  }
0x1: {  	s0 =	rddreg [dreg:$0x0]  }
0x2: {  	s2 =	rddreg [dreg:$0x2]  }
0x3: {  	s3 =	rddreg [dreg:$0x3]  }
0x4: {  	s1 =	rddreg [dreg:$0x4];
	s5 =	simm.s32 $0x0;
	s4 =	srdreg.scid  }
0x5: {  	s6 =	stileid.u32;
	s18 =	simm.s32 $0x4C00;
	s19 =	simm.s32 $0xEC00  }
0x6: {  	s20 =	simm.s32 $0x1;
	s21 =	simm.s32 $0x16C00;
	s22 =	simm.s32 $0x19C00  }
0x7: {  	s23 =	simm.s32 $0x3;
	s24 =	simm.s32 $0x4;
	s25 =	simm.s32 $0x1A000  }
0x8: {  	s28 =	simm.s32 $0x1A800;
	s29 =	simm.s32 $0x2;
	s4 =	sand.u32 $0x1, s4  }
0x9: {  	s7 =	sshll.u32 s6, $0x6;
	s9 =	ssub.s32 $0x2, s4;
	s4 =	sshll.u32 s4, $0x5  }
0xa: {  	[smem:$0x7FF] =	sst s5;
	s6 =	sadd.s32 $0x400, s1;
	s7 =	sor.u32 s4, s7  }
0xb: {  	s8 =	sadd.s32 $0x2710400, s1;
	s10 =	sshrl.u32 s9, $0x1;
	s30 =	sshrl.u32 s7, $0x3  }
0xc: {  	_ =	strace $0x80000047;
	s26 =	ssub.s32 s9, s10;
	s0 =	sadd.s32 s0, s30  }
0xd: {  	s10 =	sadd.s32 $0x2710A00, s1;
	s31 =	smax.u32 s26, $0x1;
	[dreg:$0x6] =	wrdreg s0  }
0xe: {  	s1 =	simm.s32 $0x0;
	s26 =	simm.s32 $0x1A400;
	[dreg:$0x7] =	wrdreg s31  }
.LBB2_1:
0xf: {  	[dreg:$0x8] =	wrdreg s1  }
0x10: {  	s0 =	rddreg [dreg:$0x6];
	s12 =	simm.s32 $0x5  }
0x11: {  	[tilespmem:s5], [sflag:$0x5] =	stream.linear.gather [hbm4b:s0+s5], $0x20, $0x38;
	[tilespmem:$0x1CC00] =	vst v63  }
0x12: {  	_ =	swait.ge [sflag:s12], $0x20  }
0x13: {  	[sflag:s12] =	ssyncset.done $0x0  }
0x14: {  	[sflag:s12] =	ssyncadd.s32 $0xFFFFFFE0  }
0x15: {  	s4 =	simm.s32 $0x80;
	s13 =	rddreg [dreg:$0x1]  }
0x16: {  	[tilespmem:s4], [sflag:$0x5] =	stream.linear.gather [hbm4b:s13+s5], $0x2780, $0x38;
	[tilespmem:$0x1CC00] =	vst v63  }
0x17: {  	_ =	swait.ge [sflag:s12], $0x2780  }
0x18: {  	[sflag:s12] =	ssyncset.done $0x0  }
0x19: {  	[sflag:s12] =	ssyncadd.s32 $0xFFFFD880  }
0x1a: {  	v0 =	vld [tilespmem:$0x0];
	_ =	sdelay $0x4  }
0x1b: {  	(v2sf) =	vpush v0, $0x0  }
0x1c: {  	(v2sf) =	vpush v0, $0x1  }
0x1d: {  	(v2sf) =	vpush v0, $0x2  }
0x1e: {  	(v2sf) =	vpush v0, $0x3  }
0x1f: {  	(v2sf) =	vpush v0, $0x4  }
0x20: {  	(v2sf) =	vpush v0, $0x5  }
0x21: {  	(v2sf) =	vpush v0, $0x6  }
0x22: {  	(v2sf) =	vpush v0, $0x7  }
0x23: {  	(v2sf) =	vpush v0, $0x8  }
0x24: {  	(v2sf) =	vpush v0, $0x9  }
0x25: {  	(v2sf) =	vpush v0, $0xA  }
0x26: {  	v1 =	vld [tilespmem:$0x10];
	(v2sf) =	vpush v0, $0xB  }
0x27: {  	(v2sf) =	vpush v0, $0xC  }
0x28: {  	(v2sf) =	vpush v0, $0xD  }
0x29: {  	(v2sf) =	vpush v0, $0xE  }
0x2a: {  	s0 =	spop (v2sf);
	(v2sf) =	vpush v0, $0xF  }
0x2b: {  	[smem:$0x0] =	sst s0;
	s14 =	spop (v2sf);
	(v2sf) =	vpush v1, $0x0  }
0x2c: {  	[smem:$0x1] =	sst s14;
	s15 =	spop (v2sf);
	(v2sf) =	vpush v1, $0x1  }
0x2d: {  	[smem:$0x2] =	sst s15;
	s16 =	spop (v2sf);
	(v2sf) =	vpush v1, $0x2  }
0x2e: {  	[smem:$0x3] =	sst s16;
	s17 =	spop (v2sf);
	(v2sf) =	vpush v1, $0x3  }
0x2f: {  	[smem:$0x4] =	sst s17;
	s30 =	spop (v2sf);
	(v2sf) =	vpush v1, $0x4  }
0x30: {  	[smem:$0x5] =	sst s30;
	s4 =	spop (v2sf);
	(v2sf) =	vpush v1, $0x5  }
0x31: {  	[smem:$0x6] =	sst s4;
	s9 =	spop (v2sf);
	(v2sf) =	vpush v1, $0x6  }
0x32: {  	[smem:$0x7] =	sst s9;
	s11 =	spop (v2sf);
	(v2sf) =	vpush v1, $0x7  }
0x33: {  	[smem:$0x8] =	sst s11;
	s12 =	spop (v2sf);
	(v2sf) =	vpush v1, $0x8  }
0x34: {  	[smem:$0x9] =	sst s12;
	s13 =	spop (v2sf);
	(v2sf) =	vpush v1, $0x9  }
0x35: {  	s15 =	sand.u32 $0xFFFFFFF0, s0;
	[smem:$0xA] =	sst s13;
	s14 =	spop (v2sf);
	(v2sf) =	vpush v1, $0xA  }
0x36: {  	v63 =	vld [tilespmem:s15+$0x80];
	[smem:$0xB] =	sst s14;
	s16 =	spop (v2sf);
	(v2sf) =	vpush v1, $0xB  }
0x37: {  	[smem:$0xC] =	sst s16;
	s17 =	spop (v2sf);
	(v2sf) =	vpush v1, $0xC  }
0x38: {  	[smem:$0xD] =	sst s17;
	s30 =	spop (v2sf);
	(v2sf) =	vpush v1, $0xD  }
0x39: {  	[smem:$0xE] =	sst s30;
	s4 =	spop (v2sf);
	(v2sf) =	vpush v1, $0xE  }
0x3a: {  	(v2sf) =	vpush v1, $0xF;
	s9 =	spop (v2sf);
	[smem:$0xF] =	sst s4  }
0x3b: {  	[smem:$0x10] =	sst s9;
	s11 =	spop (v2sf);
	(v2sf) =	vpush v63, $0x0  }
0x3c: {  	[smem:$0x11] =	sst s11;
	s12 =	spop (v2sf);
	(v2sf) =	vpush v63, $0x1  }
0x3d: {  	[smem:$0x12] =	sst s12;
	s13 =	spop (v2sf);
	(v2sf) =	vpush v63, $0x2  }
0x3e: {  	[smem:$0x13] =	sst s13;
	s14 =	spop (v2sf);
	(v2sf) =	vpush v63, $0x3  }
0x3f: {  	[smem:$0x14] =	sst s14;
	s15 =	spop (v2sf);
	(v2sf) =	vpush v63, $0x4  }
0x40: {  	[smem:$0x15] =	sst s15;
	s16 =	spop (v2sf);
	(v2sf) =	vpush v63, $0x5  }
0x41: {  	[smem:$0x16] =	sst s16;
	s17 =	spop (v2sf);
	(v2sf) =	vpush v63, $0x6  }
0x42: {  	[smem:$0x17] =	sst s17;
	s30 =	spop (v2sf);
	(v2sf) =	vpush v63, $0x7  }
0x43: {  	[smem:$0x18] =	sst s30;
	s4 =	spop (v2sf);
	(v2sf) =	vpush v63, $0x8  }
0x44: {  	[smem:$0x19] =	sst s4;
	s9 =	spop (v2sf);
	(v2sf) =	vpush v63, $0x9  }
0x45: {  	[smem:$0x1A] =	sst s9;
	s11 =	spop (v2sf);
	(v2sf) =	vpush v63, $0xA  }
0x46: {  	[smem:$0x1B] =	sst s11;
	s12 =	spop (v2sf);
	(v2sf) =	vpush v63, $0xB  }
0x47: {  	[smem:$0x1C] =	sst s12;
	s13 =	spop (v2sf);
	(v2sf) =	vpush v63, $0xC  }
0x48: {  	[smem:$0x1D] =	sst s13;
	s14 =	spop (v2sf);
	(v2sf) =	vpush v63, $0xD  }
0x49: {  	[smem:$0x1E] =	sst s14;
	s15 =	spop (v2sf);
	(v2sf) =	vpush v63, $0xE  }
0x4a: {  	[smem:$0x1F] =	sst s15;
	s16 =	spop (v2sf);
	(v2sf) =	vpush v63, $0xF  }
0x4b: {  	s17 =	spop (v2sf);
	[smem:$0x80] =	sst s16  }
0x4c: {  	s30 =	spop (v2sf);
	[smem:$0x81] =	sst s17  }
0x4d: {  	s9 =	spop (v2sf);
	[smem:$0x82] =	sst s30  }
0x4e: {  	s11 =	spop (v2sf);
	[smem:$0x83] =	sst s9  }
0x4f: {  	s12 =	spop (v2sf);
	[smem:$0x84] =	sst s11  }
0x50: {  	s13 =	spop (v2sf);
	[smem:$0x85] =	sst s12  }
0x51: {  	s14 =	spop (v2sf);
	[smem:$0x86] =	sst s13  }
0x52: {  	s15 =	spop (v2sf);
	[smem:$0x87] =	sst s14  }
0x53: {  	s16 =	spop (v2sf);
	[smem:$0x88] =	sst s15  }
0x54: {  	s17 =	spop (v2sf);
	[smem:$0x89] =	sst s16  }
0x55: {  	s30 =	spop (v2sf);
	[smem:$0x8A] =	sst s17  }
0x56: {  	s9 =	spop (v2sf);
	[smem:$0x8B] =	sst s30  }
0x57: {  	s11 =	spop (v2sf);
	[smem:$0x8C] =	sst s9  }
0x58: {  	s12 =	spop (v2sf);
	[smem:$0x8D] =	sst s11  }
0x59: {  	s13 =	sand.u32 $0xF, s0;
	[smem:$0x8E] =	sst s12;
	s14 =	spop (v2sf)  }
0x5a: {  	s15 =	sor.u32 $0x80, s13;
	s16 =	sshll.u32 s0, $0x6;
	[smem:$0x8F] =	sst s14  }
0x5b: {  	s4 =	sand.u32 $0x1FFFFFC0, s16;
	s1 =	sld [smem:s15+$0x0]  }
0x5c: {  	s4 =	sadd.s32 s3, s4;
	s9 =	simm.s32 $0x2800  }
0x5d: {  	[tilespmem:s9], [sflag:$0x1] =	stream.linear.gather [hbm4b:s4+s5], $0x200, $0x38;
	[tilespmem:$0x1CC00] =	vst v63  }
0x5e: {  	s1 =	sshll.u32 s1, $0xA  }
0x5f: {  	s0 =	sshll.u32 s0, $0xC;
	s1 =	sand.u32 $0x1FFFFC00, s1  }
0x60: {  	s17 =	simm.s32 $0x2C00;
	s0 =	sand.u32 $0x1FFFF000, s0;
	s1 =	sadd.s32 s2, s1  }
0x61: {  	[tilespmem:s17], [sflag:$0x1] =	stream.linear.gather [hbm4b:s1+s5], $0x2000, $0x38;
	[tilespmem:$0x1CC00] =	vst v63  }
0x62: {  	s31 =	simm.s32 $0x0;
	s0 =	sadd.s32 s6, s0;
	s30 =	simm.s32 $0x6C00  }
0x63: {  	[tilespmem:s30], [sflag:$0x1] =	stream.linear.gather [hbm4b:s0+s5], $0x8000, $0x38;
	[tilespmem:$0x1CC00] =	vst v63  }
.LBB2_2:
0x64: {  	s0 =	sshllo.u32 s31, $0x1  }
0x65: {  	s0 =	sld [smem:s0+$0x0];
	_ =	sdelay $0x2  }
0x66: {  	s1 =	sand.u32 $0xFFFFFFF0, s0  }
0x67: {  	v0 =	vld [tilespmem:s1+$0x80];
	_ =	sdelay $0x4  }
0x68: {  	(v2sf) =	vpush v0, $0x0  }
0x69: {  	(v2sf) =	vpush v0, $0x1  }
0x6a: {  	(v2sf) =	vpush v0, $0x2  }
0x6b: {  	(v2sf) =	vpush v0, $0x3  }
0x6c: {  	(v2sf) =	vpush v0, $0x4  }
0x6d: {  	(v2sf) =	vpush v0, $0x5  }
0x6e: {  	(v2sf) =	vpush v0, $0x6  }
0x6f: {  	(v2sf) =	vpush v0, $0x7  }
0x70: {  	(v2sf) =	vpush v0, $0x8  }
0x71: {  	(v2sf) =	vpush v0, $0x9  }
0x72: {  	(v2sf) =	vpush v0, $0xA  }
0x73: {  	(v2sf) =	vpush v0, $0xB  }
0x74: {  	(v2sf) =	vpush v0, $0xC  }
0x75: {  	(v2sf) =	vpush v0, $0xD  }
0x76: {  	(v2sf) =	vpush v0, $0xE  }
0x77: {  	s15 =	spop (v2sf);
	(v2sf) =	vpush v0, $0xF  }
0x78: {  	s4 =	spop (v2sf);
	[smem:$0x80] =	sst s15  }
0x79: {  	s16 =	spop (v2sf);
	[smem:$0x81] =	sst s4  }
0x7a: {  	s17 =	spop (v2sf);
	[smem:$0x82] =	sst s16  }
0x7b: {  	s30 =	spop (v2sf);
	[smem:$0x83] =	sst s17  }
0x7c: {  	s9 =	spop (v2sf);
	[smem:$0x84] =	sst s30  }
0x7d: {  	s11 =	spop (v2sf);
	[smem:$0x85] =	sst s9  }
0x7e: {  	s12 =	spop (v2sf);
	[smem:$0x86] =	sst s11  }
0x7f: {  	s13 =	spop (v2sf);
	[smem:$0x87] =	sst s12  }
0x80: {  	s14 =	spop (v2sf);
	[smem:$0x88] =	sst s13  }
0x81: {  	s15 =	spop (v2sf);
	[smem:$0x89] =	sst s14  }
0x82: {  	s16 =	spop (v2sf);
	[smem:$0x8A] =	sst s15  }
0x83: {  	s17 =	spop (v2sf);
	[smem:$0x8B] =	sst s16  }
0x84: {  	s30 =	spop (v2sf);
	[smem:$0x8C] =	sst s17  }
0x85: {  	s9 =	spop (v2sf);
	[smem:$0x8D] =	sst s30  }
0x86: {  	s11 =	sand.u32 $0xF, s0;
	[smem:$0x8E] =	sst s9;
	s12 =	spop (v2sf)  }
0x87: {  	s13 =	sor.u32 $0x80, s11;
	s14 =	sshll.u32 s0, $0x6;
	[smem:$0x8F] =	sst s12  }
0x88: {  	s4 =	sand.u32 $0x1FFFFFC0, s14;
	s1 =	sld [smem:s13+$0x0]  }
0x89: {  	s4 =	sadd.s32 s3, s4;
	s9 =	simm.s32 $0x2A00  }
0x8a: {  	[tilespmem:s9], [sflag:$0x2] =	stream.linear.gather [hbm4b:s4+s5], $0x200, $0x38;
	[tilespmem:$0x1CC00] =	vst v63  }
0x8b: {  	s1 =	sshll.u32 s1, $0xA  }
0x8c: {  	s0 =	sshll.u32 s0, $0xC;
	s1 =	sand.u32 $0x1FFFFC00, s1  }
0x8d: {  	s0 =	sand.u32 $0x1FFFF000, s0;
	s1 =	sadd.s32 s2, s1  }
0x8e: {  	[tilespmem:s18], [sflag:$0x2] =	stream.linear.gather [hbm4b:s1+s5], $0x2000, $0x38;
	[tilespmem:$0x1CC00] =	vst v63  }
0x8f: {  	s0 =	sadd.s32 s6, s0  }
0x90: {  	[tilespmem:s19], [sflag:$0x2] =	stream.linear.gather [hbm4b:s0+s5], $0x8000, $0x38;
	[tilespmem:$0x1CC00] =	vst v63  }
0x91: {  	_ =	swait.ge [sflag:s20], $0x200  }
0x92: {  	[sflag:s20] =	ssyncset.done $0x0  }
0x93: {  	[sflag:s20] =	ssyncadd.s32 $0xFFFFFE00  }
0x94: {  	_ =	swait.ge [sflag:s20], $0x2000  }
0x95: {  	[sflag:s20] =	ssyncset.done $0x0  }
0x96: {  	[sflag:s20] =	ssyncadd.s32 $0xFFFFE000  }
0x97: {  	_ =	swait.ge [sflag:s20], $0x8000  }
0x98: {  	p0 =	seq.s32 s31, $0x0;
	[sflag:s20] =	ssyncset.done $0x0  }
0x99: {  	s0 =	simm.s32 @!p0 $0x3;
	[sflag:s20] =	ssyncadd.s32 $0xFFFF8000  }
0x9a: {  	s1 =	simm.s32 $0x0;
	_ =	swait.ge @!p0 [sflag:s0], $0x3000  }
0x9b: {  	s15 =	sand.u32 $0x70, s1;
	s16 =	sand.u32 $0xC00, s1;
	[sflag:s0] =	ssyncset.done @!p0 $0x0  }
0x9c: {  	[sflag:s0] =	ssyncadd.s32 @!p0 $0xFFFFD000;
	s0 =	sor.u32 s15, s16  }
0x9d: {  	v0 =	vld [tilespmem:s0+$0x2C00]  }
0x9e: {  	s9 =	simm.s32 $0x2800;
	v1 =	vld [tilespmem:s0+$0x2C80]  }
0x9f: {  	v2 =	vld [tilespmem:s9+$0x0]  }
0xa0: {  	v3 =	vld [tilespmem:s0+$0x2D00];
	_ =	sdelay $0x1  }
0xa1: {  	s17 =	sand.u32 $0xFFFFFC00, s1;
	[tilespmem:s0+$0x16C80] =	vst v0  }
0xa2: {  	s4 =	sadd.s32 $0x0, s17;
	[tilespmem:s0+$0x16D00] =	vst v1  }
0xa3: {  	s11 =	sor.u32 $0x180, s4;
	[tilespmem:s0+$0x16C00] =	vst v2  }
0xa4: {  	[tilespmem:s11+$0x16C00] =	vst v3;
	v0 =	vld [tilespmem:s11+$0x2C00]  }
0xa5: {  	v1 =	vld [tilespmem:s0+$0x2E00]  }
0xa6: {  	v2 =	vld [tilespmem:s0+$0x2E80]  }
0xa7: {  	v3 =	vld [tilespmem:s0+$0x2F00];
	_ =	sdelay $0x1  }
0xa8: {  	[tilespmem:s0+$0x16E00] =	vst v0  }
0xa9: {  	s12 =	sor.u32 s1, s1;
	[tilespmem:s0+$0x16E80] =	vst v1  }
0xaa: {  	s13 =	sor.u32 $0x380, s12;
	[tilespmem:s0+$0x16F00] =	vst v2  }
0xab: {  	[tilespmem:s13+$0x16C00] =	vst v3;
	v0 =	vld [tilespmem:s13+$0x2C00]  }
0xac: {  	v1 =	vld [tilespmem:s0+$0x3C00]  }
0xad: {  	v2 =	vld [tilespmem:s0+$0x3C80]  }
0xae: {  	v3 =	vld [tilespmem:s0+$0x3D00];
	_ =	sdelay $0x1  }
0xaf: {  	[tilespmem:s0+$0x17C00] =	vst v0  }
0xb0: {  	[tilespmem:s0+$0x17C80] =	vst v1  }
0xb1: {  	s4 =	sor.u32 $0x1180, s4;
	[tilespmem:s0+$0x17D00] =	vst v2  }
0xb2: {  	[tilespmem:s4+$0x16C00] =	vst v3;
	v0 =	vld [tilespmem:s4+$0x2C00]  }
0xb3: {  	v1 =	vld [tilespmem:s0+$0x3E00]  }
0xb4: {  	v2 =	vld [tilespmem:s0+$0x3E80]  }
0xb5: {  	v3 =	vld [tilespmem:s0+$0x3F00];
	_ =	sdelay $0x1  }
0xb6: {  	[tilespmem:s0+$0x17E00] =	vst v0  }
0xb7: {  	[tilespmem:s0+$0x17E80] =	vst v1  }
0xb8: {  	s30 =	sor.u32 $0x1380, s12;
	[tilespmem:s0+$0x17F00] =	vst v2  }
0xb9: {  	[tilespmem:s30+$0x16C00] =	vst v3;
	v0 =	vld [tilespmem:s30+$0x2C00]  }
0xba: {  	v2 =	vld [tilespmem:s0+$0x6C00]  }
0xbb: {  	v4 =	vld [tilespmem:s0+$0x6D00]  }
0xbc: {  	v3 =	vld [tilespmem:s0+$0x6C80]  }
0xbd: {  	v1 =	vld [tilespmem:s0+$0x6E00]  }
0xbe: {  	s4 =	sshll.u32 s31, $0x1;
	[tilespmem:s0+$0x18C00] =	vst v0;
	v0 =	vld [tilespmem:s0+$0x6E80]  }
0xbf: {  	s13 =	simm.s32 $0x10;
	s12 =	sor.u32 s7, s4;
	[tilespmem:s0+$0x18C80] =	vst v2;
	v2 =	vld [tilespmem:s0+$0x6F00]  }
.LBB2_3:
0xc0: {  	p1 =	sne.s32 s13, $0x1F0;
	[tilespmem:s0+$0x18D80] =	vst v4;
	s1 =	sadd.s32 $0x80, s1;
	s9 =	sadd.s32 $0x10, s9  }
0xc1: {  	s14 =	smov.u32 s13;
	s13 =	sadd.s32 $0x10, s13;
	[tilespmem:s0+$0x18D00] =	vst v3  }
0xc2: {  	v3 =	vld [tilespmem:s11+$0x6C00]  }
0xc3: {  	[tilespmem:s0+$0x18E80] =	vst v1  }
0xc4: {  	s30 =	sand.u32 $0xC00, s1;
	s11 =	sand.u32 $0x70, s14;
	[tilespmem:s0+$0x18F00] =	vst v0  }
0xc5: {  	s11 =	sor.u32 s11, s30;
	[tilespmem:s0+$0x18F80] =	vst v2  }
0xc6: {  	v0 =	vld [tilespmem:s11+$0x2C00]  }
0xc7: {  	v1 =	vld [tilespmem:s11+$0x2C80];
	[tilespmem:s0+$0x18E00] =	vst v3;
	s0 =	smov.u32 s11  }
0xc8: {  	v2 =	vld [tilespmem:s9+$0x0]  }
0xc9: {  	v3 =	vld [tilespmem:s0+$0x2D00];
	_ =	sdelay $0x1  }
0xca: {  	s11 =	sand.u32 $0xFFFFFC00, s1;
	[tilespmem:s0+$0x16C80] =	vst v0  }
0xcb: {  	s30 =	sadd.s32 s11, s14;
	[tilespmem:s0+$0x16D00] =	vst v1  }
0xcc: {  	s11 =	sor.u32 $0x180, s30;
	[tilespmem:s0+$0x16C00] =	vst v2  }
0xcd: {  	[tilespmem:s11+$0x16C00] =	vst v3;
	v0 =	vld [tilespmem:s11+$0x2C00]  }
0xce: {  	v1 =	vld [tilespmem:s0+$0x2E00]  }
0xcf: {  	v2 =	vld [tilespmem:s0+$0x2E80]  }
0xd0: {  	v3 =	vld [tilespmem:s0+$0x2F00];
	_ =	sdelay $0x1  }
0xd1: {  	[tilespmem:s0+$0x16E00] =	vst v0  }
0xd2: {  	s14 =	sor.u32 s14, s1;
	[tilespmem:s0+$0x16E80] =	vst v1  }
0xd3: {  	s15 =	sor.u32 $0x380, s14;
	[tilespmem:s0+$0x16F00] =	vst v2  }
0xd4: {  	[tilespmem:s15+$0x16C00] =	vst v3;
	v0 =	vld [tilespmem:s15+$0x2C00]  }
0xd5: {  	v1 =	vld [tilespmem:s0+$0x3C00]  }
0xd6: {  	v2 =	vld [tilespmem:s0+$0x3C80]  }
0xd7: {  	v3 =	vld [tilespmem:s0+$0x3D00];
	_ =	sdelay $0x1  }
0xd8: {  	[tilespmem:s0+$0x17C00] =	vst v0  }
0xd9: {  	[tilespmem:s0+$0x17C80] =	vst v1  }
0xda: {  	s15 =	sor.u32 $0x1180, s30;
	[tilespmem:s0+$0x17D00] =	vst v2  }
0xdb: {  	[tilespmem:s15+$0x16C00] =	vst v3;
	v0 =	vld [tilespmem:s15+$0x2C00]  }
0xdc: {  	v1 =	vld [tilespmem:s0+$0x3E00]  }
0xdd: {  	v2 =	vld [tilespmem:s0+$0x3E80]  }
0xde: {  	v3 =	vld [tilespmem:s0+$0x3F00];
	_ =	sdelay $0x1  }
0xdf: {  	[tilespmem:s0+$0x17E00] =	vst v0  }
0xe0: {  	[tilespmem:s0+$0x17E80] =	vst v1  }
0xe1: {  	s14 =	sor.u32 $0x1380, s14;
	[tilespmem:s0+$0x17F00] =	vst v2  }
0xe2: {  	[tilespmem:s14+$0x16C00] =	vst v3;
	v0 =	vld [tilespmem:s14+$0x2C00]  }
0xe3: {  	v2 =	vld [tilespmem:s0+$0x6C00]  }
.Ltmp0:
0xe4: {  	v4 =	vld [tilespmem:s0+$0x6D00];
	(pc) =	sbr.rel @p1 .LBB2_3-.Ltmp0, $4  }
0xe5: {  	v3 =	vld [tilespmem:s0+$0x6C80]  }
0xe6: {  	v1 =	vld [tilespmem:s0+$0x6E00]  }
0xe7: {  	[tilespmem:s0+$0x18C00] =	vst v0;
	v0 =	vld [tilespmem:s0+$0x6E80]  }
0xe8: {  	[tilespmem:s0+$0x18C80] =	vst v2;
	v2 =	vld [tilespmem:s0+$0x6F00]  }
0xe9: {  	[tilespmem:s0+$0x18D80] =	vst v4  }
0xea: {  	[tilespmem:s0+$0x18D00] =	vst v3  }
0xeb: {  	v3 =	vld [tilespmem:s11+$0x6C00];
	_ =	sdelay $0x1  }
0xec: {  	s1 =	smul.u32 $0xA000, s12;
	[tilespmem:s0+$0x18E80] =	vst v1  }
0xed: {  	[tilespmem:s0+$0x18F00] =	vst v0  }
0xee: {  	s1 =	sshrl.u32 s1, $0x3;
	[tilespmem:s0+$0x18F80] =	vst v2  }
0xef: {  	s9 =	simm.s32 @!p0 $0x4;
	[tilespmem:s0+$0x18E00] =	vst v3;
	s0 =	sadd.s32 s8, s1  }
0xf0: {  	[hbm4b:s0+s5] =	stream.linear.scatter [tilespmem:s21], [sflag:$0x3], $0x3000, $0x38;
	[tilespmem:$0x1CC00] =	vst v63  }
0xf1: {  	s13 =	simm.s32 $0x0;
	s30 =	simm.s32 $0x0;
	_ =	swait.ge @!p0 [sflag:s9], $0xA00  }
0xf2: {  	s15 =	sand.u32 $0x70, s30;
	s14 =	sand.u32 $0xC00, s13;
	[sflag:s9] =	ssyncset.done @!p0 $0x0  }
0xf3: {  	[sflag:s9] =	ssyncadd.s32 @!p0 $0xFFFFF600;
	s9 =	sor.u32 s15, s14  }
0xf4: {  	v56 =	vld [tilespmem:s9+$0x7C00];
	_ =	sdelay $0x2  }
0xf5: {  	s11 =	sor.u32 s30, s13  }
0xf6: {  	s16 =	sor.u32 $0x380, s11;
	s14 =	sadd.s32 $0x19C00, s9  }
0xf7: {  	v57 =	vld [tilespmem:s16+$0x6C00];
	[tilespmem:s14+$0x80] =	vst v56  }
0xf8: {  	v0 =	vld [tilespmem:s9+$0x7C80];
	_ =	sdelay $0x4  }
0xf9: {  	[tilespmem:s14+$0x100] =	vst v0  }
0xfa: {  	v0 =	vld [tilespmem:s9+$0x7D00];
	_ =	sdelay $0x2  }
0xfb: {  	s15 =	sand.u32 $0xFFFFFC00, s13  }
0xfc: {  	s15 =	sadd.s32 $0x0, s15;
	[tilespmem:s9+$0x19C00] =	vst v57  }
0xfd: {  	s30 =	sor.u32 $0x1180, s15;
	[tilespmem:s14+$0x180] =	vst v0  }
0xfe: {  	v0 =	vld [tilespmem:s30+$0x6C00];
	_ =	sdelay $0x4  }
0xff: {  	[tilespmem:s14+$0x200] =	vst v0  }
0x100: {  	v0 =	vld [tilespmem:s9+$0x7E00];
	_ =	sdelay $0x4  }
0x101: {  	[tilespmem:s14+$0x280] =	vst v0  }
0x102: {  	v0 =	vld [tilespmem:s9+$0x7E80];
	_ =	sdelay $0x4  }
0x103: {  	[tilespmem:s14+$0x300] =	vst v0  }
0x104: {  	v0 =	vld [tilespmem:s9+$0x7F00];
	_ =	sdelay $0x4  }
0x105: {  	[tilespmem:s16+$0x19C00] =	vst v0  }
0x106: {  	s17 =	sor.u32 $0x1380, s11;
	v0 =	vld [tilespmem:s9+$0x8C80]  }
0x107: {  	v1 =	vld [tilespmem:s17+$0x6C00]  }
0x108: {  	v58 =	vld [tilespmem:s9+$0x8C00]  }
0x109: {  	v59 =	vld [tilespmem:s9+$0x8D00];
	_ =	sdelay $0x1  }
0x10a: {  	[tilespmem:s9+$0x1AD00] =	vst v0  }
0x10b: {  	[tilespmem:s9+$0x1AC00] =	vst v1  }
0x10c: {  	[tilespmem:s9+$0x1AC80] =	vst v58  }
0x10d: {  	s15 =	sor.u32 $0x2180, s15;
	[tilespmem:s30+$0x19C00] =	vst v59  }
0x10e: {  	v0 =	vld [tilespmem:s15+$0x6C00]  }
0x10f: {  	v60 =	vld [tilespmem:s9+$0x8E00]  }
0x110: {  	v61 =	vld [tilespmem:s9+$0x8E80]  }
0x111: {  	v3 =	vld [tilespmem:s9+$0x8F00];
	_ =	sdelay $0x1  }
0x112: {  	[tilespmem:s9+$0x1AE00] =	vst v0  }
0x113: {  	[tilespmem:s9+$0x1AE80] =	vst v60  }
0x114: {  	[tilespmem:s9+$0x1AF00] =	vst v61  }
0x115: {  	[tilespmem:s17+$0x19C00] =	vst v3  }
0x116: {  	s14 =	sor.u32 $0x2380, s11;
	v62 =	vld [tilespmem:s9+$0x9C80]  }
0x117: {  	v1 =	vld [tilespmem:s14+$0x6C00]  }
0x118: {  	v63 =	vld [tilespmem:s9+$0x9C00]  }
0x119: {  	v3 =	vld [tilespmem:s9+$0x9D00];
	_ =	sdelay $0x1  }
0x11a: {  	[tilespmem:s9+$0x1BD00] =	vst v62  }
0x11b: {  	[tilespmem:s9+$0x1BC00] =	vst v1  }
0x11c: {  	[tilespmem:s9+$0x1BC80] =	vst v63  }
0x11d: {  	s12 =	simm.s32 $0x80;
	s11 =	simm.s32 $0xFFFFFE00;
	[tilespmem:s15+$0x19C00] =	vst v3  }
.LBB2_5:
0x11e: {  	p0 =	sne.s32 s12, $0xF80;
	v0 =	vld [tilespmem:s9+$0x9D80];
	s13 =	sadd.s32 $0x10, s13;
	s11 =	sadd.s32 $0x10, s11  }
0x11f: {  	s15 =	smov.u32 s12;
	s12 =	sadd.s32 $0x80, s12;
	v1 =	vld [tilespmem:s9+$0x9E80]  }
0x120: {  	v2 =	vld [tilespmem:s9+$0x9E00]  }
0x121: {  	v3 =	vld [tilespmem:s9+$0x9F00];
	_ =	sdelay $0x1  }
0x122: {  	[tilespmem:s9+$0x1BE00] =	vst v0  }
0x123: {  	s30 =	sadd.s32 $0x200, s11;
	[tilespmem:s9+$0x1BF00] =	vst v1  }
0x124: {  	s17 =	sand.u32 $0xC00, s15;
	s16 =	sand.u32 $0x70, s30;
	s30 =	sor.u32 s30, s15;
	[tilespmem:s9+$0x1BE80] =	vst v2  }
0x125: {  	s9 =	sor.u32 s16, s17;
	[tilespmem:s14+$0x19C00] =	vst v3  }
0x126: {  	v0 =	vld [tilespmem:s9+$0x7C00];
	_ =	sdelay $0x2  }
0x127: {  	s14 =	sor.u32 $0x380, s30  }
0x128: {  	s16 =	sadd.s32 $0x19C00, s9;
	v1 =	vld [tilespmem:s14+$0x6C00]  }
0x129: {  	[tilespmem:s16+$0x80] =	vst v0  }
0x12a: {  	v0 =	vld [tilespmem:s9+$0x7C80];
	_ =	sdelay $0x4  }
0x12b: {  	[tilespmem:s16+$0x100] =	vst v0  }
0x12c: {  	v0 =	vld [tilespmem:s9+$0x7D00];
	_ =	sdelay $0x2  }
0x12d: {  	s15 =	sand.u32 $0xFFFFFC00, s15  }
0x12e: {  	s15 =	sadd.s32 s15, s13;
	[tilespmem:s9+$0x19C00] =	vst v1  }
0x12f: {  	s17 =	sor.u32 $0x1180, s15;
	[tilespmem:s16+$0x180] =	vst v0  }
0x130: {  	v0 =	vld [tilespmem:s17+$0x6C00];
	_ =	sdelay $0x4  }
0x131: {  	[tilespmem:s16+$0x200] =	vst v0  }
0x132: {  	v0 =	vld [tilespmem:s9+$0x7E00];
	_ =	sdelay $0x4  }
0x133: {  	[tilespmem:s16+$0x280] =	vst v0  }
0x134: {  	v0 =	vld [tilespmem:s9+$0x7E80];
	_ =	sdelay $0x4  }
0x135: {  	[tilespmem:s16+$0x300] =	vst v0  }
0x136: {  	v0 =	vld [tilespmem:s9+$0x7F00];
	_ =	sdelay $0x4  }
0x137: {  	[tilespmem:s14+$0x19C00] =	vst v0  }
0x138: {  	s14 =	sor.u32 $0x1380, s30;
	v0 =	vld [tilespmem:s9+$0x8C80]  }
0x139: {  	v1 =	vld [tilespmem:s14+$0x6C00]  }
0x13a: {  	v2 =	vld [tilespmem:s9+$0x8C00]  }
0x13b: {  	v3 =	vld [tilespmem:s9+$0x8D00];
	_ =	sdelay $0x1  }
0x13c: {  	[tilespmem:s9+$0x1AD00] =	vst v0  }
0x13d: {  	[tilespmem:s9+$0x1AC00] =	vst v1  }
0x13e: {  	[tilespmem:s9+$0x1AC80] =	vst v2  }
0x13f: {  	s15 =	sor.u32 $0x2180, s15;
	[tilespmem:s17+$0x19C00] =	vst v3  }
0x140: {  	v0 =	vld [tilespmem:s15+$0x6C00]  }
0x141: {  	v1 =	vld [tilespmem:s9+$0x8E00]  }
0x142: {  	v2 =	vld [tilespmem:s9+$0x8E80]  }
0x143: {  	v3 =	vld [tilespmem:s9+$0x8F00];
	_ =	sdelay $0x1  }
0x144: {  	[tilespmem:s9+$0x1AE00] =	vst v0  }
0x145: {  	[tilespmem:s9+$0x1AE80] =	vst v1  }
0x146: {  	[tilespmem:s9+$0x1AF00] =	vst v2  }
0x147: {  	[tilespmem:s14+$0x19C00] =	vst v3  }
0x148: {  	s14 =	sor.u32 $0x2380, s30;
	v0 =	vld [tilespmem:s9+$0x9C80]  }
0x149: {  	v1 =	vld [tilespmem:s14+$0x6C00]  }
0x14a: {  	v2 =	vld [tilespmem:s9+$0x9C00]  }
0x14b: {  	v3 =	vld [tilespmem:s9+$0x9D00]  }
.Ltmp1:
0x14c: {  	(pc) =	sbr.rel @p0 .LBB2_5-.Ltmp1, $4  }
0x14d: {  	[tilespmem:s9+$0x1BD00] =	vst v0  }
0x14e: {  	[tilespmem:s9+$0x1BC00] =	vst v1  }
0x14f: {  	[tilespmem:s9+$0x1BC80] =	vst v2  }
0x150: {  	[tilespmem:s15+$0x19C00] =	vst v3  }
0x151: {  	v0 =	vld [tilespmem:s9+$0x9D80]  }
0x152: {  	v1 =	vld [tilespmem:s9+$0x9E80]  }
0x153: {  	v2 =	vld [tilespmem:s9+$0x9E00]  }
0x154: {  	v3 =	vld [tilespmem:s9+$0x9F00];
	_ =	sdelay $0x1  }
0x155: {  	[tilespmem:s9+$0x1BE00] =	vst v0  }
0x156: {  	[tilespmem:s9+$0x1BF00] =	vst v1  }
0x157: {  	[tilespmem:s9+$0x1BE80] =	vst v2  }
0x158: {  	s1 =	sadd.s32 s1, s10;
	s9 =	simm.s32 $0x0;
	[tilespmem:s14+$0x19C00] =	vst v3  }
0x159: {  	[hbm4b:s1+s9] =	stream.linear.scatter [tilespmem:s22], [sflag:$0x4], $0x3000, $0x38;
	[tilespmem:$0x1CC00] =	vst v63  }
0x15a: {  	_ =	swait.ge [sflag:s23], $0x3000  }
0x15b: {  	s17 =	sand.u32 $0x70, s9;
	s11 =	sand.u32 $0xC00, s9;
	[sflag:s23] =	ssyncset.done $0x0  }
0x15c: {  	s1 =	sor.u32 s17, s11;
	[sflag:s23] =	ssyncadd.s32 $0xFFFFD000  }
0x15d: {  	v0 =	vld [tilespmem:s1+$0xAC00];
	_ =	sdelay $0x3  }
0x15e: {  	s11 =	sadd.s32 $0x16C00, s1  }
0x15f: {  	v1 =	vld [tilespmem:s1+$0x9F80];
	[tilespmem:s11+$0x80] =	vst v0  }
0x160: {  	v0 =	vld [tilespmem:s1+$0xAC80];
	_ =	sdelay $0x4  }
0x161: {  	[tilespmem:s11+$0x100] =	vst v0  }
0x162: {  	v0 =	vld [tilespmem:s1+$0xAD00];
	_ =	sdelay $0x4  }
0x163: {  	[tilespmem:s11+$0x180] =	vst v0  }
0x164: {  	v0 =	vld [tilespmem:s1+$0xAD80];
	_ =	sdelay $0x4  }
0x165: {  	[tilespmem:s11+$0x200] =	vst v0  }
0x166: {  	v0 =	vld [tilespmem:s1+$0xAE00];
	_ =	sdelay $0x4  }
0x167: {  	[tilespmem:s11+$0x280] =	vst v0  }
0x168: {  	v0 =	vld [tilespmem:s1+$0xAE80];
	_ =	sdelay $0x4  }
0x169: {  	[tilespmem:s11+$0x300] =	vst v0  }
0x16a: {  	v0 =	vld [tilespmem:s1+$0xAF00];
	_ =	sdelay $0x2  }
0x16b: {  	s30 =	sor.u32 s9, s9  }
0x16c: {  	[tilespmem:s1+$0x16C00] =	vst v1;
	s11 =	sor.u32 $0x380, s30  }
0x16d: {  	[tilespmem:s11+$0x16C00] =	vst v0  }
0x16e: {  	v4 =	vld [tilespmem:s1+$0xCF00]  }
0x16f: {  	v3 =	vld [tilespmem:s1+$0xCE80]  }
0x170: {  	v2 =	vld [tilespmem:s1+$0xCE00]  }
0x171: {  	v1 =	vld [tilespmem:s1+$0xCD80]  }
0x172: {  	s11 =	simm.s32 $0x10;
	v0 =	vld [tilespmem:s1+$0xCD00]  }
.LBB2_7:
0x173: {  	p0 =	sne.s32 s11, $0x1F0  }
0x174: {  	v5 =	vld [tilespmem:s1+$0xCC80];
	[tilespmem:s1+$0x18F80] =	vst v4;
	s9 =	sadd.s32 $0x80, s9;
	s12 =	smov.u32 s11;
	s11 =	sadd.s32 $0x10, s11  }
0x175: {  	v4 =	vld [tilespmem:s1+$0xCC00];
	[tilespmem:s1+$0x18F00] =	vst v3  }
0x176: {  	v3 =	vld [tilespmem:s1+$0xBF80];
	[tilespmem:s1+$0x18E80] =	vst v2  }
0x177: {  	v2 =	vld [tilespmem:s1+$0xBF00];
	[tilespmem:s1+$0x18E00] =	vst v1  }
0x178: {  	v1 =	vld [tilespmem:s1+$0xBE80];
	[tilespmem:s1+$0x18D80] =	vst v0  }
0x179: {  	v0 =	vld [tilespmem:s1+$0xBE00];
	[tilespmem:s1+$0x18D00] =	vst v5  }
0x17a: {  	v5 =	vld [tilespmem:s1+$0xBD80];
	[tilespmem:s1+$0x18C80] =	vst v4  }
0x17b: {  	v4 =	vld [tilespmem:s1+$0xBD00];
	[tilespmem:s1+$0x18C00] =	vst v3  }
0x17c: {  	v3 =	vld [tilespmem:s1+$0xBC80];
	[tilespmem:s1+$0x17F80] =	vst v2  }
0x17d: {  	s13 =	sand.u32 $0x70, s12;
	s14 =	sand.u32 $0xC00, s9;
	v2 =	vld [tilespmem:s1+$0xBC00];
	[tilespmem:s1+$0x17F00] =	vst v1  }
0x17e: {  	s13 =	sor.u32 s13, s14;
	v1 =	vld [tilespmem:s1+$0xAF80];
	[tilespmem:s1+$0x17E80] =	vst v0  }
0x17f: {  	v0 =	vld [tilespmem:s13+$0xAC00];
	[tilespmem:s1+$0x17E00] =	vst v5  }
0x180: {  	[tilespmem:s1+$0x17D80] =	vst v4  }
0x181: {  	[tilespmem:s1+$0x17D00] =	vst v3  }
0x182: {  	[tilespmem:s1+$0x17C80] =	vst v2  }
0x183: {  	s14 =	sadd.s32 $0x16C00, s13;
	v2 =	vld [tilespmem:s13+$0x9F80];
	[tilespmem:s1+$0x17C00] =	vst v1;
	s1 =	smov.u32 s13  }
0x184: {  	[tilespmem:s14+$0x80] =	vst v0  }
0x185: {  	v0 =	vld [tilespmem:s1+$0xAC80];
	_ =	sdelay $0x2  }
0x186: {  	[tilespmem:s1+$0x16C00] =	vst v2;
	_ =	sdelay $0x1  }
0x187: {  	[tilespmem:s14+$0x100] =	vst v0  }
0x188: {  	v0 =	vld [tilespmem:s1+$0xAD00];
	_ =	sdelay $0x4  }
0x189: {  	[tilespmem:s14+$0x180] =	vst v0  }
0x18a: {  	v0 =	vld [tilespmem:s1+$0xAD80];
	_ =	sdelay $0x4  }
0x18b: {  	[tilespmem:s14+$0x200] =	vst v0  }
0x18c: {  	v0 =	vld [tilespmem:s1+$0xAE00];
	_ =	sdelay $0x4  }
0x18d: {  	[tilespmem:s14+$0x280] =	vst v0  }
0x18e: {  	v0 =	vld [tilespmem:s1+$0xAE80];
	_ =	sdelay $0x4  }
0x18f: {  	[tilespmem:s14+$0x300] =	vst v0  }
0x190: {  	v0 =	vld [tilespmem:s1+$0xAF00];
	_ =	sdelay $0x2  }
0x191: {  	s12 =	sor.u32 s9, s12  }
0x192: {  	s12 =	sor.u32 $0x380, s12  }
0x193: {  	[tilespmem:s12+$0x16C00] =	vst v0  }
.Ltmp2:
0x194: {  	v4 =	vld [tilespmem:s1+$0xCF00];
	(pc) =	sbr.rel @p0 .LBB2_7-.Ltmp2, $4  }
0x195: {  	v3 =	vld [tilespmem:s1+$0xCE80]  }
0x196: {  	v2 =	vld [tilespmem:s1+$0xCE00]  }
0x197: {  	v1 =	vld [tilespmem:s1+$0xCD80]  }
0x198: {  	v0 =	vld [tilespmem:s1+$0xCD00]  }
0x199: {  	v5 =	vld [tilespmem:s1+$0xCC80];
	[tilespmem:s1+$0x18F80] =	vst v4  }
0x19a: {  	v61 =	vld [tilespmem:s1+$0xCC00];
	[tilespmem:s1+$0x18F00] =	vst v3  }
0x19b: {  	v62 =	vld [tilespmem:s1+$0xBD80];
	[tilespmem:s1+$0x18E80] =	vst v2  }
0x19c: {  	v3 =	vld [tilespmem:s1+$0xBF80];
	[tilespmem:s1+$0x18E00] =	vst v1  }
0x19d: {  	v2 =	vld [tilespmem:s1+$0xBF00];
	[tilespmem:s1+$0x18D80] =	vst v0  }
0x19e: {  	v1 =	vld [tilespmem:s1+$0xBE80];
	[tilespmem:s1+$0x18D00] =	vst v5  }
0x19f: {  	v63 =	vld [tilespmem:s1+$0xBD00];
	[tilespmem:s1+$0x18C80] =	vst v61  }
0x1a0: {  	v0 =	vld [tilespmem:s1+$0xBE00];
	[tilespmem:s1+$0x17E00] =	vst v62  }
0x1a1: {  	[tilespmem:s1+$0x18C00] =	vst v3;
	v3 =	vld [tilespmem:s1+$0xBC80]  }
0x1a2: {  	[tilespmem:s1+$0x17F80] =	vst v2;
	v2 =	vld [tilespmem:s1+$0xBC00]  }
0x1a3: {  	[tilespmem:s1+$0x17F00] =	vst v1;
	v1 =	vld [tilespmem:s1+$0xAF80]  }
0x1a4: {  	[tilespmem:s1+$0x17D80] =	vst v63  }
0x1a5: {  	[tilespmem:s1+$0x17E80] =	vst v0  }
0x1a6: {  	[tilespmem:s1+$0x17D00] =	vst v3  }
0x1a7: {  	[tilespmem:s1+$0x17C80] =	vst v2  }
0x1a8: {  	s17 =	sadd.s32 $0xC00, s0;
	s9 =	simm.s32 $0x0;
	[tilespmem:s1+$0x17C00] =	vst v1  }
0x1a9: {  	[hbm4b:s17+s9] =	stream.linear.scatter [tilespmem:s21], [sflag:$0x3], $0x3000, $0x38;
	[tilespmem:$0x1CC00] =	vst v63  }
0x1aa: {  	_ =	swait.ge [sflag:s24], $0x3000  }
0x1ab: {  	s30 =	sand.u32 $0x70, s9;
	s9 =	sand.u32 $0xC00, s9;
	[sflag:s24] =	ssyncset.done $0x0  }
0x1ac: {  	s11 =	sor.u32 s30, s9;
	[sflag:s24] =	ssyncadd.s32 $0xFFFFD000  }
0x1ad: {  	v0 =	vld [tilespmem:s11+$0xDC00];
	_ =	sdelay $0x3  }
0x1ae: {  	s1 =	sadd.s32 $0x19C00, s11  }
0x1af: {  	v1 =	vld [tilespmem:s11+$0xCF80];
	[tilespmem:s1+$0x80] =	vst v0  }
0x1b0: {  	v0 =	vld [tilespmem:s11+$0xDC80];
	_ =	sdelay $0x4  }
0x1b1: {  	[tilespmem:s1+$0x100] =	vst v0  }
0x1b2: {  	v0 =	vld [tilespmem:s11+$0xDD00];
	_ =	sdelay $0x4  }
0x1b3: {  	[tilespmem:s1+$0x180] =	vst v0  }
0x1b4: {  	v0 =	vld [tilespmem:s11+$0xDD80];
	_ =	sdelay $0x2  }
0x1b5: {  	s12 =	simm.s32 $0x10;
	s9 =	simm.s32 $0x80  }
0x1b6: {  	s12 =	sand.u32 $0x70, s12;
	s13 =	sand.u32 $0xC00, s9;
	[tilespmem:s11+$0x19C00] =	vst v1;
	s11 =	simm.s32 $0x20  }
.LBB2_9:
0x1b7: {  	p0 =	sne.s32 s11, $0x1F0;
	s12 =	sor.u32 s12, s13;
	[tilespmem:s1+$0x200] =	vst v0  }
0x1b8: {  	v0 =	vld [tilespmem:s12+$0xDC00];
	_ =	sdelay $0x3  }
0x1b9: {  	s1 =	sadd.s32 $0x19C00, s12  }
0x1ba: {  	v1 =	vld [tilespmem:s12+$0xCF80];
	[tilespmem:s1+$0x80] =	vst v0  }
0x1bb: {  	v0 =	vld [tilespmem:s12+$0xDC80];
	_ =	sdelay $0x3  }
0x1bc: {  	[tilespmem:s12+$0x19C00] =	vst v1  }
0x1bd: {  	[tilespmem:s1+$0x100] =	vst v0  }
0x1be: {  	v0 =	vld [tilespmem:s12+$0xDD00];
	_ =	sdelay $0x4  }
0x1bf: {  	[tilespmem:s1+$0x180] =	vst v0  }
.Ltmp3:
0x1c0: {  	v0 =	vld [tilespmem:s12+$0xDD80];
	(pc) =	sbr.rel @p0 .LBB2_9-.Ltmp3, $3  }
0x1c1: {  	_ =	sdelay $0x1  }
0x1c2: {  	s9 =	sadd.s32 $0x80, s9  }
0x1c3: {  	s13 =	sand.u32 $0xC00, s9;
	s12 =	sand.u32 $0x70, s11;
	s11 =	sadd.s32 $0x10, s11  }
0x1c4: {  	s9 =	sor.u32 s12, s13;
	[tilespmem:s1+$0x200] =	vst v0  }
0x1c5: {  	v0 =	vld [tilespmem:s9+$0xDC00];
	_ =	sdelay $0x3  }
0x1c6: {  	s14 =	sadd.s32 $0x19C00, s9  }
0x1c7: {  	v1 =	vld [tilespmem:s9+$0xCF80];
	[tilespmem:s14+$0x80] =	vst v0  }
0x1c8: {  	v0 =	vld [tilespmem:s9+$0xDC80];
	_ =	sdelay $0x4  }
0x1c9: {  	[tilespmem:s14+$0x100] =	vst v0  }
0x1ca: {  	v0 =	vld [tilespmem:s9+$0xDD00];
	_ =	sdelay $0x4  }
0x1cb: {  	[tilespmem:s14+$0x180] =	vst v0  }
0x1cc: {  	v0 =	vld [tilespmem:s9+$0xDD80];
	_ =	sdelay $0x3  }
0x1cd: {  	[tilespmem:s9+$0x19C00] =	vst v1  }
0x1ce: {  	s15 =	sadd.s32 $0x1200, s0;
	[tilespmem:s14+$0x200] =	vst v0  }
0x1cf: {  	[hbm4b:s15+s5] =	stream.linear.scatter [tilespmem:s22], [sflag:$0x4], $0x280, $0x38;
	[tilespmem:$0x1CC00] =	vst v63  }
0x1d0: {  	s16 =	sadd.s32 $0x1280, s0;
	p0 =	seq.s32 s31, $0xF  }
0x1d1: {  	[hbm4b:s16+s5] =	stream.linear.scatter [tilespmem:s25], [sflag:$0x4], $0x280, $0x38;
	[tilespmem:$0x1CC00] =	vst v63  }
.Ltmp4:
0x1d2: {  	_ = 	snop;
	(pc) =	sbr.rel @p0 .LBB2_12-.Ltmp4, $4  }
0x1d3: {  	s17 =	sadd.s32 $0x1300, s0  }
0x1d4: {  	[hbm4b:s17+s5] =	stream.linear.scatter [tilespmem:s26], [sflag:$0x4], $0x280, $0x38;
	[tilespmem:$0x1CC00] =	vst v63  }
0x1d5: {  	s30 =	sadd.s32 $0x1380, s0  }
0x1d6: {  	[hbm4b:s30+s5] =	stream.linear.scatter [tilespmem:s28], [sflag:$0x4], $0x280, $0x38;
	[tilespmem:$0x1CC00] =	vst v63  }
0x1d7: {  	s1 =	sld [smem:s4+$0x2];
	_ =	sdelay $0x2  }
0x1d8: {  	s4 =	sand.u32 $0xFFFFFFF0, s1  }
0x1d9: {  	v0 =	vld [tilespmem:s4+$0x80];
	_ =	sdelay $0x4  }
0x1da: {  	(v2sf) =	vpush v0, $0x0  }
0x1db: {  	(v2sf) =	vpush v0, $0x1  }
0x1dc: {  	(v2sf) =	vpush v0, $0x2  }
0x1dd: {  	(v2sf) =	vpush v0, $0x3  }
0x1de: {  	(v2sf) =	vpush v0, $0x4  }
0x1df: {  	(v2sf) =	vpush v0, $0x5  }
0x1e0: {  	(v2sf) =	vpush v0, $0x6  }
0x1e1: {  	(v2sf) =	vpush v0, $0x7  }
0x1e2: {  	(v2sf) =	vpush v0, $0x8  }
0x1e3: {  	(v2sf) =	vpush v0, $0x9  }
0x1e4: {  	(v2sf) =	vpush v0, $0xA  }
0x1e5: {  	(v2sf) =	vpush v0, $0xB  }
0x1e6: {  	(v2sf) =	vpush v0, $0xC  }
0x1e7: {  	(v2sf) =	vpush v0, $0xD  }
0x1e8: {  	(v2sf) =	vpush v0, $0xE  }
0x1e9: {  	s15 =	spop (v2sf);
	(v2sf) =	vpush v0, $0xF  }
0x1ea: {  	s9 =	spop (v2sf);
	[smem:$0x80] =	sst s15  }
0x1eb: {  	s16 =	spop (v2sf);
	[smem:$0x81] =	sst s9  }
0x1ec: {  	s17 =	spop (v2sf);
	[smem:$0x82] =	sst s16  }
0x1ed: {  	s30 =	spop (v2sf);
	[smem:$0x83] =	sst s17  }
0x1ee: {  	s11 =	spop (v2sf);
	[smem:$0x84] =	sst s30  }
0x1ef: {  	s12 =	spop (v2sf);
	[smem:$0x85] =	sst s11  }
0x1f0: {  	s13 =	spop (v2sf);
	[smem:$0x86] =	sst s12  }
0x1f1: {  	s14 =	spop (v2sf);
	[smem:$0x87] =	sst s13  }
0x1f2: {  	s15 =	spop (v2sf);
	[smem:$0x88] =	sst s14  }
0x1f3: {  	s16 =	spop (v2sf);
	[smem:$0x89] =	sst s15  }
0x1f4: {  	s17 =	spop (v2sf);
	[smem:$0x8A] =	sst s16  }
0x1f5: {  	s30 =	spop (v2sf);
	[smem:$0x8B] =	sst s17  }
0x1f6: {  	s11 =	spop (v2sf);
	[smem:$0x8C] =	sst s30  }
0x1f7: {  	s12 =	spop (v2sf);
	[smem:$0x8D] =	sst s11  }
0x1f8: {  	s13 =	sand.u32 $0xF, s1;
	[smem:$0x8E] =	sst s12;
	s14 =	spop (v2sf)  }
0x1f9: {  	s15 =	sor.u32 $0x80, s13;
	s16 =	sshll.u32 s1, $0x6;
	[smem:$0x8F] =	sst s14  }
0x1fa: {  	s9 =	sand.u32 $0x1FFFFFC0, s16;
	s4 =	sld [smem:s15+$0x0]  }
0x1fb: {  	s9 =	sadd.s32 s3, s9;
	s11 =	simm.s32 $0x2800  }
0x1fc: {  	[tilespmem:s11], [sflag:$0x1] =	stream.linear.gather [hbm4b:s9+s5], $0x200, $0x38;
	[tilespmem:$0x1CC00] =	vst v63  }
0x1fd: {  	s4 =	sshll.u32 s4, $0xA  }
0x1fe: {  	s1 =	sshll.u32 s1, $0xC;
	s4 =	sand.u32 $0x1FFFFC00, s4  }
0x1ff: {  	s17 =	simm.s32 $0x2C00;
	s1 =	sand.u32 $0x1FFFF000, s1;
	s4 =	sadd.s32 s2, s4  }
0x200: {  	[tilespmem:s17], [sflag:$0x1] =	stream.linear.gather [hbm4b:s4+s5], $0x2000, $0x38;
	[tilespmem:$0x1CC00] =	vst v63  }
0x201: {  	s1 =	sadd.s32 s6, s1;
	s30 =	simm.s32 $0x6C00  }
0x202: {  	[tilespmem:s30], [sflag:$0x1] =	stream.linear.gather [hbm4b:s1+s5], $0x8000, $0x38;
	[tilespmem:$0x1CC00] =	vst v63  }
.LBB2_12:
0x203: {  	_ =	swait.ge [sflag:s29], $0x200  }
0x204: {  	[sflag:s29] =	ssyncset.done $0x0  }
0x205: {  	[sflag:s29] =	ssyncadd.s32 $0xFFFFFE00  }
0x206: {  	_ =	swait.ge [sflag:s29], $0x2000  }
0x207: {  	[sflag:s29] =	ssyncset.done $0x0  }
0x208: {  	[sflag:s29] =	ssyncadd.s32 $0xFFFFE000  }
0x209: {  	_ =	swait.ge [sflag:s29], $0x8000  }
0x20a: {  	[sflag:s29] =	ssyncset.done $0x0  }
0x20b: {  	[sflag:s29] =	ssyncadd.s32 $0xFFFF8000  }
0x20c: {  	s4 =	simm.s32 $0x0;
	_ =	swait.ge [sflag:s23], $0x3000  }
0x20d: {  	s1 =	sand.u32 $0x70, s4;
	s9 =	sand.u32 $0xC00, s4;
	[sflag:s23] =	ssyncset.done $0x0  }
0x20e: {  	s1 =	sor.u32 s1, s9;
	[sflag:s23] =	ssyncadd.s32 $0xFFFFD000  }
0x20f: {  	v0 =	vld [tilespmem:s1+$0x4C00]  }
0x210: {  	s9 =	simm.s32 $0x2A00;
	v1 =	vld [tilespmem:s1+$0x4C80]  }
0x211: {  	v2 =	vld [tilespmem:s9+$0x0]  }
0x212: {  	v3 =	vld [tilespmem:s1+$0x4D00];
	_ =	sdelay $0x1  }
0x213: {  	s11 =	sand.u32 $0xFFFFFC00, s4;
	[tilespmem:s1+$0x16C80] =	vst v0  }
0x214: {  	s12 =	sadd.s32 $0x0, s11;
	[tilespmem:s1+$0x16D00] =	vst v1  }
0x215: {  	s11 =	sor.u32 $0x180, s12;
	[tilespmem:s1+$0x16C00] =	vst v2  }
0x216: {  	[tilespmem:s11+$0x16C00] =	vst v3;
	v0 =	vld [tilespmem:s11+$0x4C00]  }
0x217: {  	v1 =	vld [tilespmem:s1+$0x4E00]  }
0x218: {  	v2 =	vld [tilespmem:s1+$0x4E80]  }
0x219: {  	v3 =	vld [tilespmem:s1+$0x4F00];
	_ =	sdelay $0x1  }
0x21a: {  	[tilespmem:s1+$0x16E00] =	vst v0  }
0x21b: {  	s13 =	sor.u32 s4, s4;
	[tilespmem:s1+$0x16E80] =	vst v1  }
0x21c: {  	s14 =	sor.u32 $0x380, s13;
	[tilespmem:s1+$0x16F00] =	vst v2  }
0x21d: {  	[tilespmem:s14+$0x16C00] =	vst v3;
	v0 =	vld [tilespmem:s14+$0x4C00]  }
0x21e: {  	v1 =	vld [tilespmem:s1+$0x5C00]  }
0x21f: {  	v2 =	vld [tilespmem:s1+$0x5C80]  }
0x220: {  	v3 =	vld [tilespmem:s1+$0x5D00];
	_ =	sdelay $0x1  }
0x221: {  	[tilespmem:s1+$0x17C00] =	vst v0  }
0x222: {  	[tilespmem:s1+$0x17C80] =	vst v1  }
0x223: {  	s12 =	sor.u32 $0x1180, s12;
	[tilespmem:s1+$0x17D00] =	vst v2  }
0x224: {  	[tilespmem:s12+$0x16C00] =	vst v3;
	v0 =	vld [tilespmem:s12+$0x4C00]  }
0x225: {  	v1 =	vld [tilespmem:s1+$0x5E00]  }
0x226: {  	v2 =	vld [tilespmem:s1+$0x5E80]  }
0x227: {  	v3 =	vld [tilespmem:s1+$0x5F00];
	_ =	sdelay $0x1  }
0x228: {  	[tilespmem:s1+$0x17E00] =	vst v0  }
0x229: {  	[tilespmem:s1+$0x17E80] =	vst v1  }
0x22a: {  	s30 =	sor.u32 $0x1380, s13;
	[tilespmem:s1+$0x17F00] =	vst v2  }
0x22b: {  	[tilespmem:s30+$0x16C00] =	vst v3;
	v1 =	vld [tilespmem:s30+$0x4C00]  }
0x22c: {  	v2 =	vld [tilespmem:s1+$0xEC00]  }
0x22d: {  	v4 =	vld [tilespmem:s1+$0xED00]  }
0x22e: {  	v3 =	vld [tilespmem:s1+$0xEC80]  }
0x22f: {  	v0 =	vld [tilespmem:s1+$0xEE00]  }
0x230: {  	[tilespmem:s1+$0x18C00] =	vst v1;
	v1 =	vld [tilespmem:s1+$0xEE80]  }
0x231: {  	s12 =	simm.s32 $0x10;
	[tilespmem:s1+$0x18C80] =	vst v2;
	v2 =	vld [tilespmem:s1+$0xEF00]  }
.LBB2_13:
0x232: {  	p0 =	sne.s32 s12, $0x1F0;
	[tilespmem:s1+$0x18D80] =	vst v4;
	s4 =	sadd.s32 $0x80, s4;
	s9 =	sadd.s32 $0x10, s9  }
0x233: {  	s13 =	smov.u32 s12;
	s12 =	sadd.s32 $0x10, s12;
	[tilespmem:s1+$0x18D00] =	vst v3  }
0x234: {  	v3 =	vld [tilespmem:s11+$0xEC00]  }
0x235: {  	[tilespmem:s1+$0x18E80] =	vst v0  }
0x236: {  	s14 =	sand.u32 $0xC00, s4;
	s11 =	sand.u32 $0x70, s13;
	[tilespmem:s1+$0x18F00] =	vst v1  }
0x237: {  	s11 =	sor.u32 s11, s14;
	[tilespmem:s1+$0x18F80] =	vst v2  }
0x238: {  	v0 =	vld [tilespmem:s11+$0x4C00]  }
0x239: {  	v1 =	vld [tilespmem:s11+$0x4C80];
	[tilespmem:s1+$0x18E00] =	vst v3;
	s1 =	smov.u32 s11  }
0x23a: {  	v2 =	vld [tilespmem:s9+$0x0]  }
0x23b: {  	v3 =	vld [tilespmem:s1+$0x4D00];
	_ =	sdelay $0x1  }
0x23c: {  	s11 =	sand.u32 $0xFFFFFC00, s4;
	[tilespmem:s1+$0x16C80] =	vst v0  }
0x23d: {  	s14 =	sadd.s32 s11, s13;
	[tilespmem:s1+$0x16D00] =	vst v1  }
0x23e: {  	s11 =	sor.u32 $0x180, s14;
	[tilespmem:s1+$0x16C00] =	vst v2  }
0x23f: {  	[tilespmem:s11+$0x16C00] =	vst v3;
	v0 =	vld [tilespmem:s11+$0x4C00]  }
0x240: {  	v1 =	vld [tilespmem:s1+$0x4E00]  }
0x241: {  	v2 =	vld [tilespmem:s1+$0x4E80]  }
0x242: {  	v3 =	vld [tilespmem:s1+$0x4F00];
	_ =	sdelay $0x1  }
0x243: {  	[tilespmem:s1+$0x16E00] =	vst v0  }
0x244: {  	s13 =	sor.u32 s13, s4;
	[tilespmem:s1+$0x16E80] =	vst v1  }
0x245: {  	s15 =	sor.u32 $0x380, s13;
	[tilespmem:s1+$0x16F00] =	vst v2  }
0x246: {  	[tilespmem:s15+$0x16C00] =	vst v3;
	v0 =	vld [tilespmem:s15+$0x4C00]  }
0x247: {  	v1 =	vld [tilespmem:s1+$0x5C00]  }
0x248: {  	v2 =	vld [tilespmem:s1+$0x5C80]  }
0x249: {  	v3 =	vld [tilespmem:s1+$0x5D00];
	_ =	sdelay $0x1  }
0x24a: {  	[tilespmem:s1+$0x17C00] =	vst v0  }
0x24b: {  	[tilespmem:s1+$0x17C80] =	vst v1  }
0x24c: {  	s14 =	sor.u32 $0x1180, s14;
	[tilespmem:s1+$0x17D00] =	vst v2  }
0x24d: {  	[tilespmem:s14+$0x16C00] =	vst v3;
	v0 =	vld [tilespmem:s14+$0x4C00]  }
0x24e: {  	v1 =	vld [tilespmem:s1+$0x5E00]  }
0x24f: {  	v2 =	vld [tilespmem:s1+$0x5E80]  }
0x250: {  	v3 =	vld [tilespmem:s1+$0x5F00];
	_ =	sdelay $0x1  }
0x251: {  	[tilespmem:s1+$0x17E00] =	vst v0  }
0x252: {  	[tilespmem:s1+$0x17E80] =	vst v1  }
0x253: {  	s13 =	sor.u32 $0x1380, s13;
	[tilespmem:s1+$0x17F00] =	vst v2  }
0x254: {  	[tilespmem:s13+$0x16C00] =	vst v3;
	v1 =	vld [tilespmem:s13+$0x4C00]  }
0x255: {  	v2 =	vld [tilespmem:s1+$0xEC00]  }
.Ltmp5:
0x256: {  	v4 =	vld [tilespmem:s1+$0xED00];
	(pc) =	sbr.rel @p0 .LBB2_13-.Ltmp5, $4  }
0x257: {  	v3 =	vld [tilespmem:s1+$0xEC80]  }
0x258: {  	v0 =	vld [tilespmem:s1+$0xEE00]  }
0x259: {  	[tilespmem:s1+$0x18C00] =	vst v1;
	v1 =	vld [tilespmem:s1+$0xEE80]  }
0x25a: {  	[tilespmem:s1+$0x18C80] =	vst v2;
	v2 =	vld [tilespmem:s1+$0xEF00]  }
0x25b: {  	[tilespmem:s1+$0x18D80] =	vst v4  }
0x25c: {  	[tilespmem:s1+$0x18D00] =	vst v3  }
0x25d: {  	v3 =	vld [tilespmem:s11+$0xEC00];
	_ =	sdelay $0x1  }
0x25e: {  	[tilespmem:s1+$0x18E80] =	vst v0  }
0x25f: {  	[tilespmem:s1+$0x18F00] =	vst v1  }
0x260: {  	[tilespmem:s1+$0x18F80] =	vst v2  }
0x261: {  	s4 =	sadd.s32 $0x1400, s0;
	[tilespmem:s1+$0x18E00] =	vst v3;
	s1 =	simm.s32 $0x0  }
0x262: {  	[hbm4b:s4+s1] =	stream.linear.scatter [tilespmem:s21], [sflag:$0x3], $0x3000, $0x38;
	[tilespmem:$0x1CC00] =	vst v63  }
0x263: {  	s9 =	simm.s32 $0x0;
	_ =	swait.ge [sflag:s24], $0xA00  }
0x264: {  	s14 =	sand.u32 $0x70, s9;
	s15 =	sand.u32 $0xC00, s1;
	[sflag:s24] =	ssyncset.done $0x0  }
0x265: {  	s4 =	sor.u32 s14, s15;
	[sflag:s24] =	ssyncadd.s32 $0xFFFFF600  }
0x266: {  	v56 =	vld [tilespmem:s4+$0xFC00];
	_ =	sdelay $0x2  }
0x267: {  	s9 =	sor.u32 s9, s1  }
0x268: {  	s16 =	sor.u32 $0x380, s9;
	s12 =	sadd.s32 $0x19C00, s4  }
0x269: {  	v57 =	vld [tilespmem:s16+$0xEC00];
	[tilespmem:s12+$0x80] =	vst v56  }
0x26a: {  	v0 =	vld [tilespmem:s4+$0xFC80];
	_ =	sdelay $0x4  }
0x26b: {  	[tilespmem:s12+$0x100] =	vst v0  }
0x26c: {  	v0 =	vld [tilespmem:s4+$0xFD00];
	_ =	sdelay $0x2  }
0x26d: {  	s13 =	sand.u32 $0xFFFFFC00, s1  }
0x26e: {  	s13 =	sadd.s32 $0x0, s13;
	[tilespmem:s4+$0x19C00] =	vst v57  }
0x26f: {  	s14 =	sor.u32 $0x1180, s13;
	[tilespmem:s12+$0x180] =	vst v0  }
0x270: {  	v0 =	vld [tilespmem:s14+$0xEC00];
	_ =	sdelay $0x4  }
0x271: {  	[tilespmem:s12+$0x200] =	vst v0  }
0x272: {  	v0 =	vld [tilespmem:s4+$0xFE00];
	_ =	sdelay $0x4  }
0x273: {  	[tilespmem:s12+$0x280] =	vst v0  }
0x274: {  	v0 =	vld [tilespmem:s4+$0xFE80];
	_ =	sdelay $0x4  }
0x275: {  	[tilespmem:s12+$0x300] =	vst v0  }
0x276: {  	v0 =	vld [tilespmem:s4+$0xFF00];
	_ =	sdelay $0x4  }
0x277: {  	[tilespmem:s16+$0x19C00] =	vst v0  }
0x278: {  	s17 =	sor.u32 $0x1380, s9;
	v0 =	vld [tilespmem:s4+$0x10C80]  }
0x279: {  	v1 =	vld [tilespmem:s17+$0xEC00]  }
0x27a: {  	v58 =	vld [tilespmem:s4+$0x10C00]  }
0x27b: {  	v59 =	vld [tilespmem:s4+$0x10D00];
	_ =	sdelay $0x1  }
0x27c: {  	[tilespmem:s4+$0x1AD00] =	vst v0  }
0x27d: {  	[tilespmem:s4+$0x1AC00] =	vst v1  }
0x27e: {  	[tilespmem:s4+$0x1AC80] =	vst v58  }
0x27f: {  	s30 =	sor.u32 $0x2180, s13;
	[tilespmem:s14+$0x19C00] =	vst v59  }
0x280: {  	v0 =	vld [tilespmem:s30+$0xEC00]  }
0x281: {  	v60 =	vld [tilespmem:s4+$0x10E00]  }
0x282: {  	v61 =	vld [tilespmem:s4+$0x10E80]  }
0x283: {  	v3 =	vld [tilespmem:s4+$0x10F00];
	_ =	sdelay $0x1  }
0x284: {  	[tilespmem:s4+$0x1AE00] =	vst v0  }
0x285: {  	[tilespmem:s4+$0x1AE80] =	vst v60  }
0x286: {  	[tilespmem:s4+$0x1AF00] =	vst v61  }
0x287: {  	[tilespmem:s17+$0x19C00] =	vst v3  }
0x288: {  	s13 =	sor.u32 $0x2380, s9;
	v62 =	vld [tilespmem:s4+$0x11C80]  }
0x289: {  	v1 =	vld [tilespmem:s13+$0xEC00]  }
0x28a: {  	v63 =	vld [tilespmem:s4+$0x11C00]  }
0x28b: {  	v3 =	vld [tilespmem:s4+$0x11D00];
	_ =	sdelay $0x1  }
0x28c: {  	[tilespmem:s4+$0x1BD00] =	vst v62  }
0x28d: {  	[tilespmem:s4+$0x1BC00] =	vst v1  }
0x28e: {  	[tilespmem:s4+$0x1BC80] =	vst v63  }
0x28f: {  	s11 =	simm.s32 $0x80;
	s9 =	simm.s32 $0xFFFFFE00;
	[tilespmem:s30+$0x19C00] =	vst v3  }
.LBB2_15:
0x290: {  	p0 =	sne.s32 s11, $0xF80;
	v0 =	vld [tilespmem:s4+$0x11D80];
	s1 =	sadd.s32 $0x10, s1;
	s9 =	sadd.s32 $0x10, s9  }
0x291: {  	s14 =	smov.u32 s11;
	s11 =	sadd.s32 $0x80, s11;
	v1 =	vld [tilespmem:s4+$0x11E80]  }
0x292: {  	v2 =	vld [tilespmem:s4+$0x11E00]  }
0x293: {  	v3 =	vld [tilespmem:s4+$0x11F00];
	_ =	sdelay $0x1  }
0x294: {  	[tilespmem:s4+$0x1BE00] =	vst v0  }
0x295: {  	s12 =	sadd.s32 $0x200, s9;
	[tilespmem:s4+$0x1BF00] =	vst v1  }
0x296: {  	s16 =	sand.u32 $0xC00, s14;
	s15 =	sand.u32 $0x70, s12;
	s12 =	sor.u32 s12, s14;
	[tilespmem:s4+$0x1BE80] =	vst v2  }
0x297: {  	s4 =	sor.u32 s15, s16;
	[tilespmem:s13+$0x19C00] =	vst v3  }
0x298: {  	v0 =	vld [tilespmem:s4+$0xFC00];
	_ =	sdelay $0x2  }
0x299: {  	s13 =	sor.u32 $0x380, s12  }
0x29a: {  	s15 =	sadd.s32 $0x19C00, s4;
	v1 =	vld [tilespmem:s13+$0xEC00]  }
0x29b: {  	[tilespmem:s15+$0x80] =	vst v0  }
0x29c: {  	v0 =	vld [tilespmem:s4+$0xFC80];
	_ =	sdelay $0x4  }
0x29d: {  	[tilespmem:s15+$0x100] =	vst v0  }
0x29e: {  	v0 =	vld [tilespmem:s4+$0xFD00];
	_ =	sdelay $0x2  }
0x29f: {  	s14 =	sand.u32 $0xFFFFFC00, s14  }
0x2a0: {  	s14 =	sadd.s32 s14, s1;
	[tilespmem:s4+$0x19C00] =	vst v1  }
0x2a1: {  	s16 =	sor.u32 $0x1180, s14;
	[tilespmem:s15+$0x180] =	vst v0  }
0x2a2: {  	v0 =	vld [tilespmem:s16+$0xEC00];
	_ =	sdelay $0x4  }
0x2a3: {  	[tilespmem:s15+$0x200] =	vst v0  }
0x2a4: {  	v0 =	vld [tilespmem:s4+$0xFE00];
	_ =	sdelay $0x4  }
0x2a5: {  	[tilespmem:s15+$0x280] =	vst v0  }
0x2a6: {  	v0 =	vld [tilespmem:s4+$0xFE80];
	_ =	sdelay $0x4  }
0x2a7: {  	[tilespmem:s15+$0x300] =	vst v0  }
0x2a8: {  	v0 =	vld [tilespmem:s4+$0xFF00];
	_ =	sdelay $0x4  }
0x2a9: {  	[tilespmem:s13+$0x19C00] =	vst v0  }
0x2aa: {  	s13 =	sor.u32 $0x1380, s12;
	v0 =	vld [tilespmem:s4+$0x10C80]  }
0x2ab: {  	v1 =	vld [tilespmem:s13+$0xEC00]  }
0x2ac: {  	v2 =	vld [tilespmem:s4+$0x10C00]  }
0x2ad: {  	v3 =	vld [tilespmem:s4+$0x10D00];
	_ =	sdelay $0x1  }
0x2ae: {  	[tilespmem:s4+$0x1AD00] =	vst v0  }
0x2af: {  	[tilespmem:s4+$0x1AC00] =	vst v1  }
0x2b0: {  	[tilespmem:s4+$0x1AC80] =	vst v2  }
0x2b1: {  	s14 =	sor.u32 $0x2180, s14;
	[tilespmem:s16+$0x19C00] =	vst v3  }
0x2b2: {  	v0 =	vld [tilespmem:s14+$0xEC00]  }
0x2b3: {  	v1 =	vld [tilespmem:s4+$0x10E00]  }
0x2b4: {  	v2 =	vld [tilespmem:s4+$0x10E80]  }
0x2b5: {  	v3 =	vld [tilespmem:s4+$0x10F00];
	_ =	sdelay $0x1  }
0x2b6: {  	[tilespmem:s4+$0x1AE00] =	vst v0  }
0x2b7: {  	[tilespmem:s4+$0x1AE80] =	vst v1  }
0x2b8: {  	[tilespmem:s4+$0x1AF00] =	vst v2  }
0x2b9: {  	[tilespmem:s13+$0x19C00] =	vst v3  }
0x2ba: {  	s13 =	sor.u32 $0x2380, s12;
	v0 =	vld [tilespmem:s4+$0x11C80]  }
0x2bb: {  	v1 =	vld [tilespmem:s13+$0xEC00]  }
0x2bc: {  	v2 =	vld [tilespmem:s4+$0x11C00]  }
0x2bd: {  	v3 =	vld [tilespmem:s4+$0x11D00]  }
.Ltmp6:
0x2be: {  	(pc) =	sbr.rel @p0 .LBB2_15-.Ltmp6, $4  }
0x2bf: {  	[tilespmem:s4+$0x1BD00] =	vst v0  }
0x2c0: {  	[tilespmem:s4+$0x1BC00] =	vst v1  }
0x2c1: {  	[tilespmem:s4+$0x1BC80] =	vst v2  }
0x2c2: {  	[tilespmem:s14+$0x19C00] =	vst v3  }
0x2c3: {  	v0 =	vld [tilespmem:s4+$0x11D80]  }
0x2c4: {  	v1 =	vld [tilespmem:s4+$0x11E80]  }
0x2c5: {  	v2 =	vld [tilespmem:s4+$0x11E00]  }
0x2c6: {  	v3 =	vld [tilespmem:s4+$0x11F00];
	_ =	sdelay $0x1  }
0x2c7: {  	[tilespmem:s4+$0x1BE00] =	vst v0  }
0x2c8: {  	[tilespmem:s4+$0x1BF00] =	vst v1  }
0x2c9: {  	[tilespmem:s4+$0x1BE80] =	vst v2  }
0x2ca: {  	s1 =	sadd.s32 $0x1A00, s0;
	s4 =	simm.s32 $0x0;
	[tilespmem:s13+$0x19C00] =	vst v3  }
0x2cb: {  	[hbm4b:s1+s4] =	stream.linear.scatter [tilespmem:s22], [sflag:$0x4], $0x3000, $0x38;
	[tilespmem:$0x1CC00] =	vst v63  }
0x2cc: {  	_ =	swait.ge [sflag:s23], $0x3000  }
0x2cd: {  	s17 =	sand.u32 $0x70, s4;
	s9 =	sand.u32 $0xC00, s4;
	[sflag:s23] =	ssyncset.done $0x0  }
0x2ce: {  	s1 =	sor.u32 s17, s9;
	[sflag:s23] =	ssyncadd.s32 $0xFFFFD000  }
0x2cf: {  	v0 =	vld [tilespmem:s1+$0x12C00];
	_ =	sdelay $0x3  }
0x2d0: {  	s9 =	sadd.s32 $0x16C00, s1  }
0x2d1: {  	v1 =	vld [tilespmem:s1+$0x11F80];
	[tilespmem:s9+$0x80] =	vst v0  }
0x2d2: {  	v0 =	vld [tilespmem:s1+$0x12C80];
	_ =	sdelay $0x4  }
0x2d3: {  	[tilespmem:s9+$0x100] =	vst v0  }
0x2d4: {  	v0 =	vld [tilespmem:s1+$0x12D00];
	_ =	sdelay $0x4  }
0x2d5: {  	[tilespmem:s9+$0x180] =	vst v0  }
0x2d6: {  	v0 =	vld [tilespmem:s1+$0x12D80];
	_ =	sdelay $0x4  }
0x2d7: {  	[tilespmem:s9+$0x200] =	vst v0  }
0x2d8: {  	v0 =	vld [tilespmem:s1+$0x12E00];
	_ =	sdelay $0x4  }
0x2d9: {  	[tilespmem:s9+$0x280] =	vst v0  }
0x2da: {  	v0 =	vld [tilespmem:s1+$0x12E80];
	_ =	sdelay $0x4  }
0x2db: {  	[tilespmem:s9+$0x300] =	vst v0  }
0x2dc: {  	v0 =	vld [tilespmem:s1+$0x12F00];
	_ =	sdelay $0x2  }
0x2dd: {  	s30 =	sor.u32 s4, s4  }
0x2de: {  	[tilespmem:s1+$0x16C00] =	vst v1;
	s9 =	sor.u32 $0x380, s30  }
0x2df: {  	[tilespmem:s9+$0x16C00] =	vst v0  }
0x2e0: {  	v4 =	vld [tilespmem:s1+$0x14F00]  }
0x2e1: {  	v3 =	vld [tilespmem:s1+$0x14E80]  }
0x2e2: {  	v2 =	vld [tilespmem:s1+$0x14E00]  }
0x2e3: {  	v1 =	vld [tilespmem:s1+$0x14D80]  }
0x2e4: {  	s9 =	simm.s32 $0x10;
	v0 =	vld [tilespmem:s1+$0x14D00]  }
.LBB2_17:
0x2e5: {  	p0 =	sne.s32 s9, $0x1F0  }
0x2e6: {  	v5 =	vld [tilespmem:s1+$0x14C80];
	[tilespmem:s1+$0x18F80] =	vst v4;
	s4 =	sadd.s32 $0x80, s4;
	s11 =	smov.u32 s9;
	s9 =	sadd.s32 $0x10, s9  }
0x2e7: {  	v4 =	vld [tilespmem:s1+$0x14C00];
	[tilespmem:s1+$0x18F00] =	vst v3  }
0x2e8: {  	v3 =	vld [tilespmem:s1+$0x13F80];
	[tilespmem:s1+$0x18E80] =	vst v2  }
0x2e9: {  	v2 =	vld [tilespmem:s1+$0x13F00];
	[tilespmem:s1+$0x18E00] =	vst v1  }
0x2ea: {  	v1 =	vld [tilespmem:s1+$0x13E80];
	[tilespmem:s1+$0x18D80] =	vst v0  }
0x2eb: {  	v0 =	vld [tilespmem:s1+$0x13E00];
	[tilespmem:s1+$0x18D00] =	vst v5  }
0x2ec: {  	v5 =	vld [tilespmem:s1+$0x13D80];
	[tilespmem:s1+$0x18C80] =	vst v4  }
0x2ed: {  	v4 =	vld [tilespmem:s1+$0x13D00];
	[tilespmem:s1+$0x18C00] =	vst v3  }
0x2ee: {  	v3 =	vld [tilespmem:s1+$0x13C80];
	[tilespmem:s1+$0x17F80] =	vst v2  }
0x2ef: {  	s12 =	sand.u32 $0x70, s11;
	s13 =	sand.u32 $0xC00, s4;
	v2 =	vld [tilespmem:s1+$0x13C00];
	[tilespmem:s1+$0x17F00] =	vst v1  }
0x2f0: {  	s12 =	sor.u32 s12, s13;
	v1 =	vld [tilespmem:s1+$0x12F80];
	[tilespmem:s1+$0x17E80] =	vst v0  }
0x2f1: {  	v0 =	vld [tilespmem:s12+$0x12C00];
	[tilespmem:s1+$0x17E00] =	vst v5  }
0x2f2: {  	[tilespmem:s1+$0x17D80] =	vst v4  }
0x2f3: {  	[tilespmem:s1+$0x17D00] =	vst v3  }
0x2f4: {  	[tilespmem:s1+$0x17C80] =	vst v2  }
0x2f5: {  	s13 =	sadd.s32 $0x16C00, s12;
	v2 =	vld [tilespmem:s12+$0x11F80];
	[tilespmem:s1+$0x17C00] =	vst v1;
	s1 =	smov.u32 s12  }
0x2f6: {  	[tilespmem:s13+$0x80] =	vst v0  }
0x2f7: {  	v0 =	vld [tilespmem:s1+$0x12C80];
	_ =	sdelay $0x2  }
0x2f8: {  	[tilespmem:s1+$0x16C00] =	vst v2;
	_ =	sdelay $0x1  }
0x2f9: {  	[tilespmem:s13+$0x100] =	vst v0  }
0x2fa: {  	v0 =	vld [tilespmem:s1+$0x12D00];
	_ =	sdelay $0x4  }
0x2fb: {  	[tilespmem:s13+$0x180] =	vst v0  }
0x2fc: {  	v0 =	vld [tilespmem:s1+$0x12D80];
	_ =	sdelay $0x4  }
0x2fd: {  	[tilespmem:s13+$0x200] =	vst v0  }
0x2fe: {  	v0 =	vld [tilespmem:s1+$0x12E00];
	_ =	sdelay $0x4  }
0x2ff: {  	[tilespmem:s13+$0x280] =	vst v0  }
0x300: {  	v0 =	vld [tilespmem:s1+$0x12E80];
	_ =	sdelay $0x4  }
0x301: {  	[tilespmem:s13+$0x300] =	vst v0  }
0x302: {  	v0 =	vld [tilespmem:s1+$0x12F00];
	_ =	sdelay $0x2  }
0x303: {  	s11 =	sor.u32 s4, s11  }
0x304: {  	s11 =	sor.u32 $0x380, s11  }
0x305: {  	[tilespmem:s11+$0x16C00] =	vst v0  }
.Ltmp7:
0x306: {  	v4 =	vld [tilespmem:s1+$0x14F00];
	(pc) =	sbr.rel @p0 .LBB2_17-.Ltmp7, $4  }
0x307: {  	v3 =	vld [tilespmem:s1+$0x14E80]  }
0x308: {  	v2 =	vld [tilespmem:s1+$0x14E00]  }
0x309: {  	v1 =	vld [tilespmem:s1+$0x14D80]  }
0x30a: {  	v0 =	vld [tilespmem:s1+$0x14D00]  }
0x30b: {  	v5 =	vld [tilespmem:s1+$0x14C80];
	[tilespmem:s1+$0x18F80] =	vst v4  }
0x30c: {  	v61 =	vld [tilespmem:s1+$0x14C00];
	[tilespmem:s1+$0x18F00] =	vst v3  }
0x30d: {  	v62 =	vld [tilespmem:s1+$0x13D80];
	[tilespmem:s1+$0x18E80] =	vst v2  }
0x30e: {  	v3 =	vld [tilespmem:s1+$0x13F80];
	[tilespmem:s1+$0x18E00] =	vst v1  }
0x30f: {  	v2 =	vld [tilespmem:s1+$0x13F00];
	[tilespmem:s1+$0x18D80] =	vst v0  }
0x310: {  	v1 =	vld [tilespmem:s1+$0x13E80];
	[tilespmem:s1+$0x18D00] =	vst v5  }
0x311: {  	v63 =	vld [tilespmem:s1+$0x13D00];
	[tilespmem:s1+$0x18C80] =	vst v61  }
0x312: {  	v0 =	vld [tilespmem:s1+$0x13E00];
	[tilespmem:s1+$0x17E00] =	vst v62  }
0x313: {  	[tilespmem:s1+$0x18C00] =	vst v3;
	v3 =	vld [tilespmem:s1+$0x13C80]  }
0x314: {  	[tilespmem:s1+$0x17F80] =	vst v2;
	v2 =	vld [tilespmem:s1+$0x13C00]  }
0x315: {  	[tilespmem:s1+$0x17F00] =	vst v1;
	v1 =	vld [tilespmem:s1+$0x12F80]  }
0x316: {  	[tilespmem:s1+$0x17D80] =	vst v63  }
0x317: {  	[tilespmem:s1+$0x17E80] =	vst v0  }
0x318: {  	[tilespmem:s1+$0x17D00] =	vst v3  }
0x319: {  	[tilespmem:s1+$0x17C80] =	vst v2  }
0x31a: {  	s17 =	sadd.s32 $0x2000, s0;
	s4 =	simm.s32 $0x0;
	[tilespmem:s1+$0x17C00] =	vst v1  }
0x31b: {  	[hbm4b:s17+s4] =	stream.linear.scatter [tilespmem:s21], [sflag:$0x3], $0x3000, $0x38;
	[tilespmem:$0x1CC00] =	vst v63  }
0x31c: {  	_ =	swait.ge [sflag:s24], $0x3000  }
0x31d: {  	s30 =	sand.u32 $0x70, s4;
	s4 =	sand.u32 $0xC00, s4;
	[sflag:s24] =	ssyncset.done $0x0  }
0x31e: {  	s9 =	sor.u32 s30, s4;
	[sflag:s24] =	ssyncadd.s32 $0xFFFFD000  }
0x31f: {  	v0 =	vld [tilespmem:s9+$0x15C00];
	_ =	sdelay $0x3  }
0x320: {  	s1 =	sadd.s32 $0x19C00, s9  }
0x321: {  	v1 =	vld [tilespmem:s9+$0x14F80];
	[tilespmem:s1+$0x80] =	vst v0  }
0x322: {  	v0 =	vld [tilespmem:s9+$0x15C80];
	_ =	sdelay $0x4  }
0x323: {  	[tilespmem:s1+$0x100] =	vst v0  }
0x324: {  	v0 =	vld [tilespmem:s9+$0x15D00];
	_ =	sdelay $0x4  }
0x325: {  	[tilespmem:s1+$0x180] =	vst v0  }
0x326: {  	v0 =	vld [tilespmem:s9+$0x15D80];
	_ =	sdelay $0x2  }
0x327: {  	s11 =	simm.s32 $0x10;
	s4 =	simm.s32 $0x80  }
0x328: {  	s11 =	sand.u32 $0x70, s11;
	s12 =	sand.u32 $0xC00, s4;
	[tilespmem:s9+$0x19C00] =	vst v1;
	s9 =	simm.s32 $0x20  }
.LBB2_19:
0x329: {  	p0 =	sne.s32 s9, $0x1F0;
	s11 =	sor.u32 s11, s12;
	[tilespmem:s1+$0x200] =	vst v0  }
0x32a: {  	v0 =	vld [tilespmem:s11+$0x15C00];
	_ =	sdelay $0x3  }
0x32b: {  	s1 =	sadd.s32 $0x19C00, s11  }
0x32c: {  	v1 =	vld [tilespmem:s11+$0x14F80];
	[tilespmem:s1+$0x80] =	vst v0  }
0x32d: {  	v0 =	vld [tilespmem:s11+$0x15C80];
	_ =	sdelay $0x3  }
0x32e: {  	[tilespmem:s11+$0x19C00] =	vst v1  }
0x32f: {  	[tilespmem:s1+$0x100] =	vst v0  }
0x330: {  	v0 =	vld [tilespmem:s11+$0x15D00];
	_ =	sdelay $0x4  }
0x331: {  	[tilespmem:s1+$0x180] =	vst v0  }
.Ltmp8:
0x332: {  	v0 =	vld [tilespmem:s11+$0x15D80];
	(pc) =	sbr.rel @p0 .LBB2_19-.Ltmp8, $3  }
0x333: {  	_ =	sdelay $0x1  }
0x334: {  	s4 =	sadd.s32 $0x80, s4  }
0x335: {  	s12 =	sand.u32 $0xC00, s4;
	s11 =	sand.u32 $0x70, s9;
	s9 =	sadd.s32 $0x10, s9  }
0x336: {  	s4 =	sor.u32 s11, s12;
	[tilespmem:s1+$0x200] =	vst v0  }
0x337: {  	v0 =	vld [tilespmem:s4+$0x15C00];
	_ =	sdelay $0x3  }
0x338: {  	s14 =	sadd.s32 $0x19C00, s4  }
0x339: {  	v1 =	vld [tilespmem:s4+$0x14F80];
	[tilespmem:s14+$0x80] =	vst v0  }
0x33a: {  	v0 =	vld [tilespmem:s4+$0x15C80];
	_ =	sdelay $0x4  }
0x33b: {  	[tilespmem:s14+$0x100] =	vst v0  }
0x33c: {  	v0 =	vld [tilespmem:s4+$0x15D00];
	_ =	sdelay $0x4  }
0x33d: {  	[tilespmem:s14+$0x180] =	vst v0  }
0x33e: {  	v0 =	vld [tilespmem:s4+$0x15D80];
	_ =	sdelay $0x3  }
0x33f: {  	[tilespmem:s4+$0x19C00] =	vst v1  }
0x340: {  	s15 =	sadd.s32 $0x2600, s0;
	s31 =	sadd.s32 $0x1, s31;
	[tilespmem:s14+$0x200] =	vst v0  }
0x341: {  	[hbm4b:s15+s5] =	stream.linear.scatter [tilespmem:s22], [sflag:$0x4], $0x280, $0x38;
	[tilespmem:$0x1CC00] =	vst v63  }
0x342: {  	s16 =	sadd.s32 $0x2680, s0;
	p0 =	sne.s32 s31, $0x10  }
0x343: {  	[hbm4b:s16+s5] =	stream.linear.scatter [tilespmem:s25], [sflag:$0x4], $0x280, $0x38;
	[tilespmem:$0x1CC00] =	vst v63  }
.Ltmp9:
0x344: {  	_ = 	snop;
	(pc) =	sbr.rel @p0 .LBB2_2-.Ltmp9, $4  }
0x345: {  	s17 =	sadd.s32 $0x2700, s0  }
0x346: {  	[hbm4b:s17+s5] =	stream.linear.scatter [tilespmem:s26], [sflag:$0x4], $0x280, $0x38;
	[tilespmem:$0x1CC00] =	vst v63  }
0x347: {  	s30 =	sadd.s32 $0x2780, s0  }
0x348: {  	[hbm4b:s30+s5] =	stream.linear.scatter [tilespmem:s28], [sflag:$0x4], $0x280, $0x38;
	[tilespmem:$0x1CC00] =	vst v63  }
0x349: {  	_ =	swait.ge [sflag:s23], $0x3000  }
0x34a: {  	[sflag:s23] =	ssyncset.done $0x0  }
0x34b: {  	[sflag:s23] =	ssyncadd.s32 $0xFFFFD000  }
0x34c: {  	_ =	swait.ge [sflag:s24], $0xA00  }
0x34d: {  	s1 =	rddreg [dreg:$0x8]  }
0x34e: {  	s0 =	rddreg [dreg:$0x7];
	s1 =	sadd.s32 $0x1, s1  }
0x34f: {  	p0 =	sne.s32 s1, s0  }
.Ltmp10:
0x350: {  	_ = 	snop;
	(pc) =	sbr.rel @p0 .LBB2_1-.Ltmp10, $3  }
0x351: {  	_ =	sdelay $0x1  }
0x352: {  	[sflag:s24] =	ssyncset.done $0x0  }
0x353: {  	[sflag:s24] =	ssyncadd.s32 $0xFFFFF600  }
0x354: {  	_ =	sfence.sel $0x180000  }
0x355: {  	[bflag:$0x0] =	sbarrier.arrive $0xFFFF  }
0x356: {  	_ =	strace $0x90000047  }
0x357: {  	s0 =	stileid.u32;
	[bflag:$0x2] =	sbarrier.arrive $0xFFFF  }
0x358: {  	p0 =	sne.s32 s0, $0x0;
	s0 =	rddreg [dreg:$0x5]  }
0x359: {  	s0 =	sadd.s32 @!p0 $0x100000, s0  }
0x35a: {  	[sflag:s0] =	ssyncadd.tile.s32 @!p0 $0x1;
	_ =	shalt  }
.Lfunc_end2:
_tile_overlayer_lowered:
.L_overlay_start_2:
0x35b: {  	(tag) =	ssettag $0x2  }
0x35c: {  	s0 =	rddreg [dreg:$0x0];
	s2 =	stileid.u32  }
0x35d: {  	s1 =	rddreg [dreg:$0x1];
	p0 =	sne.s32 s2, $0x0  }
0x35e: {  	s3 =	rddreg [dreg:$0x2];
	[bflag:$0x3] =	sbarrier.arrive $0xFFFF;
	s2 =	simm.s32 @!p0 $0x1C05  }
0x35f: {  	[timem:s3], [sflag:s2] =	dma.local @!p0 [hbm:s0], s1  }
0x360: {  	s0 =	simm.s32 @!p0 $0x5  }
0x361: {  	_ =	swait.ge @!p0 [sflag:s0], s1  }
0x362: {  	s1 =	ssub.s32 @!p0 $0x0, s1;
	[sflag:s0] =	ssyncset.done @!p0 $0x0  }
0x363: {  	[sflag:s0] =	ssyncadd.s32 @!p0 s1  }
0x364: {  	[bflag:$0x3] =	sbarrier.arrive $0xFFFF  }
0x365: {  	_ =	shalt  }

</sc_bundles>
